<compile_context>
chip_gen: v7x
topology: tpu7x:2x2x1
jax: 0.10.2.dev20260603
libtpu: 0.0.44.dev20260713+nightly
codegen_flags: <defaults>
</compile_context>

<pallas_src>
import jax
import jax.numpy as jnp
from jax import lax
from jax.experimental import pallas as pl
from jax.experimental.pallas import tpu as pltpu
from jax.experimental.pallas import tpu_sc as plsc

N = 10000
E = 320000
H = 128

NC = 2
NS = 16
NW = NC * NS
EP = E // NW
C = 40
NCHUNK = EP // C
NPAD = 10240
RPT = NPAD // NS
ZR = C
NT = (NCHUNK - 5) // 3 + 1
assert NCHUNK == 3 * NT + 4


def _node_mlp_body(x_ref, w1_ref, b1_ref, u_ref):
    h = jnp.dot(x_ref[...], w1_ref[...], preferred_element_type=jnp.float32)
    h = h + b1_ref[...]
    u_ref[...] = h * 0.5 * (1.0 + lax.erf(h * 0.7071067811865476))


def _edge_body(u_hbm, src_hbm, dst_hbm, bases_hbm, out_hbm,
               srcall, d0, d1, d2, u0, u1, u2, b0, b1, b2, ysh,
               sg0, sg1, sg2, sb0, sb1, sb2, sd0, sd1, sd2,
               ss0, ss1, ss2):
    c = lax.axis_index("c")
    s = lax.axis_index("s")
    w = c * NS + s
    base_e = w * EP

    pltpu.sync_copy(src_hbm.at[pl.ds(base_e, EP)], srcall)

    zero = jnp.zeros((16,), jnp.float32)

    def zstore(i, _):
        b0[i // 8, pl.ds((i % 8) * 16, 16)] = zero
        return 0

    lax.fori_loop(0, ZR * 8, zstore, 0)
    for j in range(RPT // ZR):
        pltpu.sync_copy(b0, ysh.at[pl.ds(s * RPT + j * ZR, ZR)])
    plsc.subcore_barrier()

    bufs = ((u0, b0, d0, sg0, sb0, sd0, ss0),
            (u1, b1, d1, sg1, sb1, sd1, ss1),
            (u2, b2, d2, sg2, sb2, sd2, ss2))

    def issue(g, u_v, b_v, d_v, sg, sb, sd, ss, wait_scatter):
        if wait_scatter:
            pltpu.make_async_copy(b_v, ysh.at[d_v], ss).wait()
        pltpu.async_copy(dst_hbm.at[pl.ds(base_e + g * C, C)], d_v, sd)
        pltpu.async_copy(u_hbm.at[srcall.at[pl.ds(g * C, C)]], u_v, sg)
        pltpu.async_copy(bases_hbm.at[pl.ds(base_e + g * C, C)], b_v, sb)

    def process(g, u_v, b_v, d_v, sg, sb, sd, ss):
        pltpu.make_async_copy(dst_hbm.at[pl.ds(base_e + g * C, C)],
                              d_v, sd).wait()
        pltpu.make_async_copy(u_hbm.at[srcall.at[pl.ds(g * C, C)]],
                              u_v, sg).wait()
        pltpu.make_async_copy(bases_hbm.at[pl.ds(base_e + g * C, C)],
                              b_v, sb).wait()

        def mul_body(i, _):
            r = 2 * i
            for rr in (r, r + 1):
                for k in range(8):
                    sl = pl.ds(k * 16, 16)
                    b_v[rr, sl] = b_v[rr, sl] * u_v[rr, sl]
            return 0

        lax.fori_loop(0, C // 2, mul_body, 0)
        pltpu.async_copy(b_v, ysh.at[d_v], ss, add=True)

    issue(0, *bufs[0], False)
    issue(1, *bufs[1], False)
    issue(2, *bufs[2], False)

    def ring(k, _):
        g = 3 * k
        process(g, *bufs[0])
        issue(g + 3, *bufs[0], True)
        process(g + 1, *bufs[1])
        issue(g + 4, *bufs[1], True)
        process(g + 2, *bufs[2])
        issue(g + 5, *bufs[2], True)
        return 0

    lax.fori_loop(0, NT, ring, 0)
    g = 3 * NT
    process(g, *bufs[0])
    issue(g + 3, *bufs[0], True)
    process(g + 1, *bufs[1])
    process(g + 2, *bufs[2])
    process(g + 3, *bufs[0])

    pltpu.make_async_copy(b1, ysh.at[d1], ss1).wait()
    pltpu.make_async_copy(b2, ysh.at[d2], ss2).wait()
    pltpu.make_async_copy(b0, ysh.at[d0], ss0).wait()

    plsc.subcore_barrier()
    pltpu.sync_copy(ysh.at[pl.ds(s * RPT, RPT)],
                    out_hbm.at[c, pl.ds(s * RPT, RPT)])


def _ffn_body(x_ref, yp_ref, w2_ref, b2_ref, g1_ref, be1_ref,
              w3_ref, b3_ref, g2_ref, be2_ref, o_ref):
    eps = 1e-5
    x = x_ref[...] + yp_ref[0, :N, :] + yp_ref[1, :N, :]
    h = jnp.dot(x, w2_ref[...], preferred_element_type=jnp.float32)
    h = h + b2_ref[...]
    mean = jnp.mean(h, axis=0, keepdims=True)
    var = jnp.mean((h - mean) ** 2, axis=0, keepdims=True)
    h = (h - mean) * jax.lax.rsqrt(var + eps) * g1_ref[...] + be1_ref[...]
    h = jnp.maximum(h, 0.0)
    h = jnp.dot(h, w3_ref[...], preferred_element_type=jnp.float32)
    h = h + b3_ref[...]
    mean = jnp.mean(h, axis=0, keepdims=True)
    var = jnp.mean((h - mean) ** 2, axis=0, keepdims=True)
    h = (h - mean) * jax.lax.rsqrt(var + eps) * g2_ref[...] + be2_ref[...]
    h = jnp.maximum(h, 0.0)
    o_ref[...] = x + h


def kernel(x_feat, edge_index, bases, W1, b1, W2, b2, gamma1, beta1,
           W3, b3, gamma2, beta2):
    u = pl.pallas_call(
        _node_mlp_body,
        out_shape=jax.ShapeDtypeStruct((N, H), jnp.float32),
    )(x_feat, W1, b1.reshape(1, H))

    src = edge_index[0]
    dst = edge_index[1]

    mesh = plsc.VectorSubcoreMesh(core_axis_name="c", subcore_axis_name="s")
    edge_kernel = pl.kernel(
        _edge_body,
        out_type=jax.ShapeDtypeStruct((NC, NPAD, H), jnp.float32),
        mesh=mesh,
        scratch_types=[
            pltpu.VMEM((EP,), jnp.int32),
            pltpu.VMEM((C,), jnp.int32),
            pltpu.VMEM((C,), jnp.int32),
            pltpu.VMEM((C,), jnp.int32),
            pltpu.VMEM((C, H), jnp.float32),
            pltpu.VMEM((C, H), jnp.float32),
            pltpu.VMEM((C, H), jnp.float32),
            pltpu.VMEM((C, H), jnp.float32),
            pltpu.VMEM((C, H), jnp.float32),
            pltpu.VMEM((C, H), jnp.float32),
            pltpu.VMEM_SHARED((NPAD, H), jnp.float32),
        ] + [pltpu.SemaphoreType.DMA] * 12,
    )
    yp = edge_kernel(u, src, dst, bases)

    out = pl.pallas_call(
        _ffn_body,
        out_shape=jax.ShapeDtypeStruct((N, H), jnp.float32),
    )(x_feat, yp, W2, b2.reshape(1, H), gamma1.reshape(1, H),
      beta1.reshape(1, H), W3, b3.reshape(1, H), gamma2.reshape(1, H),
      beta2.reshape(1, H))
    return out

# --- scband reference (transcript-rebuilt; emitter-appended) ---
"""Pipeline reference for scband-conv-88304527606176 (READ-ONLY COPY).

The authoritative reference and input builder live on the scoring server;
editing this copy changes nothing except your own understanding.
"""

import jax, jax.numpy as jnp
import numpy as np

N = 10000
E = 320000
H = 128


def _batchnorm(h, gamma, beta, eps=1e-5):
    mean = jnp.mean(h, axis=0)
    var = jnp.mean((h - mean) ** 2, axis=0)
    return (h - mean) / jnp.sqrt(var + eps) * gamma + beta


def setup_inputs(seed: int = 0):
    key = jax.random.key(seed)
    ks = jax.random.split(key, 8)
    scale = 1.0 / np.sqrt(H)
    x_feat = jax.random.normal(ks[0], (N, H), dtype=jnp.float32)
    edge_index = jax.random.randint(ks[1], (2, E), 0, N, dtype=jnp.int32)
    bases = jax.random.normal(ks[2], (E, H), dtype=jnp.float32)
    W1 = jax.random.normal(ks[3], (H, H), dtype=jnp.float32) * scale
    b1 = jnp.zeros((H,), dtype=jnp.float32)
    W2 = jax.random.normal(ks[4], (H, H), dtype=jnp.float32) * scale
    b2 = jnp.zeros((H,), dtype=jnp.float32)
    gamma1 = jnp.ones((H,), dtype=jnp.float32)
    beta1 = jnp.zeros((H,), dtype=jnp.float32)
    W3 = jax.random.normal(ks[5], (H, H), dtype=jnp.float32) * scale
    b3 = jnp.zeros((H,), dtype=jnp.float32)
    gamma2 = jnp.ones((H,), dtype=jnp.float32)
    beta2 = jnp.zeros((H,), dtype=jnp.float32)
    return {
        'x_feat': x_feat, 'edge_index': edge_index, 'bases': bases,
        'W1': W1, 'b1': b1, 'W2': W2, 'b2': b2,
        'gamma1': gamma1, 'beta1': beta1,
        'W3': W3, 'b3': b3, 'gamma2': gamma2, 'beta2': beta2,
    }


def reference(x_feat, edge_index, bases, W1, b1, W2, b2, gamma1, beta1, W3, b3, gamma2, beta2):
    src = edge_index[0]
    dst = edge_index[1]
    # graph.apply_edges(fn.copy_u('x', '_x')): gather source node features per edge
    pdd = jnp.take(x_feat, src, axis=0)
    # edge_attr is all-zeros in the original forward
    pddd = pdd + jnp.zeros((E, H), dtype=x_feat.dtype)
    # pre_ffn: Linear + GELU (dropout_rate=0.0 -> identity dropout)
    xee = jax.nn.gelu(pddd @ W1 + b1, approximate=False)
    xee = xee * bases
    # update_all(copy_e, sum): scatter-add edge messages into dst nodes
    y = jax.ops.segment_sum(xee, dst, num_segments=N)
    x = x_feat + y
    # ffn: Linear -> BatchNorm1d (training-mode batch stats) -> ReLU -> Linear -> BatchNorm1d -> ReLU
    h = x @ W2 + b2
    h = jax.nn.relu(_batchnorm(h, gamma1, beta1))
    h = h @ W3 + b3
    h = jax.nn.relu(_batchnorm(h, gamma2, beta2))
    return x + h

if __name__ == "__main__":
    import jax
    _d = setup_inputs()
    print(jax.jit(kernel)(*tuple(_d.values())))

</pallas_src>

<mosaic_0001>
#map = affine_map<(d0, d1) -> (0, 0)>
#map1 = affine_map<(d0, d1) -> (0)>
#map2 = affine_map<(d0, d1) -> (0, 0, 0)>
module attributes {stable_mosaic.version = 14 : i64} {
  func.func @_edge_body(%arg0: i32, %arg1: i32, %arg2: memref<10000x128xf32, #tpu.memory_space<hbm>>, %arg3: memref<320000xi32, #tpu.memory_space<hbm>>, %arg4: memref<320000xi32, #tpu.memory_space<hbm>>, %arg5: memref<320000x128xf32, #tpu.memory_space<hbm>>, %arg6: memref<2x10240x128xf32, #tpu.memory_space<hbm>>, %arg7: memref<10000xi32, #tpu.memory_space<vmem>>, %arg8: memref<40xi32, #tpu.memory_space<vmem>>, %arg9: memref<40xi32, #tpu.memory_space<vmem>>, %arg10: memref<40xi32, #tpu.memory_space<vmem>>, %arg11: memref<40x128xf32, #tpu.memory_space<vmem>>, %arg12: memref<40x128xf32, #tpu.memory_space<vmem>>, %arg13: memref<40x128xf32, #tpu.memory_space<vmem>>, %arg14: memref<40x128xf32, #tpu.memory_space<vmem>>, %arg15: memref<40x128xf32, #tpu.memory_space<vmem>>, %arg16: memref<40x128xf32, #tpu.memory_space<vmem>>, %arg17: memref<10240x128xf32, #tpu.memory_space<vmem_shared>>, %arg18: memref<!tpu.dma_semaphore, #tpu.memory_space<semaphore_mem>>, %arg19: memref<!tpu.dma_semaphore, #tpu.memory_space<semaphore_mem>>, %arg20: memref<!tpu.dma_semaphore, #tpu.memory_space<semaphore_mem>>, %arg21: memref<!tpu.dma_semaphore, #tpu.memory_space<semaphore_mem>>, %arg22: memref<!tpu.dma_semaphore, #tpu.memory_space<semaphore_mem>>, %arg23: memref<!tpu.dma_semaphore, #tpu.memory_space<semaphore_mem>>, %arg24: memref<!tpu.dma_semaphore, #tpu.memory_space<semaphore_mem>>, %arg25: memref<!tpu.dma_semaphore, #tpu.memory_space<semaphore_mem>>, %arg26: memref<!tpu.dma_semaphore, #tpu.memory_space<semaphore_mem>>, %arg27: memref<!tpu.dma_semaphore, #tpu.memory_space<semaphore_mem>>, %arg28: memref<!tpu.dma_semaphore, #tpu.memory_space<semaphore_mem>>, %arg29: memref<!tpu.dma_semaphore, #tpu.memory_space<semaphore_mem>>) attributes {dimension_semantics = [#tpu.dimension_semantics<core_parallel>, #tpu.dimension_semantics<subcore_parallel>], iteration_bounds = array<i64: 2, 16>, scalar_prefetch = 0 : i64, scratch_operands = 23 : i64, tpu.core_type = #tpu.core_type<sc_vector_subcore>, window_params = [{transform_indices = #map}, {transform_indices = #map1}, {transform_indices = #map1}, {transform_indices = #map}, {transform_indices = #map2}]} {
    %mul3A = arith.constant 16 : i32
    %mul3A_0 = arith.muli %arg0, %mul3A : i32
    %add3A = arith.addi %mul3A_0, %arg1 : i32
    %mul3A_1 = arith.constant 10000 : i32
    %mul3A_2 = arith.muli %add3A, %mul3A_1 : i32
    "tpu.region"() ({
      %run_scoped3A = tpu.sem_alloc : memref<!tpu.dma_semaphore, #tpu.memory_space<semaphore_mem>>
      %dma_start3A_256 = tpu.memref_slice %arg3[%mul3A_2] : memref<320000xi32, #tpu.memory_space<hbm>> -> memref<10000xi32, #tpu.memory_space<hbm>>
      %dma_start3A_257 = tpu.memref_slice %arg3[%mul3A_2] : memref<320000xi32, #tpu.memory_space<hbm>> -> memref<10000xi32, #tpu.memory_space<hbm>>
      tpu.enqueue_dma source(%dma_start3A_257 : memref<10000xi32, #tpu.memory_space<hbm>>) target(%arg7 : memref<10000xi32, #tpu.memory_space<vmem>>) target_semaphore(%run_scoped3A : memref<!tpu.dma_semaphore, #tpu.memory_space<semaphore_mem>>)
      %dma_wait3A_258 = tpu.memref_slice %arg3[%mul3A_2] : memref<320000xi32, #tpu.memory_space<hbm>> -> memref<10000xi32, #tpu.memory_space<hbm>>
      %dma_wait3A_259 = tpu.memref_slice %arg3[%mul3A_2] : memref<320000xi32, #tpu.memory_space<hbm>> -> memref<10000xi32, #tpu.memory_space<hbm>>
      tpu.wait_dma2 semaphore(%run_scoped3A : memref<!tpu.dma_semaphore, #tpu.memory_space<semaphore_mem>>) src(%dma_wait3A_259 : memref<10000xi32, #tpu.memory_space<hbm>>) dst(%arg7 : memref<10000xi32, #tpu.memory_space<vmem>>)
      tpu.yield
    }) : () -> ()
    %broadcast_in_dim3A = arith.constant 0.000000e+00 : f32
    %broadcast_in_dim3A_3 = vector.broadcast %broadcast_in_dim3A : f32 to vector<16xf32>
    %scan3A = arith.constant 0 : i32
    %scan3A_4 = arith.constant 0 : i32
    %scan3A_5 = arith.constant 320 : i32
    %scan3A_6 = arith.addi %scan3A_4, %scan3A_5 : i32
    %scan3A_7 = arith.constant 1 : i32
    %scan3A_8 = scf.for %scan3A_256 = %scan3A_4 to %scan3A_6 step %scan3A_7 iter_args(%scan3A_257 = %scan3A) -> (i32)  : i32 {
      %jit3A = arith.constant 8 : i32
      %div3A = arith.divsi %scan3A_256, %jit3A : i32
      %sign3A = arith.constant 0 : i32
      %sign3A_258 = arith.cmpi sgt, %scan3A_256, %sign3A : i32
      %sign3A_259 = arith.extui %sign3A_258 : i1 to i32
      %sign3A_260 = arith.constant 0 : i32
      %sign3A_261 = arith.cmpi slt, %scan3A_256, %sign3A_260 : i32
      %sign3A_262 = arith.extui %sign3A_261 : i1 to i32
      %sign3A_263 = arith.subi %sign3A_259, %sign3A_262 : i32
      %sign3A_264 = arith.constant 0 : i32
      %sign3A_265 = arith.cmpi sgt, %jit3A, %sign3A_264 : i32
      %sign3A_266 = arith.extui %sign3A_265 : i1 to i32
      %sign3A_267 = arith.constant 0 : i32
      %sign3A_268 = arith.cmpi slt, %jit3A, %sign3A_267 : i32
      %sign3A_269 = arith.extui %sign3A_268 : i1 to i32
      %sign3A_270 = arith.subi %sign3A_266, %sign3A_269 : i32
      %ne3A = arith.cmpi ne, %sign3A_263, %sign3A_270 : i32
      %rem3A = arith.remsi %scan3A_256, %jit3A : i32
      %ne3A_271 = arith.constant 0 : i32
      %ne3A_272 = arith.cmpi ne, %rem3A, %ne3A_271 : i32
      %and3A = arith.andi %ne3A, %ne3A_272 : i1
      %sub3A = arith.constant 1 : i32
      %sub3A_273 = arith.subi %div3A, %sub3A : i32
      %select_n3A = arith.select %and3A, %sub3A_273, %div3A : i32
      %jit3A_274 = arith.constant 8 : i32
      %eq3A = arith.constant 0 : i32
      %eq3A_275 = arith.cmpi eq, %jit3A_274, %eq3A : i32
      %jit3A_276 = arith.constant 1 : i32
      %select_n3A_277 = arith.select %eq3A_275, %jit3A_276, %jit3A_274 : i32
      %rem3A_278 = arith.remsi %scan3A_256, %select_n3A_277 : i32
      %ne3A_279 = arith.constant 0 : i32
      %ne3A_280 = arith.cmpi ne, %rem3A_278, %ne3A_279 : i32
      %lt3A = arith.constant 0 : i32
      %lt3A_281 = arith.cmpi slt, %rem3A_278, %lt3A : i32
      %lt3A_282 = arith.constant 0 : i32
      %lt3A_283 = arith.cmpi slt, %select_n3A_277, %lt3A_282 : i32
      %ne3A_284 = arith.xori %lt3A_281, %lt3A_283 : i1
      %and3A_285 = arith.andi %ne3A_284, %ne3A_280 : i1
      %add3A_286 = arith.addi %rem3A_278, %select_n3A_277 : i32
      %select_n3A_287 = arith.select %and3A_285, %add3A_286, %rem3A_278 : i32
      %mul3A_288 = arith.constant 16 : i32
      %mul3A_289 = arith.muli %select_n3A_287, %mul3A_288 : i32
      %swap3A = arith.index_cast %select_n3A : i32 to index
      %swap3A_290 = arith.index_cast %mul3A_289 : i32 to index
      %swap3A_291 = tpu.vector_load %arg14[%swap3A, %swap3A_290] {strides = array<i32>} : memref<40x128xf32, #tpu.memory_space<vmem>>, vector<1x16xf32>,
      %swap3A_292 = vector.shape_cast %swap3A_291 : vector<1x16xf32> to vector<16xf32>
      %swap3A_293 = vector.shape_cast %broadcast_in_dim3A_3 : vector<16xf32> to vector<1x16xf32>
      tpu.vector_store %arg14[%swap3A, %swap3A_290], %swap3A_293 {strides = array<i32>} : memref<40x128xf32, #tpu.memory_space<vmem>>, vector<1x16xf32>,
      %scan3A_294 = arith.constant 0 : i32
      scf.yield %scan3A_294 : i32
    }
    %scan3A_9 = arith.constant 320 : i32
    %mul3A_10 = arith.constant 640 : i32
    %mul3A_11 = arith.muli %arg1, %mul3A_10 : i32
    %add3A_12 = arith.constant 0 : i32
    %add3A_13 = arith.addi %mul3A_11, %add3A_12 : i32
    "tpu.region"() ({
      %run_scoped3A = tpu.sem_alloc : memref<!tpu.dma_semaphore, #tpu.memory_space<semaphore_mem>>
      %dma_start3A_256 = arith.constant 0 : i32
      %dma_start3A_257 = tpu.memref_slice %arg17[%add3A_13, %dma_start3A_256] : memref<10240x128xf32, #tpu.memory_space<vmem_shared>> -> memref<40x128xf32, #tpu.memory_space<vmem_shared>>
      %dma_start3A_258 = arith.constant 0 : i32
      %dma_start3A_259 = tpu.memref_slice %arg17[%add3A_13, %dma_start3A_258] : memref<10240x128xf32, #tpu.memory_space<vmem_shared>> -> memref<40x128xf32, #tpu.memory_space<vmem_shared>>
      tpu.enqueue_dma source(%arg14 : memref<40x128xf32, #tpu.memory_space<vmem>>) target(%dma_start3A_259 : memref<40x128xf32, #tpu.memory_space<vmem_shared>>) target_semaphore(%run_scoped3A : memref<!tpu.dma_semaphore, #tpu.memory_space<semaphore_mem>>)
      %dma_wait3A_260 = arith.constant 0 : i32
      %dma_wait3A_261 = tpu.memref_slice %arg17[%add3A_13, %dma_wait3A_260] : memref<10240x128xf32, #tpu.memory_space<vmem_shared>> -> memref<40x128xf32, #tpu.memory_space<vmem_shared>>
      %dma_wait3A_262 = arith.constant 0 : i32
      %dma_wait3A_263 = tpu.memref_slice %arg17[%add3A_13, %dma_wait3A_262] : memref<10240x128xf32, #tpu.memory_space<vmem_shared>> -> memref<40x128xf32, #tpu.memory_space<vmem_shared>>
      tpu.wait_dma2 semaphore(%run_scoped3A : memref<!tpu.dma_semaphore, #tpu.memory_space<semaphore_mem>>) src(%arg14 : memref<40x128xf32, #tpu.memory_space<vmem>>) dst(%dma_wait3A_263 : memref<40x128xf32, #tpu.memory_space<vmem_shared>>)
      tpu.yield
    }) : () -> ()
    %mul3A_14 = arith.constant 640 : i32
    %mul3A_15 = arith.muli %arg1, %mul3A_14 : i32
    %add3A_16 = arith.constant 40 : i32
    %add3A_17 = arith.addi %mul3A_15, %add3A_16 : i32
    "tpu.region"() ({
      %run_scoped3A = tpu.sem_alloc : memref<!tpu.dma_semaphore, #tpu.memory_space<semaphore_mem>>
      %dma_start3A_256 = arith.constant 0 : i32
      %dma_start3A_257 = tpu.memref_slice %arg17[%add3A_17, %dma_start3A_256] : memref<10240x128xf32, #tpu.memory_space<vmem_shared>> -> memref<40x128xf32, #tpu.memory_space<vmem_shared>>
      %dma_start3A_258 = arith.constant 0 : i32
      %dma_start3A_259 = tpu.memref_slice %arg17[%add3A_17, %dma_start3A_258] : memref<10240x128xf32, #tpu.memory_space<vmem_shared>> -> memref<40x128xf32, #tpu.memory_space<vmem_shared>>
      tpu.enqueue_dma source(%arg14 : memref<40x128xf32, #tpu.memory_space<vmem>>) target(%dma_start3A_259 : memref<40x128xf32, #tpu.memory_space<vmem_shared>>) target_semaphore(%run_scoped3A : memref<!tpu.dma_semaphore, #tpu.memory_space<semaphore_mem>>)
      %dma_wait3A_260 = arith.constant 0 : i32
      %dma_wait3A_261 = tpu.memref_slice %arg17[%add3A_17, %dma_wait3A_260] : memref<10240x128xf32, #tpu.memory_space<vmem_shared>> -> memref<40x128xf32, #tpu.memory_space<vmem_shared>>
      %dma_wait3A_262 = arith.constant 0 : i32
      %dma_wait3A_263 = tpu.memref_slice %arg17[%add3A_17, %dma_wait3A_262] : memref<10240x128xf32, #tpu.memory_space<vmem_shared>> -> memref<40x128xf32, #tpu.memory_space<vmem_shared>>
      tpu.wait_dma2 semaphore(%run_scoped3A : memref<!tpu.dma_semaphore, #tpu.memory_space<semaphore_mem>>) src(%arg14 : memref<40x128xf32, #tpu.memory_space<vmem>>) dst(%dma_wait3A_263 : memref<40x128xf32, #tpu.memory_space<vmem_shared>>)
      tpu.yield
    }) : () -> ()
    %mul3A_18 = arith.constant 640 : i32
    %mul3A_19 = arith.muli %arg1, %mul3A_18 : i32
    %add3A_20 = arith.constant 80 : i32
    %add3A_21 = arith.addi %mul3A_19, %add3A_20 : i32
    "tpu.region"() ({
      %run_scoped3A = tpu.sem_alloc : memref<!tpu.dma_semaphore, #tpu.memory_space<semaphore_mem>>
      %dma_start3A_256 = arith.constant 0 : i32
      %dma_start3A_257 = tpu.memref_slice %arg17[%add3A_21, %dma_start3A_256] : memref<10240x128xf32, #tpu.memory_space<vmem_shared>> -> memref<40x128xf32, #tpu.memory_space<vmem_shared>>
      %dma_start3A_258 = arith.constant 0 : i32
      %dma_start3A_259 = tpu.memref_slice %arg17[%add3A_21, %dma_start3A_258] : memref<10240x128xf32, #tpu.memory_space<vmem_shared>> -> memref<40x128xf32, #tpu.memory_space<vmem_shared>>
      tpu.enqueue_dma source(%arg14 : memref<40x128xf32, #tpu.memory_space<vmem>>) target(%dma_start3A_259 : memref<40x128xf32, #tpu.memory_space<vmem_shared>>) target_semaphore(%run_scoped3A : memref<!tpu.dma_semaphore, #tpu.memory_space<semaphore_mem>>)
      %dma_wait3A_260 = arith.constant 0 : i32
      %dma_wait3A_261 = tpu.memref_slice %arg17[%add3A_21, %dma_wait3A_260] : memref<10240x128xf32, #tpu.memory_space<vmem_shared>> -> memref<40x128xf32, #tpu.memory_space<vmem_shared>>
      %dma_wait3A_262 = arith.constant 0 : i32
      %dma_wait3A_263 = tpu.memref_slice %arg17[%add3A_21, %dma_wait3A_262] : memref<10240x128xf32, #tpu.memory_space<vmem_shared>> -> memref<40x128xf32, #tpu.memory_space<vmem_shared>>
      tpu.wait_dma2 semaphore(%run_scoped3A : memref<!tpu.dma_semaphore, #tpu.memory_space<semaphore_mem>>) src(%arg14 : memref<40x128xf32, #tpu.memory_space<vmem>>) dst(%dma_wait3A_263 : memref<40x128xf32, #tpu.memory_space<vmem_shared>>)
      tpu.yield
    }) : () -> ()
    %mul3A_22 = arith.constant 640 : i32
    %mul3A_23 = arith.muli %arg1, %mul3A_22 : i32
    %add3A_24 = arith.constant 120 : i32
    %add3A_25 = arith.addi %mul3A_23, %add3A_24 : i32
    "tpu.region"() ({
      %run_scoped3A = tpu.sem_alloc : memref<!tpu.dma_semaphore, #tpu.memory_space<semaphore_mem>>
      %dma_start3A_256 = arith.constant 0 : i32
      %dma_start3A_257 = tpu.memref_slice %arg17[%add3A_25, %dma_start3A_256] : memref<10240x128xf32, #tpu.memory_space<vmem_shared>> -> memref<40x128xf32, #tpu.memory_space<vmem_shared>>
      %dma_start3A_258 = arith.constant 0 : i32
      %dma_start3A_259 = tpu.memref_slice %arg17[%add3A_25, %dma_start3A_258] : memref<10240x128xf32, #tpu.memory_space<vmem_shared>> -> memref<40x128xf32, #tpu.memory_space<vmem_shared>>
      tpu.enqueue_dma source(%arg14 : memref<40x128xf32, #tpu.memory_space<vmem>>) target(%dma_start3A_259 : memref<40x128xf32, #tpu.memory_space<vmem_shared>>) target_semaphore(%run_scoped3A : memref<!tpu.dma_semaphore, #tpu.memory_space<semaphore_mem>>)
      %dma_wait3A_260 = arith.constant 0 : i32
      %dma_wait3A_261 = tpu.memref_slice %arg17[%add3A_25, %dma_wait3A_260] : memref<10240x128xf32, #tpu.memory_space<vmem_shared>> -> memref<40x128xf32, #tpu.memory_space<vmem_shared>>
      %dma_wait3A_262 = arith.constant 0 : i32
      %dma_wait3A_263 = tpu.memref_slice %arg17[%add3A_25, %dma_wait3A_262] : memref<10240x128xf32, #tpu.memory_space<vmem_shared>> -> memref<40x128xf32, #tpu.memory_space<vmem_shared>>
      tpu.wait_dma2 semaphore(%run_scoped3A : memref<!tpu.dma_semaphore, #tpu.memory_space<semaphore_mem>>) src(%arg14 : memref<40x128xf32, #tpu.memory_space<vmem>>) dst(%dma_wait3A_263 : memref<40x128xf32, #tpu.memory_space<vmem_shared>>)
      tpu.yield
    }) : () -> ()
    %mul3A_26 = arith.constant 640 : i32
    %mul3A_27 = arith.muli %arg1, %mul3A_26 : i32
    %add3A_28 = arith.constant 160 : i32
    %add3A_29 = arith.addi %mul3A_27, %add3A_28 : i32
    "tpu.region"() ({
      %run_scoped3A = tpu.sem_alloc : memref<!tpu.dma_semaphore, #tpu.memory_space<semaphore_mem>>
      %dma_start3A_256 = arith.constant 0 : i32
      %dma_start3A_257 = tpu.memref_slice %arg17[%add3A_29, %dma_start3A_256] : memref<10240x128xf32, #tpu.memory_space<vmem_shared>> -> memref<40x128xf32, #tpu.memory_space<vmem_shared>>
      %dma_start3A_258 = arith.constant 0 : i32
      %dma_start3A_259 = tpu.memref_slice %arg17[%add3A_29, %dma_start3A_258] : memref<10240x128xf32, #tpu.memory_space<vmem_shared>> -> memref<40x128xf32, #tpu.memory_space<vmem_shared>>
      tpu.enqueue_dma source(%arg14 : memref<40x128xf32, #tpu.memory_space<vmem>>) target(%dma_start3A_259 : memref<40x128xf32, #tpu.memory_space<vmem_shared>>) target_semaphore(%run_scoped3A : memref<!tpu.dma_semaphore, #tpu.memory_space<semaphore_mem>>)
      %dma_wait3A_260 = arith.constant 0 : i32
      %dma_wait3A_261 = tpu.memref_slice %arg17[%add3A_29, %dma_wait3A_260] : memref<10240x128xf32, #tpu.memory_space<vmem_shared>> -> memref<40x128xf32, #tpu.memory_space<vmem_shared>>
      %dma_wait3A_262 = arith.constant 0 : i32
      %dma_wait3A_263 = tpu.memref_slice %arg17[%add3A_29, %dma_wait3A_262] : memref<10240x128xf32, #tpu.memory_space<vmem_shared>> -> memref<40x128xf32, #tpu.memory_space<vmem_shared>>
      tpu.wait_dma2 semaphore(%run_scoped3A : memref<!tpu.dma_semaphore, #tpu.memory_space<semaphore_mem>>) src(%arg14 : memref<40x128xf32, #tpu.memory_space<vmem>>) dst(%dma_wait3A_263 : memref<40x128xf32, #tpu.memory_space<vmem_shared>>)
      tpu.yield
    }) : () -> ()
    %mul3A_30 = arith.constant 640 : i32
    %mul3A_31 = arith.muli %arg1, %mul3A_30 : i32
    %add3A_32 = arith.constant 200 : i32
    %add3A_33 = arith.addi %mul3A_31, %add3A_32 : i32
    "tpu.region"() ({
      %run_scoped3A = tpu.sem_alloc : memref<!tpu.dma_semaphore, #tpu.memory_space<semaphore_mem>>
      %dma_start3A_256 = arith.constant 0 : i32
      %dma_start3A_257 = tpu.memref_slice %arg17[%add3A_33, %dma_start3A_256] : memref<10240x128xf32, #tpu.memory_space<vmem_shared>> -> memref<40x128xf32, #tpu.memory_space<vmem_shared>>
      %dma_start3A_258 = arith.constant 0 : i32
      %dma_start3A_259 = tpu.memref_slice %arg17[%add3A_33, %dma_start3A_258] : memref<10240x128xf32, #tpu.memory_space<vmem_shared>> -> memref<40x128xf32, #tpu.memory_space<vmem_shared>>
      tpu.enqueue_dma source(%arg14 : memref<40x128xf32, #tpu.memory_space<vmem>>) target(%dma_start3A_259 : memref<40x128xf32, #tpu.memory_space<vmem_shared>>) target_semaphore(%run_scoped3A : memref<!tpu.dma_semaphore, #tpu.memory_space<semaphore_mem>>)
      %dma_wait3A_260 = arith.constant 0 : i32
      %dma_wait3A_261 = tpu.memref_slice %arg17[%add3A_33, %dma_wait3A_260] : memref<10240x128xf32, #tpu.memory_space<vmem_shared>> -> memref<40x128xf32, #tpu.memory_space<vmem_shared>>
      %dma_wait3A_262 = arith.constant 0 : i32
      %dma_wait3A_263 = tpu.memref_slice %arg17[%add3A_33, %dma_wait3A_262] : memref<10240x128xf32, #tpu.memory_space<vmem_shared>> -> memref<40x128xf32, #tpu.memory_space<vmem_shared>>
      tpu.wait_dma2 semaphore(%run_scoped3A : memref<!tpu.dma_semaphore, #tpu.memory_space<semaphore_mem>>) src(%arg14 : memref<40x128xf32, #tpu.memory_space<vmem>>) dst(%dma_wait3A_263 : memref<40x128xf32, #tpu.memory_space<vmem_shared>>)
      tpu.yield
    }) : () -> ()
    %mul3A_34 = arith.constant 640 : i32
    %mul3A_35 = arith.muli %arg1, %mul3A_34 : i32
    %add3A_36 = arith.constant 240 : i32
    %add3A_37 = arith.addi %mul3A_35, %add3A_36 : i32
    "tpu.region"() ({
      %run_scoped3A = tpu.sem_alloc : memref<!tpu.dma_semaphore, #tpu.memory_space<semaphore_mem>>
      %dma_start3A_256 = arith.constant 0 : i32
      %dma_start3A_257 = tpu.memref_slice %arg17[%add3A_37, %dma_start3A_256] : memref<10240x128xf32, #tpu.memory_space<vmem_shared>> -> memref<40x128xf32, #tpu.memory_space<vmem_shared>>
      %dma_start3A_258 = arith.constant 0 : i32
      %dma_start3A_259 = tpu.memref_slice %arg17[%add3A_37, %dma_start3A_258] : memref<10240x128xf32, #tpu.memory_space<vmem_shared>> -> memref<40x128xf32, #tpu.memory_space<vmem_shared>>
      tpu.enqueue_dma source(%arg14 : memref<40x128xf32, #tpu.memory_space<vmem>>) target(%dma_start3A_259 : memref<40x128xf32, #tpu.memory_space<vmem_shared>>) target_semaphore(%run_scoped3A : memref<!tpu.dma_semaphore, #tpu.memory_space<semaphore_mem>>)
      %dma_wait3A_260 = arith.constant 0 : i32
      %dma_wait3A_261 = tpu.memref_slice %arg17[%add3A_37, %dma_wait3A_260] : memref<10240x128xf32, #tpu.memory_space<vmem_shared>> -> memref<40x128xf32, #tpu.memory_space<vmem_shared>>
      %dma_wait3A_262 = arith.constant 0 : i32
      %dma_wait3A_263 = tpu.memref_slice %arg17[%add3A_37, %dma_wait3A_262] : memref<10240x128xf32, #tpu.memory_space<vmem_shared>> -> memref<40x128xf32, #tpu.memory_space<vmem_shared>>
      tpu.wait_dma2 semaphore(%run_scoped3A : memref<!tpu.dma_semaphore, #tpu.memory_space<semaphore_mem>>) src(%arg14 : memref<40x128xf32, #tpu.memory_space<vmem>>) dst(%dma_wait3A_263 : memref<40x128xf32, #tpu.memory_space<vmem_shared>>)
      tpu.yield
    }) : () -> ()
    %mul3A_38 = arith.constant 640 : i32
    %mul3A_39 = arith.muli %arg1, %mul3A_38 : i32
    %add3A_40 = arith.constant 280 : i32
    %add3A_41 = arith.addi %mul3A_39, %add3A_40 : i32
    "tpu.region"() ({
      %run_scoped3A = tpu.sem_alloc : memref<!tpu.dma_semaphore, #tpu.memory_space<semaphore_mem>>
      %dma_start3A_256 = arith.constant 0 : i32
      %dma_start3A_257 = tpu.memref_slice %arg17[%add3A_41, %dma_start3A_256] : memref<10240x128xf32, #tpu.memory_space<vmem_shared>> -> memref<40x128xf32, #tpu.memory_space<vmem_shared>>
      %dma_start3A_258 = arith.constant 0 : i32
      %dma_start3A_259 = tpu.memref_slice %arg17[%add3A_41, %dma_start3A_258] : memref<10240x128xf32, #tpu.memory_space<vmem_shared>> -> memref<40x128xf32, #tpu.memory_space<vmem_shared>>
      tpu.enqueue_dma source(%arg14 : memref<40x128xf32, #tpu.memory_space<vmem>>) target(%dma_start3A_259 : memref<40x128xf32, #tpu.memory_space<vmem_shared>>) target_semaphore(%run_scoped3A : memref<!tpu.dma_semaphore, #tpu.memory_space<semaphore_mem>>)
      %dma_wait3A_260 = arith.constant 0 : i32
      %dma_wait3A_261 = tpu.memref_slice %arg17[%add3A_41, %dma_wait3A_260] : memref<10240x128xf32, #tpu.memory_space<vmem_shared>> -> memref<40x128xf32, #tpu.memory_space<vmem_shared>>
      %dma_wait3A_262 = arith.constant 0 : i32
      %dma_wait3A_263 = tpu.memref_slice %arg17[%add3A_41, %dma_wait3A_262] : memref<10240x128xf32, #tpu.memory_space<vmem_shared>> -> memref<40x128xf32, #tpu.memory_space<vmem_shared>>
      tpu.wait_dma2 semaphore(%run_scoped3A : memref<!tpu.dma_semaphore, #tpu.memory_space<semaphore_mem>>) src(%arg14 : memref<40x128xf32, #tpu.memory_space<vmem>>) dst(%dma_wait3A_263 : memref<40x128xf32, #tpu.memory_space<vmem_shared>>)
      tpu.yield
    }) : () -> ()
    %mul3A_42 = arith.constant 640 : i32
    %mul3A_43 = arith.muli %arg1, %mul3A_42 : i32
    %add3A_44 = arith.constant 320 : i32
    %add3A_45 = arith.addi %mul3A_43, %add3A_44 : i32
    "tpu.region"() ({
      %run_scoped3A = tpu.sem_alloc : memref<!tpu.dma_semaphore, #tpu.memory_space<semaphore_mem>>
      %dma_start3A_256 = arith.constant 0 : i32
      %dma_start3A_257 = tpu.memref_slice %arg17[%add3A_45, %dma_start3A_256] : memref<10240x128xf32, #tpu.memory_space<vmem_shared>> -> memref<40x128xf32, #tpu.memory_space<vmem_shared>>
      %dma_start3A_258 = arith.constant 0 : i32
      %dma_start3A_259 = tpu.memref_slice %arg17[%add3A_45, %dma_start3A_258] : memref<10240x128xf32, #tpu.memory_space<vmem_shared>> -> memref<40x128xf32, #tpu.memory_space<vmem_shared>>
      tpu.enqueue_dma source(%arg14 : memref<40x128xf32, #tpu.memory_space<vmem>>) target(%dma_start3A_259 : memref<40x128xf32, #tpu.memory_space<vmem_shared>>) target_semaphore(%run_scoped3A : memref<!tpu.dma_semaphore, #tpu.memory_space<semaphore_mem>>)
      %dma_wait3A_260 = arith.constant 0 : i32
      %dma_wait3A_261 = tpu.memref_slice %arg17[%add3A_45, %dma_wait3A_260] : memref<10240x128xf32, #tpu.memory_space<vmem_shared>> -> memref<40x128xf32, #tpu.memory_space<vmem_shared>>
      %dma_wait3A_262 = arith.constant 0 : i32
      %dma_wait3A_263 = tpu.memref_slice %arg17[%add3A_45, %dma_wait3A_262] : memref<10240x128xf32, #tpu.memory_space<vmem_shared>> -> memref<40x128xf32, #tpu.memory_space<vmem_shared>>
      tpu.wait_dma2 semaphore(%run_scoped3A : memref<!tpu.dma_semaphore, #tpu.memory_space<semaphore_mem>>) src(%arg14 : memref<40x128xf32, #tpu.memory_space<vmem>>) dst(%dma_wait3A_263 : memref<40x128xf32, #tpu.memory_space<vmem_shared>>)
      tpu.yield
    }) : () -> ()
    %mul3A_46 = arith.constant 640 : i32
    %mul3A_47 = arith.muli %arg1, %mul3A_46 : i32
    %add3A_48 = arith.constant 360 : i32
    %add3A_49 = arith.addi %mul3A_47, %add3A_48 : i32
    "tpu.region"() ({
      %run_scoped3A = tpu.sem_alloc : memref<!tpu.dma_semaphore, #tpu.memory_space<semaphore_mem>>
      %dma_start3A_256 = arith.constant 0 : i32
      %dma_start3A_257 = tpu.memref_slice %arg17[%add3A_49, %dma_start3A_256] : memref<10240x128xf32, #tpu.memory_space<vmem_shared>> -> memref<40x128xf32, #tpu.memory_space<vmem_shared>>
      %dma_start3A_258 = arith.constant 0 : i32
      %dma_start3A_259 = tpu.memref_slice %arg17[%add3A_49, %dma_start3A_258] : memref<10240x128xf32, #tpu.memory_space<vmem_shared>> -> memref<40x128xf32, #tpu.memory_space<vmem_shared>>
      tpu.enqueue_dma source(%arg14 : memref<40x128xf32, #tpu.memory_space<vmem>>) target(%dma_start3A_259 : memref<40x128xf32, #tpu.memory_space<vmem_shared>>) target_semaphore(%run_scoped3A : memref<!tpu.dma_semaphore, #tpu.memory_space<semaphore_mem>>)
      %dma_wait3A_260 = arith.constant 0 : i32
      %dma_wait3A_261 = tpu.memref_slice %arg17[%add3A_49, %dma_wait3A_260] : memref<10240x128xf32, #tpu.memory_space<vmem_shared>> -> memref<40x128xf32, #tpu.memory_space<vmem_shared>>
      %dma_wait3A_262 = arith.constant 0 : i32
      %dma_wait3A_263 = tpu.memref_slice %arg17[%add3A_49, %dma_wait3A_262] : memref<10240x128xf32, #tpu.memory_space<vmem_shared>> -> memref<40x128xf32, #tpu.memory_space<vmem_shared>>
      tpu.wait_dma2 semaphore(%run_scoped3A : memref<!tpu.dma_semaphore, #tpu.memory_space<semaphore_mem>>) src(%arg14 : memref<40x128xf32, #tpu.memory_space<vmem>>) dst(%dma_wait3A_263 : memref<40x128xf32, #tpu.memory_space<vmem_shared>>)
      tpu.yield
    }) : () -> ()
    %mul3A_50 = arith.constant 640 : i32
    %mul3A_51 = arith.muli %arg1, %mul3A_50 : i32
    %add3A_52 = arith.constant 400 : i32
    %add3A_53 = arith.addi %mul3A_51, %add3A_52 : i32
    "tpu.region"() ({
      %run_scoped3A = tpu.sem_alloc : memref<!tpu.dma_semaphore, #tpu.memory_space<semaphore_mem>>
      %dma_start3A_256 = arith.constant 0 : i32
      %dma_start3A_257 = tpu.memref_slice %arg17[%add3A_53, %dma_start3A_256] : memref<10240x128xf32, #tpu.memory_space<vmem_shared>> -> memref<40x128xf32, #tpu.memory_space<vmem_shared>>
      %dma_start3A_258 = arith.constant 0 : i32
      %dma_start3A_259 = tpu.memref_slice %arg17[%add3A_53, %dma_start3A_258] : memref<10240x128xf32, #tpu.memory_space<vmem_shared>> -> memref<40x128xf32, #tpu.memory_space<vmem_shared>>
      tpu.enqueue_dma source(%arg14 : memref<40x128xf32, #tpu.memory_space<vmem>>) target(%dma_start3A_259 : memref<40x128xf32, #tpu.memory_space<vmem_shared>>) target_semaphore(%run_scoped3A : memref<!tpu.dma_semaphore, #tpu.memory_space<semaphore_mem>>)
      %dma_wait3A_260 = arith.constant 0 : i32
      %dma_wait3A_261 = tpu.memref_slice %arg17[%add3A_53, %dma_wait3A_260] : memref<10240x128xf32, #tpu.memory_space<vmem_shared>> -> memref<40x128xf32, #tpu.memory_space<vmem_shared>>
      %dma_wait3A_262 = arith.constant 0 : i32
      %dma_wait3A_263 = tpu.memref_slice %arg17[%add3A_53, %dma_wait3A_262] : memref<10240x128xf32, #tpu.memory_space<vmem_shared>> -> memref<40x128xf32, #tpu.memory_space<vmem_shared>>
      tpu.wait_dma2 semaphore(%run_scoped3A : memref<!tpu.dma_semaphore, #tpu.memory_space<semaphore_mem>>) src(%arg14 : memref<40x128xf32, #tpu.memory_space<vmem>>) dst(%dma_wait3A_263 : memref<40x128xf32, #tpu.memory_space<vmem_shared>>)
      tpu.yield
    }) : () -> ()
    %mul3A_54 = arith.constant 640 : i32
    %mul3A_55 = arith.muli %arg1, %mul3A_54 : i32
    %add3A_56 = arith.constant 440 : i32
    %add3A_57 = arith.addi %mul3A_55, %add3A_56 : i32
    "tpu.region"() ({
      %run_scoped3A = tpu.sem_alloc : memref<!tpu.dma_semaphore, #tpu.memory_space<semaphore_mem>>
      %dma_start3A_256 = arith.constant 0 : i32
      %dma_start3A_257 = tpu.memref_slice %arg17[%add3A_57, %dma_start3A_256] : memref<10240x128xf32, #tpu.memory_space<vmem_shared>> -> memref<40x128xf32, #tpu.memory_space<vmem_shared>>
      %dma_start3A_258 = arith.constant 0 : i32
      %dma_start3A_259 = tpu.memref_slice %arg17[%add3A_57, %dma_start3A_258] : memref<10240x128xf32, #tpu.memory_space<vmem_shared>> -> memref<40x128xf32, #tpu.memory_space<vmem_shared>>
      tpu.enqueue_dma source(%arg14 : memref<40x128xf32, #tpu.memory_space<vmem>>) target(%dma_start3A_259 : memref<40x128xf32, #tpu.memory_space<vmem_shared>>) target_semaphore(%run_scoped3A : memref<!tpu.dma_semaphore, #tpu.memory_space<semaphore_mem>>)
      %dma_wait3A_260 = arith.constant 0 : i32
      %dma_wait3A_261 = tpu.memref_slice %arg17[%add3A_57, %dma_wait3A_260] : memref<10240x128xf32, #tpu.memory_space<vmem_shared>> -> memref<40x128xf32, #tpu.memory_space<vmem_shared>>
      %dma_wait3A_262 = arith.constant 0 : i32
      %dma_wait3A_263 = tpu.memref_slice %arg17[%add3A_57, %dma_wait3A_262] : memref<10240x128xf32, #tpu.memory_space<vmem_shared>> -> memref<40x128xf32, #tpu.memory_space<vmem_shared>>
      tpu.wait_dma2 semaphore(%run_scoped3A : memref<!tpu.dma_semaphore, #tpu.memory_space<semaphore_mem>>) src(%arg14 : memref<40x128xf32, #tpu.memory_space<vmem>>) dst(%dma_wait3A_263 : memref<40x128xf32, #tpu.memory_space<vmem_shared>>)
      tpu.yield
    }) : () -> ()
    %mul3A_58 = arith.constant 640 : i32
    %mul3A_59 = arith.muli %arg1, %mul3A_58 : i32
    %add3A_60 = arith.constant 480 : i32
    %add3A_61 = arith.addi %mul3A_59, %add3A_60 : i32
    "tpu.region"() ({
      %run_scoped3A = tpu.sem_alloc : memref<!tpu.dma_semaphore, #tpu.memory_space<semaphore_mem>>
      %dma_start3A_256 = arith.constant 0 : i32
      %dma_start3A_257 = tpu.memref_slice %arg17[%add3A_61, %dma_start3A_256] : memref<10240x128xf32, #tpu.memory_space<vmem_shared>> -> memref<40x128xf32, #tpu.memory_space<vmem_shared>>
      %dma_start3A_258 = arith.constant 0 : i32
      %dma_start3A_259 = tpu.memref_slice %arg17[%add3A_61, %dma_start3A_258] : memref<10240x128xf32, #tpu.memory_space<vmem_shared>> -> memref<40x128xf32, #tpu.memory_space<vmem_shared>>
      tpu.enqueue_dma source(%arg14 : memref<40x128xf32, #tpu.memory_space<vmem>>) target(%dma_start3A_259 : memref<40x128xf32, #tpu.memory_space<vmem_shared>>) target_semaphore(%run_scoped3A : memref<!tpu.dma_semaphore, #tpu.memory_space<semaphore_mem>>)
      %dma_wait3A_260 = arith.constant 0 : i32
      %dma_wait3A_261 = tpu.memref_slice %arg17[%add3A_61, %dma_wait3A_260] : memref<10240x128xf32, #tpu.memory_space<vmem_shared>> -> memref<40x128xf32, #tpu.memory_space<vmem_shared>>
      %dma_wait3A_262 = arith.constant 0 : i32
      %dma_wait3A_263 = tpu.memref_slice %arg17[%add3A_61, %dma_wait3A_262] : memref<10240x128xf32, #tpu.memory_space<vmem_shared>> -> memref<40x128xf32, #tpu.memory_space<vmem_shared>>
      tpu.wait_dma2 semaphore(%run_scoped3A : memref<!tpu.dma_semaphore, #tpu.memory_space<semaphore_mem>>) src(%arg14 : memref<40x128xf32, #tpu.memory_space<vmem>>) dst(%dma_wait3A_263 : memref<40x128xf32, #tpu.memory_space<vmem_shared>>)
      tpu.yield
    }) : () -> ()
    %mul3A_62 = arith.constant 640 : i32
    %mul3A_63 = arith.muli %arg1, %mul3A_62 : i32
    %add3A_64 = arith.constant 520 : i32
    %add3A_65 = arith.addi %mul3A_63, %add3A_64 : i32
    "tpu.region"() ({
      %run_scoped3A = tpu.sem_alloc : memref<!tpu.dma_semaphore, #tpu.memory_space<semaphore_mem>>
      %dma_start3A_256 = arith.constant 0 : i32
      %dma_start3A_257 = tpu.memref_slice %arg17[%add3A_65, %dma_start3A_256] : memref<10240x128xf32, #tpu.memory_space<vmem_shared>> -> memref<40x128xf32, #tpu.memory_space<vmem_shared>>
      %dma_start3A_258 = arith.constant 0 : i32
      %dma_start3A_259 = tpu.memref_slice %arg17[%add3A_65, %dma_start3A_258] : memref<10240x128xf32, #tpu.memory_space<vmem_shared>> -> memref<40x128xf32, #tpu.memory_space<vmem_shared>>
      tpu.enqueue_dma source(%arg14 : memref<40x128xf32, #tpu.memory_space<vmem>>) target(%dma_start3A_259 : memref<40x128xf32, #tpu.memory_space<vmem_shared>>) target_semaphore(%run_scoped3A : memref<!tpu.dma_semaphore, #tpu.memory_space<semaphore_mem>>)
      %dma_wait3A_260 = arith.constant 0 : i32
      %dma_wait3A_261 = tpu.memref_slice %arg17[%add3A_65, %dma_wait3A_260] : memref<10240x128xf32, #tpu.memory_space<vmem_shared>> -> memref<40x128xf32, #tpu.memory_space<vmem_shared>>
      %dma_wait3A_262 = arith.constant 0 : i32
      %dma_wait3A_263 = tpu.memref_slice %arg17[%add3A_65, %dma_wait3A_262] : memref<10240x128xf32, #tpu.memory_space<vmem_shared>> -> memref<40x128xf32, #tpu.memory_space<vmem_shared>>
      tpu.wait_dma2 semaphore(%run_scoped3A : memref<!tpu.dma_semaphore, #tpu.memory_space<semaphore_mem>>) src(%arg14 : memref<40x128xf32, #tpu.memory_space<vmem>>) dst(%dma_wait3A_263 : memref<40x128xf32, #tpu.memory_space<vmem_shared>>)
      tpu.yield
    }) : () -> ()
    %mul3A_66 = arith.constant 640 : i32
    %mul3A_67 = arith.muli %arg1, %mul3A_66 : i32
    %add3A_68 = arith.constant 560 : i32
    %add3A_69 = arith.addi %mul3A_67, %add3A_68 : i32
    "tpu.region"() ({
      %run_scoped3A = tpu.sem_alloc : memref<!tpu.dma_semaphore, #tpu.memory_space<semaphore_mem>>
      %dma_start3A_256 = arith.constant 0 : i32
      %dma_start3A_257 = tpu.memref_slice %arg17[%add3A_69, %dma_start3A_256] : memref<10240x128xf32, #tpu.memory_space<vmem_shared>> -> memref<40x128xf32, #tpu.memory_space<vmem_shared>>
      %dma_start3A_258 = arith.constant 0 : i32
      %dma_start3A_259 = tpu.memref_slice %arg17[%add3A_69, %dma_start3A_258] : memref<10240x128xf32, #tpu.memory_space<vmem_shared>> -> memref<40x128xf32, #tpu.memory_space<vmem_shared>>
      tpu.enqueue_dma source(%arg14 : memref<40x128xf32, #tpu.memory_space<vmem>>) target(%dma_start3A_259 : memref<40x128xf32, #tpu.memory_space<vmem_shared>>) target_semaphore(%run_scoped3A : memref<!tpu.dma_semaphore, #tpu.memory_space<semaphore_mem>>)
      %dma_wait3A_260 = arith.constant 0 : i32
      %dma_wait3A_261 = tpu.memref_slice %arg17[%add3A_69, %dma_wait3A_260] : memref<10240x128xf32, #tpu.memory_space<vmem_shared>> -> memref<40x128xf32, #tpu.memory_space<vmem_shared>>
      %dma_wait3A_262 = arith.constant 0 : i32
      %dma_wait3A_263 = tpu.memref_slice %arg17[%add3A_69, %dma_wait3A_262] : memref<10240x128xf32, #tpu.memory_space<vmem_shared>> -> memref<40x128xf32, #tpu.memory_space<vmem_shared>>
      tpu.wait_dma2 semaphore(%run_scoped3A : memref<!tpu.dma_semaphore, #tpu.memory_space<semaphore_mem>>) src(%arg14 : memref<40x128xf32, #tpu.memory_space<vmem>>) dst(%dma_wait3A_263 : memref<40x128xf32, #tpu.memory_space<vmem_shared>>)
      tpu.yield
    }) : () -> ()
    %mul3A_70 = arith.constant 640 : i32
    %mul3A_71 = arith.muli %arg1, %mul3A_70 : i32
    %add3A_72 = arith.constant 600 : i32
    %add3A_73 = arith.addi %mul3A_71, %add3A_72 : i32
    "tpu.region"() ({
      %run_scoped3A = tpu.sem_alloc : memref<!tpu.dma_semaphore, #tpu.memory_space<semaphore_mem>>
      %dma_start3A_256 = arith.constant 0 : i32
      %dma_start3A_257 = tpu.memref_slice %arg17[%add3A_73, %dma_start3A_256] : memref<10240x128xf32, #tpu.memory_space<vmem_shared>> -> memref<40x128xf32, #tpu.memory_space<vmem_shared>>
      %dma_start3A_258 = arith.constant 0 : i32
      %dma_start3A_259 = tpu.memref_slice %arg17[%add3A_73, %dma_start3A_258] : memref<10240x128xf32, #tpu.memory_space<vmem_shared>> -> memref<40x128xf32, #tpu.memory_space<vmem_shared>>
      tpu.enqueue_dma source(%arg14 : memref<40x128xf32, #tpu.memory_space<vmem>>) target(%dma_start3A_259 : memref<40x128xf32, #tpu.memory_space<vmem_shared>>) target_semaphore(%run_scoped3A : memref<!tpu.dma_semaphore, #tpu.memory_space<semaphore_mem>>)
      %dma_wait3A_260 = arith.constant 0 : i32
      %dma_wait3A_261 = tpu.memref_slice %arg17[%add3A_73, %dma_wait3A_260] : memref<10240x128xf32, #tpu.memory_space<vmem_shared>> -> memref<40x128xf32, #tpu.memory_space<vmem_shared>>
      %dma_wait3A_262 = arith.constant 0 : i32
      %dma_wait3A_263 = tpu.memref_slice %arg17[%add3A_73, %dma_wait3A_262] : memref<10240x128xf32, #tpu.memory_space<vmem_shared>> -> memref<40x128xf32, #tpu.memory_space<vmem_shared>>
      tpu.wait_dma2 semaphore(%run_scoped3A : memref<!tpu.dma_semaphore, #tpu.memory_space<semaphore_mem>>) src(%arg14 : memref<40x128xf32, #tpu.memory_space<vmem>>) dst(%dma_wait3A_263 : memref<40x128xf32, #tpu.memory_space<vmem_shared>>)
      tpu.yield
    }) : () -> ()
    %barrier3A = arith.constant 0 : index
    tpu.barrier barrier_id(%barrier3A)
    %add3A_74 = arith.constant 0 : i32
    %add3A_75 = arith.addi %mul3A_2, %add3A_74 : i32
    %dma_start3A = tpu.memref_slice %arg4[%add3A_75] : memref<320000xi32, #tpu.memory_space<hbm>> -> memref<40xi32, #tpu.memory_space<hbm>>
    %dma_start3A_76 = tpu.memref_slice %arg4[%add3A_75] : memref<320000xi32, #tpu.memory_space<hbm>> -> memref<40xi32, #tpu.memory_space<hbm>>
    tpu.enqueue_dma source(%dma_start3A_76 : memref<40xi32, #tpu.memory_space<hbm>>) target(%arg8 : memref<40xi32, #tpu.memory_space<vmem>>) target_semaphore(%arg24 : memref<!tpu.dma_semaphore, #tpu.memory_space<semaphore_mem>>)
    %dma_start3A_77 = arith.constant 0 : i32
    %dma_start3A_78 = tpu.memref_slice %arg7[%dma_start3A_77] : memref<10000xi32, #tpu.memory_space<vmem>> -> memref<40xi32, #tpu.memory_space<vmem>>
    %dma_start3A_79 = arith.constant 0 : i32
    %dma_start3A_80 = arith.constant 0 : i32
    %dma_start3A_81 = tpu.memref_slice %arg2[%dma_start3A_79, %dma_start3A_80] : memref<10000x128xf32, #tpu.memory_space<hbm>> -> memref<10000x128xf32, #tpu.memory_space<hbm>>
    tpu.enqueue_indirect_dma source(%dma_start3A_81 : memref<10000x128xf32, #tpu.memory_space<hbm>>) target(%arg11 : memref<40x128xf32, #tpu.memory_space<vmem>>) offsets(%dma_start3A_78 : memref<40xi32, #tpu.memory_space<vmem>>) semaphore(%arg18 : memref<!tpu.dma_semaphore, #tpu.memory_space<semaphore_mem>>)
    %add3A_82 = arith.constant 0 : i32
    %add3A_83 = arith.addi %mul3A_2, %add3A_82 : i32
    %dma_start3A_84 = arith.constant 0 : i32
    %dma_start3A_85 = tpu.memref_slice %arg5[%add3A_83, %dma_start3A_84] : memref<320000x128xf32, #tpu.memory_space<hbm>> -> memref<40x128xf32, #tpu.memory_space<hbm>>
    %dma_start3A_86 = arith.constant 0 : i32
    %dma_start3A_87 = tpu.memref_slice %arg5[%add3A_83, %dma_start3A_86] : memref<320000x128xf32, #tpu.memory_space<hbm>> -> memref<40x128xf32, #tpu.memory_space<hbm>>
    tpu.enqueue_dma source(%dma_start3A_87 : memref<40x128xf32, #tpu.memory_space<hbm>>) target(%arg14 : memref<40x128xf32, #tpu.memory_space<vmem>>) target_semaphore(%arg21 : memref<!tpu.dma_semaphore, #tpu.memory_space<semaphore_mem>>)
    %add3A_88 = arith.constant 40 : i32
    %add3A_89 = arith.addi %mul3A_2, %add3A_88 : i32
    %dma_start3A_90 = tpu.memref_slice %arg4[%add3A_89] : memref<320000xi32, #tpu.memory_space<hbm>> -> memref<40xi32, #tpu.memory_space<hbm>>
    %dma_start3A_91 = tpu.memref_slice %arg4[%add3A_89] : memref<320000xi32, #tpu.memory_space<hbm>> -> memref<40xi32, #tpu.memory_space<hbm>>
    tpu.enqueue_dma source(%dma_start3A_91 : memref<40xi32, #tpu.memory_space<hbm>>) target(%arg9 : memref<40xi32, #tpu.memory_space<vmem>>) target_semaphore(%arg25 : memref<!tpu.dma_semaphore, #tpu.memory_space<semaphore_mem>>)
    %dma_start3A_92 = arith.constant 40 : i32
    %dma_start3A_93 = tpu.memref_slice %arg7[%dma_start3A_92] : memref<10000xi32, #tpu.memory_space<vmem>> -> memref<40xi32, #tpu.memory_space<vmem>>
    %dma_start3A_94 = arith.constant 0 : i32
    %dma_start3A_95 = arith.constant 0 : i32
    %dma_start3A_96 = tpu.memref_slice %arg2[%dma_start3A_94, %dma_start3A_95] : memref<10000x128xf32, #tpu.memory_space<hbm>> -> memref<10000x128xf32, #tpu.memory_space<hbm>>
    tpu.enqueue_indirect_dma source(%dma_start3A_96 : memref<10000x128xf32, #tpu.memory_space<hbm>>) target(%arg12 : memref<40x128xf32, #tpu.memory_space<vmem>>) offsets(%dma_start3A_93 : memref<40xi32, #tpu.memory_space<vmem>>) semaphore(%arg19 : memref<!tpu.dma_semaphore, #tpu.memory_space<semaphore_mem>>)
    %add3A_97 = arith.constant 40 : i32
    %add3A_98 = arith.addi %mul3A_2, %add3A_97 : i32
    %dma_start3A_99 = arith.constant 0 : i32
    %dma_start3A_100 = tpu.memref_slice %arg5[%add3A_98, %dma_start3A_99] : memref<320000x128xf32, #tpu.memory_space<hbm>> -> memref<40x128xf32, #tpu.memory_space<hbm>>
    %dma_start3A_101 = arith.constant 0 : i32
    %dma_start3A_102 = tpu.memref_slice %arg5[%add3A_98, %dma_start3A_101] : memref<320000x128xf32, #tpu.memory_space<hbm>> -> memref<40x128xf32, #tpu.memory_space<hbm>>
    tpu.enqueue_dma source(%dma_start3A_102 : memref<40x128xf32, #tpu.memory_space<hbm>>) target(%arg15 : memref<40x128xf32, #tpu.memory_space<vmem>>) target_semaphore(%arg22 : memref<!tpu.dma_semaphore, #tpu.memory_space<semaphore_mem>>)
    %add3A_103 = arith.constant 80 : i32
    %add3A_104 = arith.addi %mul3A_2, %add3A_103 : i32
    %dma_start3A_105 = tpu.memref_slice %arg4[%add3A_104] : memref<320000xi32, #tpu.memory_space<hbm>> -> memref<40xi32, #tpu.memory_space<hbm>>
    %dma_start3A_106 = tpu.memref_slice %arg4[%add3A_104] : memref<320000xi32, #tpu.memory_space<hbm>> -> memref<40xi32, #tpu.memory_space<hbm>>
    tpu.enqueue_dma source(%dma_start3A_106 : memref<40xi32, #tpu.memory_space<hbm>>) target(%arg10 : memref<40xi32, #tpu.memory_space<vmem>>) target_semaphore(%arg26 : memref<!tpu.dma_semaphore, #tpu.memory_space<semaphore_mem>>)
    %dma_start3A_107 = arith.constant 80 : i32
    %dma_start3A_108 = tpu.memref_slice %arg7[%dma_start3A_107] : memref<10000xi32, #tpu.memory_space<vmem>> -> memref<40xi32, #tpu.memory_space<vmem>>
    %dma_start3A_109 = arith.constant 0 : i32
    %dma_start3A_110 = arith.constant 0 : i32
    %dma_start3A_111 = tpu.memref_slice %arg2[%dma_start3A_109, %dma_start3A_110] : memref<10000x128xf32, #tpu.memory_space<hbm>> -> memref<10000x128xf32, #tpu.memory_space<hbm>>
    tpu.enqueue_indirect_dma source(%dma_start3A_111 : memref<10000x128xf32, #tpu.memory_space<hbm>>) target(%arg13 : memref<40x128xf32, #tpu.memory_space<vmem>>) offsets(%dma_start3A_108 : memref<40xi32, #tpu.memory_space<vmem>>) semaphore(%arg20 : memref<!tpu.dma_semaphore, #tpu.memory_space<semaphore_mem>>)
    %add3A_112 = arith.constant 80 : i32
    %add3A_113 = arith.addi %mul3A_2, %add3A_112 : i32
    %dma_start3A_114 = arith.constant 0 : i32
    %dma_start3A_115 = tpu.memref_slice %arg5[%add3A_113, %dma_start3A_114] : memref<320000x128xf32, #tpu.memory_space<hbm>> -> memref<40x128xf32, #tpu.memory_space<hbm>>
    %dma_start3A_116 = arith.constant 0 : i32
    %dma_start3A_117 = tpu.memref_slice %arg5[%add3A_113, %dma_start3A_116] : memref<320000x128xf32, #tpu.memory_space<hbm>> -> memref<40x128xf32, #tpu.memory_space<hbm>>
    tpu.enqueue_dma source(%dma_start3A_117 : memref<40x128xf32, #tpu.memory_space<hbm>>) target(%arg16 : memref<40x128xf32, #tpu.memory_space<vmem>>) target_semaphore(%arg23 : memref<!tpu.dma_semaphore, #tpu.memory_space<semaphore_mem>>)
    %scan3A_118 = arith.constant 0 : i32
    %scan3A_119 = arith.constant 0 : i32
    %scan3A_120 = arith.constant 82 : i32
    %scan3A_121 = arith.addi %scan3A_119, %scan3A_120 : i32
    %scan3A_122 = arith.constant 1 : i32
    %scan3A_123 = scf.for %scan3A_256 = %scan3A_119 to %scan3A_121 step %scan3A_122 iter_args(%scan3A_257 = %scan3A_118) -> (i32)  : i32 {
      %mul3A_258 = arith.constant 3 : i32
      %mul3A_259 = arith.muli %mul3A_258, %scan3A_256 : i32
      %mul3A_260 = arith.constant 40 : i32
      %mul3A_261 = arith.muli %mul3A_259, %mul3A_260 : i32
      %add3A_262 = arith.addi %mul3A_2, %mul3A_261 : i32
      %dma_wait3A_263 = tpu.memref_slice %arg4[%add3A_262] : memref<320000xi32, #tpu.memory_space<hbm>> -> memref<40xi32, #tpu.memory_space<hbm>>
      %dma_wait3A_264 = tpu.memref_slice %arg4[%add3A_262] : memref<320000xi32, #tpu.memory_space<hbm>> -> memref<40xi32, #tpu.memory_space<hbm>>
      tpu.wait_dma2 semaphore(%arg24 : memref<!tpu.dma_semaphore, #tpu.memory_space<semaphore_mem>>) src(%dma_wait3A_264 : memref<40xi32, #tpu.memory_space<hbm>>) dst(%arg8 : memref<40xi32, #tpu.memory_space<vmem>>)
      %mul3A_265 = arith.constant 40 : i32
      %mul3A_266 = arith.muli %mul3A_259, %mul3A_265 : i32
      %dma_wait3A_267 = tpu.memref_slice %arg7[%mul3A_266] : memref<10000xi32, #tpu.memory_space<vmem>> -> memref<40xi32, #tpu.memory_space<vmem>>
      %dma_wait3A_268 = arith.constant 0 : i32
      %dma_wait3A_269 = arith.constant 0 : i32
      %dma_wait3A_270 = tpu.memref_slice %arg2[%dma_wait3A_268, %dma_wait3A_269] : memref<10000x128xf32, #tpu.memory_space<hbm>> -> memref<10000x128xf32, #tpu.memory_space<hbm>>
      tpu.wait_indirect_dma semaphore(%arg18 : memref<!tpu.dma_semaphore, #tpu.memory_space<semaphore_mem>>) src(%dma_wait3A_270 : memref<10000x128xf32, #tpu.memory_space<hbm>>) dst(%arg11 : memref<40x128xf32, #tpu.memory_space<vmem>>)
      %mul3A_271 = arith.constant 40 : i32
      %mul3A_272 = arith.muli %mul3A_259, %mul3A_271 : i32
      %add3A_273 = arith.addi %mul3A_2, %mul3A_272 : i32
      %dma_wait3A_274 = arith.constant 0 : i32
      %dma_wait3A_275 = tpu.memref_slice %arg5[%add3A_273, %dma_wait3A_274] : memref<320000x128xf32, #tpu.memory_space<hbm>> -> memref<40x128xf32, #tpu.memory_space<hbm>>
      %dma_wait3A_276 = arith.constant 0 : i32
      %dma_wait3A_277 = tpu.memref_slice %arg5[%add3A_273, %dma_wait3A_276] : memref<320000x128xf32, #tpu.memory_space<hbm>> -> memref<40x128xf32, #tpu.memory_space<hbm>>
      tpu.wait_dma2 semaphore(%arg21 : memref<!tpu.dma_semaphore, #tpu.memory_space<semaphore_mem>>) src(%dma_wait3A_277 : memref<40x128xf32, #tpu.memory_space<hbm>>) dst(%arg14 : memref<40x128xf32, #tpu.memory_space<vmem>>)
      %scan3A_278 = arith.constant 0 : i32
      %scan3A_279 = arith.constant 0 : i32
      %scan3A_280 = arith.constant 20 : i32
      %scan3A_281 = arith.addi %scan3A_279, %scan3A_280 : i32
      %scan3A_282 = arith.constant 1 : i32
      %scan3A_283 = scf.for %scan3A_418 = %scan3A_279 to %scan3A_281 step %scan3A_282 iter_args(%scan3A_419 = %scan3A_278) -> (i32)  : i32 {
        %mul3A_420 = arith.constant 2 : i32
        %mul3A_421 = arith.muli %mul3A_420, %scan3A_418 : i32
        %add3A_422 = arith.constant 1 : i32
        %add3A_423 = arith.addi %mul3A_421, %add3A_422 : i32
        %get3A = arith.index_cast %mul3A_421 : i32 to index
        %get3A_424 = arith.constant 0 : index
        %get3A_425 = tpu.vector_load %arg14[%get3A, %get3A_424] {strides = array<i32>} : memref<40x128xf32, #tpu.memory_space<vmem>>, vector<1x16xf32>,
        %get3A_426 = vector.shape_cast %get3A_425 : vector<1x16xf32> to vector<16xf32>
        %get3A_427 = arith.index_cast %mul3A_421 : i32 to index
        %get3A_428 = arith.constant 0 : index
        %get3A_429 = tpu.vector_load %arg11[%get3A_427, %get3A_428] {strides = array<i32>} : memref<40x128xf32, #tpu.memory_space<vmem>>, vector<1x16xf32>,
        %get3A_430 = vector.shape_cast %get3A_429 : vector<1x16xf32> to vector<16xf32>
        %mul3A_431 = arith.mulf %get3A_426, %get3A_430 : vector<16xf32>
        %swap3A = arith.index_cast %mul3A_421 : i32 to index
        %swap3A_432 = arith.constant 0 : index
        %swap3A_433 = tpu.vector_load %arg14[%swap3A, %swap3A_432] {strides = array<i32>} : memref<40x128xf32, #tpu.memory_space<vmem>>, vector<1x16xf32>,
        %swap3A_434 = vector.shape_cast %swap3A_433 : vector<1x16xf32> to vector<16xf32>
        %swap3A_435 = vector.shape_cast %mul3A_431 : vector<16xf32> to vector<1x16xf32>
        tpu.vector_store %arg14[%swap3A, %swap3A_432], %swap3A_435 {strides = array<i32>} : memref<40x128xf32, #tpu.memory_space<vmem>>, vector<1x16xf32>,
        %get3A_436 = arith.index_cast %mul3A_421 : i32 to index
        %get3A_437 = arith.constant 16 : index
        %get3A_438 = tpu.vector_load %arg14[%get3A_436, %get3A_437] {strides = array<i32>} : memref<40x128xf32, #tpu.memory_space<vmem>>, vector<1x16xf32>,
        %get3A_439 = vector.shape_cast %get3A_438 : vector<1x16xf32> to vector<16xf32>
        %get3A_440 = arith.index_cast %mul3A_421 : i32 to index
        %get3A_441 = arith.constant 16 : index
        %get3A_442 = tpu.vector_load %arg11[%get3A_440, %get3A_441] {strides = array<i32>} : memref<40x128xf32, #tpu.memory_space<vmem>>, vector<1x16xf32>,
        %get3A_443 = vector.shape_cast %get3A_442 : vector<1x16xf32> to vector<16xf32>
        %mul3A_444 = arith.mulf %get3A_439, %get3A_443 : vector<16xf32>
        %swap3A_445 = arith.index_cast %mul3A_421 : i32 to index
        %swap3A_446 = arith.constant 16 : index
        %swap3A_447 = tpu.vector_load %arg14[%swap3A_445, %swap3A_446] {strides = array<i32>} : memref<40x128xf32, #tpu.memory_space<vmem>>, vector<1x16xf32>,
        %swap3A_448 = vector.shape_cast %swap3A_447 : vector<1x16xf32> to vector<16xf32>
        %swap3A_449 = vector.shape_cast %mul3A_444 : vector<16xf32> to vector<1x16xf32>
        tpu.vector_store %arg14[%swap3A_445, %swap3A_446], %swap3A_449 {strides = array<i32>} : memref<40x128xf32, #tpu.memory_space<vmem>>, vector<1x16xf32>,
        %get3A_450 = arith.index_cast %mul3A_421 : i32 to index
        %get3A_451 = arith.constant 32 : index
        %get3A_452 = tpu.vector_load %arg14[%get3A_450, %get3A_451] {strides = array<i32>} : memref<40x128xf32, #tpu.memory_space<vmem>>, vector<1x16xf32>,
        %get3A_453 = vector.shape_cast %get3A_452 : vector<1x16xf32> to vector<16xf32>
        %get3A_454 = arith.index_cast %mul3A_421 : i32 to index
        %get3A_455 = arith.constant 32 : index
        %get3A_456 = tpu.vector_load %arg11[%get3A_454, %get3A_455] {strides = array<i32>} : memref<40x128xf32, #tpu.memory_space<vmem>>, vector<1x16xf32>,
        %get3A_457 = vector.shape_cast %get3A_456 : vector<1x16xf32> to vector<16xf32>
        %mul3A_458 = arith.mulf %get3A_453, %get3A_457 : vector<16xf32>
        %swap3A_459 = arith.index_cast %mul3A_421 : i32 to index
        %swap3A_460 = arith.constant 32 : index
        %swap3A_461 = tpu.vector_load %arg14[%swap3A_459, %swap3A_460] {strides = array<i32>} : memref<40x128xf32, #tpu.memory_space<vmem>>, vector<1x16xf32>,
        %swap3A_462 = vector.shape_cast %swap3A_461 : vector<1x16xf32> to vector<16xf32>
        %swap3A_463 = vector.shape_cast %mul3A_458 : vector<16xf32> to vector<1x16xf32>
        tpu.vector_store %arg14[%swap3A_459, %swap3A_460], %swap3A_463 {strides = array<i32>} : memref<40x128xf32, #tpu.memory_space<vmem>>, vector<1x16xf32>,
        %get3A_464 = arith.index_cast %mul3A_421 : i32 to index
        %get3A_465 = arith.constant 48 : index
        %get3A_466 = tpu.vector_load %arg14[%get3A_464, %get3A_465] {strides = array<i32>} : memref<40x128xf32, #tpu.memory_space<vmem>>, vector<1x16xf32>,
        %get3A_467 = vector.shape_cast %get3A_466 : vector<1x16xf32> to vector<16xf32>
        %get3A_468 = arith.index_cast %mul3A_421 : i32 to index
        %get3A_469 = arith.constant 48 : index
        %get3A_470 = tpu.vector_load %arg11[%get3A_468, %get3A_469] {strides = array<i32>} : memref<40x128xf32, #tpu.memory_space<vmem>>, vector<1x16xf32>,
        %get3A_471 = vector.shape_cast %get3A_470 : vector<1x16xf32> to vector<16xf32>
        %mul3A_472 = arith.mulf %get3A_467, %get3A_471 : vector<16xf32>
        %swap3A_473 = arith.index_cast %mul3A_421 : i32 to index
        %swap3A_474 = arith.constant 48 : index
        %swap3A_475 = tpu.vector_load %arg14[%swap3A_473, %swap3A_474] {strides = array<i32>} : memref<40x128xf32, #tpu.memory_space<vmem>>, vector<1x16xf32>,
        %swap3A_476 = vector.shape_cast %swap3A_475 : vector<1x16xf32> to vector<16xf32>
        %swap3A_477 = vector.shape_cast %mul3A_472 : vector<16xf32> to vector<1x16xf32>
        tpu.vector_store %arg14[%swap3A_473, %swap3A_474], %swap3A_477 {strides = array<i32>} : memref<40x128xf32, #tpu.memory_space<vmem>>, vector<1x16xf32>,
        %get3A_478 = arith.index_cast %mul3A_421 : i32 to index
        %get3A_479 = arith.constant 64 : index
        %get3A_480 = tpu.vector_load %arg14[%get3A_478, %get3A_479] {strides = array<i32>} : memref<40x128xf32, #tpu.memory_space<vmem>>, vector<1x16xf32>,
        %get3A_481 = vector.shape_cast %get3A_480 : vector<1x16xf32> to vector<16xf32>
        %get3A_482 = arith.index_cast %mul3A_421 : i32 to index
        %get3A_483 = arith.constant 64 : index
        %get3A_484 = tpu.vector_load %arg11[%get3A_482, %get3A_483] {strides = array<i32>} : memref<40x128xf32, #tpu.memory_space<vmem>>, vector<1x16xf32>,
        %get3A_485 = vector.shape_cast %get3A_484 : vector<1x16xf32> to vector<16xf32>
        %mul3A_486 = arith.mulf %get3A_481, %get3A_485 : vector<16xf32>
        %swap3A_487 = arith.index_cast %mul3A_421 : i32 to index
        %swap3A_488 = arith.constant 64 : index
        %swap3A_489 = tpu.vector_load %arg14[%swap3A_487, %swap3A_488] {strides = array<i32>} : memref<40x128xf32, #tpu.memory_space<vmem>>, vector<1x16xf32>,
        %swap3A_490 = vector.shape_cast %swap3A_489 : vector<1x16xf32> to vector<16xf32>
        %swap3A_491 = vector.shape_cast %mul3A_486 : vector<16xf32> to vector<1x16xf32>
        tpu.vector_store %arg14[%swap3A_487, %swap3A_488], %swap3A_491 {strides = array<i32>} : memref<40x128xf32, #tpu.memory_space<vmem>>, vector<1x16xf32>,
        %get3A_492 = arith.index_cast %mul3A_421 : i32 to index
        %get3A_493 = arith.constant 80 : index
        %get3A_494 = tpu.vector_load %arg14[%get3A_492, %get3A_493] {strides = array<i32>} : memref<40x128xf32, #tpu.memory_space<vmem>>, vector<1x16xf32>,
        %get3A_495 = vector.shape_cast %get3A_494 : vector<1x16xf32> to vector<16xf32>
        %get3A_496 = arith.index_cast %mul3A_421 : i32 to index
        %get3A_497 = arith.constant 80 : index
        %get3A_498 = tpu.vector_load %arg11[%get3A_496, %get3A_497] {strides = array<i32>} : memref<40x128xf32, #tpu.memory_space<vmem>>, vector<1x16xf32>,
        %get3A_499 = vector.shape_cast %get3A_498 : vector<1x16xf32> to vector<16xf32>
        %mul3A_500 = arith.mulf %get3A_495, %get3A_499 : vector<16xf32>
        %swap3A_501 = arith.index_cast %mul3A_421 : i32 to index
        %swap3A_502 = arith.constant 80 : index
        %swap3A_503 = tpu.vector_load %arg14[%swap3A_501, %swap3A_502] {strides = array<i32>} : memref<40x128xf32, #tpu.memory_space<vmem>>, vector<1x16xf32>,
        %swap3A_504 = vector.shape_cast %swap3A_503 : vector<1x16xf32> to vector<16xf32>
        %swap3A_505 = vector.shape_cast %mul3A_500 : vector<16xf32> to vector<1x16xf32>
        tpu.vector_store %arg14[%swap3A_501, %swap3A_502], %swap3A_505 {strides = array<i32>} : memref<40x128xf32, #tpu.memory_space<vmem>>, vector<1x16xf32>,
        %get3A_506 = arith.index_cast %mul3A_421 : i32 to index
        %get3A_507 = arith.constant 96 : index
        %get3A_508 = tpu.vector_load %arg14[%get3A_506, %get3A_507] {strides = array<i32>} : memref<40x128xf32, #tpu.memory_space<vmem>>, vector<1x16xf32>,
        %get3A_509 = vector.shape_cast %get3A_508 : vector<1x16xf32> to vector<16xf32>
        %get3A_510 = arith.index_cast %mul3A_421 : i32 to index
        %get3A_511 = arith.constant 96 : index
        %get3A_512 = tpu.vector_load %arg11[%get3A_510, %get3A_511] {strides = array<i32>} : memref<40x128xf32, #tpu.memory_space<vmem>>, vector<1x16xf32>,
        %get3A_513 = vector.shape_cast %get3A_512 : vector<1x16xf32> to vector<16xf32>
        %mul3A_514 = arith.mulf %get3A_509, %get3A_513 : vector<16xf32>
        %swap3A_515 = arith.index_cast %mul3A_421 : i32 to index
        %swap3A_516 = arith.constant 96 : index
        %swap3A_517 = tpu.vector_load %arg14[%swap3A_515, %swap3A_516] {strides = array<i32>} : memref<40x128xf32, #tpu.memory_space<vmem>>, vector<1x16xf32>,
        %swap3A_518 = vector.shape_cast %swap3A_517 : vector<1x16xf32> to vector<16xf32>
        %swap3A_519 = vector.shape_cast %mul3A_514 : vector<16xf32> to vector<1x16xf32>
        tpu.vector_store %arg14[%swap3A_515, %swap3A_516], %swap3A_519 {strides = array<i32>} : memref<40x128xf32, #tpu.memory_space<vmem>>, vector<1x16xf32>,
        %get3A_520 = arith.index_cast %mul3A_421 : i32 to index
        %get3A_521 = arith.constant 112 : index
        %get3A_522 = tpu.vector_load %arg14[%get3A_520, %get3A_521] {strides = array<i32>} : memref<40x128xf32, #tpu.memory_space<vmem>>, vector<1x16xf32>,
        %get3A_523 = vector.shape_cast %get3A_522 : vector<1x16xf32> to vector<16xf32>
        %get3A_524 = arith.index_cast %mul3A_421 : i32 to index
        %get3A_525 = arith.constant 112 : index
        %get3A_526 = tpu.vector_load %arg11[%get3A_524, %get3A_525] {strides = array<i32>} : memref<40x128xf32, #tpu.memory_space<vmem>>, vector<1x16xf32>,
        %get3A_527 = vector.shape_cast %get3A_526 : vector<1x16xf32> to vector<16xf32>
        %mul3A_528 = arith.mulf %get3A_523, %get3A_527 : vector<16xf32>
        %swap3A_529 = arith.index_cast %mul3A_421 : i32 to index
        %swap3A_530 = arith.constant 112 : index
        %swap3A_531 = tpu.vector_load %arg14[%swap3A_529, %swap3A_530] {strides = array<i32>} : memref<40x128xf32, #tpu.memory_space<vmem>>, vector<1x16xf32>,
        %swap3A_532 = vector.shape_cast %swap3A_531 : vector<1x16xf32> to vector<16xf32>
        %swap3A_533 = vector.shape_cast %mul3A_528 : vector<16xf32> to vector<1x16xf32>
        tpu.vector_store %arg14[%swap3A_529, %swap3A_530], %swap3A_533 {strides = array<i32>} : memref<40x128xf32, #tpu.memory_space<vmem>>, vector<1x16xf32>,
        %get3A_534 = arith.index_cast %add3A_423 : i32 to index
        %get3A_535 = arith.constant 0 : index
        %get3A_536 = tpu.vector_load %arg14[%get3A_534, %get3A_535] {strides = array<i32>} : memref<40x128xf32, #tpu.memory_space<vmem>>, vector<1x16xf32>,
        %get3A_537 = vector.shape_cast %get3A_536 : vector<1x16xf32> to vector<16xf32>
        %get3A_538 = arith.index_cast %add3A_423 : i32 to index
        %get3A_539 = arith.constant 0 : index
        %get3A_540 = tpu.vector_load %arg11[%get3A_538, %get3A_539] {strides = array<i32>} : memref<40x128xf32, #tpu.memory_space<vmem>>, vector<1x16xf32>,
        %get3A_541 = vector.shape_cast %get3A_540 : vector<1x16xf32> to vector<16xf32>
        %mul3A_542 = arith.mulf %get3A_537, %get3A_541 : vector<16xf32>
        %swap3A_543 = arith.index_cast %add3A_423 : i32 to index
        %swap3A_544 = arith.constant 0 : index
        %swap3A_545 = tpu.vector_load %arg14[%swap3A_543, %swap3A_544] {strides = array<i32>} : memref<40x128xf32, #tpu.memory_space<vmem>>, vector<1x16xf32>,
        %swap3A_546 = vector.shape_cast %swap3A_545 : vector<1x16xf32> to vector<16xf32>
        %swap3A_547 = vector.shape_cast %mul3A_542 : vector<16xf32> to vector<1x16xf32>
        tpu.vector_store %arg14[%swap3A_543, %swap3A_544], %swap3A_547 {strides = array<i32>} : memref<40x128xf32, #tpu.memory_space<vmem>>, vector<1x16xf32>,
        %get3A_548 = arith.index_cast %add3A_423 : i32 to index
        %get3A_549 = arith.constant 16 : index
        %get3A_550 = tpu.vector_load %arg14[%get3A_548, %get3A_549] {strides = array<i32>} : memref<40x128xf32, #tpu.memory_space<vmem>>, vector<1x16xf32>,
        %get3A_551 = vector.shape_cast %get3A_550 : vector<1x16xf32> to vector<16xf32>
        %get3A_552 = arith.index_cast %add3A_423 : i32 to index
        %get3A_553 = arith.constant 16 : index
        %get3A_554 = tpu.vector_load %arg11[%get3A_552, %get3A_553] {strides = array<i32>} : memref<40x128xf32, #tpu.memory_space<vmem>>, vector<1x16xf32>,
        %get3A_555 = vector.shape_cast %get3A_554 : vector<1x16xf32> to vector<16xf32>
        %mul3A_556 = arith.mulf %get3A_551, %get3A_555 : vector<16xf32>
        %swap3A_557 = arith.index_cast %add3A_423 : i32 to index
        %swap3A_558 = arith.constant 16 : index
        %swap3A_559 = tpu.vector_load %arg14[%swap3A_557, %swap3A_558] {strides = array<i32>} : memref<40x128xf32, #tpu.memory_space<vmem>>, vector<1x16xf32>,
        %swap3A_560 = vector.shape_cast %swap3A_559 : vector<1x16xf32> to vector<16xf32>
        %swap3A_561 = vector.shape_cast %mul3A_556 : vector<16xf32> to vector<1x16xf32>
        tpu.vector_store %arg14[%swap3A_557, %swap3A_558], %swap3A_561 {strides = array<i32>} : memref<40x128xf32, #tpu.memory_space<vmem>>, vector<1x16xf32>,
        %get3A_562 = arith.index_cast %add3A_423 : i32 to index
        %get3A_563 = arith.constant 32 : index
        %get3A_564 = tpu.vector_load %arg14[%get3A_562, %get3A_563] {strides = array<i32>} : memref<40x128xf32, #tpu.memory_space<vmem>>, vector<1x16xf32>,
        %get3A_565 = vector.shape_cast %get3A_564 : vector<1x16xf32> to vector<16xf32>
        %get3A_566 = arith.index_cast %add3A_423 : i32 to index
        %get3A_567 = arith.constant 32 : index
        %get3A_568 = tpu.vector_load %arg11[%get3A_566, %get3A_567] {strides = array<i32>} : memref<40x128xf32, #tpu.memory_space<vmem>>, vector<1x16xf32>,
        %get3A_569 = vector.shape_cast %get3A_568 : vector<1x16xf32> to vector<16xf32>
        %mul3A_570 = arith.mulf %get3A_565, %get3A_569 : vector<16xf32>
        %swap3A_571 = arith.index_cast %add3A_423 : i32 to index
        %swap3A_572 = arith.constant 32 : index
        %swap3A_573 = tpu.vector_load %arg14[%swap3A_571, %swap3A_572] {strides = array<i32>} : memref<40x128xf32, #tpu.memory_space<vmem>>, vector<1x16xf32>,
        %swap3A_574 = vector.shape_cast %swap3A_573 : vector<1x16xf32> to vector<16xf32>
        %swap3A_575 = vector.shape_cast %mul3A_570 : vector<16xf32> to vector<1x16xf32>
        tpu.vector_store %arg14[%swap3A_571, %swap3A_572], %swap3A_575 {strides = array<i32>} : memref<40x128xf32, #tpu.memory_space<vmem>>, vector<1x16xf32>,
        %get3A_576 = arith.index_cast %add3A_423 : i32 to index
        %get3A_577 = arith.constant 48 : index
        %get3A_578 = tpu.vector_load %arg14[%get3A_576, %get3A_577] {strides = array<i32>} : memref<40x128xf32, #tpu.memory_space<vmem>>, vector<1x16xf32>,
        %get3A_579 = vector.shape_cast %get3A_578 : vector<1x16xf32> to vector<16xf32>
        %get3A_580 = arith.index_cast %add3A_423 : i32 to index
        %get3A_581 = arith.constant 48 : index
        %get3A_582 = tpu.vector_load %arg11[%get3A_580, %get3A_581] {strides = array<i32>} : memref<40x128xf32, #tpu.memory_space<vmem>>, vector<1x16xf32>,
        %get3A_583 = vector.shape_cast %get3A_582 : vector<1x16xf32> to vector<16xf32>
        %mul3A_584 = arith.mulf %get3A_579, %get3A_583 : vector<16xf32>
        %swap3A_585 = arith.index_cast %add3A_423 : i32 to index
        %swap3A_586 = arith.constant 48 : index
        %swap3A_587 = tpu.vector_load %arg14[%swap3A_585, %swap3A_586] {strides = array<i32>} : memref<40x128xf32, #tpu.memory_space<vmem>>, vector<1x16xf32>,
        %swap3A_588 = vector.shape_cast %swap3A_587 : vector<1x16xf32> to vector<16xf32>
        %swap3A_589 = vector.shape_cast %mul3A_584 : vector<16xf32> to vector<1x16xf32>
        tpu.vector_store %arg14[%swap3A_585, %swap3A_586], %swap3A_589 {strides = array<i32>} : memref<40x128xf32, #tpu.memory_space<vmem>>, vector<1x16xf32>,
        %get3A_590 = arith.index_cast %add3A_423 : i32 to index
        %get3A_591 = arith.constant 64 : index
        %get3A_592 = tpu.vector_load %arg14[%get3A_590, %get3A_591] {strides = array<i32>} : memref<40x128xf32, #tpu.memory_space<vmem>>, vector<1x16xf32>,
        %get3A_593 = vector.shape_cast %get3A_592 : vector<1x16xf32> to vector<16xf32>
        %get3A_594 = arith.index_cast %add3A_423 : i32 to index
        %get3A_595 = arith.constant 64 : index
        %get3A_596 = tpu.vector_load %arg11[%get3A_594, %get3A_595] {strides = array<i32>} : memref<40x128xf32, #tpu.memory_space<vmem>>, vector<1x16xf32>,
        %get3A_597 = vector.shape_cast %get3A_596 : vector<1x16xf32> to vector<16xf32>
        %mul3A_598 = arith.mulf %get3A_593, %get3A_597 : vector<16xf32>
        %swap3A_599 = arith.index_cast %add3A_423 : i32 to index
        %swap3A_600 = arith.constant 64 : index
        %swap3A_601 = tpu.vector_load %arg14[%swap3A_599, %swap3A_600] {strides = array<i32>} : memref<40x128xf32, #tpu.memory_space<vmem>>, vector<1x16xf32>,
        %swap3A_602 = vector.shape_cast %swap3A_601 : vector<1x16xf32> to vector<16xf32>
        %swap3A_603 = vector.shape_cast %mul3A_598 : vector<16xf32> to vector<1x16xf32>
        tpu.vector_store %arg14[%swap3A_599, %swap3A_600], %swap3A_603 {strides = array<i32>} : memref<40x128xf32, #tpu.memory_space<vmem>>, vector<1x16xf32>,
        %get3A_604 = arith.index_cast %add3A_423 : i32 to index
        %get3A_605 = arith.constant 80 : index
        %get3A_606 = tpu.vector_load %arg14[%get3A_604, %get3A_605] {strides = array<i32>} : memref<40x128xf32, #tpu.memory_space<vmem>>, vector<1x16xf32>,
        %get3A_607 = vector.shape_cast %get3A_606 : vector<1x16xf32> to vector<16xf32>
        %get3A_608 = arith.index_cast %add3A_423 : i32 to index
        %get3A_609 = arith.constant 80 : index
        %get3A_610 = tpu.vector_load %arg11[%get3A_608, %get3A_609] {strides = array<i32>} : memref<40x128xf32, #tpu.memory_space<vmem>>, vector<1x16xf32>,
        %get3A_611 = vector.shape_cast %get3A_610 : vector<1x16xf32> to vector<16xf32>
        %mul3A_612 = arith.mulf %get3A_607, %get3A_611 : vector<16xf32>
        %swap3A_613 = arith.index_cast %add3A_423 : i32 to index
        %swap3A_614 = arith.constant 80 : index
        %swap3A_615 = tpu.vector_load %arg14[%swap3A_613, %swap3A_614] {strides = array<i32>} : memref<40x128xf32, #tpu.memory_space<vmem>>, vector<1x16xf32>,
        %swap3A_616 = vector.shape_cast %swap3A_615 : vector<1x16xf32> to vector<16xf32>
        %swap3A_617 = vector.shape_cast %mul3A_612 : vector<16xf32> to vector<1x16xf32>
        tpu.vector_store %arg14[%swap3A_613, %swap3A_614], %swap3A_617 {strides = array<i32>} : memref<40x128xf32, #tpu.memory_space<vmem>>, vector<1x16xf32>,
        %get3A_618 = arith.index_cast %add3A_423 : i32 to index
        %get3A_619 = arith.constant 96 : index
        %get3A_620 = tpu.vector_load %arg14[%get3A_618, %get3A_619] {strides = array<i32>} : memref<40x128xf32, #tpu.memory_space<vmem>>, vector<1x16xf32>,
        %get3A_621 = vector.shape_cast %get3A_620 : vector<1x16xf32> to vector<16xf32>
        %get3A_622 = arith.index_cast %add3A_423 : i32 to index
        %get3A_623 = arith.constant 96 : index
        %get3A_624 = tpu.vector_load %arg11[%get3A_622, %get3A_623] {strides = array<i32>} : memref<40x128xf32, #tpu.memory_space<vmem>>, vector<1x16xf32>,
        %get3A_625 = vector.shape_cast %get3A_624 : vector<1x16xf32> to vector<16xf32>
        %mul3A_626 = arith.mulf %get3A_621, %get3A_625 : vector<16xf32>
        %swap3A_627 = arith.index_cast %add3A_423 : i32 to index
        %swap3A_628 = arith.constant 96 : index
        %swap3A_629 = tpu.vector_load %arg14[%swap3A_627, %swap3A_628] {strides = array<i32>} : memref<40x128xf32, #tpu.memory_space<vmem>>, vector<1x16xf32>,
        %swap3A_630 = vector.shape_cast %swap3A_629 : vector<1x16xf32> to vector<16xf32>
        %swap3A_631 = vector.shape_cast %mul3A_626 : vector<16xf32> to vector<1x16xf32>
        tpu.vector_store %arg14[%swap3A_627, %swap3A_628], %swap3A_631 {strides = array<i32>} : memref<40x128xf32, #tpu.memory_space<vmem>>, vector<1x16xf32>,
        %get3A_632 = arith.index_cast %add3A_423 : i32 to index
        %get3A_633 = arith.constant 112 : index
        %get3A_634 = tpu.vector_load %arg14[%get3A_632, %get3A_633] {strides = array<i32>} : memref<40x128xf32, #tpu.memory_space<vmem>>, vector<1x16xf32>,
        %get3A_635 = vector.shape_cast %get3A_634 : vector<1x16xf32> to vector<16xf32>
        %get3A_636 = arith.index_cast %add3A_423 : i32 to index
        %get3A_637 = arith.constant 112 : index
        %get3A_638 = tpu.vector_load %arg11[%get3A_636, %get3A_637] {strides = array<i32>} : memref<40x128xf32, #tpu.memory_space<vmem>>, vector<1x16xf32>,
        %get3A_639 = vector.shape_cast %get3A_638 : vector<1x16xf32> to vector<16xf32>
        %mul3A_640 = arith.mulf %get3A_635, %get3A_639 : vector<16xf32>
        %swap3A_641 = arith.index_cast %add3A_423 : i32 to index
        %swap3A_642 = arith.constant 112 : index
        %swap3A_643 = tpu.vector_load %arg14[%swap3A_641, %swap3A_642] {strides = array<i32>} : memref<40x128xf32, #tpu.memory_space<vmem>>, vector<1x16xf32>,
        %swap3A_644 = vector.shape_cast %swap3A_643 : vector<1x16xf32> to vector<16xf32>
        %swap3A_645 = vector.shape_cast %mul3A_640 : vector<16xf32> to vector<1x16xf32>
        tpu.vector_store %arg14[%swap3A_641, %swap3A_642], %swap3A_645 {strides = array<i32>} : memref<40x128xf32, #tpu.memory_space<vmem>>, vector<1x16xf32>,
        %scan3A_646 = arith.constant 0 : i32
        scf.yield %scan3A_646 : i32
      }
      %scan3A_284 = arith.constant 20 : i32
      %dma_start3A_285 = arith.constant 0 : i32
      %dma_start3A_286 = arith.constant 0 : i32
      %dma_start3A_287 = tpu.memref_slice %arg17[%dma_start3A_285, %dma_start3A_286] : memref<10240x128xf32, #tpu.memory_space<vmem_shared>> -> memref<10240x128xf32, #tpu.memory_space<vmem_shared>>
      tpu.enqueue_indirect_dma source(%arg14 : memref<40x128xf32, #tpu.memory_space<vmem>>) target(%dma_start3A_287 : memref<10240x128xf32, #tpu.memory_space<vmem_shared>>) offsets(%arg8 : memref<40xi32, #tpu.memory_space<vmem>>) semaphore(%arg27 : memref<!tpu.dma_semaphore, #tpu.memory_space<semaphore_mem>>) {add = true}
      %add3A_288 = arith.constant 3 : i32
      %add3A_289 = arith.addi %mul3A_259, %add3A_288 : i32
      %dma_wait3A_290 = arith.constant 0 : i32
      %dma_wait3A_291 = arith.constant 0 : i32
      %dma_wait3A_292 = tpu.memref_slice %arg17[%dma_wait3A_290, %dma_wait3A_291] : memref<10240x128xf32, #tpu.memory_space<vmem_shared>> -> memref<10240x128xf32, #tpu.memory_space<vmem_shared>>
      tpu.wait_indirect_dma semaphore(%arg27 : memref<!tpu.dma_semaphore, #tpu.memory_space<semaphore_mem>>) src(%arg14 : memref<40x128xf32, #tpu.memory_space<vmem>>) dst(%dma_wait3A_292 : memref<10240x128xf32, #tpu.memory_space<vmem_shared>>)
      %mul3A_293 = arith.constant 40 : i32
      %mul3A_294 = arith.muli %add3A_289, %mul3A_293 : i32
      %add3A_295 = arith.addi %mul3A_2, %mul3A_294 : i32
      %dma_start3A_296 = tpu.memref_slice %arg4[%add3A_295] : memref<320000xi32, #tpu.memory_space<hbm>> -> memref<40xi32, #tpu.memory_space<hbm>>
      %dma_start3A_297 = tpu.memref_slice %arg4[%add3A_295] : memref<320000xi32, #tpu.memory_space<hbm>> -> memref<40xi32, #tpu.memory_space<hbm>>
      tpu.enqueue_dma source(%dma_start3A_297 : memref<40xi32, #tpu.memory_space<hbm>>) target(%arg8 : memref<40xi32, #tpu.memory_space<vmem>>) target_semaphore(%arg24 : memref<!tpu.dma_semaphore, #tpu.memory_space<semaphore_mem>>)
      %mul3A_298 = arith.constant 40 : i32
      %mul3A_299 = arith.muli %add3A_289, %mul3A_298 : i32
      %dma_start3A_300 = tpu.memref_slice %arg7[%mul3A_299] : memref<10000xi32, #tpu.memory_space<vmem>> -> memref<40xi32, #tpu.memory_space<vmem>>
      %dma_start3A_301 = arith.constant 0 : i32
      %dma_start3A_302 = arith.constant 0 : i32
      %dma_start3A_303 = tpu.memref_slice %arg2[%dma_start3A_301, %dma_start3A_302] : memref<10000x128xf32, #tpu.memory_space<hbm>> -> memref<10000x128xf32, #tpu.memory_space<hbm>>
      tpu.enqueue_indirect_dma source(%dma_start3A_303 : memref<10000x128xf32, #tpu.memory_space<hbm>>) target(%arg11 : memref<40x128xf32, #tpu.memory_space<vmem>>) offsets(%dma_start3A_300 : memref<40xi32, #tpu.memory_space<vmem>>) semaphore(%arg18 : memref<!tpu.dma_semaphore, #tpu.memory_space<semaphore_mem>>)
      %mul3A_304 = arith.constant 40 : i32
      %mul3A_305 = arith.muli %add3A_289, %mul3A_304 : i32
      %add3A_306 = arith.addi %mul3A_2, %mul3A_305 : i32
      %dma_start3A_307 = arith.constant 0 : i32
      %dma_start3A_308 = tpu.memref_slice %arg5[%add3A_306, %dma_start3A_307] : memref<320000x128xf32, #tpu.memory_space<hbm>> -> memref<40x128xf32, #tpu.memory_space<hbm>>
      %dma_start3A_309 = arith.constant 0 : i32
      %dma_start3A_310 = tpu.memref_slice %arg5[%add3A_306, %dma_start3A_309] : memref<320000x128xf32, #tpu.memory_space<hbm>> -> memref<40x128xf32, #tpu.memory_space<hbm>>
      tpu.enqueue_dma source(%dma_start3A_310 : memref<40x128xf32, #tpu.memory_space<hbm>>) target(%arg14 : memref<40x128xf32, #tpu.memory_space<vmem>>) target_semaphore(%arg21 : memref<!tpu.dma_semaphore, #tpu.memory_space<semaphore_mem>>)
      %add3A_311 = arith.constant 1 : i32
      %add3A_312 = arith.addi %mul3A_259, %add3A_311 : i32
      %mul3A_313 = arith.constant 40 : i32
      %mul3A_314 = arith.muli %add3A_312, %mul3A_313 : i32
      %add3A_315 = arith.addi %mul3A_2, %mul3A_314 : i32
      %dma_wait3A_316 = tpu.memref_slice %arg4[%add3A_315] : memref<320000xi32, #tpu.memory_space<hbm>> -> memref<40xi32, #tpu.memory_space<hbm>>
      %dma_wait3A_317 = tpu.memref_slice %arg4[%add3A_315] : memref<320000xi32, #tpu.memory_space<hbm>> -> memref<40xi32, #tpu.memory_space<hbm>>
      tpu.wait_dma2 semaphore(%arg25 : memref<!tpu.dma_semaphore, #tpu.memory_space<semaphore_mem>>) src(%dma_wait3A_317 : memref<40xi32, #tpu.memory_space<hbm>>) dst(%arg9 : memref<40xi32, #tpu.memory_space<vmem>>)
      %mul3A_318 = arith.constant 40 : i32
      %mul3A_319 = arith.muli %add3A_312, %mul3A_318 : i32
      %dma_wait3A_320 = tpu.memref_slice %arg7[%mul3A_319] : memref<10000xi32, #tpu.memory_space<vmem>> -> memref<40xi32, #tpu.memory_space<vmem>>
      %dma_wait3A_321 = arith.constant 0 : i32
      %dma_wait3A_322 = arith.constant 0 : i32
      %dma_wait3A_323 = tpu.memref_slice %arg2[%dma_wait3A_321, %dma_wait3A_322] : memref<10000x128xf32, #tpu.memory_space<hbm>> -> memref<10000x128xf32, #tpu.memory_space<hbm>>
      tpu.wait_indirect_dma semaphore(%arg19 : memref<!tpu.dma_semaphore, #tpu.memory_space<semaphore_mem>>) src(%dma_wait3A_323 : memref<10000x128xf32, #tpu.memory_space<hbm>>) dst(%arg12 : memref<40x128xf32, #tpu.memory_space<vmem>>)
      %mul3A_324 = arith.constant 40 : i32
      %mul3A_325 = arith.muli %add3A_312, %mul3A_324 : i32
      %add3A_326 = arith.addi %mul3A_2, %mul3A_325 : i32
      %dma_wait3A_327 = arith.constant 0 : i32
      %dma_wait3A_328 = tpu.memref_slice %arg5[%add3A_326, %dma_wait3A_327] : memref<320000x128xf32, #tpu.memory_space<hbm>> -> memref<40x128xf32, #tpu.memory_space<hbm>>
      %dma_wait3A_329 = arith.constant 0 : i32
      %dma_wait3A_330 = tpu.memref_slice %arg5[%add3A_326, %dma_wait3A_329] : memref<320000x128xf32, #tpu.memory_space<hbm>> -> memref<40x128xf32, #tpu.memory_space<hbm>>
      tpu.wait_dma2 semaphore(%arg22 : memref<!tpu.dma_semaphore, #tpu.memory_space<semaphore_mem>>) src(%dma_wait3A_330 : memref<40x128xf32, #tpu.memory_space<hbm>>) dst(%arg15 : memref<40x128xf32, #tpu.memory_space<vmem>>)
      %scan3A_331 = arith.constant 0 : i32
      %scan3A_332 = arith.constant 0 : i32
      %scan3A_333 = arith.constant 20 : i32
      %scan3A_334 = arith.addi %scan3A_332, %scan3A_333 : i32
      %scan3A_335 = arith.constant 1 : i32
      %scan3A_336 = scf.for %scan3A_418 = %scan3A_332 to %scan3A_334 step %scan3A_335 iter_args(%scan3A_419 = %scan3A_331) -> (i32)  : i32 {
        %mul3A_420 = arith.constant 2 : i32
        %mul3A_421 = arith.muli %mul3A_420, %scan3A_418 : i32
        %add3A_422 = arith.constant 1 : i32
        %add3A_423 = arith.addi %mul3A_421, %add3A_422 : i32
        %get3A = arith.index_cast %mul3A_421 : i32 to index
        %get3A_424 = arith.constant 0 : index
        %get3A_425 = tpu.vector_load %arg15[%get3A, %get3A_424] {strides = array<i32>} : memref<40x128xf32, #tpu.memory_space<vmem>>, vector<1x16xf32>,
        %get3A_426 = vector.shape_cast %get3A_425 : vector<1x16xf32> to vector<16xf32>
        %get3A_427 = arith.index_cast %mul3A_421 : i32 to index
        %get3A_428 = arith.constant 0 : index
        %get3A_429 = tpu.vector_load %arg12[%get3A_427, %get3A_428] {strides = array<i32>} : memref<40x128xf32, #tpu.memory_space<vmem>>, vector<1x16xf32>,
        %get3A_430 = vector.shape_cast %get3A_429 : vector<1x16xf32> to vector<16xf32>
        %mul3A_431 = arith.mulf %get3A_426, %get3A_430 : vector<16xf32>
        %swap3A = arith.index_cast %mul3A_421 : i32 to index
        %swap3A_432 = arith.constant 0 : index
        %swap3A_433 = tpu.vector_load %arg15[%swap3A, %swap3A_432] {strides = array<i32>} : memref<40x128xf32, #tpu.memory_space<vmem>>, vector<1x16xf32>,
        %swap3A_434 = vector.shape_cast %swap3A_433 : vector<1x16xf32> to vector<16xf32>
        %swap3A_435 = vector.shape_cast %mul3A_431 : vector<16xf32> to vector<1x16xf32>
        tpu.vector_store %arg15[%swap3A, %swap3A_432], %swap3A_435 {strides = array<i32>} : memref<40x128xf32, #tpu.memory_space<vmem>>, vector<1x16xf32>,
        %get3A_436 = arith.index_cast %mul3A_421 : i32 to index
        %get3A_437 = arith.constant 16 : index
        %get3A_438 = tpu.vector_load %arg15[%get3A_436, %get3A_437] {strides = array<i32>} : memref<40x128xf32, #tpu.memory_space<vmem>>, vector<1x16xf32>,
        %get3A_439 = vector.shape_cast %get3A_438 : vector<1x16xf32> to vector<16xf32>
        %get3A_440 = arith.index_cast %mul3A_421 : i32 to index
        %get3A_441 = arith.constant 16 : index
        %get3A_442 = tpu.vector_load %arg12[%get3A_440, %get3A_441] {strides = array<i32>} : memref<40x128xf32, #tpu.memory_space<vmem>>, vector<1x16xf32>,
        %get3A_443 = vector.shape_cast %get3A_442 : vector<1x16xf32> to vector<16xf32>
        %mul3A_444 = arith.mulf %get3A_439, %get3A_443 : vector<16xf32>
        %swap3A_445 = arith.index_cast %mul3A_421 : i32 to index
        %swap3A_446 = arith.constant 16 : index
        %swap3A_447 = tpu.vector_load %arg15[%swap3A_445, %swap3A_446] {strides = array<i32>} : memref<40x128xf32, #tpu.memory_space<vmem>>, vector<1x16xf32>,
        %swap3A_448 = vector.shape_cast %swap3A_447 : vector<1x16xf32> to vector<16xf32>
        %swap3A_449 = vector.shape_cast %mul3A_444 : vector<16xf32> to vector<1x16xf32>
        tpu.vector_store %arg15[%swap3A_445, %swap3A_446], %swap3A_449 {strides = array<i32>} : memref<40x128xf32, #tpu.memory_space<vmem>>, vector<1x16xf32>,
        %get3A_450 = arith.index_cast %mul3A_421 : i32 to index
        %get3A_451 = arith.constant 32 : index
        %get3A_452 = tpu.vector_load %arg15[%get3A_450, %get3A_451] {strides = array<i32>} : memref<40x128xf32, #tpu.memory_space<vmem>>, vector<1x16xf32>,
        %get3A_453 = vector.shape_cast %get3A_452 : vector<1x16xf32> to vector<16xf32>
        %get3A_454 = arith.index_cast %mul3A_421 : i32 to index
        %get3A_455 = arith.constant 32 : index
        %get3A_456 = tpu.vector_load %arg12[%get3A_454, %get3A_455] {strides = array<i32>} : memref<40x128xf32, #tpu.memory_space<vmem>>, vector<1x16xf32>,
        %get3A_457 = vector.shape_cast %get3A_456 : vector<1x16xf32> to vector<16xf32>
        %mul3A_458 = arith.mulf %get3A_453, %get3A_457 : vector<16xf32>
        %swap3A_459 = arith.index_cast %mul3A_421 : i32 to index
        %swap3A_460 = arith.constant 32 : index
        %swap3A_461 = tpu.vector_load %arg15[%swap3A_459, %swap3A_460] {strides = array<i32>} : memref<40x128xf32, #tpu.memory_space<vmem>>, vector<1x16xf32>,
        %swap3A_462 = vector.shape_cast %swap3A_461 : vector<1x16xf32> to vector<16xf32>
        %swap3A_463 = vector.shape_cast %mul3A_458 : vector<16xf32> to vector<1x16xf32>
        tpu.vector_store %arg15[%swap3A_459, %swap3A_460], %swap3A_463 {strides = array<i32>} : memref<40x128xf32, #tpu.memory_space<vmem>>, vector<1x16xf32>,
        %get3A_464 = arith.index_cast %mul3A_421 : i32 to index
        %get3A_465 = arith.constant 48 : index
        %get3A_466 = tpu.vector_load %arg15[%get3A_464, %get3A_465] {strides = array<i32>} : memref<40x128xf32, #tpu.memory_space<vmem>>, vector<1x16xf32>,
        %get3A_467 = vector.shape_cast %get3A_466 : vector<1x16xf32> to vector<16xf32>
        %get3A_468 = arith.index_cast %mul3A_421 : i32 to index
        %get3A_469 = arith.constant 48 : index
        %get3A_470 = tpu.vector_load %arg12[%get3A_468, %get3A_469] {strides = array<i32>} : memref<40x128xf32, #tpu.memory_space<vmem>>, vector<1x16xf32>,
        %get3A_471 = vector.shape_cast %get3A_470 : vector<1x16xf32> to vector<16xf32>
        %mul3A_472 = arith.mulf %get3A_467, %get3A_471 : vector<16xf32>
        %swap3A_473 = arith.index_cast %mul3A_421 : i32 to index
        %swap3A_474 = arith.constant 48 : index
        %swap3A_475 = tpu.vector_load %arg15[%swap3A_473, %swap3A_474] {strides = array<i32>} : memref<40x128xf32, #tpu.memory_space<vmem>>, vector<1x16xf32>,
        %swap3A_476 = vector.shape_cast %swap3A_475 : vector<1x16xf32> to vector<16xf32>
        %swap3A_477 = vector.shape_cast %mul3A_472 : vector<16xf32> to vector<1x16xf32>
        tpu.vector_store %arg15[%swap3A_473, %swap3A_474], %swap3A_477 {strides = array<i32>} : memref<40x128xf32, #tpu.memory_space<vmem>>, vector<1x16xf32>,
        %get3A_478 = arith.index_cast %mul3A_421 : i32 to index
        %get3A_479 = arith.constant 64 : index
        %get3A_480 = tpu.vector_load %arg15[%get3A_478, %get3A_479] {strides = array<i32>} : memref<40x128xf32, #tpu.memory_space<vmem>>, vector<1x16xf32>,
        %get3A_481 = vector.shape_cast %get3A_480 : vector<1x16xf32> to vector<16xf32>
        %get3A_482 = arith.index_cast %mul3A_421 : i32 to index
        %get3A_483 = arith.constant 64 : index
        %get3A_484 = tpu.vector_load %arg12[%get3A_482, %get3A_483] {strides = array<i32>} : memref<40x128xf32, #tpu.memory_space<vmem>>, vector<1x16xf32>,
        %get3A_485 = vector.shape_cast %get3A_484 : vector<1x16xf32> to vector<16xf32>
        %mul3A_486 = arith.mulf %get3A_481, %get3A_485 : vector<16xf32>
        %swap3A_487 = arith.index_cast %mul3A_421 : i32 to index
        %swap3A_488 = arith.constant 64 : index
        %swap3A_489 = tpu.vector_load %arg15[%swap3A_487, %swap3A_488] {strides = array<i32>} : memref<40x128xf32, #tpu.memory_space<vmem>>, vector<1x16xf32>,
        %swap3A_490 = vector.shape_cast %swap3A_489 : vector<1x16xf32> to vector<16xf32>
        %swap3A_491 = vector.shape_cast %mul3A_486 : vector<16xf32> to vector<1x16xf32>
        tpu.vector_store %arg15[%swap3A_487, %swap3A_488], %swap3A_491 {strides = array<i32>} : memref<40x128xf32, #tpu.memory_space<vmem>>, vector<1x16xf32>,
        %get3A_492 = arith.index_cast %mul3A_421 : i32 to index
        %get3A_493 = arith.constant 80 : index
        %get3A_494 = tpu.vector_load %arg15[%get3A_492, %get3A_493] {strides = array<i32>} : memref<40x128xf32, #tpu.memory_space<vmem>>, vector<1x16xf32>,
        %get3A_495 = vector.shape_cast %get3A_494 : vector<1x16xf32> to vector<16xf32>
        %get3A_496 = arith.index_cast %mul3A_421 : i32 to index
        %get3A_497 = arith.constant 80 : index
        %get3A_498 = tpu.vector_load %arg12[%get3A_496, %get3A_497] {strides = array<i32>} : memref<40x128xf32, #tpu.memory_space<vmem>>, vector<1x16xf32>,
        %get3A_499 = vector.shape_cast %get3A_498 : vector<1x16xf32> to vector<16xf32>
        %mul3A_500 = arith.mulf %get3A_495, %get3A_499 : vector<16xf32>
        %swap3A_501 = arith.index_cast %mul3A_421 : i32 to index
        %swap3A_502 = arith.constant 80 : index
        %swap3A_503 = tpu.vector_load %arg15[%swap3A_501, %swap3A_502] {strides = array<i32>} : memref<40x128xf32, #tpu.memory_space<vmem>>, vector<1x16xf32>,
        %swap3A_504 = vector.shape_cast %swap3A_503 : vector<1x16xf32> to vector<16xf32>
        %swap3A_505 = vector.shape_cast %mul3A_500 : vector<16xf32> to vector<1x16xf32>
        tpu.vector_store %arg15[%swap3A_501, %swap3A_502], %swap3A_505 {strides = array<i32>} : memref<40x128xf32, #tpu.memory_space<vmem>>, vector<1x16xf32>,
        %get3A_506 = arith.index_cast %mul3A_421 : i32 to index
        %get3A_507 = arith.constant 96 : index
        %get3A_508 = tpu.vector_load %arg15[%get3A_506, %get3A_507] {strides = array<i32>} : memref<40x128xf32, #tpu.memory_space<vmem>>, vector<1x16xf32>,
        %get3A_509 = vector.shape_cast %get3A_508 : vector<1x16xf32> to vector<16xf32>
        %get3A_510 = arith.index_cast %mul3A_421 : i32 to index
        %get3A_511 = arith.constant 96 : index
        %get3A_512 = tpu.vector_load %arg12[%get3A_510, %get3A_511] {strides = array<i32>} : memref<40x128xf32, #tpu.memory_space<vmem>>, vector<1x16xf32>,
        %get3A_513 = vector.shape_cast %get3A_512 : vector<1x16xf32> to vector<16xf32>
        %mul3A_514 = arith.mulf %get3A_509, %get3A_513 : vector<16xf32>
        %swap3A_515 = arith.index_cast %mul3A_421 : i32 to index
        %swap3A_516 = arith.constant 96 : index
        %swap3A_517 = tpu.vector_load %arg15[%swap3A_515, %swap3A_516] {strides = array<i32>} : memref<40x128xf32, #tpu.memory_space<vmem>>, vector<1x16xf32>,
        %swap3A_518 = vector.shape_cast %swap3A_517 : vector<1x16xf32> to vector<16xf32>
        %swap3A_519 = vector.shape_cast %mul3A_514 : vector<16xf32> to vector<1x16xf32>
        tpu.vector_store %arg15[%swap3A_515, %swap3A_516], %swap3A_519 {strides = array<i32>} : memref<40x128xf32, #tpu.memory_space<vmem>>, vector<1x16xf32>,
        %get3A_520 = arith.index_cast %mul3A_421 : i32 to index
        %get3A_521 = arith.constant 112 : index
        %get3A_522 = tpu.vector_load %arg15[%get3A_520, %get3A_521] {strides = array<i32>} : memref<40x128xf32, #tpu.memory_space<vmem>>, vector<1x16xf32>,
        %get3A_523 = vector.shape_cast %get3A_522 : vector<1x16xf32> to vector<16xf32>
        %get3A_524 = arith.index_cast %mul3A_421 : i32 to index
        %get3A_525 = arith.constant 112 : index
        %get3A_526 = tpu.vector_load %arg12[%get3A_524, %get3A_525] {strides = array<i32>} : memref<40x128xf32, #tpu.memory_space<vmem>>, vector<1x16xf32>,
        %get3A_527 = vector.shape_cast %get3A_526 : vector<1x16xf32> to vector<16xf32>
        %mul3A_528 = arith.mulf %get3A_523, %get3A_527 : vector<16xf32>
        %swap3A_529 = arith.index_cast %mul3A_421 : i32 to index
        %swap3A_530 = arith.constant 112 : index
        %swap3A_531 = tpu.vector_load %arg15[%swap3A_529, %swap3A_530] {strides = array<i32>} : memref<40x128xf32, #tpu.memory_space<vmem>>, vector<1x16xf32>,
        %swap3A_532 = vector.shape_cast %swap3A_531 : vector<1x16xf32> to vector<16xf32>
        %swap3A_533 = vector.shape_cast %mul3A_528 : vector<16xf32> to vector<1x16xf32>
        tpu.vector_store %arg15[%swap3A_529, %swap3A_530], %swap3A_533 {strides = array<i32>} : memref<40x128xf32, #tpu.memory_space<vmem>>, vector<1x16xf32>,
        %get3A_534 = arith.index_cast %add3A_423 : i32 to index
        %get3A_535 = arith.constant 0 : index
        %get3A_536 = tpu.vector_load %arg15[%get3A_534, %get3A_535] {strides = array<i32>} : memref<40x128xf32, #tpu.memory_space<vmem>>, vector<1x16xf32>,
        %get3A_537 = vector.shape_cast %get3A_536 : vector<1x16xf32> to vector<16xf32>
        %get3A_538 = arith.index_cast %add3A_423 : i32 to index
        %get3A_539 = arith.constant 0 : index
        %get3A_540 = tpu.vector_load %arg12[%get3A_538, %get3A_539] {strides = array<i32>} : memref<40x128xf32, #tpu.memory_space<vmem>>, vector<1x16xf32>,
        %get3A_541 = vector.shape_cast %get3A_540 : vector<1x16xf32> to vector<16xf32>
        %mul3A_542 = arith.mulf %get3A_537, %get3A_541 : vector<16xf32>
        %swap3A_543 = arith.index_cast %add3A_423 : i32 to index
        %swap3A_544 = arith.constant 0 : index
        %swap3A_545 = tpu.vector_load %arg15[%swap3A_543, %swap3A_544] {strides = array<i32>} : memref<40x128xf32, #tpu.memory_space<vmem>>, vector<1x16xf32>,
        %swap3A_546 = vector.shape_cast %swap3A_545 : vector<1x16xf32> to vector<16xf32>
        %swap3A_547 = vector.shape_cast %mul3A_542 : vector<16xf32> to vector<1x16xf32>
        tpu.vector_store %arg15[%swap3A_543, %swap3A_544], %swap3A_547 {strides = array<i32>} : memref<40x128xf32, #tpu.memory_space<vmem>>, vector<1x16xf32>,
        %get3A_548 = arith.index_cast %add3A_423 : i32 to index
        %get3A_549 = arith.constant 16 : index
        %get3A_550 = tpu.vector_load %arg15[%get3A_548, %get3A_549] {strides = array<i32>} : memref<40x128xf32, #tpu.memory_space<vmem>>, vector<1x16xf32>,
        %get3A_551 = vector.shape_cast %get3A_550 : vector<1x16xf32> to vector<16xf32>
        %get3A_552 = arith.index_cast %add3A_423 : i32 to index
        %get3A_553 = arith.constant 16 : index
        %get3A_554 = tpu.vector_load %arg12[%get3A_552, %get3A_553] {strides = array<i32>} : memref<40x128xf32, #tpu.memory_space<vmem>>, vector<1x16xf32>,
        %get3A_555 = vector.shape_cast %get3A_554 : vector<1x16xf32> to vector<16xf32>
        %mul3A_556 = arith.mulf %get3A_551, %get3A_555 : vector<16xf32>
        %swap3A_557 = arith.index_cast %add3A_423 : i32 to index
        %swap3A_558 = arith.constant 16 : index
        %swap3A_559 = tpu.vector_load %arg15[%swap3A_557, %swap3A_558] {strides = array<i32>} : memref<40x128xf32, #tpu.memory_space<vmem>>, vector<1x16xf32>,
        %swap3A_560 = vector.shape_cast %swap3A_559 : vector<1x16xf32> to vector<16xf32>
        %swap3A_561 = vector.shape_cast %mul3A_556 : vector<16xf32> to vector<1x16xf32>
        tpu.vector_store %arg15[%swap3A_557, %swap3A_558], %swap3A_561 {strides = array<i32>} : memref<40x128xf32, #tpu.memory_space<vmem>>, vector<1x16xf32>,
        %get3A_562 = arith.index_cast %add3A_423 : i32 to index
        %get3A_563 = arith.constant 32 : index
        %get3A_564 = tpu.vector_load %arg15[%get3A_562, %get3A_563] {strides = array<i32>} : memref<40x128xf32, #tpu.memory_space<vmem>>, vector<1x16xf32>,
        %get3A_565 = vector.shape_cast %get3A_564 : vector<1x16xf32> to vector<16xf32>
        %get3A_566 = arith.index_cast %add3A_423 : i32 to index
        %get3A_567 = arith.constant 32 : index
        %get3A_568 = tpu.vector_load %arg12[%get3A_566, %get3A_567] {strides = array<i32>} : memref<40x128xf32, #tpu.memory_space<vmem>>, vector<1x16xf32>,
        %get3A_569 = vector.shape_cast %get3A_568 : vector<1x16xf32> to vector<16xf32>
        %mul3A_570 = arith.mulf %get3A_565, %get3A_569 : vector<16xf32>
        %swap3A_571 = arith.index_cast %add3A_423 : i32 to index
        %swap3A_572 = arith.constant 32 : index
        %swap3A_573 = tpu.vector_load %arg15[%swap3A_571, %swap3A_572] {strides = array<i32>} : memref<40x128xf32, #tpu.memory_space<vmem>>, vector<1x16xf32>,
        %swap3A_574 = vector.shape_cast %swap3A_573 : vector<1x16xf32> to vector<16xf32>
        %swap3A_575 = vector.shape_cast %mul3A_570 : vector<16xf32> to vector<1x16xf32>
        tpu.vector_store %arg15[%swap3A_571, %swap3A_572], %swap3A_575 {strides = array<i32>} : memref<40x128xf32, #tpu.memory_space<vmem>>, vector<1x16xf32>,
        %get3A_576 = arith.index_cast %add3A_423 : i32 to index
        %get3A_577 = arith.constant 48 : index
        %get3A_578 = tpu.vector_load %arg15[%get3A_576, %get3A_577] {strides = array<i32>} : memref<40x128xf32, #tpu.memory_space<vmem>>, vector<1x16xf32>,
        %get3A_579 = vector.shape_cast %get3A_578 : vector<1x16xf32> to vector<16xf32>
        %get3A_580 = arith.index_cast %add3A_423 : i32 to index
        %get3A_581 = arith.constant 48 : index
        %get3A_582 = tpu.vector_load %arg12[%get3A_580, %get3A_581] {strides = array<i32>} : memref<40x128xf32, #tpu.memory_space<vmem>>, vector<1x16xf32>,
        %get3A_583 = vector.shape_cast %get3A_582 : vector<1x16xf32> to vector<16xf32>
        %mul3A_584 = arith.mulf %get3A_579, %get3A_583 : vector<16xf32>
        %swap3A_585 = arith.index_cast %add3A_423 : i32 to index
        %swap3A_586 = arith.constant 48 : index
        %swap3A_587 = tpu.vector_load %arg15[%swap3A_585, %swap3A_586] {strides = array<i32>} : memref<40x128xf32, #tpu.memory_space<vmem>>, vector<1x16xf32>,
        %swap3A_588 = vector.shape_cast %swap3A_587 : vector<1x16xf32> to vector<16xf32>
        %swap3A_589 = vector.shape_cast %mul3A_584 : vector<16xf32> to vector<1x16xf32>
        tpu.vector_store %arg15[%swap3A_585, %swap3A_586], %swap3A_589 {strides = array<i32>} : memref<40x128xf32, #tpu.memory_space<vmem>>, vector<1x16xf32>,
        %get3A_590 = arith.index_cast %add3A_423 : i32 to index
        %get3A_591 = arith.constant 64 : index
        %get3A_592 = tpu.vector_load %arg15[%get3A_590, %get3A_591] {strides = array<i32>} : memref<40x128xf32, #tpu.memory_space<vmem>>, vector<1x16xf32>,
        %get3A_593 = vector.shape_cast %get3A_592 : vector<1x16xf32> to vector<16xf32>
        %get3A_594 = arith.index_cast %add3A_423 : i32 to index
        %get3A_595 = arith.constant 64 : index
        %get3A_596 = tpu.vector_load %arg12[%get3A_594, %get3A_595] {strides = array<i32>} : memref<40x128xf32, #tpu.memory_space<vmem>>, vector<1x16xf32>,
        %get3A_597 = vector.shape_cast %get3A_596 : vector<1x16xf32> to vector<16xf32>
        %mul3A_598 = arith.mulf %get3A_593, %get3A_597 : vector<16xf32>
        %swap3A_599 = arith.index_cast %add3A_423 : i32 to index
        %swap3A_600 = arith.constant 64 : index
        %swap3A_601 = tpu.vector_load %arg15[%swap3A_599, %swap3A_600] {strides = array<i32>} : memref<40x128xf32, #tpu.memory_space<vmem>>, vector<1x16xf32>,
        %swap3A_602 = vector.shape_cast %swap3A_601 : vector<1x16xf32> to vector<16xf32>
        %swap3A_603 = vector.shape_cast %mul3A_598 : vector<16xf32> to vector<1x16xf32>
        tpu.vector_store %arg15[%swap3A_599, %swap3A_600], %swap3A_603 {strides = array<i32>} : memref<40x128xf32, #tpu.memory_space<vmem>>, vector<1x16xf32>,
        %get3A_604 = arith.index_cast %add3A_423 : i32 to index
        %get3A_605 = arith.constant 80 : index
        %get3A_606 = tpu.vector_load %arg15[%get3A_604, %get3A_605] {strides = array<i32>} : memref<40x128xf32, #tpu.memory_space<vmem>>, vector<1x16xf32>,
        %get3A_607 = vector.shape_cast %get3A_606 : vector<1x16xf32> to vector<16xf32>
        %get3A_608 = arith.index_cast %add3A_423 : i32 to index
        %get3A_609 = arith.constant 80 : index
        %get3A_610 = tpu.vector_load %arg12[%get3A_608, %get3A_609] {strides = array<i32>} : memref<40x128xf32, #tpu.memory_space<vmem>>, vector<1x16xf32>,
        %get3A_611 = vector.shape_cast %get3A_610 : vector<1x16xf32> to vector<16xf32>
        %mul3A_612 = arith.mulf %get3A_607, %get3A_611 : vector<16xf32>
        %swap3A_613 = arith.index_cast %add3A_423 : i32 to index
        %swap3A_614 = arith.constant 80 : index
        %swap3A_615 = tpu.vector_load %arg15[%swap3A_613, %swap3A_614] {strides = array<i32>} : memref<40x128xf32, #tpu.memory_space<vmem>>, vector<1x16xf32>,
        %swap3A_616 = vector.shape_cast %swap3A_615 : vector<1x16xf32> to vector<16xf32>
        %swap3A_617 = vector.shape_cast %mul3A_612 : vector<16xf32> to vector<1x16xf32>
        tpu.vector_store %arg15[%swap3A_613, %swap3A_614], %swap3A_617 {strides = array<i32>} : memref<40x128xf32, #tpu.memory_space<vmem>>, vector<1x16xf32>,
        %get3A_618 = arith.index_cast %add3A_423 : i32 to index
        %get3A_619 = arith.constant 96 : index
        %get3A_620 = tpu.vector_load %arg15[%get3A_618, %get3A_619] {strides = array<i32>} : memref<40x128xf32, #tpu.memory_space<vmem>>, vector<1x16xf32>,
        %get3A_621 = vector.shape_cast %get3A_620 : vector<1x16xf32> to vector<16xf32>
        %get3A_622 = arith.index_cast %add3A_423 : i32 to index
        %get3A_623 = arith.constant 96 : index
        %get3A_624 = tpu.vector_load %arg12[%get3A_622, %get3A_623] {strides = array<i32>} : memref<40x128xf32, #tpu.memory_space<vmem>>, vector<1x16xf32>,
        %get3A_625 = vector.shape_cast %get3A_624 : vector<1x16xf32> to vector<16xf32>
        %mul3A_626 = arith.mulf %get3A_621, %get3A_625 : vector<16xf32>
        %swap3A_627 = arith.index_cast %add3A_423 : i32 to index
        %swap3A_628 = arith.constant 96 : index
        %swap3A_629 = tpu.vector_load %arg15[%swap3A_627, %swap3A_628] {strides = array<i32>} : memref<40x128xf32, #tpu.memory_space<vmem>>, vector<1x16xf32>,
        %swap3A_630 = vector.shape_cast %swap3A_629 : vector<1x16xf32> to vector<16xf32>
        %swap3A_631 = vector.shape_cast %mul3A_626 : vector<16xf32> to vector<1x16xf32>
        tpu.vector_store %arg15[%swap3A_627, %swap3A_628], %swap3A_631 {strides = array<i32>} : memref<40x128xf32, #tpu.memory_space<vmem>>, vector<1x16xf32>,
        %get3A_632 = arith.index_cast %add3A_423 : i32 to index
        %get3A_633 = arith.constant 112 : index
        %get3A_634 = tpu.vector_load %arg15[%get3A_632, %get3A_633] {strides = array<i32>} : memref<40x128xf32, #tpu.memory_space<vmem>>, vector<1x16xf32>,
        %get3A_635 = vector.shape_cast %get3A_634 : vector<1x16xf32> to vector<16xf32>
        %get3A_636 = arith.index_cast %add3A_423 : i32 to index
        %get3A_637 = arith.constant 112 : index
        %get3A_638 = tpu.vector_load %arg12[%get3A_636, %get3A_637] {strides = array<i32>} : memref<40x128xf32, #tpu.memory_space<vmem>>, vector<1x16xf32>,
        %get3A_639 = vector.shape_cast %get3A_638 : vector<1x16xf32> to vector<16xf32>
        %mul3A_640 = arith.mulf %get3A_635, %get3A_639 : vector<16xf32>
        %swap3A_641 = arith.index_cast %add3A_423 : i32 to index
        %swap3A_642 = arith.constant 112 : index
        %swap3A_643 = tpu.vector_load %arg15[%swap3A_641, %swap3A_642] {strides = array<i32>} : memref<40x128xf32, #tpu.memory_space<vmem>>, vector<1x16xf32>,
        %swap3A_644 = vector.shape_cast %swap3A_643 : vector<1x16xf32> to vector<16xf32>
        %swap3A_645 = vector.shape_cast %mul3A_640 : vector<16xf32> to vector<1x16xf32>
        tpu.vector_store %arg15[%swap3A_641, %swap3A_642], %swap3A_645 {strides = array<i32>} : memref<40x128xf32, #tpu.memory_space<vmem>>, vector<1x16xf32>,
        %scan3A_646 = arith.constant 0 : i32
        scf.yield %scan3A_646 : i32
      }
      %scan3A_337 = arith.constant 20 : i32
      %dma_start3A_338 = arith.constant 0 : i32
      %dma_start3A_339 = arith.constant 0 : i32
      %dma_start3A_340 = tpu.memref_slice %arg17[%dma_start3A_338, %dma_start3A_339] : memref<10240x128xf32, #tpu.memory_space<vmem_shared>> -> memref<10240x128xf32, #tpu.memory_space<vmem_shared>>
      tpu.enqueue_indirect_dma source(%arg15 : memref<40x128xf32, #tpu.memory_space<vmem>>) target(%dma_start3A_340 : memref<10240x128xf32, #tpu.memory_space<vmem_shared>>) offsets(%arg9 : memref<40xi32, #tpu.memory_space<vmem>>) semaphore(%arg28 : memref<!tpu.dma_semaphore, #tpu.memory_space<semaphore_mem>>) {add = true}
      %add3A_341 = arith.constant 4 : i32
      %add3A_342 = arith.addi %mul3A_259, %add3A_341 : i32
      %dma_wait3A_343 = arith.constant 0 : i32
      %dma_wait3A_344 = arith.constant 0 : i32
      %dma_wait3A_345 = tpu.memref_slice %arg17[%dma_wait3A_343, %dma_wait3A_344] : memref<10240x128xf32, #tpu.memory_space<vmem_shared>> -> memref<10240x128xf32, #tpu.memory_space<vmem_shared>>
      tpu.wait_indirect_dma semaphore(%arg28 : memref<!tpu.dma_semaphore, #tpu.memory_space<semaphore_mem>>) src(%arg15 : memref<40x128xf32, #tpu.memory_space<vmem>>) dst(%dma_wait3A_345 : memref<10240x128xf32, #tpu.memory_space<vmem_shared>>)
      %mul3A_346 = arith.constant 40 : i32
      %mul3A_347 = arith.muli %add3A_342, %mul3A_346 : i32
      %add3A_348 = arith.addi %mul3A_2, %mul3A_347 : i32
      %dma_start3A_349 = tpu.memref_slice %arg4[%add3A_348] : memref<320000xi32, #tpu.memory_space<hbm>> -> memref<40xi32, #tpu.memory_space<hbm>>
      %dma_start3A_350 = tpu.memref_slice %arg4[%add3A_348] : memref<320000xi32, #tpu.memory_space<hbm>> -> memref<40xi32, #tpu.memory_space<hbm>>
      tpu.enqueue_dma source(%dma_start3A_350 : memref<40xi32, #tpu.memory_space<hbm>>) target(%arg9 : memref<40xi32, #tpu.memory_space<vmem>>) target_semaphore(%arg25 : memref<!tpu.dma_semaphore, #tpu.memory_space<semaphore_mem>>)
      %mul3A_351 = arith.constant 40 : i32
      %mul3A_352 = arith.muli %add3A_342, %mul3A_351 : i32
      %dma_start3A_353 = tpu.memref_slice %arg7[%mul3A_352] : memref<10000xi32, #tpu.memory_space<vmem>> -> memref<40xi32, #tpu.memory_space<vmem>>
      %dma_start3A_354 = arith.constant 0 : i32
      %dma_start3A_355 = arith.constant 0 : i32
      %dma_start3A_356 = tpu.memref_slice %arg2[%dma_start3A_354, %dma_start3A_355] : memref<10000x128xf32, #tpu.memory_space<hbm>> -> memref<10000x128xf32, #tpu.memory_space<hbm>>
      tpu.enqueue_indirect_dma source(%dma_start3A_356 : memref<10000x128xf32, #tpu.memory_space<hbm>>) target(%arg12 : memref<40x128xf32, #tpu.memory_space<vmem>>) offsets(%dma_start3A_353 : memref<40xi32, #tpu.memory_space<vmem>>) semaphore(%arg19 : memref<!tpu.dma_semaphore, #tpu.memory_space<semaphore_mem>>)
      %mul3A_357 = arith.constant 40 : i32
      %mul3A_358 = arith.muli %add3A_342, %mul3A_357 : i32
      %add3A_359 = arith.addi %mul3A_2, %mul3A_358 : i32
      %dma_start3A_360 = arith.constant 0 : i32
      %dma_start3A_361 = tpu.memref_slice %arg5[%add3A_359, %dma_start3A_360] : memref<320000x128xf32, #tpu.memory_space<hbm>> -> memref<40x128xf32, #tpu.memory_space<hbm>>
      %dma_start3A_362 = arith.constant 0 : i32
      %dma_start3A_363 = tpu.memref_slice %arg5[%add3A_359, %dma_start3A_362] : memref<320000x128xf32, #tpu.memory_space<hbm>> -> memref<40x128xf32, #tpu.memory_space<hbm>>
      tpu.enqueue_dma source(%dma_start3A_363 : memref<40x128xf32, #tpu.memory_space<hbm>>) target(%arg15 : memref<40x128xf32, #tpu.memory_space<vmem>>) target_semaphore(%arg22 : memref<!tpu.dma_semaphore, #tpu.memory_space<semaphore_mem>>)
      %add3A_364 = arith.constant 2 : i32
      %add3A_365 = arith.addi %mul3A_259, %add3A_364 : i32
      %mul3A_366 = arith.constant 40 : i32
      %mul3A_367 = arith.muli %add3A_365, %mul3A_366 : i32
      %add3A_368 = arith.addi %mul3A_2, %mul3A_367 : i32
      %dma_wait3A_369 = tpu.memref_slice %arg4[%add3A_368] : memref<320000xi32, #tpu.memory_space<hbm>> -> memref<40xi32, #tpu.memory_space<hbm>>
      %dma_wait3A_370 = tpu.memref_slice %arg4[%add3A_368] : memref<320000xi32, #tpu.memory_space<hbm>> -> memref<40xi32, #tpu.memory_space<hbm>>
      tpu.wait_dma2 semaphore(%arg26 : memref<!tpu.dma_semaphore, #tpu.memory_space<semaphore_mem>>) src(%dma_wait3A_370 : memref<40xi32, #tpu.memory_space<hbm>>) dst(%arg10 : memref<40xi32, #tpu.memory_space<vmem>>)
      %mul3A_371 = arith.constant 40 : i32
      %mul3A_372 = arith.muli %add3A_365, %mul3A_371 : i32
      %dma_wait3A_373 = tpu.memref_slice %arg7[%mul3A_372] : memref<10000xi32, #tpu.memory_space<vmem>> -> memref<40xi32, #tpu.memory_space<vmem>>
      %dma_wait3A_374 = arith.constant 0 : i32
      %dma_wait3A_375 = arith.constant 0 : i32
      %dma_wait3A_376 = tpu.memref_slice %arg2[%dma_wait3A_374, %dma_wait3A_375] : memref<10000x128xf32, #tpu.memory_space<hbm>> -> memref<10000x128xf32, #tpu.memory_space<hbm>>
      tpu.wait_indirect_dma semaphore(%arg20 : memref<!tpu.dma_semaphore, #tpu.memory_space<semaphore_mem>>) src(%dma_wait3A_376 : memref<10000x128xf32, #tpu.memory_space<hbm>>) dst(%arg13 : memref<40x128xf32, #tpu.memory_space<vmem>>)
      %mul3A_377 = arith.constant 40 : i32
      %mul3A_378 = arith.muli %add3A_365, %mul3A_377 : i32
      %add3A_379 = arith.addi %mul3A_2, %mul3A_378 : i32
      %dma_wait3A_380 = arith.constant 0 : i32
      %dma_wait3A_381 = tpu.memref_slice %arg5[%add3A_379, %dma_wait3A_380] : memref<320000x128xf32, #tpu.memory_space<hbm>> -> memref<40x128xf32, #tpu.memory_space<hbm>>
      %dma_wait3A_382 = arith.constant 0 : i32
      %dma_wait3A_383 = tpu.memref_slice %arg5[%add3A_379, %dma_wait3A_382] : memref<320000x128xf32, #tpu.memory_space<hbm>> -> memref<40x128xf32, #tpu.memory_space<hbm>>
      tpu.wait_dma2 semaphore(%arg23 : memref<!tpu.dma_semaphore, #tpu.memory_space<semaphore_mem>>) src(%dma_wait3A_383 : memref<40x128xf32, #tpu.memory_space<hbm>>) dst(%arg16 : memref<40x128xf32, #tpu.memory_space<vmem>>)
      %scan3A_384 = arith.constant 0 : i32
      %scan3A_385 = arith.constant 0 : i32
      %scan3A_386 = arith.constant 20 : i32
      %scan3A_387 = arith.addi %scan3A_385, %scan3A_386 : i32
      %scan3A_388 = arith.constant 1 : i32
      %scan3A_389 = scf.for %scan3A_418 = %scan3A_385 to %scan3A_387 step %scan3A_388 iter_args(%scan3A_419 = %scan3A_384) -> (i32)  : i32 {
        %mul3A_420 = arith.constant 2 : i32
        %mul3A_421 = arith.muli %mul3A_420, %scan3A_418 : i32
        %add3A_422 = arith.constant 1 : i32
        %add3A_423 = arith.addi %mul3A_421, %add3A_422 : i32
        %get3A = arith.index_cast %mul3A_421 : i32 to index
        %get3A_424 = arith.constant 0 : index
        %get3A_425 = tpu.vector_load %arg16[%get3A, %get3A_424] {strides = array<i32>} : memref<40x128xf32, #tpu.memory_space<vmem>>, vector<1x16xf32>,
        %get3A_426 = vector.shape_cast %get3A_425 : vector<1x16xf32> to vector<16xf32>
        %get3A_427 = arith.index_cast %mul3A_421 : i32 to index
        %get3A_428 = arith.constant 0 : index
        %get3A_429 = tpu.vector_load %arg13[%get3A_427, %get3A_428] {strides = array<i32>} : memref<40x128xf32, #tpu.memory_space<vmem>>, vector<1x16xf32>,
        %get3A_430 = vector.shape_cast %get3A_429 : vector<1x16xf32> to vector<16xf32>
        %mul3A_431 = arith.mulf %get3A_426, %get3A_430 : vector<16xf32>
        %swap3A = arith.index_cast %mul3A_421 : i32 to index
        %swap3A_432 = arith.constant 0 : index
        %swap3A_433 = tpu.vector_load %arg16[%swap3A, %swap3A_432] {strides = array<i32>} : memref<40x128xf32, #tpu.memory_space<vmem>>, vector<1x16xf32>,
        %swap3A_434 = vector.shape_cast %swap3A_433 : vector<1x16xf32> to vector<16xf32>
        %swap3A_435 = vector.shape_cast %mul3A_431 : vector<16xf32> to vector<1x16xf32>
        tpu.vector_store %arg16[%swap3A, %swap3A_432], %swap3A_435 {strides = array<i32>} : memref<40x128xf32, #tpu.memory_space<vmem>>, vector<1x16xf32>,
        %get3A_436 = arith.index_cast %mul3A_421 : i32 to index
        %get3A_437 = arith.constant 16 : index
        %get3A_438 = tpu.vector_load %arg16[%get3A_436, %get3A_437] {strides = array<i32>} : memref<40x128xf32, #tpu.memory_space<vmem>>, vector<1x16xf32>,
        %get3A_439 = vector.shape_cast %get3A_438 : vector<1x16xf32> to vector<16xf32>
        %get3A_440 = arith.index_cast %mul3A_421 : i32 to index
        %get3A_441 = arith.constant 16 : index
        %get3A_442 = tpu.vector_load %arg13[%get3A_440, %get3A_441] {strides = array<i32>} : memref<40x128xf32, #tpu.memory_space<vmem>>, vector<1x16xf32>,
        %get3A_443 = vector.shape_cast %get3A_442 : vector<1x16xf32> to vector<16xf32>
        %mul3A_444 = arith.mulf %get3A_439, %get3A_443 : vector<16xf32>
        %swap3A_445 = arith.index_cast %mul3A_421 : i32 to index
        %swap3A_446 = arith.constant 16 : index
        %swap3A_447 = tpu.vector_load %arg16[%swap3A_445, %swap3A_446] {strides = array<i32>} : memref<40x128xf32, #tpu.memory_space<vmem>>, vector<1x16xf32>,
        %swap3A_448 = vector.shape_cast %swap3A_447 : vector<1x16xf32> to vector<16xf32>
        %swap3A_449 = vector.shape_cast %mul3A_444 : vector<16xf32> to vector<1x16xf32>
        tpu.vector_store %arg16[%swap3A_445, %swap3A_446], %swap3A_449 {strides = array<i32>} : memref<40x128xf32, #tpu.memory_space<vmem>>, vector<1x16xf32>,
        %get3A_450 = arith.index_cast %mul3A_421 : i32 to index
        %get3A_451 = arith.constant 32 : index
        %get3A_452 = tpu.vector_load %arg16[%get3A_450, %get3A_451] {strides = array<i32>} : memref<40x128xf32, #tpu.memory_space<vmem>>, vector<1x16xf32>,
        %get3A_453 = vector.shape_cast %get3A_452 : vector<1x16xf32> to vector<16xf32>
        %get3A_454 = arith.index_cast %mul3A_421 : i32 to index
        %get3A_455 = arith.constant 32 : index
        %get3A_456 = tpu.vector_load %arg13[%get3A_454, %get3A_455] {strides = array<i32>} : memref<40x128xf32, #tpu.memory_space<vmem>>, vector<1x16xf32>,
        %get3A_457 = vector.shape_cast %get3A_456 : vector<1x16xf32> to vector<16xf32>
        %mul3A_458 = arith.mulf %get3A_453, %get3A_457 : vector<16xf32>
        %swap3A_459 = arith.index_cast %mul3A_421 : i32 to index
        %swap3A_460 = arith.constant 32 : index
        %swap3A_461 = tpu.vector_load %arg16[%swap3A_459, %swap3A_460] {strides = array<i32>} : memref<40x128xf32, #tpu.memory_space<vmem>>, vector<1x16xf32>,
        %swap3A_462 = vector.shape_cast %swap3A_461 : vector<1x16xf32> to vector<16xf32>
        %swap3A_463 = vector.shape_cast %mul3A_458 : vector<16xf32> to vector<1x16xf32>
        tpu.vector_store %arg16[%swap3A_459, %swap3A_460], %swap3A_463 {strides = array<i32>} : memref<40x128xf32, #tpu.memory_space<vmem>>, vector<1x16xf32>,
        %get3A_464 = arith.index_cast %mul3A_421 : i32 to index
        %get3A_465 = arith.constant 48 : index
        %get3A_466 = tpu.vector_load %arg16[%get3A_464, %get3A_465] {strides = array<i32>} : memref<40x128xf32, #tpu.memory_space<vmem>>, vector<1x16xf32>,
        %get3A_467 = vector.shape_cast %get3A_466 : vector<1x16xf32> to vector<16xf32>
        %get3A_468 = arith.index_cast %mul3A_421 : i32 to index
        %get3A_469 = arith.constant 48 : index
        %get3A_470 = tpu.vector_load %arg13[%get3A_468, %get3A_469] {strides = array<i32>} : memref<40x128xf32, #tpu.memory_space<vmem>>, vector<1x16xf32>,
        %get3A_471 = vector.shape_cast %get3A_470 : vector<1x16xf32> to vector<16xf32>
        %mul3A_472 = arith.mulf %get3A_467, %get3A_471 : vector<16xf32>
        %swap3A_473 = arith.index_cast %mul3A_421 : i32 to index
        %swap3A_474 = arith.constant 48 : index
        %swap3A_475 = tpu.vector_load %arg16[%swap3A_473, %swap3A_474] {strides = array<i32>} : memref<40x128xf32, #tpu.memory_space<vmem>>, vector<1x16xf32>,
        %swap3A_476 = vector.shape_cast %swap3A_475 : vector<1x16xf32> to vector<16xf32>
        %swap3A_477 = vector.shape_cast %mul3A_472 : vector<16xf32> to vector<1x16xf32>
        tpu.vector_store %arg16[%swap3A_473, %swap3A_474], %swap3A_477 {strides = array<i32>} : memref<40x128xf32, #tpu.memory_space<vmem>>, vector<1x16xf32>,
        %get3A_478 = arith.index_cast %mul3A_421 : i32 to index
        %get3A_479 = arith.constant 64 : index
        %get3A_480 = tpu.vector_load %arg16[%get3A_478, %get3A_479] {strides = array<i32>} : memref<40x128xf32, #tpu.memory_space<vmem>>, vector<1x16xf32>,
        %get3A_481 = vector.shape_cast %get3A_480 : vector<1x16xf32> to vector<16xf32>
        %get3A_482 = arith.index_cast %mul3A_421 : i32 to index
        %get3A_483 = arith.constant 64 : index
        %get3A_484 = tpu.vector_load %arg13[%get3A_482, %get3A_483] {strides = array<i32>} : memref<40x128xf32, #tpu.memory_space<vmem>>, vector<1x16xf32>,
        %get3A_485 = vector.shape_cast %get3A_484 : vector<1x16xf32> to vector<16xf32>
        %mul3A_486 = arith.mulf %get3A_481, %get3A_485 : vector<16xf32>
        %swap3A_487 = arith.index_cast %mul3A_421 : i32 to index
        %swap3A_488 = arith.constant 64 : index
        %swap3A_489 = tpu.vector_load %arg16[%swap3A_487, %swap3A_488] {strides = array<i32>} : memref<40x128xf32, #tpu.memory_space<vmem>>, vector<1x16xf32>,
        %swap3A_490 = vector.shape_cast %swap3A_489 : vector<1x16xf32> to vector<16xf32>
        %swap3A_491 = vector.shape_cast %mul3A_486 : vector<16xf32> to vector<1x16xf32>
        tpu.vector_store %arg16[%swap3A_487, %swap3A_488], %swap3A_491 {strides = array<i32>} : memref<40x128xf32, #tpu.memory_space<vmem>>, vector<1x16xf32>,
        %get3A_492 = arith.index_cast %mul3A_421 : i32 to index
        %get3A_493 = arith.constant 80 : index
        %get3A_494 = tpu.vector_load %arg16[%get3A_492, %get3A_493] {strides = array<i32>} : memref<40x128xf32, #tpu.memory_space<vmem>>, vector<1x16xf32>,
        %get3A_495 = vector.shape_cast %get3A_494 : vector<1x16xf32> to vector<16xf32>
        %get3A_496 = arith.index_cast %mul3A_421 : i32 to index
        %get3A_497 = arith.constant 80 : index
        %get3A_498 = tpu.vector_load %arg13[%get3A_496, %get3A_497] {strides = array<i32>} : memref<40x128xf32, #tpu.memory_space<vmem>>, vector<1x16xf32>,
        %get3A_499 = vector.shape_cast %get3A_498 : vector<1x16xf32> to vector<16xf32>
        %mul3A_500 = arith.mulf %get3A_495, %get3A_499 : vector<16xf32>
        %swap3A_501 = arith.index_cast %mul3A_421 : i32 to index
        %swap3A_502 = arith.constant 80 : index
        %swap3A_503 = tpu.vector_load %arg16[%swap3A_501, %swap3A_502] {strides = array<i32>} : memref<40x128xf32, #tpu.memory_space<vmem>>, vector<1x16xf32>,
        %swap3A_504 = vector.shape_cast %swap3A_503 : vector<1x16xf32> to vector<16xf32>
        %swap3A_505 = vector.shape_cast %mul3A_500 : vector<16xf32> to vector<1x16xf32>
        tpu.vector_store %arg16[%swap3A_501, %swap3A_502], %swap3A_505 {strides = array<i32>} : memref<40x128xf32, #tpu.memory_space<vmem>>, vector<1x16xf32>,
        %get3A_506 = arith.index_cast %mul3A_421 : i32 to index
        %get3A_507 = arith.constant 96 : index
        %get3A_508 = tpu.vector_load %arg16[%get3A_506, %get3A_507] {strides = array<i32>} : memref<40x128xf32, #tpu.memory_space<vmem>>, vector<1x16xf32>,
        %get3A_509 = vector.shape_cast %get3A_508 : vector<1x16xf32> to vector<16xf32>
        %get3A_510 = arith.index_cast %mul3A_421 : i32 to index
        %get3A_511 = arith.constant 96 : index
        %get3A_512 = tpu.vector_load %arg13[%get3A_510, %get3A_511] {strides = array<i32>} : memref<40x128xf32, #tpu.memory_space<vmem>>, vector<1x16xf32>,
        %get3A_513 = vector.shape_cast %get3A_512 : vector<1x16xf32> to vector<16xf32>
        %mul3A_514 = arith.mulf %get3A_509, %get3A_513 : vector<16xf32>
        %swap3A_515 = arith.index_cast %mul3A_421 : i32 to index
        %swap3A_516 = arith.constant 96 : index
        %swap3A_517 = tpu.vector_load %arg16[%swap3A_515, %swap3A_516] {strides = array<i32>} : memref<40x128xf32, #tpu.memory_space<vmem>>, vector<1x16xf32>,
        %swap3A_518 = vector.shape_cast %swap3A_517 : vector<1x16xf32> to vector<16xf32>
        %swap3A_519 = vector.shape_cast %mul3A_514 : vector<16xf32> to vector<1x16xf32>
        tpu.vector_store %arg16[%swap3A_515, %swap3A_516], %swap3A_519 {strides = array<i32>} : memref<40x128xf32, #tpu.memory_space<vmem>>, vector<1x16xf32>,
        %get3A_520 = arith.index_cast %mul3A_421 : i32 to index
        %get3A_521 = arith.constant 112 : index
        %get3A_522 = tpu.vector_load %arg16[%get3A_520, %get3A_521] {strides = array<i32>} : memref<40x128xf32, #tpu.memory_space<vmem>>, vector<1x16xf32>,
        %get3A_523 = vector.shape_cast %get3A_522 : vector<1x16xf32> to vector<16xf32>
        %get3A_524 = arith.index_cast %mul3A_421 : i32 to index
        %get3A_525 = arith.constant 112 : index
        %get3A_526 = tpu.vector_load %arg13[%get3A_524, %get3A_525] {strides = array<i32>} : memref<40x128xf32, #tpu.memory_space<vmem>>, vector<1x16xf32>,
        %get3A_527 = vector.shape_cast %get3A_526 : vector<1x16xf32> to vector<16xf32>
        %mul3A_528 = arith.mulf %get3A_523, %get3A_527 : vector<16xf32>
        %swap3A_529 = arith.index_cast %mul3A_421 : i32 to index
        %swap3A_530 = arith.constant 112 : index
        %swap3A_531 = tpu.vector_load %arg16[%swap3A_529, %swap3A_530] {strides = array<i32>} : memref<40x128xf32, #tpu.memory_space<vmem>>, vector<1x16xf32>,
        %swap3A_532 = vector.shape_cast %swap3A_531 : vector<1x16xf32> to vector<16xf32>
        %swap3A_533 = vector.shape_cast %mul3A_528 : vector<16xf32> to vector<1x16xf32>
        tpu.vector_store %arg16[%swap3A_529, %swap3A_530], %swap3A_533 {strides = array<i32>} : memref<40x128xf32, #tpu.memory_space<vmem>>, vector<1x16xf32>,
        %get3A_534 = arith.index_cast %add3A_423 : i32 to index
        %get3A_535 = arith.constant 0 : index
        %get3A_536 = tpu.vector_load %arg16[%get3A_534, %get3A_535] {strides = array<i32>} : memref<40x128xf32, #tpu.memory_space<vmem>>, vector<1x16xf32>,
        %get3A_537 = vector.shape_cast %get3A_536 : vector<1x16xf32> to vector<16xf32>
        %get3A_538 = arith.index_cast %add3A_423 : i32 to index
        %get3A_539 = arith.constant 0 : index
        %get3A_540 = tpu.vector_load %arg13[%get3A_538, %get3A_539] {strides = array<i32>} : memref<40x128xf32, #tpu.memory_space<vmem>>, vector<1x16xf32>,
        %get3A_541 = vector.shape_cast %get3A_540 : vector<1x16xf32> to vector<16xf32>
        %mul3A_542 = arith.mulf %get3A_537, %get3A_541 : vector<16xf32>
        %swap3A_543 = arith.index_cast %add3A_423 : i32 to index
        %swap3A_544 = arith.constant 0 : index
        %swap3A_545 = tpu.vector_load %arg16[%swap3A_543, %swap3A_544] {strides = array<i32>} : memref<40x128xf32, #tpu.memory_space<vmem>>, vector<1x16xf32>,
        %swap3A_546 = vector.shape_cast %swap3A_545 : vector<1x16xf32> to vector<16xf32>
        %swap3A_547 = vector.shape_cast %mul3A_542 : vector<16xf32> to vector<1x16xf32>
        tpu.vector_store %arg16[%swap3A_543, %swap3A_544], %swap3A_547 {strides = array<i32>} : memref<40x128xf32, #tpu.memory_space<vmem>>, vector<1x16xf32>,
        %get3A_548 = arith.index_cast %add3A_423 : i32 to index
        %get3A_549 = arith.constant 16 : index
        %get3A_550 = tpu.vector_load %arg16[%get3A_548, %get3A_549] {strides = array<i32>} : memref<40x128xf32, #tpu.memory_space<vmem>>, vector<1x16xf32>,
        %get3A_551 = vector.shape_cast %get3A_550 : vector<1x16xf32> to vector<16xf32>
        %get3A_552 = arith.index_cast %add3A_423 : i32 to index
        %get3A_553 = arith.constant 16 : index
        %get3A_554 = tpu.vector_load %arg13[%get3A_552, %get3A_553] {strides = array<i32>} : memref<40x128xf32, #tpu.memory_space<vmem>>, vector<1x16xf32>,
        %get3A_555 = vector.shape_cast %get3A_554 : vector<1x16xf32> to vector<16xf32>
        %mul3A_556 = arith.mulf %get3A_551, %get3A_555 : vector<16xf32>
        %swap3A_557 = arith.index_cast %add3A_423 : i32 to index
        %swap3A_558 = arith.constant 16 : index
        %swap3A_559 = tpu.vector_load %arg16[%swap3A_557, %swap3A_558] {strides = array<i32>} : memref<40x128xf32, #tpu.memory_space<vmem>>, vector<1x16xf32>,
        %swap3A_560 = vector.shape_cast %swap3A_559 : vector<1x16xf32> to vector<16xf32>
        %swap3A_561 = vector.shape_cast %mul3A_556 : vector<16xf32> to vector<1x16xf32>
        tpu.vector_store %arg16[%swap3A_557, %swap3A_558], %swap3A_561 {strides = array<i32>} : memref<40x128xf32, #tpu.memory_space<vmem>>, vector<1x16xf32>,
        %get3A_562 = arith.index_cast %add3A_423 : i32 to index
        %get3A_563 = arith.constant 32 : index
        %get3A_564 = tpu.vector_load %arg16[%get3A_562, %get3A_563] {strides = array<i32>} : memref<40x128xf32, #tpu.memory_space<vmem>>, vector<1x16xf32>,
        %get3A_565 = vector.shape_cast %get3A_564 : vector<1x16xf32> to vector<16xf32>
        %get3A_566 = arith.index_cast %add3A_423 : i32 to index
        %get3A_567 = arith.constant 32 : index
        %get3A_568 = tpu.vector_load %arg13[%get3A_566, %get3A_567] {strides = array<i32>} : memref<40x128xf32, #tpu.memory_space<vmem>>, vector<1x16xf32>,
        %get3A_569 = vector.shape_cast %get3A_568 : vector<1x16xf32> to vector<16xf32>
        %mul3A_570 = arith.mulf %get3A_565, %get3A_569 : vector<16xf32>
        %swap3A_571 = arith.index_cast %add3A_423 : i32 to index
        %swap3A_572 = arith.constant 32 : index
        %swap3A_573 = tpu.vector_load %arg16[%swap3A_571, %swap3A_572] {strides = array<i32>} : memref<40x128xf32, #tpu.memory_space<vmem>>, vector<1x16xf32>,
        %swap3A_574 = vector.shape_cast %swap3A_573 : vector<1x16xf32> to vector<16xf32>
        %swap3A_575 = vector.shape_cast %mul3A_570 : vector<16xf32> to vector<1x16xf32>
        tpu.vector_store %arg16[%swap3A_571, %swap3A_572], %swap3A_575 {strides = array<i32>} : memref<40x128xf32, #tpu.memory_space<vmem>>, vector<1x16xf32>,
        %get3A_576 = arith.index_cast %add3A_423 : i32 to index
        %get3A_577 = arith.constant 48 : index
        %get3A_578 = tpu.vector_load %arg16[%get3A_576, %get3A_577] {strides = array<i32>} : memref<40x128xf32, #tpu.memory_space<vmem>>, vector<1x16xf32>,
        %get3A_579 = vector.shape_cast %get3A_578 : vector<1x16xf32> to vector<16xf32>
        %get3A_580 = arith.index_cast %add3A_423 : i32 to index
        %get3A_581 = arith.constant 48 : index
        %get3A_582 = tpu.vector_load %arg13[%get3A_580, %get3A_581] {strides = array<i32>} : memref<40x128xf32, #tpu.memory_space<vmem>>, vector<1x16xf32>,
        %get3A_583 = vector.shape_cast %get3A_582 : vector<1x16xf32> to vector<16xf32>
        %mul3A_584 = arith.mulf %get3A_579, %get3A_583 : vector<16xf32>
        %swap3A_585 = arith.index_cast %add3A_423 : i32 to index
        %swap3A_586 = arith.constant 48 : index
        %swap3A_587 = tpu.vector_load %arg16[%swap3A_585, %swap3A_586] {strides = array<i32>} : memref<40x128xf32, #tpu.memory_space<vmem>>, vector<1x16xf32>,
        %swap3A_588 = vector.shape_cast %swap3A_587 : vector<1x16xf32> to vector<16xf32>
        %swap3A_589 = vector.shape_cast %mul3A_584 : vector<16xf32> to vector<1x16xf32>
        tpu.vector_store %arg16[%swap3A_585, %swap3A_586], %swap3A_589 {strides = array<i32>} : memref<40x128xf32, #tpu.memory_space<vmem>>, vector<1x16xf32>,
        %get3A_590 = arith.index_cast %add3A_423 : i32 to index
        %get3A_591 = arith.constant 64 : index
        %get3A_592 = tpu.vector_load %arg16[%get3A_590, %get3A_591] {strides = array<i32>} : memref<40x128xf32, #tpu.memory_space<vmem>>, vector<1x16xf32>,
        %get3A_593 = vector.shape_cast %get3A_592 : vector<1x16xf32> to vector<16xf32>
        %get3A_594 = arith.index_cast %add3A_423 : i32 to index
        %get3A_595 = arith.constant 64 : index
        %get3A_596 = tpu.vector_load %arg13[%get3A_594, %get3A_595] {strides = array<i32>} : memref<40x128xf32, #tpu.memory_space<vmem>>, vector<1x16xf32>,
        %get3A_597 = vector.shape_cast %get3A_596 : vector<1x16xf32> to vector<16xf32>
        %mul3A_598 = arith.mulf %get3A_593, %get3A_597 : vector<16xf32>
        %swap3A_599 = arith.index_cast %add3A_423 : i32 to index
        %swap3A_600 = arith.constant 64 : index
        %swap3A_601 = tpu.vector_load %arg16[%swap3A_599, %swap3A_600] {strides = array<i32>} : memref<40x128xf32, #tpu.memory_space<vmem>>, vector<1x16xf32>,
        %swap3A_602 = vector.shape_cast %swap3A_601 : vector<1x16xf32> to vector<16xf32>
        %swap3A_603 = vector.shape_cast %mul3A_598 : vector<16xf32> to vector<1x16xf32>
        tpu.vector_store %arg16[%swap3A_599, %swap3A_600], %swap3A_603 {strides = array<i32>} : memref<40x128xf32, #tpu.memory_space<vmem>>, vector<1x16xf32>,
        %get3A_604 = arith.index_cast %add3A_423 : i32 to index
        %get3A_605 = arith.constant 80 : index
        %get3A_606 = tpu.vector_load %arg16[%get3A_604, %get3A_605] {strides = array<i32>} : memref<40x128xf32, #tpu.memory_space<vmem>>, vector<1x16xf32>,
        %get3A_607 = vector.shape_cast %get3A_606 : vector<1x16xf32> to vector<16xf32>
        %get3A_608 = arith.index_cast %add3A_423 : i32 to index
        %get3A_609 = arith.constant 80 : index
        %get3A_610 = tpu.vector_load %arg13[%get3A_608, %get3A_609] {strides = array<i32>} : memref<40x128xf32, #tpu.memory_space<vmem>>, vector<1x16xf32>,
        %get3A_611 = vector.shape_cast %get3A_610 : vector<1x16xf32> to vector<16xf32>
        %mul3A_612 = arith.mulf %get3A_607, %get3A_611 : vector<16xf32>
        %swap3A_613 = arith.index_cast %add3A_423 : i32 to index
        %swap3A_614 = arith.constant 80 : index
        %swap3A_615 = tpu.vector_load %arg16[%swap3A_613, %swap3A_614] {strides = array<i32>} : memref<40x128xf32, #tpu.memory_space<vmem>>, vector<1x16xf32>,
        %swap3A_616 = vector.shape_cast %swap3A_615 : vector<1x16xf32> to vector<16xf32>
        %swap3A_617 = vector.shape_cast %mul3A_612 : vector<16xf32> to vector<1x16xf32>
        tpu.vector_store %arg16[%swap3A_613, %swap3A_614], %swap3A_617 {strides = array<i32>} : memref<40x128xf32, #tpu.memory_space<vmem>>, vector<1x16xf32>,
        %get3A_618 = arith.index_cast %add3A_423 : i32 to index
        %get3A_619 = arith.constant 96 : index
        %get3A_620 = tpu.vector_load %arg16[%get3A_618, %get3A_619] {strides = array<i32>} : memref<40x128xf32, #tpu.memory_space<vmem>>, vector<1x16xf32>,
        %get3A_621 = vector.shape_cast %get3A_620 : vector<1x16xf32> to vector<16xf32>
        %get3A_622 = arith.index_cast %add3A_423 : i32 to index
        %get3A_623 = arith.constant 96 : index
        %get3A_624 = tpu.vector_load %arg13[%get3A_622, %get3A_623] {strides = array<i32>} : memref<40x128xf32, #tpu.memory_space<vmem>>, vector<1x16xf32>,
        %get3A_625 = vector.shape_cast %get3A_624 : vector<1x16xf32> to vector<16xf32>
        %mul3A_626 = arith.mulf %get3A_621, %get3A_625 : vector<16xf32>
        %swap3A_627 = arith.index_cast %add3A_423 : i32 to index
        %swap3A_628 = arith.constant 96 : index
        %swap3A_629 = tpu.vector_load %arg16[%swap3A_627, %swap3A_628] {strides = array<i32>} : memref<40x128xf32, #tpu.memory_space<vmem>>, vector<1x16xf32>,
        %swap3A_630 = vector.shape_cast %swap3A_629 : vector<1x16xf32> to vector<16xf32>
        %swap3A_631 = vector.shape_cast %mul3A_626 : vector<16xf32> to vector<1x16xf32>
        tpu.vector_store %arg16[%swap3A_627, %swap3A_628], %swap3A_631 {strides = array<i32>} : memref<40x128xf32, #tpu.memory_space<vmem>>, vector<1x16xf32>,
        %get3A_632 = arith.index_cast %add3A_423 : i32 to index
        %get3A_633 = arith.constant 112 : index
        %get3A_634 = tpu.vector_load %arg16[%get3A_632, %get3A_633] {strides = array<i32>} : memref<40x128xf32, #tpu.memory_space<vmem>>, vector<1x16xf32>,
        %get3A_635 = vector.shape_cast %get3A_634 : vector<1x16xf32> to vector<16xf32>
        %get3A_636 = arith.index_cast %add3A_423 : i32 to index
        %get3A_637 = arith.constant 112 : index
        %get3A_638 = tpu.vector_load %arg13[%get3A_636, %get3A_637] {strides = array<i32>} : memref<40x128xf32, #tpu.memory_space<vmem>>, vector<1x16xf32>,
        %get3A_639 = vector.shape_cast %get3A_638 : vector<1x16xf32> to vector<16xf32>
        %mul3A_640 = arith.mulf %get3A_635, %get3A_639 : vector<16xf32>
        %swap3A_641 = arith.index_cast %add3A_423 : i32 to index
        %swap3A_642 = arith.constant 112 : index
        %swap3A_643 = tpu.vector_load %arg16[%swap3A_641, %swap3A_642] {strides = array<i32>} : memref<40x128xf32, #tpu.memory_space<vmem>>, vector<1x16xf32>,
        %swap3A_644 = vector.shape_cast %swap3A_643 : vector<1x16xf32> to vector<16xf32>
        %swap3A_645 = vector.shape_cast %mul3A_640 : vector<16xf32> to vector<1x16xf32>
        tpu.vector_store %arg16[%swap3A_641, %swap3A_642], %swap3A_645 {strides = array<i32>} : memref<40x128xf32, #tpu.memory_space<vmem>>, vector<1x16xf32>,
        %scan3A_646 = arith.constant 0 : i32
        scf.yield %scan3A_646 : i32
      }
      %scan3A_390 = arith.constant 20 : i32
      %dma_start3A_391 = arith.constant 0 : i32
      %dma_start3A_392 = arith.constant 0 : i32
      %dma_start3A_393 = tpu.memref_slice %arg17[%dma_start3A_391, %dma_start3A_392] : memref<10240x128xf32, #tpu.memory_space<vmem_shared>> -> memref<10240x128xf32, #tpu.memory_space<vmem_shared>>
      tpu.enqueue_indirect_dma source(%arg16 : memref<40x128xf32, #tpu.memory_space<vmem>>) target(%dma_start3A_393 : memref<10240x128xf32, #tpu.memory_space<vmem_shared>>) offsets(%arg10 : memref<40xi32, #tpu.memory_space<vmem>>) semaphore(%arg29 : memref<!tpu.dma_semaphore, #tpu.memory_space<semaphore_mem>>) {add = true}
      %add3A_394 = arith.constant 5 : i32
      %add3A_395 = arith.addi %mul3A_259, %add3A_394 : i32
      %dma_wait3A_396 = arith.constant 0 : i32
      %dma_wait3A_397 = arith.constant 0 : i32
      %dma_wait3A_398 = tpu.memref_slice %arg17[%dma_wait3A_396, %dma_wait3A_397] : memref<10240x128xf32, #tpu.memory_space<vmem_shared>> -> memref<10240x128xf32, #tpu.memory_space<vmem_shared>>
      tpu.wait_indirect_dma semaphore(%arg29 : memref<!tpu.dma_semaphore, #tpu.memory_space<semaphore_mem>>) src(%arg16 : memref<40x128xf32, #tpu.memory_space<vmem>>) dst(%dma_wait3A_398 : memref<10240x128xf32, #tpu.memory_space<vmem_shared>>)
      %mul3A_399 = arith.constant 40 : i32
      %mul3A_400 = arith.muli %add3A_395, %mul3A_399 : i32
      %add3A_401 = arith.addi %mul3A_2, %mul3A_400 : i32
      %dma_start3A_402 = tpu.memref_slice %arg4[%add3A_401] : memref<320000xi32, #tpu.memory_space<hbm>> -> memref<40xi32, #tpu.memory_space<hbm>>
      %dma_start3A_403 = tpu.memref_slice %arg4[%add3A_401] : memref<320000xi32, #tpu.memory_space<hbm>> -> memref<40xi32, #tpu.memory_space<hbm>>
      tpu.enqueue_dma source(%dma_start3A_403 : memref<40xi32, #tpu.memory_space<hbm>>) target(%arg10 : memref<40xi32, #tpu.memory_space<vmem>>) target_semaphore(%arg26 : memref<!tpu.dma_semaphore, #tpu.memory_space<semaphore_mem>>)
      %mul3A_404 = arith.constant 40 : i32
      %mul3A_405 = arith.muli %add3A_395, %mul3A_404 : i32
      %dma_start3A_406 = tpu.memref_slice %arg7[%mul3A_405] : memref<10000xi32, #tpu.memory_space<vmem>> -> memref<40xi32, #tpu.memory_space<vmem>>
      %dma_start3A_407 = arith.constant 0 : i32
      %dma_start3A_408 = arith.constant 0 : i32
      %dma_start3A_409 = tpu.memref_slice %arg2[%dma_start3A_407, %dma_start3A_408] : memref<10000x128xf32, #tpu.memory_space<hbm>> -> memref<10000x128xf32, #tpu.memory_space<hbm>>
      tpu.enqueue_indirect_dma source(%dma_start3A_409 : memref<10000x128xf32, #tpu.memory_space<hbm>>) target(%arg13 : memref<40x128xf32, #tpu.memory_space<vmem>>) offsets(%dma_start3A_406 : memref<40xi32, #tpu.memory_space<vmem>>) semaphore(%arg20 : memref<!tpu.dma_semaphore, #tpu.memory_space<semaphore_mem>>)
      %mul3A_410 = arith.constant 40 : i32
      %mul3A_411 = arith.muli %add3A_395, %mul3A_410 : i32
      %add3A_412 = arith.addi %mul3A_2, %mul3A_411 : i32
      %dma_start3A_413 = arith.constant 0 : i32
      %dma_start3A_414 = tpu.memref_slice %arg5[%add3A_412, %dma_start3A_413] : memref<320000x128xf32, #tpu.memory_space<hbm>> -> memref<40x128xf32, #tpu.memory_space<hbm>>
      %dma_start3A_415 = arith.constant 0 : i32
      %dma_start3A_416 = tpu.memref_slice %arg5[%add3A_412, %dma_start3A_415] : memref<320000x128xf32, #tpu.memory_space<hbm>> -> memref<40x128xf32, #tpu.memory_space<hbm>>
      tpu.enqueue_dma source(%dma_start3A_416 : memref<40x128xf32, #tpu.memory_space<hbm>>) target(%arg16 : memref<40x128xf32, #tpu.memory_space<vmem>>) target_semaphore(%arg23 : memref<!tpu.dma_semaphore, #tpu.memory_space<semaphore_mem>>)
      %scan3A_417 = arith.constant 0 : i32
      scf.yield %scan3A_417 : i32
    }
    %scan3A_124 = arith.constant 82 : i32
    %add3A_125 = arith.constant 9840 : i32
    %add3A_126 = arith.addi %mul3A_2, %add3A_125 : i32
    %dma_wait3A = tpu.memref_slice %arg4[%add3A_126] : memref<320000xi32, #tpu.memory_space<hbm>> -> memref<40xi32, #tpu.memory_space<hbm>>
    %dma_wait3A_127 = tpu.memref_slice %arg4[%add3A_126] : memref<320000xi32, #tpu.memory_space<hbm>> -> memref<40xi32, #tpu.memory_space<hbm>>
    tpu.wait_dma2 semaphore(%arg24 : memref<!tpu.dma_semaphore, #tpu.memory_space<semaphore_mem>>) src(%dma_wait3A_127 : memref<40xi32, #tpu.memory_space<hbm>>) dst(%arg8 : memref<40xi32, #tpu.memory_space<vmem>>)
    %dma_wait3A_128 = arith.constant 9840 : i32
    %dma_wait3A_129 = tpu.memref_slice %arg7[%dma_wait3A_128] : memref<10000xi32, #tpu.memory_space<vmem>> -> memref<40xi32, #tpu.memory_space<vmem>>
    %dma_wait3A_130 = arith.constant 0 : i32
    %dma_wait3A_131 = arith.constant 0 : i32
    %dma_wait3A_132 = tpu.memref_slice %arg2[%dma_wait3A_130, %dma_wait3A_131] : memref<10000x128xf32, #tpu.memory_space<hbm>> -> memref<10000x128xf32, #tpu.memory_space<hbm>>
    tpu.wait_indirect_dma semaphore(%arg18 : memref<!tpu.dma_semaphore, #tpu.memory_space<semaphore_mem>>) src(%dma_wait3A_132 : memref<10000x128xf32, #tpu.memory_space<hbm>>) dst(%arg11 : memref<40x128xf32, #tpu.memory_space<vmem>>)
    %add3A_133 = arith.constant 9840 : i32
    %add3A_134 = arith.addi %mul3A_2, %add3A_133 : i32
    %dma_wait3A_135 = arith.constant 0 : i32
    %dma_wait3A_136 = tpu.memref_slice %arg5[%add3A_134, %dma_wait3A_135] : memref<320000x128xf32, #tpu.memory_space<hbm>> -> memref<40x128xf32, #tpu.memory_space<hbm>>
    %dma_wait3A_137 = arith.constant 0 : i32
    %dma_wait3A_138 = tpu.memref_slice %arg5[%add3A_134, %dma_wait3A_137] : memref<320000x128xf32, #tpu.memory_space<hbm>> -> memref<40x128xf32, #tpu.memory_space<hbm>>
    tpu.wait_dma2 semaphore(%arg21 : memref<!tpu.dma_semaphore, #tpu.memory_space<semaphore_mem>>) src(%dma_wait3A_138 : memref<40x128xf32, #tpu.memory_space<hbm>>) dst(%arg14 : memref<40x128xf32, #tpu.memory_space<vmem>>)
    %scan3A_139 = arith.constant 0 : i32
    %scan3A_140 = arith.constant 0 : i32
    %scan3A_141 = arith.constant 20 : i32
    %scan3A_142 = arith.addi %scan3A_140, %scan3A_141 : i32
    %scan3A_143 = arith.constant 1 : i32
    %scan3A_144 = scf.for %scan3A_256 = %scan3A_140 to %scan3A_142 step %scan3A_143 iter_args(%scan3A_257 = %scan3A_139) -> (i32)  : i32 {
      %mul3A_258 = arith.constant 2 : i32
      %mul3A_259 = arith.muli %mul3A_258, %scan3A_256 : i32
      %add3A_260 = arith.constant 1 : i32
      %add3A_261 = arith.addi %mul3A_259, %add3A_260 : i32
      %get3A = arith.index_cast %mul3A_259 : i32 to index
      %get3A_262 = arith.constant 0 : index
      %get3A_263 = tpu.vector_load %arg14[%get3A, %get3A_262] {strides = array<i32>} : memref<40x128xf32, #tpu.memory_space<vmem>>, vector<1x16xf32>,
      %get3A_264 = vector.shape_cast %get3A_263 : vector<1x16xf32> to vector<16xf32>
      %get3A_265 = arith.index_cast %mul3A_259 : i32 to index
      %get3A_266 = arith.constant 0 : index
      %get3A_267 = tpu.vector_load %arg11[%get3A_265, %get3A_266] {strides = array<i32>} : memref<40x128xf32, #tpu.memory_space<vmem>>, vector<1x16xf32>,
      %get3A_268 = vector.shape_cast %get3A_267 : vector<1x16xf32> to vector<16xf32>
      %mul3A_269 = arith.mulf %get3A_264, %get3A_268 : vector<16xf32>
      %swap3A = arith.index_cast %mul3A_259 : i32 to index
      %swap3A_270 = arith.constant 0 : index
      %swap3A_271 = tpu.vector_load %arg14[%swap3A, %swap3A_270] {strides = array<i32>} : memref<40x128xf32, #tpu.memory_space<vmem>>, vector<1x16xf32>,
      %swap3A_272 = vector.shape_cast %swap3A_271 : vector<1x16xf32> to vector<16xf32>
      %swap3A_273 = vector.shape_cast %mul3A_269 : vector<16xf32> to vector<1x16xf32>
      tpu.vector_store %arg14[%swap3A, %swap3A_270], %swap3A_273 {strides = array<i32>} : memref<40x128xf32, #tpu.memory_space<vmem>>, vector<1x16xf32>,
      %get3A_274 = arith.index_cast %mul3A_259 : i32 to index
      %get3A_275 = arith.constant 16 : index
      %get3A_276 = tpu.vector_load %arg14[%get3A_274, %get3A_275] {strides = array<i32>} : memref<40x128xf32, #tpu.memory_space<vmem>>, vector<1x16xf32>,
      %get3A_277 = vector.shape_cast %get3A_276 : vector<1x16xf32> to vector<16xf32>
      %get3A_278 = arith.index_cast %mul3A_259 : i32 to index
      %get3A_279 = arith.constant 16 : index
      %get3A_280 = tpu.vector_load %arg11[%get3A_278, %get3A_279] {strides = array<i32>} : memref<40x128xf32, #tpu.memory_space<vmem>>, vector<1x16xf32>,
      %get3A_281 = vector.shape_cast %get3A_280 : vector<1x16xf32> to vector<16xf32>
      %mul3A_282 = arith.mulf %get3A_277, %get3A_281 : vector<16xf32>
      %swap3A_283 = arith.index_cast %mul3A_259 : i32 to index
      %swap3A_284 = arith.constant 16 : index
      %swap3A_285 = tpu.vector_load %arg14[%swap3A_283, %swap3A_284] {strides = array<i32>} : memref<40x128xf32, #tpu.memory_space<vmem>>, vector<1x16xf32>,
      %swap3A_286 = vector.shape_cast %swap3A_285 : vector<1x16xf32> to vector<16xf32>
      %swap3A_287 = vector.shape_cast %mul3A_282 : vector<16xf32> to vector<1x16xf32>
      tpu.vector_store %arg14[%swap3A_283, %swap3A_284], %swap3A_287 {strides = array<i32>} : memref<40x128xf32, #tpu.memory_space<vmem>>, vector<1x16xf32>,
      %get3A_288 = arith.index_cast %mul3A_259 : i32 to index
      %get3A_289 = arith.constant 32 : index
      %get3A_290 = tpu.vector_load %arg14[%get3A_288, %get3A_289] {strides = array<i32>} : memref<40x128xf32, #tpu.memory_space<vmem>>, vector<1x16xf32>,
      %get3A_291 = vector.shape_cast %get3A_290 : vector<1x16xf32> to vector<16xf32>
      %get3A_292 = arith.index_cast %mul3A_259 : i32 to index
      %get3A_293 = arith.constant 32 : index
      %get3A_294 = tpu.vector_load %arg11[%get3A_292, %get3A_293] {strides = array<i32>} : memref<40x128xf32, #tpu.memory_space<vmem>>, vector<1x16xf32>,
      %get3A_295 = vector.shape_cast %get3A_294 : vector<1x16xf32> to vector<16xf32>
      %mul3A_296 = arith.mulf %get3A_291, %get3A_295 : vector<16xf32>
      %swap3A_297 = arith.index_cast %mul3A_259 : i32 to index
      %swap3A_298 = arith.constant 32 : index
      %swap3A_299 = tpu.vector_load %arg14[%swap3A_297, %swap3A_298] {strides = array<i32>} : memref<40x128xf32, #tpu.memory_space<vmem>>, vector<1x16xf32>,
      %swap3A_300 = vector.shape_cast %swap3A_299 : vector<1x16xf32> to vector<16xf32>
      %swap3A_301 = vector.shape_cast %mul3A_296 : vector<16xf32> to vector<1x16xf32>
      tpu.vector_store %arg14[%swap3A_297, %swap3A_298], %swap3A_301 {strides = array<i32>} : memref<40x128xf32, #tpu.memory_space<vmem>>, vector<1x16xf32>,
      %get3A_302 = arith.index_cast %mul3A_259 : i32 to index
      %get3A_303 = arith.constant 48 : index
      %get3A_304 = tpu.vector_load %arg14[%get3A_302, %get3A_303] {strides = array<i32>} : memref<40x128xf32, #tpu.memory_space<vmem>>, vector<1x16xf32>,
      %get3A_305 = vector.shape_cast %get3A_304 : vector<1x16xf32> to vector<16xf32>
      %get3A_306 = arith.index_cast %mul3A_259 : i32 to index
      %get3A_307 = arith.constant 48 : index
      %get3A_308 = tpu.vector_load %arg11[%get3A_306, %get3A_307] {strides = array<i32>} : memref<40x128xf32, #tpu.memory_space<vmem>>, vector<1x16xf32>,
      %get3A_309 = vector.shape_cast %get3A_308 : vector<1x16xf32> to vector<16xf32>
      %mul3A_310 = arith.mulf %get3A_305, %get3A_309 : vector<16xf32>
      %swap3A_311 = arith.index_cast %mul3A_259 : i32 to index
      %swap3A_312 = arith.constant 48 : index
      %swap3A_313 = tpu.vector_load %arg14[%swap3A_311, %swap3A_312] {strides = array<i32>} : memref<40x128xf32, #tpu.memory_space<vmem>>, vector<1x16xf32>,
      %swap3A_314 = vector.shape_cast %swap3A_313 : vector<1x16xf32> to vector<16xf32>
      %swap3A_315 = vector.shape_cast %mul3A_310 : vector<16xf32> to vector<1x16xf32>
      tpu.vector_store %arg14[%swap3A_311, %swap3A_312], %swap3A_315 {strides = array<i32>} : memref<40x128xf32, #tpu.memory_space<vmem>>, vector<1x16xf32>,
      %get3A_316 = arith.index_cast %mul3A_259 : i32 to index
      %get3A_317 = arith.constant 64 : index
      %get3A_318 = tpu.vector_load %arg14[%get3A_316, %get3A_317] {strides = array<i32>} : memref<40x128xf32, #tpu.memory_space<vmem>>, vector<1x16xf32>,
      %get3A_319 = vector.shape_cast %get3A_318 : vector<1x16xf32> to vector<16xf32>
      %get3A_320 = arith.index_cast %mul3A_259 : i32 to index
      %get3A_321 = arith.constant 64 : index
      %get3A_322 = tpu.vector_load %arg11[%get3A_320, %get3A_321] {strides = array<i32>} : memref<40x128xf32, #tpu.memory_space<vmem>>, vector<1x16xf32>,
      %get3A_323 = vector.shape_cast %get3A_322 : vector<1x16xf32> to vector<16xf32>
      %mul3A_324 = arith.mulf %get3A_319, %get3A_323 : vector<16xf32>
      %swap3A_325 = arith.index_cast %mul3A_259 : i32 to index
      %swap3A_326 = arith.constant 64 : index
      %swap3A_327 = tpu.vector_load %arg14[%swap3A_325, %swap3A_326] {strides = array<i32>} : memref<40x128xf32, #tpu.memory_space<vmem>>, vector<1x16xf32>,
      %swap3A_328 = vector.shape_cast %swap3A_327 : vector<1x16xf32> to vector<16xf32>
      %swap3A_329 = vector.shape_cast %mul3A_324 : vector<16xf32> to vector<1x16xf32>
      tpu.vector_store %arg14[%swap3A_325, %swap3A_326], %swap3A_329 {strides = array<i32>} : memref<40x128xf32, #tpu.memory_space<vmem>>, vector<1x16xf32>,
      %get3A_330 = arith.index_cast %mul3A_259 : i32 to index
      %get3A_331 = arith.constant 80 : index
      %get3A_332 = tpu.vector_load %arg14[%get3A_330, %get3A_331] {strides = array<i32>} : memref<40x128xf32, #tpu.memory_space<vmem>>, vector<1x16xf32>,
      %get3A_333 = vector.shape_cast %get3A_332 : vector<1x16xf32> to vector<16xf32>
      %get3A_334 = arith.index_cast %mul3A_259 : i32 to index
      %get3A_335 = arith.constant 80 : index
      %get3A_336 = tpu.vector_load %arg11[%get3A_334, %get3A_335] {strides = array<i32>} : memref<40x128xf32, #tpu.memory_space<vmem>>, vector<1x16xf32>,
      %get3A_337 = vector.shape_cast %get3A_336 : vector<1x16xf32> to vector<16xf32>
      %mul3A_338 = arith.mulf %get3A_333, %get3A_337 : vector<16xf32>
      %swap3A_339 = arith.index_cast %mul3A_259 : i32 to index
      %swap3A_340 = arith.constant 80 : index
      %swap3A_341 = tpu.vector_load %arg14[%swap3A_339, %swap3A_340] {strides = array<i32>} : memref<40x128xf32, #tpu.memory_space<vmem>>, vector<1x16xf32>,
      %swap3A_342 = vector.shape_cast %swap3A_341 : vector<1x16xf32> to vector<16xf32>
      %swap3A_343 = vector.shape_cast %mul3A_338 : vector<16xf32> to vector<1x16xf32>
      tpu.vector_store %arg14[%swap3A_339, %swap3A_340], %swap3A_343 {strides = array<i32>} : memref<40x128xf32, #tpu.memory_space<vmem>>, vector<1x16xf32>,
      %get3A_344 = arith.index_cast %mul3A_259 : i32 to index
      %get3A_345 = arith.constant 96 : index
      %get3A_346 = tpu.vector_load %arg14[%get3A_344, %get3A_345] {strides = array<i32>} : memref<40x128xf32, #tpu.memory_space<vmem>>, vector<1x16xf32>,
      %get3A_347 = vector.shape_cast %get3A_346 : vector<1x16xf32> to vector<16xf32>
      %get3A_348 = arith.index_cast %mul3A_259 : i32 to index
      %get3A_349 = arith.constant 96 : index
      %get3A_350 = tpu.vector_load %arg11[%get3A_348, %get3A_349] {strides = array<i32>} : memref<40x128xf32, #tpu.memory_space<vmem>>, vector<1x16xf32>,
      %get3A_351 = vector.shape_cast %get3A_350 : vector<1x16xf32> to vector<16xf32>
      %mul3A_352 = arith.mulf %get3A_347, %get3A_351 : vector<16xf32>
      %swap3A_353 = arith.index_cast %mul3A_259 : i32 to index
      %swap3A_354 = arith.constant 96 : index
      %swap3A_355 = tpu.vector_load %arg14[%swap3A_353, %swap3A_354] {strides = array<i32>} : memref<40x128xf32, #tpu.memory_space<vmem>>, vector<1x16xf32>,
      %swap3A_356 = vector.shape_cast %swap3A_355 : vector<1x16xf32> to vector<16xf32>
      %swap3A_357 = vector.shape_cast %mul3A_352 : vector<16xf32> to vector<1x16xf32>
      tpu.vector_store %arg14[%swap3A_353, %swap3A_354], %swap3A_357 {strides = array<i32>} : memref<40x128xf32, #tpu.memory_space<vmem>>, vector<1x16xf32>,
      %get3A_358 = arith.index_cast %mul3A_259 : i32 to index
      %get3A_359 = arith.constant 112 : index
      %get3A_360 = tpu.vector_load %arg14[%get3A_358, %get3A_359] {strides = array<i32>} : memref<40x128xf32, #tpu.memory_space<vmem>>, vector<1x16xf32>,
      %get3A_361 = vector.shape_cast %get3A_360 : vector<1x16xf32> to vector<16xf32>
      %get3A_362 = arith.index_cast %mul3A_259 : i32 to index
      %get3A_363 = arith.constant 112 : index
      %get3A_364 = tpu.vector_load %arg11[%get3A_362, %get3A_363] {strides = array<i32>} : memref<40x128xf32, #tpu.memory_space<vmem>>, vector<1x16xf32>,
      %get3A_365 = vector.shape_cast %get3A_364 : vector<1x16xf32> to vector<16xf32>
      %mul3A_366 = arith.mulf %get3A_361, %get3A_365 : vector<16xf32>
      %swap3A_367 = arith.index_cast %mul3A_259 : i32 to index
      %swap3A_368 = arith.constant 112 : index
      %swap3A_369 = tpu.vector_load %arg14[%swap3A_367, %swap3A_368] {strides = array<i32>} : memref<40x128xf32, #tpu.memory_space<vmem>>, vector<1x16xf32>,
      %swap3A_370 = vector.shape_cast %swap3A_369 : vector<1x16xf32> to vector<16xf32>
      %swap3A_371 = vector.shape_cast %mul3A_366 : vector<16xf32> to vector<1x16xf32>
      tpu.vector_store %arg14[%swap3A_367, %swap3A_368], %swap3A_371 {strides = array<i32>} : memref<40x128xf32, #tpu.memory_space<vmem>>, vector<1x16xf32>,
      %get3A_372 = arith.index_cast %add3A_261 : i32 to index
      %get3A_373 = arith.constant 0 : index
      %get3A_374 = tpu.vector_load %arg14[%get3A_372, %get3A_373] {strides = array<i32>} : memref<40x128xf32, #tpu.memory_space<vmem>>, vector<1x16xf32>,
      %get3A_375 = vector.shape_cast %get3A_374 : vector<1x16xf32> to vector<16xf32>
      %get3A_376 = arith.index_cast %add3A_261 : i32 to index
      %get3A_377 = arith.constant 0 : index
      %get3A_378 = tpu.vector_load %arg11[%get3A_376, %get3A_377] {strides = array<i32>} : memref<40x128xf32, #tpu.memory_space<vmem>>, vector<1x16xf32>,
      %get3A_379 = vector.shape_cast %get3A_378 : vector<1x16xf32> to vector<16xf32>
      %mul3A_380 = arith.mulf %get3A_375, %get3A_379 : vector<16xf32>
      %swap3A_381 = arith.index_cast %add3A_261 : i32 to index
      %swap3A_382 = arith.constant 0 : index
      %swap3A_383 = tpu.vector_load %arg14[%swap3A_381, %swap3A_382] {strides = array<i32>} : memref<40x128xf32, #tpu.memory_space<vmem>>, vector<1x16xf32>,
      %swap3A_384 = vector.shape_cast %swap3A_383 : vector<1x16xf32> to vector<16xf32>
      %swap3A_385 = vector.shape_cast %mul3A_380 : vector<16xf32> to vector<1x16xf32>
      tpu.vector_store %arg14[%swap3A_381, %swap3A_382], %swap3A_385 {strides = array<i32>} : memref<40x128xf32, #tpu.memory_space<vmem>>, vector<1x16xf32>,
      %get3A_386 = arith.index_cast %add3A_261 : i32 to index
      %get3A_387 = arith.constant 16 : index
      %get3A_388 = tpu.vector_load %arg14[%get3A_386, %get3A_387] {strides = array<i32>} : memref<40x128xf32, #tpu.memory_space<vmem>>, vector<1x16xf32>,
      %get3A_389 = vector.shape_cast %get3A_388 : vector<1x16xf32> to vector<16xf32>
      %get3A_390 = arith.index_cast %add3A_261 : i32 to index
      %get3A_391 = arith.constant 16 : index
      %get3A_392 = tpu.vector_load %arg11[%get3A_390, %get3A_391] {strides = array<i32>} : memref<40x128xf32, #tpu.memory_space<vmem>>, vector<1x16xf32>,
      %get3A_393 = vector.shape_cast %get3A_392 : vector<1x16xf32> to vector<16xf32>
      %mul3A_394 = arith.mulf %get3A_389, %get3A_393 : vector<16xf32>
      %swap3A_395 = arith.index_cast %add3A_261 : i32 to index
      %swap3A_396 = arith.constant 16 : index
      %swap3A_397 = tpu.vector_load %arg14[%swap3A_395, %swap3A_396] {strides = array<i32>} : memref<40x128xf32, #tpu.memory_space<vmem>>, vector<1x16xf32>,
      %swap3A_398 = vector.shape_cast %swap3A_397 : vector<1x16xf32> to vector<16xf32>
      %swap3A_399 = vector.shape_cast %mul3A_394 : vector<16xf32> to vector<1x16xf32>
      tpu.vector_store %arg14[%swap3A_395, %swap3A_396], %swap3A_399 {strides = array<i32>} : memref<40x128xf32, #tpu.memory_space<vmem>>, vector<1x16xf32>,
      %get3A_400 = arith.index_cast %add3A_261 : i32 to index
      %get3A_401 = arith.constant 32 : index
      %get3A_402 = tpu.vector_load %arg14[%get3A_400, %get3A_401] {strides = array<i32>} : memref<40x128xf32, #tpu.memory_space<vmem>>, vector<1x16xf32>,
      %get3A_403 = vector.shape_cast %get3A_402 : vector<1x16xf32> to vector<16xf32>
      %get3A_404 = arith.index_cast %add3A_261 : i32 to index
      %get3A_405 = arith.constant 32 : index
      %get3A_406 = tpu.vector_load %arg11[%get3A_404, %get3A_405] {strides = array<i32>} : memref<40x128xf32, #tpu.memory_space<vmem>>, vector<1x16xf32>,
      %get3A_407 = vector.shape_cast %get3A_406 : vector<1x16xf32> to vector<16xf32>
      %mul3A_408 = arith.mulf %get3A_403, %get3A_407 : vector<16xf32>
      %swap3A_409 = arith.index_cast %add3A_261 : i32 to index
      %swap3A_410 = arith.constant 32 : index
      %swap3A_411 = tpu.vector_load %arg14[%swap3A_409, %swap3A_410] {strides = array<i32>} : memref<40x128xf32, #tpu.memory_space<vmem>>, vector<1x16xf32>,
      %swap3A_412 = vector.shape_cast %swap3A_411 : vector<1x16xf32> to vector<16xf32>
      %swap3A_413 = vector.shape_cast %mul3A_408 : vector<16xf32> to vector<1x16xf32>
      tpu.vector_store %arg14[%swap3A_409, %swap3A_410], %swap3A_413 {strides = array<i32>} : memref<40x128xf32, #tpu.memory_space<vmem>>, vector<1x16xf32>,
      %get3A_414 = arith.index_cast %add3A_261 : i32 to index
      %get3A_415 = arith.constant 48 : index
      %get3A_416 = tpu.vector_load %arg14[%get3A_414, %get3A_415] {strides = array<i32>} : memref<40x128xf32, #tpu.memory_space<vmem>>, vector<1x16xf32>,
      %get3A_417 = vector.shape_cast %get3A_416 : vector<1x16xf32> to vector<16xf32>
      %get3A_418 = arith.index_cast %add3A_261 : i32 to index
      %get3A_419 = arith.constant 48 : index
      %get3A_420 = tpu.vector_load %arg11[%get3A_418, %get3A_419] {strides = array<i32>} : memref<40x128xf32, #tpu.memory_space<vmem>>, vector<1x16xf32>,
      %get3A_421 = vector.shape_cast %get3A_420 : vector<1x16xf32> to vector<16xf32>
      %mul3A_422 = arith.mulf %get3A_417, %get3A_421 : vector<16xf32>
      %swap3A_423 = arith.index_cast %add3A_261 : i32 to index
      %swap3A_424 = arith.constant 48 : index
      %swap3A_425 = tpu.vector_load %arg14[%swap3A_423, %swap3A_424] {strides = array<i32>} : memref<40x128xf32, #tpu.memory_space<vmem>>, vector<1x16xf32>,
      %swap3A_426 = vector.shape_cast %swap3A_425 : vector<1x16xf32> to vector<16xf32>
      %swap3A_427 = vector.shape_cast %mul3A_422 : vector<16xf32> to vector<1x16xf32>
      tpu.vector_store %arg14[%swap3A_423, %swap3A_424], %swap3A_427 {strides = array<i32>} : memref<40x128xf32, #tpu.memory_space<vmem>>, vector<1x16xf32>,
      %get3A_428 = arith.index_cast %add3A_261 : i32 to index
      %get3A_429 = arith.constant 64 : index
      %get3A_430 = tpu.vector_load %arg14[%get3A_428, %get3A_429] {strides = array<i32>} : memref<40x128xf32, #tpu.memory_space<vmem>>, vector<1x16xf32>,
      %get3A_431 = vector.shape_cast %get3A_430 : vector<1x16xf32> to vector<16xf32>
      %get3A_432 = arith.index_cast %add3A_261 : i32 to index
      %get3A_433 = arith.constant 64 : index
      %get3A_434 = tpu.vector_load %arg11[%get3A_432, %get3A_433] {strides = array<i32>} : memref<40x128xf32, #tpu.memory_space<vmem>>, vector<1x16xf32>,
      %get3A_435 = vector.shape_cast %get3A_434 : vector<1x16xf32> to vector<16xf32>
      %mul3A_436 = arith.mulf %get3A_431, %get3A_435 : vector<16xf32>
      %swap3A_437 = arith.index_cast %add3A_261 : i32 to index
      %swap3A_438 = arith.constant 64 : index
      %swap3A_439 = tpu.vector_load %arg14[%swap3A_437, %swap3A_438] {strides = array<i32>} : memref<40x128xf32, #tpu.memory_space<vmem>>, vector<1x16xf32>,
      %swap3A_440 = vector.shape_cast %swap3A_439 : vector<1x16xf32> to vector<16xf32>
      %swap3A_441 = vector.shape_cast %mul3A_436 : vector<16xf32> to vector<1x16xf32>
      tpu.vector_store %arg14[%swap3A_437, %swap3A_438], %swap3A_441 {strides = array<i32>} : memref<40x128xf32, #tpu.memory_space<vmem>>, vector<1x16xf32>,
      %get3A_442 = arith.index_cast %add3A_261 : i32 to index
      %get3A_443 = arith.constant 80 : index
      %get3A_444 = tpu.vector_load %arg14[%get3A_442, %get3A_443] {strides = array<i32>} : memref<40x128xf32, #tpu.memory_space<vmem>>, vector<1x16xf32>,
      %get3A_445 = vector.shape_cast %get3A_444 : vector<1x16xf32> to vector<16xf32>
      %get3A_446 = arith.index_cast %add3A_261 : i32 to index
      %get3A_447 = arith.constant 80 : index
      %get3A_448 = tpu.vector_load %arg11[%get3A_446, %get3A_447] {strides = array<i32>} : memref<40x128xf32, #tpu.memory_space<vmem>>, vector<1x16xf32>,
      %get3A_449 = vector.shape_cast %get3A_448 : vector<1x16xf32> to vector<16xf32>
      %mul3A_450 = arith.mulf %get3A_445, %get3A_449 : vector<16xf32>
      %swap3A_451 = arith.index_cast %add3A_261 : i32 to index
      %swap3A_452 = arith.constant 80 : index
      %swap3A_453 = tpu.vector_load %arg14[%swap3A_451, %swap3A_452] {strides = array<i32>} : memref<40x128xf32, #tpu.memory_space<vmem>>, vector<1x16xf32>,
      %swap3A_454 = vector.shape_cast %swap3A_453 : vector<1x16xf32> to vector<16xf32>
      %swap3A_455 = vector.shape_cast %mul3A_450 : vector<16xf32> to vector<1x16xf32>
      tpu.vector_store %arg14[%swap3A_451, %swap3A_452], %swap3A_455 {strides = array<i32>} : memref<40x128xf32, #tpu.memory_space<vmem>>, vector<1x16xf32>,
      %get3A_456 = arith.index_cast %add3A_261 : i32 to index
      %get3A_457 = arith.constant 96 : index
      %get3A_458 = tpu.vector_load %arg14[%get3A_456, %get3A_457] {strides = array<i32>} : memref<40x128xf32, #tpu.memory_space<vmem>>, vector<1x16xf32>,
      %get3A_459 = vector.shape_cast %get3A_458 : vector<1x16xf32> to vector<16xf32>
      %get3A_460 = arith.index_cast %add3A_261 : i32 to index
      %get3A_461 = arith.constant 96 : index
      %get3A_462 = tpu.vector_load %arg11[%get3A_460, %get3A_461] {strides = array<i32>} : memref<40x128xf32, #tpu.memory_space<vmem>>, vector<1x16xf32>,
      %get3A_463 = vector.shape_cast %get3A_462 : vector<1x16xf32> to vector<16xf32>
      %mul3A_464 = arith.mulf %get3A_459, %get3A_463 : vector<16xf32>
      %swap3A_465 = arith.index_cast %add3A_261 : i32 to index
      %swap3A_466 = arith.constant 96 : index
      %swap3A_467 = tpu.vector_load %arg14[%swap3A_465, %swap3A_466] {strides = array<i32>} : memref<40x128xf32, #tpu.memory_space<vmem>>, vector<1x16xf32>,
      %swap3A_468 = vector.shape_cast %swap3A_467 : vector<1x16xf32> to vector<16xf32>
      %swap3A_469 = vector.shape_cast %mul3A_464 : vector<16xf32> to vector<1x16xf32>
      tpu.vector_store %arg14[%swap3A_465, %swap3A_466], %swap3A_469 {strides = array<i32>} : memref<40x128xf32, #tpu.memory_space<vmem>>, vector<1x16xf32>,
      %get3A_470 = arith.index_cast %add3A_261 : i32 to index
      %get3A_471 = arith.constant 112 : index
      %get3A_472 = tpu.vector_load %arg14[%get3A_470, %get3A_471] {strides = array<i32>} : memref<40x128xf32, #tpu.memory_space<vmem>>, vector<1x16xf32>,
      %get3A_473 = vector.shape_cast %get3A_472 : vector<1x16xf32> to vector<16xf32>
      %get3A_474 = arith.index_cast %add3A_261 : i32 to index
      %get3A_475 = arith.constant 112 : index
      %get3A_476 = tpu.vector_load %arg11[%get3A_474, %get3A_475] {strides = array<i32>} : memref<40x128xf32, #tpu.memory_space<vmem>>, vector<1x16xf32>,
      %get3A_477 = vector.shape_cast %get3A_476 : vector<1x16xf32> to vector<16xf32>
      %mul3A_478 = arith.mulf %get3A_473, %get3A_477 : vector<16xf32>
      %swap3A_479 = arith.index_cast %add3A_261 : i32 to index
      %swap3A_480 = arith.constant 112 : index
      %swap3A_481 = tpu.vector_load %arg14[%swap3A_479, %swap3A_480] {strides = array<i32>} : memref<40x128xf32, #tpu.memory_space<vmem>>, vector<1x16xf32>,
      %swap3A_482 = vector.shape_cast %swap3A_481 : vector<1x16xf32> to vector<16xf32>
      %swap3A_483 = vector.shape_cast %mul3A_478 : vector<16xf32> to vector<1x16xf32>
      tpu.vector_store %arg14[%swap3A_479, %swap3A_480], %swap3A_483 {strides = array<i32>} : memref<40x128xf32, #tpu.memory_space<vmem>>, vector<1x16xf32>,
      %scan3A_484 = arith.constant 0 : i32
      scf.yield %scan3A_484 : i32
    }
    %scan3A_145 = arith.constant 20 : i32
    %dma_start3A_146 = arith.constant 0 : i32
    %dma_start3A_147 = arith.constant 0 : i32
    %dma_start3A_148 = tpu.memref_slice %arg17[%dma_start3A_146, %dma_start3A_147] : memref<10240x128xf32, #tpu.memory_space<vmem_shared>> -> memref<10240x128xf32, #tpu.memory_space<vmem_shared>>
    tpu.enqueue_indirect_dma source(%arg14 : memref<40x128xf32, #tpu.memory_space<vmem>>) target(%dma_start3A_148 : memref<10240x128xf32, #tpu.memory_space<vmem_shared>>) offsets(%arg8 : memref<40xi32, #tpu.memory_space<vmem>>) semaphore(%arg27 : memref<!tpu.dma_semaphore, #tpu.memory_space<semaphore_mem>>) {add = true}
    %dma_wait3A_149 = arith.constant 0 : i32
    %dma_wait3A_150 = arith.constant 0 : i32
    %dma_wait3A_151 = tpu.memref_slice %arg17[%dma_wait3A_149, %dma_wait3A_150] : memref<10240x128xf32, #tpu.memory_space<vmem_shared>> -> memref<10240x128xf32, #tpu.memory_space<vmem_shared>>
    tpu.wait_indirect_dma semaphore(%arg27 : memref<!tpu.dma_semaphore, #tpu.memory_space<semaphore_mem>>) src(%arg14 : memref<40x128xf32, #tpu.memory_space<vmem>>) dst(%dma_wait3A_151 : memref<10240x128xf32, #tpu.memory_space<vmem_shared>>)
    %add3A_152 = arith.constant 9960 : i32
    %add3A_153 = arith.addi %mul3A_2, %add3A_152 : i32
    %dma_start3A_154 = tpu.memref_slice %arg4[%add3A_153] : memref<320000xi32, #tpu.memory_space<hbm>> -> memref<40xi32, #tpu.memory_space<hbm>>
    %dma_start3A_155 = tpu.memref_slice %arg4[%add3A_153] : memref<320000xi32, #tpu.memory_space<hbm>> -> memref<40xi32, #tpu.memory_space<hbm>>
    tpu.enqueue_dma source(%dma_start3A_155 : memref<40xi32, #tpu.memory_space<hbm>>) target(%arg8 : memref<40xi32, #tpu.memory_space<vmem>>) target_semaphore(%arg24 : memref<!tpu.dma_semaphore, #tpu.memory_space<semaphore_mem>>)
    %dma_start3A_156 = arith.constant 9960 : i32
    %dma_start3A_157 = tpu.memref_slice %arg7[%dma_start3A_156] : memref<10000xi32, #tpu.memory_space<vmem>> -> memref<40xi32, #tpu.memory_space<vmem>>
    %dma_start3A_158 = arith.constant 0 : i32
    %dma_start3A_159 = arith.constant 0 : i32
    %dma_start3A_160 = tpu.memref_slice %arg2[%dma_start3A_158, %dma_start3A_159] : memref<10000x128xf32, #tpu.memory_space<hbm>> -> memref<10000x128xf32, #tpu.memory_space<hbm>>
    tpu.enqueue_indirect_dma source(%dma_start3A_160 : memref<10000x128xf32, #tpu.memory_space<hbm>>) target(%arg11 : memref<40x128xf32, #tpu.memory_space<vmem>>) offsets(%dma_start3A_157 : memref<40xi32, #tpu.memory_space<vmem>>) semaphore(%arg18 : memref<!tpu.dma_semaphore, #tpu.memory_space<semaphore_mem>>)
    %add3A_161 = arith.constant 9960 : i32
    %add3A_162 = arith.addi %mul3A_2, %add3A_161 : i32
    %dma_start3A_163 = arith.constant 0 : i32
    %dma_start3A_164 = tpu.memref_slice %arg5[%add3A_162, %dma_start3A_163] : memref<320000x128xf32, #tpu.memory_space<hbm>> -> memref<40x128xf32, #tpu.memory_space<hbm>>
    %dma_start3A_165 = arith.constant 0 : i32
    %dma_start3A_166 = tpu.memref_slice %arg5[%add3A_162, %dma_start3A_165] : memref<320000x128xf32, #tpu.memory_space<hbm>> -> memref<40x128xf32, #tpu.memory_space<hbm>>
    tpu.enqueue_dma source(%dma_start3A_166 : memref<40x128xf32, #tpu.memory_space<hbm>>) target(%arg14 : memref<40x128xf32, #tpu.memory_space<vmem>>) target_semaphore(%arg21 : memref<!tpu.dma_semaphore, #tpu.memory_space<semaphore_mem>>)
    %add3A_167 = arith.constant 9880 : i32
    %add3A_168 = arith.addi %mul3A_2, %add3A_167 : i32
    %dma_wait3A_169 = tpu.memref_slice %arg4[%add3A_168] : memref<320000xi32, #tpu.memory_space<hbm>> -> memref<40xi32, #tpu.memory_space<hbm>>
    %dma_wait3A_170 = tpu.memref_slice %arg4[%add3A_168] : memref<320000xi32, #tpu.memory_space<hbm>> -> memref<40xi32, #tpu.memory_space<hbm>>
    tpu.wait_dma2 semaphore(%arg25 : memref<!tpu.dma_semaphore, #tpu.memory_space<semaphore_mem>>) src(%dma_wait3A_170 : memref<40xi32, #tpu.memory_space<hbm>>) dst(%arg9 : memref<40xi32, #tpu.memory_space<vmem>>)
    %dma_wait3A_171 = arith.constant 9880 : i32
    %dma_wait3A_172 = tpu.memref_slice %arg7[%dma_wait3A_171] : memref<10000xi32, #tpu.memory_space<vmem>> -> memref<40xi32, #tpu.memory_space<vmem>>
    %dma_wait3A_173 = arith.constant 0 : i32
    %dma_wait3A_174 = arith.constant 0 : i32
    %dma_wait3A_175 = tpu.memref_slice %arg2[%dma_wait3A_173, %dma_wait3A_174] : memref<10000x128xf32, #tpu.memory_space<hbm>> -> memref<10000x128xf32, #tpu.memory_space<hbm>>
    tpu.wait_indirect_dma semaphore(%arg19 : memref<!tpu.dma_semaphore, #tpu.memory_space<semaphore_mem>>) src(%dma_wait3A_175 : memref<10000x128xf32, #tpu.memory_space<hbm>>) dst(%arg12 : memref<40x128xf32, #tpu.memory_space<vmem>>)
    %add3A_176 = arith.constant 9880 : i32
    %add3A_177 = arith.addi %mul3A_2, %add3A_176 : i32
    %dma_wait3A_178 = arith.constant 0 : i32
    %dma_wait3A_179 = tpu.memref_slice %arg5[%add3A_177, %dma_wait3A_178] : memref<320000x128xf32, #tpu.memory_space<hbm>> -> memref<40x128xf32, #tpu.memory_space<hbm>>
    %dma_wait3A_180 = arith.constant 0 : i32
    %dma_wait3A_181 = tpu.memref_slice %arg5[%add3A_177, %dma_wait3A_180] : memref<320000x128xf32, #tpu.memory_space<hbm>> -> memref<40x128xf32, #tpu.memory_space<hbm>>
    tpu.wait_dma2 semaphore(%arg22 : memref<!tpu.dma_semaphore, #tpu.memory_space<semaphore_mem>>) src(%dma_wait3A_181 : memref<40x128xf32, #tpu.memory_space<hbm>>) dst(%arg15 : memref<40x128xf32, #tpu.memory_space<vmem>>)
    %scan3A_182 = arith.constant 0 : i32
    %scan3A_183 = arith.constant 0 : i32
    %scan3A_184 = arith.constant 20 : i32
    %scan3A_185 = arith.addi %scan3A_183, %scan3A_184 : i32
    %scan3A_186 = arith.constant 1 : i32
    %scan3A_187 = scf.for %scan3A_256 = %scan3A_183 to %scan3A_185 step %scan3A_186 iter_args(%scan3A_257 = %scan3A_182) -> (i32)  : i32 {
      %mul3A_258 = arith.constant 2 : i32
      %mul3A_259 = arith.muli %mul3A_258, %scan3A_256 : i32
      %add3A_260 = arith.constant 1 : i32
      %add3A_261 = arith.addi %mul3A_259, %add3A_260 : i32
      %get3A = arith.index_cast %mul3A_259 : i32 to index
      %get3A_262 = arith.constant 0 : index
      %get3A_263 = tpu.vector_load %arg15[%get3A, %get3A_262] {strides = array<i32>} : memref<40x128xf32, #tpu.memory_space<vmem>>, vector<1x16xf32>,
      %get3A_264 = vector.shape_cast %get3A_263 : vector<1x16xf32> to vector<16xf32>
      %get3A_265 = arith.index_cast %mul3A_259 : i32 to index
      %get3A_266 = arith.constant 0 : index
      %get3A_267 = tpu.vector_load %arg12[%get3A_265, %get3A_266] {strides = array<i32>} : memref<40x128xf32, #tpu.memory_space<vmem>>, vector<1x16xf32>,
      %get3A_268 = vector.shape_cast %get3A_267 : vector<1x16xf32> to vector<16xf32>
      %mul3A_269 = arith.mulf %get3A_264, %get3A_268 : vector<16xf32>
      %swap3A = arith.index_cast %mul3A_259 : i32 to index
      %swap3A_270 = arith.constant 0 : index
      %swap3A_271 = tpu.vector_load %arg15[%swap3A, %swap3A_270] {strides = array<i32>} : memref<40x128xf32, #tpu.memory_space<vmem>>, vector<1x16xf32>,
      %swap3A_272 = vector.shape_cast %swap3A_271 : vector<1x16xf32> to vector<16xf32>
      %swap3A_273 = vector.shape_cast %mul3A_269 : vector<16xf32> to vector<1x16xf32>
      tpu.vector_store %arg15[%swap3A, %swap3A_270], %swap3A_273 {strides = array<i32>} : memref<40x128xf32, #tpu.memory_space<vmem>>, vector<1x16xf32>,
      %get3A_274 = arith.index_cast %mul3A_259 : i32 to index
      %get3A_275 = arith.constant 16 : index
      %get3A_276 = tpu.vector_load %arg15[%get3A_274, %get3A_275] {strides = array<i32>} : memref<40x128xf32, #tpu.memory_space<vmem>>, vector<1x16xf32>,
      %get3A_277 = vector.shape_cast %get3A_276 : vector<1x16xf32> to vector<16xf32>
      %get3A_278 = arith.index_cast %mul3A_259 : i32 to index
      %get3A_279 = arith.constant 16 : index
      %get3A_280 = tpu.vector_load %arg12[%get3A_278, %get3A_279] {strides = array<i32>} : memref<40x128xf32, #tpu.memory_space<vmem>>, vector<1x16xf32>,
      %get3A_281 = vector.shape_cast %get3A_280 : vector<1x16xf32> to vector<16xf32>
      %mul3A_282 = arith.mulf %get3A_277, %get3A_281 : vector<16xf32>
      %swap3A_283 = arith.index_cast %mul3A_259 : i32 to index
      %swap3A_284 = arith.constant 16 : index
      %swap3A_285 = tpu.vector_load %arg15[%swap3A_283, %swap3A_284] {strides = array<i32>} : memref<40x128xf32, #tpu.memory_space<vmem>>, vector<1x16xf32>,
      %swap3A_286 = vector.shape_cast %swap3A_285 : vector<1x16xf32> to vector<16xf32>
      %swap3A_287 = vector.shape_cast %mul3A_282 : vector<16xf32> to vector<1x16xf32>
      tpu.vector_store %arg15[%swap3A_283, %swap3A_284], %swap3A_287 {strides = array<i32>} : memref<40x128xf32, #tpu.memory_space<vmem>>, vector<1x16xf32>,
      %get3A_288 = arith.index_cast %mul3A_259 : i32 to index
      %get3A_289 = arith.constant 32 : index
      %get3A_290 = tpu.vector_load %arg15[%get3A_288, %get3A_289] {strides = array<i32>} : memref<40x128xf32, #tpu.memory_space<vmem>>, vector<1x16xf32>,
      %get3A_291 = vector.shape_cast %get3A_290 : vector<1x16xf32> to vector<16xf32>
      %get3A_292 = arith.index_cast %mul3A_259 : i32 to index
      %get3A_293 = arith.constant 32 : index
      %get3A_294 = tpu.vector_load %arg12[%get3A_292, %get3A_293] {strides = array<i32>} : memref<40x128xf32, #tpu.memory_space<vmem>>, vector<1x16xf32>,
      %get3A_295 = vector.shape_cast %get3A_294 : vector<1x16xf32> to vector<16xf32>
      %mul3A_296 = arith.mulf %get3A_291, %get3A_295 : vector<16xf32>
      %swap3A_297 = arith.index_cast %mul3A_259 : i32 to index
      %swap3A_298 = arith.constant 32 : index
      %swap3A_299 = tpu.vector_load %arg15[%swap3A_297, %swap3A_298] {strides = array<i32>} : memref<40x128xf32, #tpu.memory_space<vmem>>, vector<1x16xf32>,
      %swap3A_300 = vector.shape_cast %swap3A_299 : vector<1x16xf32> to vector<16xf32>
      %swap3A_301 = vector.shape_cast %mul3A_296 : vector<16xf32> to vector<1x16xf32>
      tpu.vector_store %arg15[%swap3A_297, %swap3A_298], %swap3A_301 {strides = array<i32>} : memref<40x128xf32, #tpu.memory_space<vmem>>, vector<1x16xf32>,
      %get3A_302 = arith.index_cast %mul3A_259 : i32 to index
      %get3A_303 = arith.constant 48 : index
      %get3A_304 = tpu.vector_load %arg15[%get3A_302, %get3A_303] {strides = array<i32>} : memref<40x128xf32, #tpu.memory_space<vmem>>, vector<1x16xf32>,
      %get3A_305 = vector.shape_cast %get3A_304 : vector<1x16xf32> to vector<16xf32>
      %get3A_306 = arith.index_cast %mul3A_259 : i32 to index
      %get3A_307 = arith.constant 48 : index
      %get3A_308 = tpu.vector_load %arg12[%get3A_306, %get3A_307] {strides = array<i32>} : memref<40x128xf32, #tpu.memory_space<vmem>>, vector<1x16xf32>,
      %get3A_309 = vector.shape_cast %get3A_308 : vector<1x16xf32> to vector<16xf32>
      %mul3A_310 = arith.mulf %get3A_305, %get3A_309 : vector<16xf32>
      %swap3A_311 = arith.index_cast %mul3A_259 : i32 to index
      %swap3A_312 = arith.constant 48 : index
      %swap3A_313 = tpu.vector_load %arg15[%swap3A_311, %swap3A_312] {strides = array<i32>} : memref<40x128xf32, #tpu.memory_space<vmem>>, vector<1x16xf32>,
      %swap3A_314 = vector.shape_cast %swap3A_313 : vector<1x16xf32> to vector<16xf32>
      %swap3A_315 = vector.shape_cast %mul3A_310 : vector<16xf32> to vector<1x16xf32>
      tpu.vector_store %arg15[%swap3A_311, %swap3A_312], %swap3A_315 {strides = array<i32>} : memref<40x128xf32, #tpu.memory_space<vmem>>, vector<1x16xf32>,
      %get3A_316 = arith.index_cast %mul3A_259 : i32 to index
      %get3A_317 = arith.constant 64 : index
      %get3A_318 = tpu.vector_load %arg15[%get3A_316, %get3A_317] {strides = array<i32>} : memref<40x128xf32, #tpu.memory_space<vmem>>, vector<1x16xf32>,
      %get3A_319 = vector.shape_cast %get3A_318 : vector<1x16xf32> to vector<16xf32>
      %get3A_320 = arith.index_cast %mul3A_259 : i32 to index
      %get3A_321 = arith.constant 64 : index
      %get3A_322 = tpu.vector_load %arg12[%get3A_320, %get3A_321] {strides = array<i32>} : memref<40x128xf32, #tpu.memory_space<vmem>>, vector<1x16xf32>,
      %get3A_323 = vector.shape_cast %get3A_322 : vector<1x16xf32> to vector<16xf32>
      %mul3A_324 = arith.mulf %get3A_319, %get3A_323 : vector<16xf32>
      %swap3A_325 = arith.index_cast %mul3A_259 : i32 to index
      %swap3A_326 = arith.constant 64 : index
      %swap3A_327 = tpu.vector_load %arg15[%swap3A_325, %swap3A_326] {strides = array<i32>} : memref<40x128xf32, #tpu.memory_space<vmem>>, vector<1x16xf32>,
      %swap3A_328 = vector.shape_cast %swap3A_327 : vector<1x16xf32> to vector<16xf32>
      %swap3A_329 = vector.shape_cast %mul3A_324 : vector<16xf32> to vector<1x16xf32>
      tpu.vector_store %arg15[%swap3A_325, %swap3A_326], %swap3A_329 {strides = array<i32>} : memref<40x128xf32, #tpu.memory_space<vmem>>, vector<1x16xf32>,
      %get3A_330 = arith.index_cast %mul3A_259 : i32 to index
      %get3A_331 = arith.constant 80 : index
      %get3A_332 = tpu.vector_load %arg15[%get3A_330, %get3A_331] {strides = array<i32>} : memref<40x128xf32, #tpu.memory_space<vmem>>, vector<1x16xf32>,
      %get3A_333 = vector.shape_cast %get3A_332 : vector<1x16xf32> to vector<16xf32>
      %get3A_334 = arith.index_cast %mul3A_259 : i32 to index
      %get3A_335 = arith.constant 80 : index
      %get3A_336 = tpu.vector_load %arg12[%get3A_334, %get3A_335] {strides = array<i32>} : memref<40x128xf32, #tpu.memory_space<vmem>>, vector<1x16xf32>,
      %get3A_337 = vector.shape_cast %get3A_336 : vector<1x16xf32> to vector<16xf32>
      %mul3A_338 = arith.mulf %get3A_333, %get3A_337 : vector<16xf32>
      %swap3A_339 = arith.index_cast %mul3A_259 : i32 to index
      %swap3A_340 = arith.constant 80 : index
      %swap3A_341 = tpu.vector_load %arg15[%swap3A_339, %swap3A_340] {strides = array<i32>} : memref<40x128xf32, #tpu.memory_space<vmem>>, vector<1x16xf32>,
      %swap3A_342 = vector.shape_cast %swap3A_341 : vector<1x16xf32> to vector<16xf32>
      %swap3A_343 = vector.shape_cast %mul3A_338 : vector<16xf32> to vector<1x16xf32>
      tpu.vector_store %arg15[%swap3A_339, %swap3A_340], %swap3A_343 {strides = array<i32>} : memref<40x128xf32, #tpu.memory_space<vmem>>, vector<1x16xf32>,
      %get3A_344 = arith.index_cast %mul3A_259 : i32 to index
      %get3A_345 = arith.constant 96 : index
      %get3A_346 = tpu.vector_load %arg15[%get3A_344, %get3A_345] {strides = array<i32>} : memref<40x128xf32, #tpu.memory_space<vmem>>, vector<1x16xf32>,
      %get3A_347 = vector.shape_cast %get3A_346 : vector<1x16xf32> to vector<16xf32>
      %get3A_348 = arith.index_cast %mul3A_259 : i32 to index
      %get3A_349 = arith.constant 96 : index
      %get3A_350 = tpu.vector_load %arg12[%get3A_348, %get3A_349] {strides = array<i32>} : memref<40x128xf32, #tpu.memory_space<vmem>>, vector<1x16xf32>,
      %get3A_351 = vector.shape_cast %get3A_350 : vector<1x16xf32> to vector<16xf32>
      %mul3A_352 = arith.mulf %get3A_347, %get3A_351 : vector<16xf32>
      %swap3A_353 = arith.index_cast %mul3A_259 : i32 to index
      %swap3A_354 = arith.constant 96 : index
      %swap3A_355 = tpu.vector_load %arg15[%swap3A_353, %swap3A_354] {strides = array<i32>} : memref<40x128xf32, #tpu.memory_space<vmem>>, vector<1x16xf32>,
      %swap3A_356 = vector.shape_cast %swap3A_355 : vector<1x16xf32> to vector<16xf32>
      %swap3A_357 = vector.shape_cast %mul3A_352 : vector<16xf32> to vector<1x16xf32>
      tpu.vector_store %arg15[%swap3A_353, %swap3A_354], %swap3A_357 {strides = array<i32>} : memref<40x128xf32, #tpu.memory_space<vmem>>, vector<1x16xf32>,
      %get3A_358 = arith.index_cast %mul3A_259 : i32 to index
      %get3A_359 = arith.constant 112 : index
      %get3A_360 = tpu.vector_load %arg15[%get3A_358, %get3A_359] {strides = array<i32>} : memref<40x128xf32, #tpu.memory_space<vmem>>, vector<1x16xf32>,
      %get3A_361 = vector.shape_cast %get3A_360 : vector<1x16xf32> to vector<16xf32>
      %get3A_362 = arith.index_cast %mul3A_259 : i32 to index
      %get3A_363 = arith.constant 112 : index
      %get3A_364 = tpu.vector_load %arg12[%get3A_362, %get3A_363] {strides = array<i32>} : memref<40x128xf32, #tpu.memory_space<vmem>>, vector<1x16xf32>,
      %get3A_365 = vector.shape_cast %get3A_364 : vector<1x16xf32> to vector<16xf32>
      %mul3A_366 = arith.mulf %get3A_361, %get3A_365 : vector<16xf32>
      %swap3A_367 = arith.index_cast %mul3A_259 : i32 to index
      %swap3A_368 = arith.constant 112 : index
      %swap3A_369 = tpu.vector_load %arg15[%swap3A_367, %swap3A_368] {strides = array<i32>} : memref<40x128xf32, #tpu.memory_space<vmem>>, vector<1x16xf32>,
      %swap3A_370 = vector.shape_cast %swap3A_369 : vector<1x16xf32> to vector<16xf32>
      %swap3A_371 = vector.shape_cast %mul3A_366 : vector<16xf32> to vector<1x16xf32>
      tpu.vector_store %arg15[%swap3A_367, %swap3A_368], %swap3A_371 {strides = array<i32>} : memref<40x128xf32, #tpu.memory_space<vmem>>, vector<1x16xf32>,
      %get3A_372 = arith.index_cast %add3A_261 : i32 to index
      %get3A_373 = arith.constant 0 : index
      %get3A_374 = tpu.vector_load %arg15[%get3A_372, %get3A_373] {strides = array<i32>} : memref<40x128xf32, #tpu.memory_space<vmem>>, vector<1x16xf32>,
      %get3A_375 = vector.shape_cast %get3A_374 : vector<1x16xf32> to vector<16xf32>
      %get3A_376 = arith.index_cast %add3A_261 : i32 to index
      %get3A_377 = arith.constant 0 : index
      %get3A_378 = tpu.vector_load %arg12[%get3A_376, %get3A_377] {strides = array<i32>} : memref<40x128xf32, #tpu.memory_space<vmem>>, vector<1x16xf32>,
      %get3A_379 = vector.shape_cast %get3A_378 : vector<1x16xf32> to vector<16xf32>
      %mul3A_380 = arith.mulf %get3A_375, %get3A_379 : vector<16xf32>
      %swap3A_381 = arith.index_cast %add3A_261 : i32 to index
      %swap3A_382 = arith.constant 0 : index
      %swap3A_383 = tpu.vector_load %arg15[%swap3A_381, %swap3A_382] {strides = array<i32>} : memref<40x128xf32, #tpu.memory_space<vmem>>, vector<1x16xf32>,
      %swap3A_384 = vector.shape_cast %swap3A_383 : vector<1x16xf32> to vector<16xf32>
      %swap3A_385 = vector.shape_cast %mul3A_380 : vector<16xf32> to vector<1x16xf32>
      tpu.vector_store %arg15[%swap3A_381, %swap3A_382], %swap3A_385 {strides = array<i32>} : memref<40x128xf32, #tpu.memory_space<vmem>>, vector<1x16xf32>,
      %get3A_386 = arith.index_cast %add3A_261 : i32 to index
      %get3A_387 = arith.constant 16 : index
      %get3A_388 = tpu.vector_load %arg15[%get3A_386, %get3A_387] {strides = array<i32>} : memref<40x128xf32, #tpu.memory_space<vmem>>, vector<1x16xf32>,
      %get3A_389 = vector.shape_cast %get3A_388 : vector<1x16xf32> to vector<16xf32>
      %get3A_390 = arith.index_cast %add3A_261 : i32 to index
      %get3A_391 = arith.constant 16 : index
      %get3A_392 = tpu.vector_load %arg12[%get3A_390, %get3A_391] {strides = array<i32>} : memref<40x128xf32, #tpu.memory_space<vmem>>, vector<1x16xf32>,
      %get3A_393 = vector.shape_cast %get3A_392 : vector<1x16xf32> to vector<16xf32>
      %mul3A_394 = arith.mulf %get3A_389, %get3A_393 : vector<16xf32>
      %swap3A_395 = arith.index_cast %add3A_261 : i32 to index
      %swap3A_396 = arith.constant 16 : index
      %swap3A_397 = tpu.vector_load %arg15[%swap3A_395, %swap3A_396] {strides = array<i32>} : memref<40x128xf32, #tpu.memory_space<vmem>>, vector<1x16xf32>,
      %swap3A_398 = vector.shape_cast %swap3A_397 : vector<1x16xf32> to vector<16xf32>
      %swap3A_399 = vector.shape_cast %mul3A_394 : vector<16xf32> to vector<1x16xf32>
      tpu.vector_store %arg15[%swap3A_395, %swap3A_396], %swap3A_399 {strides = array<i32>} : memref<40x128xf32, #tpu.memory_space<vmem>>, vector<1x16xf32>,
      %get3A_400 = arith.index_cast %add3A_261 : i32 to index
      %get3A_401 = arith.constant 32 : index
      %get3A_402 = tpu.vector_load %arg15[%get3A_400, %get3A_401] {strides = array<i32>} : memref<40x128xf32, #tpu.memory_space<vmem>>, vector<1x16xf32>,
      %get3A_403 = vector.shape_cast %get3A_402 : vector<1x16xf32> to vector<16xf32>
      %get3A_404 = arith.index_cast %add3A_261 : i32 to index
      %get3A_405 = arith.constant 32 : index
      %get3A_406 = tpu.vector_load %arg12[%get3A_404, %get3A_405] {strides = array<i32>} : memref<40x128xf32, #tpu.memory_space<vmem>>, vector<1x16xf32>,
      %get3A_407 = vector.shape_cast %get3A_406 : vector<1x16xf32> to vector<16xf32>
      %mul3A_408 = arith.mulf %get3A_403, %get3A_407 : vector<16xf32>
      %swap3A_409 = arith.index_cast %add3A_261 : i32 to index
      %swap3A_410 = arith.constant 32 : index
      %swap3A_411 = tpu.vector_load %arg15[%swap3A_409, %swap3A_410] {strides = array<i32>} : memref<40x128xf32, #tpu.memory_space<vmem>>, vector<1x16xf32>,
      %swap3A_412 = vector.shape_cast %swap3A_411 : vector<1x16xf32> to vector<16xf32>
      %swap3A_413 = vector.shape_cast %mul3A_408 : vector<16xf32> to vector<1x16xf32>
      tpu.vector_store %arg15[%swap3A_409, %swap3A_410], %swap3A_413 {strides = array<i32>} : memref<40x128xf32, #tpu.memory_space<vmem>>, vector<1x16xf32>,
      %get3A_414 = arith.index_cast %add3A_261 : i32 to index
      %get3A_415 = arith.constant 48 : index
      %get3A_416 = tpu.vector_load %arg15[%get3A_414, %get3A_415] {strides = array<i32>} : memref<40x128xf32, #tpu.memory_space<vmem>>, vector<1x16xf32>,
      %get3A_417 = vector.shape_cast %get3A_416 : vector<1x16xf32> to vector<16xf32>
      %get3A_418 = arith.index_cast %add3A_261 : i32 to index
      %get3A_419 = arith.constant 48 : index
      %get3A_420 = tpu.vector_load %arg12[%get3A_418, %get3A_419] {strides = array<i32>} : memref<40x128xf32, #tpu.memory_space<vmem>>, vector<1x16xf32>,
      %get3A_421 = vector.shape_cast %get3A_420 : vector<1x16xf32> to vector<16xf32>
      %mul3A_422 = arith.mulf %get3A_417, %get3A_421 : vector<16xf32>
      %swap3A_423 = arith.index_cast %add3A_261 : i32 to index
      %swap3A_424 = arith.constant 48 : index
      %swap3A_425 = tpu.vector_load %arg15[%swap3A_423, %swap3A_424] {strides = array<i32>} : memref<40x128xf32, #tpu.memory_space<vmem>>, vector<1x16xf32>,
      %swap3A_426 = vector.shape_cast %swap3A_425 : vector<1x16xf32> to vector<16xf32>
      %swap3A_427 = vector.shape_cast %mul3A_422 : vector<16xf32> to vector<1x16xf32>
      tpu.vector_store %arg15[%swap3A_423, %swap3A_424], %swap3A_427 {strides = array<i32>} : memref<40x128xf32, #tpu.memory_space<vmem>>, vector<1x16xf32>,
      %get3A_428 = arith.index_cast %add3A_261 : i32 to index
      %get3A_429 = arith.constant 64 : index
      %get3A_430 = tpu.vector_load %arg15[%get3A_428, %get3A_429] {strides = array<i32>} : memref<40x128xf32, #tpu.memory_space<vmem>>, vector<1x16xf32>,
      %get3A_431 = vector.shape_cast %get3A_430 : vector<1x16xf32> to vector<16xf32>
      %get3A_432 = arith.index_cast %add3A_261 : i32 to index
      %get3A_433 = arith.constant 64 : index
      %get3A_434 = tpu.vector_load %arg12[%get3A_432, %get3A_433] {strides = array<i32>} : memref<40x128xf32, #tpu.memory_space<vmem>>, vector<1x16xf32>,
      %get3A_435 = vector.shape_cast %get3A_434 : vector<1x16xf32> to vector<16xf32>
      %mul3A_436 = arith.mulf %get3A_431, %get3A_435 : vector<16xf32>
      %swap3A_437 = arith.index_cast %add3A_261 : i32 to index
      %swap3A_438 = arith.constant 64 : index
      %swap3A_439 = tpu.vector_load %arg15[%swap3A_437, %swap3A_438] {strides = array<i32>} : memref<40x128xf32, #tpu.memory_space<vmem>>, vector<1x16xf32>,
      %swap3A_440 = vector.shape_cast %swap3A_439 : vector<1x16xf32> to vector<16xf32>
      %swap3A_441 = vector.shape_cast %mul3A_436 : vector<16xf32> to vector<1x16xf32>
      tpu.vector_store %arg15[%swap3A_437, %swap3A_438], %swap3A_441 {strides = array<i32>} : memref<40x128xf32, #tpu.memory_space<vmem>>, vector<1x16xf32>,
      %get3A_442 = arith.index_cast %add3A_261 : i32 to index
      %get3A_443 = arith.constant 80 : index
      %get3A_444 = tpu.vector_load %arg15[%get3A_442, %get3A_443] {strides = array<i32>} : memref<40x128xf32, #tpu.memory_space<vmem>>, vector<1x16xf32>,
      %get3A_445 = vector.shape_cast %get3A_444 : vector<1x16xf32> to vector<16xf32>
      %get3A_446 = arith.index_cast %add3A_261 : i32 to index
      %get3A_447 = arith.constant 80 : index
      %get3A_448 = tpu.vector_load %arg12[%get3A_446, %get3A_447] {strides = array<i32>} : memref<40x128xf32, #tpu.memory_space<vmem>>, vector<1x16xf32>,
      %get3A_449 = vector.shape_cast %get3A_448 : vector<1x16xf32> to vector<16xf32>
      %mul3A_450 = arith.mulf %get3A_445, %get3A_449 : vector<16xf32>
      %swap3A_451 = arith.index_cast %add3A_261 : i32 to index
      %swap3A_452 = arith.constant 80 : index
      %swap3A_453 = tpu.vector_load %arg15[%swap3A_451, %swap3A_452] {strides = array<i32>} : memref<40x128xf32, #tpu.memory_space<vmem>>, vector<1x16xf32>,
      %swap3A_454 = vector.shape_cast %swap3A_453 : vector<1x16xf32> to vector<16xf32>
      %swap3A_455 = vector.shape_cast %mul3A_450 : vector<16xf32> to vector<1x16xf32>
      tpu.vector_store %arg15[%swap3A_451, %swap3A_452], %swap3A_455 {strides = array<i32>} : memref<40x128xf32, #tpu.memory_space<vmem>>, vector<1x16xf32>,
      %get3A_456 = arith.index_cast %add3A_261 : i32 to index
      %get3A_457 = arith.constant 96 : index
      %get3A_458 = tpu.vector_load %arg15[%get3A_456, %get3A_457] {strides = array<i32>} : memref<40x128xf32, #tpu.memory_space<vmem>>, vector<1x16xf32>,
      %get3A_459 = vector.shape_cast %get3A_458 : vector<1x16xf32> to vector<16xf32>
      %get3A_460 = arith.index_cast %add3A_261 : i32 to index
      %get3A_461 = arith.constant 96 : index
      %get3A_462 = tpu.vector_load %arg12[%get3A_460, %get3A_461] {strides = array<i32>} : memref<40x128xf32, #tpu.memory_space<vmem>>, vector<1x16xf32>,
      %get3A_463 = vector.shape_cast %get3A_462 : vector<1x16xf32> to vector<16xf32>
      %mul3A_464 = arith.mulf %get3A_459, %get3A_463 : vector<16xf32>
      %swap3A_465 = arith.index_cast %add3A_261 : i32 to index
      %swap3A_466 = arith.constant 96 : index
      %swap3A_467 = tpu.vector_load %arg15[%swap3A_465, %swap3A_466] {strides = array<i32>} : memref<40x128xf32, #tpu.memory_space<vmem>>, vector<1x16xf32>,
      %swap3A_468 = vector.shape_cast %swap3A_467 : vector<1x16xf32> to vector<16xf32>
      %swap3A_469 = vector.shape_cast %mul3A_464 : vector<16xf32> to vector<1x16xf32>
      tpu.vector_store %arg15[%swap3A_465, %swap3A_466], %swap3A_469 {strides = array<i32>} : memref<40x128xf32, #tpu.memory_space<vmem>>, vector<1x16xf32>,
      %get3A_470 = arith.index_cast %add3A_261 : i32 to index
      %get3A_471 = arith.constant 112 : index
      %get3A_472 = tpu.vector_load %arg15[%get3A_470, %get3A_471] {strides = array<i32>} : memref<40x128xf32, #tpu.memory_space<vmem>>, vector<1x16xf32>,
      %get3A_473 = vector.shape_cast %get3A_472 : vector<1x16xf32> to vector<16xf32>
      %get3A_474 = arith.index_cast %add3A_261 : i32 to index
      %get3A_475 = arith.constant 112 : index
      %get3A_476 = tpu.vector_load %arg12[%get3A_474, %get3A_475] {strides = array<i32>} : memref<40x128xf32, #tpu.memory_space<vmem>>, vector<1x16xf32>,
      %get3A_477 = vector.shape_cast %get3A_476 : vector<1x16xf32> to vector<16xf32>
      %mul3A_478 = arith.mulf %get3A_473, %get3A_477 : vector<16xf32>
      %swap3A_479 = arith.index_cast %add3A_261 : i32 to index
      %swap3A_480 = arith.constant 112 : index
      %swap3A_481 = tpu.vector_load %arg15[%swap3A_479, %swap3A_480] {strides = array<i32>} : memref<40x128xf32, #tpu.memory_space<vmem>>, vector<1x16xf32>,
      %swap3A_482 = vector.shape_cast %swap3A_481 : vector<1x16xf32> to vector<16xf32>
      %swap3A_483 = vector.shape_cast %mul3A_478 : vector<16xf32> to vector<1x16xf32>
      tpu.vector_store %arg15[%swap3A_479, %swap3A_480], %swap3A_483 {strides = array<i32>} : memref<40x128xf32, #tpu.memory_space<vmem>>, vector<1x16xf32>,
      %scan3A_484 = arith.constant 0 : i32
      scf.yield %scan3A_484 : i32
    }
    %scan3A_188 = arith.constant 20 : i32
    %dma_start3A_189 = arith.constant 0 : i32
    %dma_start3A_190 = arith.constant 0 : i32
    %dma_start3A_191 = tpu.memref_slice %arg17[%dma_start3A_189, %dma_start3A_190] : memref<10240x128xf32, #tpu.memory_space<vmem_shared>> -> memref<10240x128xf32, #tpu.memory_space<vmem_shared>>
    tpu.enqueue_indirect_dma source(%arg15 : memref<40x128xf32, #tpu.memory_space<vmem>>) target(%dma_start3A_191 : memref<10240x128xf32, #tpu.memory_space<vmem_shared>>) offsets(%arg9 : memref<40xi32, #tpu.memory_space<vmem>>) semaphore(%arg28 : memref<!tpu.dma_semaphore, #tpu.memory_space<semaphore_mem>>) {add = true}
    %add3A_192 = arith.constant 9920 : i32
    %add3A_193 = arith.addi %mul3A_2, %add3A_192 : i32
    %dma_wait3A_194 = tpu.memref_slice %arg4[%add3A_193] : memref<320000xi32, #tpu.memory_space<hbm>> -> memref<40xi32, #tpu.memory_space<hbm>>
    %dma_wait3A_195 = tpu.memref_slice %arg4[%add3A_193] : memref<320000xi32, #tpu.memory_space<hbm>> -> memref<40xi32, #tpu.memory_space<hbm>>
    tpu.wait_dma2 semaphore(%arg26 : memref<!tpu.dma_semaphore, #tpu.memory_space<semaphore_mem>>) src(%dma_wait3A_195 : memref<40xi32, #tpu.memory_space<hbm>>) dst(%arg10 : memref<40xi32, #tpu.memory_space<vmem>>)
    %dma_wait3A_196 = arith.constant 9920 : i32
    %dma_wait3A_197 = tpu.memref_slice %arg7[%dma_wait3A_196] : memref<10000xi32, #tpu.memory_space<vmem>> -> memref<40xi32, #tpu.memory_space<vmem>>
    %dma_wait3A_198 = arith.constant 0 : i32
    %dma_wait3A_199 = arith.constant 0 : i32
    %dma_wait3A_200 = tpu.memref_slice %arg2[%dma_wait3A_198, %dma_wait3A_199] : memref<10000x128xf32, #tpu.memory_space<hbm>> -> memref<10000x128xf32, #tpu.memory_space<hbm>>
    tpu.wait_indirect_dma semaphore(%arg20 : memref<!tpu.dma_semaphore, #tpu.memory_space<semaphore_mem>>) src(%dma_wait3A_200 : memref<10000x128xf32, #tpu.memory_space<hbm>>) dst(%arg13 : memref<40x128xf32, #tpu.memory_space<vmem>>)
    %add3A_201 = arith.constant 9920 : i32
    %add3A_202 = arith.addi %mul3A_2, %add3A_201 : i32
    %dma_wait3A_203 = arith.constant 0 : i32
    %dma_wait3A_204 = tpu.memref_slice %arg5[%add3A_202, %dma_wait3A_203] : memref<320000x128xf32, #tpu.memory_space<hbm>> -> memref<40x128xf32, #tpu.memory_space<hbm>>
    %dma_wait3A_205 = arith.constant 0 : i32
    %dma_wait3A_206 = tpu.memref_slice %arg5[%add3A_202, %dma_wait3A_205] : memref<320000x128xf32, #tpu.memory_space<hbm>> -> memref<40x128xf32, #tpu.memory_space<hbm>>
    tpu.wait_dma2 semaphore(%arg23 : memref<!tpu.dma_semaphore, #tpu.memory_space<semaphore_mem>>) src(%dma_wait3A_206 : memref<40x128xf32, #tpu.memory_space<hbm>>) dst(%arg16 : memref<40x128xf32, #tpu.memory_space<vmem>>)
    %scan3A_207 = arith.constant 0 : i32
    %scan3A_208 = arith.constant 0 : i32
    %scan3A_209 = arith.constant 20 : i32
    %scan3A_210 = arith.addi %scan3A_208, %scan3A_209 : i32
    %scan3A_211 = arith.constant 1 : i32
    %scan3A_212 = scf.for %scan3A_256 = %scan3A_208 to %scan3A_210 step %scan3A_211 iter_args(%scan3A_257 = %scan3A_207) -> (i32)  : i32 {
      %mul3A_258 = arith.constant 2 : i32
      %mul3A_259 = arith.muli %mul3A_258, %scan3A_256 : i32
      %add3A_260 = arith.constant 1 : i32
      %add3A_261 = arith.addi %mul3A_259, %add3A_260 : i32
      %get3A = arith.index_cast %mul3A_259 : i32 to index
      %get3A_262 = arith.constant 0 : index
      %get3A_263 = tpu.vector_load %arg16[%get3A, %get3A_262] {strides = array<i32>} : memref<40x128xf32, #tpu.memory_space<vmem>>, vector<1x16xf32>,
      %get3A_264 = vector.shape_cast %get3A_263 : vector<1x16xf32> to vector<16xf32>
      %get3A_265 = arith.index_cast %mul3A_259 : i32 to index
      %get3A_266 = arith.constant 0 : index
      %get3A_267 = tpu.vector_load %arg13[%get3A_265, %get3A_266] {strides = array<i32>} : memref<40x128xf32, #tpu.memory_space<vmem>>, vector<1x16xf32>,
      %get3A_268 = vector.shape_cast %get3A_267 : vector<1x16xf32> to vector<16xf32>
      %mul3A_269 = arith.mulf %get3A_264, %get3A_268 : vector<16xf32>
      %swap3A = arith.index_cast %mul3A_259 : i32 to index
      %swap3A_270 = arith.constant 0 : index
      %swap3A_271 = tpu.vector_load %arg16[%swap3A, %swap3A_270] {strides = array<i32>} : memref<40x128xf32, #tpu.memory_space<vmem>>, vector<1x16xf32>,
      %swap3A_272 = vector.shape_cast %swap3A_271 : vector<1x16xf32> to vector<16xf32>
      %swap3A_273 = vector.shape_cast %mul3A_269 : vector<16xf32> to vector<1x16xf32>
      tpu.vector_store %arg16[%swap3A, %swap3A_270], %swap3A_273 {strides = array<i32>} : memref<40x128xf32, #tpu.memory_space<vmem>>, vector<1x16xf32>,
      %get3A_274 = arith.index_cast %mul3A_259 : i32 to index
      %get3A_275 = arith.constant 16 : index
      %get3A_276 = tpu.vector_load %arg16[%get3A_274, %get3A_275] {strides = array<i32>} : memref<40x128xf32, #tpu.memory_space<vmem>>, vector<1x16xf32>,
      %get3A_277 = vector.shape_cast %get3A_276 : vector<1x16xf32> to vector<16xf32>
      %get3A_278 = arith.index_cast %mul3A_259 : i32 to index
      %get3A_279 = arith.constant 16 : index
      %get3A_280 = tpu.vector_load %arg13[%get3A_278, %get3A_279] {strides = array<i32>} : memref<40x128xf32, #tpu.memory_space<vmem>>, vector<1x16xf32>,
      %get3A_281 = vector.shape_cast %get3A_280 : vector<1x16xf32> to vector<16xf32>
      %mul3A_282 = arith.mulf %get3A_277, %get3A_281 : vector<16xf32>
      %swap3A_283 = arith.index_cast %mul3A_259 : i32 to index
      %swap3A_284 = arith.constant 16 : index
      %swap3A_285 = tpu.vector_load %arg16[%swap3A_283, %swap3A_284] {strides = array<i32>} : memref<40x128xf32, #tpu.memory_space<vmem>>, vector<1x16xf32>,
      %swap3A_286 = vector.shape_cast %swap3A_285 : vector<1x16xf32> to vector<16xf32>
      %swap3A_287 = vector.shape_cast %mul3A_282 : vector<16xf32> to vector<1x16xf32>
      tpu.vector_store %arg16[%swap3A_283, %swap3A_284], %swap3A_287 {strides = array<i32>} : memref<40x128xf32, #tpu.memory_space<vmem>>, vector<1x16xf32>,
      %get3A_288 = arith.index_cast %mul3A_259 : i32 to index
      %get3A_289 = arith.constant 32 : index
      %get3A_290 = tpu.vector_load %arg16[%get3A_288, %get3A_289] {strides = array<i32>} : memref<40x128xf32, #tpu.memory_space<vmem>>, vector<1x16xf32>,
      %get3A_291 = vector.shape_cast %get3A_290 : vector<1x16xf32> to vector<16xf32>
      %get3A_292 = arith.index_cast %mul3A_259 : i32 to index
      %get3A_293 = arith.constant 32 : index
      %get3A_294 = tpu.vector_load %arg13[%get3A_292, %get3A_293] {strides = array<i32>} : memref<40x128xf32, #tpu.memory_space<vmem>>, vector<1x16xf32>,
      %get3A_295 = vector.shape_cast %get3A_294 : vector<1x16xf32> to vector<16xf32>
      %mul3A_296 = arith.mulf %get3A_291, %get3A_295 : vector<16xf32>
      %swap3A_297 = arith.index_cast %mul3A_259 : i32 to index
      %swap3A_298 = arith.constant 32 : index
      %swap3A_299 = tpu.vector_load %arg16[%swap3A_297, %swap3A_298] {strides = array<i32>} : memref<40x128xf32, #tpu.memory_space<vmem>>, vector<1x16xf32>,
      %swap3A_300 = vector.shape_cast %swap3A_299 : vector<1x16xf32> to vector<16xf32>
      %swap3A_301 = vector.shape_cast %mul3A_296 : vector<16xf32> to vector<1x16xf32>
      tpu.vector_store %arg16[%swap3A_297, %swap3A_298], %swap3A_301 {strides = array<i32>} : memref<40x128xf32, #tpu.memory_space<vmem>>, vector<1x16xf32>,
      %get3A_302 = arith.index_cast %mul3A_259 : i32 to index
      %get3A_303 = arith.constant 48 : index
      %get3A_304 = tpu.vector_load %arg16[%get3A_302, %get3A_303] {strides = array<i32>} : memref<40x128xf32, #tpu.memory_space<vmem>>, vector<1x16xf32>,
      %get3A_305 = vector.shape_cast %get3A_304 : vector<1x16xf32> to vector<16xf32>
      %get3A_306 = arith.index_cast %mul3A_259 : i32 to index
      %get3A_307 = arith.constant 48 : index
      %get3A_308 = tpu.vector_load %arg13[%get3A_306, %get3A_307] {strides = array<i32>} : memref<40x128xf32, #tpu.memory_space<vmem>>, vector<1x16xf32>,
      %get3A_309 = vector.shape_cast %get3A_308 : vector<1x16xf32> to vector<16xf32>
      %mul3A_310 = arith.mulf %get3A_305, %get3A_309 : vector<16xf32>
      %swap3A_311 = arith.index_cast %mul3A_259 : i32 to index
      %swap3A_312 = arith.constant 48 : index
      %swap3A_313 = tpu.vector_load %arg16[%swap3A_311, %swap3A_312] {strides = array<i32>} : memref<40x128xf32, #tpu.memory_space<vmem>>, vector<1x16xf32>,
      %swap3A_314 = vector.shape_cast %swap3A_313 : vector<1x16xf32> to vector<16xf32>
      %swap3A_315 = vector.shape_cast %mul3A_310 : vector<16xf32> to vector<1x16xf32>
      tpu.vector_store %arg16[%swap3A_311, %swap3A_312], %swap3A_315 {strides = array<i32>} : memref<40x128xf32, #tpu.memory_space<vmem>>, vector<1x16xf32>,
      %get3A_316 = arith.index_cast %mul3A_259 : i32 to index
      %get3A_317 = arith.constant 64 : index
      %get3A_318 = tpu.vector_load %arg16[%get3A_316, %get3A_317] {strides = array<i32>} : memref<40x128xf32, #tpu.memory_space<vmem>>, vector<1x16xf32>,
      %get3A_319 = vector.shape_cast %get3A_318 : vector<1x16xf32> to vector<16xf32>
      %get3A_320 = arith.index_cast %mul3A_259 : i32 to index
      %get3A_321 = arith.constant 64 : index
      %get3A_322 = tpu.vector_load %arg13[%get3A_320, %get3A_321] {strides = array<i32>} : memref<40x128xf32, #tpu.memory_space<vmem>>, vector<1x16xf32>,
      %get3A_323 = vector.shape_cast %get3A_322 : vector<1x16xf32> to vector<16xf32>
      %mul3A_324 = arith.mulf %get3A_319, %get3A_323 : vector<16xf32>
      %swap3A_325 = arith.index_cast %mul3A_259 : i32 to index
      %swap3A_326 = arith.constant 64 : index
      %swap3A_327 = tpu.vector_load %arg16[%swap3A_325, %swap3A_326] {strides = array<i32>} : memref<40x128xf32, #tpu.memory_space<vmem>>, vector<1x16xf32>,
      %swap3A_328 = vector.shape_cast %swap3A_327 : vector<1x16xf32> to vector<16xf32>
      %swap3A_329 = vector.shape_cast %mul3A_324 : vector<16xf32> to vector<1x16xf32>
      tpu.vector_store %arg16[%swap3A_325, %swap3A_326], %swap3A_329 {strides = array<i32>} : memref<40x128xf32, #tpu.memory_space<vmem>>, vector<1x16xf32>,
      %get3A_330 = arith.index_cast %mul3A_259 : i32 to index
      %get3A_331 = arith.constant 80 : index
      %get3A_332 = tpu.vector_load %arg16[%get3A_330, %get3A_331] {strides = array<i32>} : memref<40x128xf32, #tpu.memory_space<vmem>>, vector<1x16xf32>,
      %get3A_333 = vector.shape_cast %get3A_332 : vector<1x16xf32> to vector<16xf32>
      %get3A_334 = arith.index_cast %mul3A_259 : i32 to index
      %get3A_335 = arith.constant 80 : index
      %get3A_336 = tpu.vector_load %arg13[%get3A_334, %get3A_335] {strides = array<i32>} : memref<40x128xf32, #tpu.memory_space<vmem>>, vector<1x16xf32>,
      %get3A_337 = vector.shape_cast %get3A_336 : vector<1x16xf32> to vector<16xf32>
      %mul3A_338 = arith.mulf %get3A_333, %get3A_337 : vector<16xf32>
      %swap3A_339 = arith.index_cast %mul3A_259 : i32 to index
      %swap3A_340 = arith.constant 80 : index
      %swap3A_341 = tpu.vector_load %arg16[%swap3A_339, %swap3A_340] {strides = array<i32>} : memref<40x128xf32, #tpu.memory_space<vmem>>, vector<1x16xf32>,
      %swap3A_342 = vector.shape_cast %swap3A_341 : vector<1x16xf32> to vector<16xf32>
      %swap3A_343 = vector.shape_cast %mul3A_338 : vector<16xf32> to vector<1x16xf32>
      tpu.vector_store %arg16[%swap3A_339, %swap3A_340], %swap3A_343 {strides = array<i32>} : memref<40x128xf32, #tpu.memory_space<vmem>>, vector<1x16xf32>,
      %get3A_344 = arith.index_cast %mul3A_259 : i32 to index
      %get3A_345 = arith.constant 96 : index
      %get3A_346 = tpu.vector_load %arg16[%get3A_344, %get3A_345] {strides = array<i32>} : memref<40x128xf32, #tpu.memory_space<vmem>>, vector<1x16xf32>,
      %get3A_347 = vector.shape_cast %get3A_346 : vector<1x16xf32> to vector<16xf32>
      %get3A_348 = arith.index_cast %mul3A_259 : i32 to index
      %get3A_349 = arith.constant 96 : index
      %get3A_350 = tpu.vector_load %arg13[%get3A_348, %get3A_349] {strides = array<i32>} : memref<40x128xf32, #tpu.memory_space<vmem>>, vector<1x16xf32>,
      %get3A_351 = vector.shape_cast %get3A_350 : vector<1x16xf32> to vector<16xf32>
      %mul3A_352 = arith.mulf %get3A_347, %get3A_351 : vector<16xf32>
      %swap3A_353 = arith.index_cast %mul3A_259 : i32 to index
      %swap3A_354 = arith.constant 96 : index
      %swap3A_355 = tpu.vector_load %arg16[%swap3A_353, %swap3A_354] {strides = array<i32>} : memref<40x128xf32, #tpu.memory_space<vmem>>, vector<1x16xf32>,
      %swap3A_356 = vector.shape_cast %swap3A_355 : vector<1x16xf32> to vector<16xf32>
      %swap3A_357 = vector.shape_cast %mul3A_352 : vector<16xf32> to vector<1x16xf32>
      tpu.vector_store %arg16[%swap3A_353, %swap3A_354], %swap3A_357 {strides = array<i32>} : memref<40x128xf32, #tpu.memory_space<vmem>>, vector<1x16xf32>,
      %get3A_358 = arith.index_cast %mul3A_259 : i32 to index
      %get3A_359 = arith.constant 112 : index
      %get3A_360 = tpu.vector_load %arg16[%get3A_358, %get3A_359] {strides = array<i32>} : memref<40x128xf32, #tpu.memory_space<vmem>>, vector<1x16xf32>,
      %get3A_361 = vector.shape_cast %get3A_360 : vector<1x16xf32> to vector<16xf32>
      %get3A_362 = arith.index_cast %mul3A_259 : i32 to index
      %get3A_363 = arith.constant 112 : index
      %get3A_364 = tpu.vector_load %arg13[%get3A_362, %get3A_363] {strides = array<i32>} : memref<40x128xf32, #tpu.memory_space<vmem>>, vector<1x16xf32>,
      %get3A_365 = vector.shape_cast %get3A_364 : vector<1x16xf32> to vector<16xf32>
      %mul3A_366 = arith.mulf %get3A_361, %get3A_365 : vector<16xf32>
      %swap3A_367 = arith.index_cast %mul3A_259 : i32 to index
      %swap3A_368 = arith.constant 112 : index
      %swap3A_369 = tpu.vector_load %arg16[%swap3A_367, %swap3A_368] {strides = array<i32>} : memref<40x128xf32, #tpu.memory_space<vmem>>, vector<1x16xf32>,
      %swap3A_370 = vector.shape_cast %swap3A_369 : vector<1x16xf32> to vector<16xf32>
      %swap3A_371 = vector.shape_cast %mul3A_366 : vector<16xf32> to vector<1x16xf32>
      tpu.vector_store %arg16[%swap3A_367, %swap3A_368], %swap3A_371 {strides = array<i32>} : memref<40x128xf32, #tpu.memory_space<vmem>>, vector<1x16xf32>,
      %get3A_372 = arith.index_cast %add3A_261 : i32 to index
      %get3A_373 = arith.constant 0 : index
      %get3A_374 = tpu.vector_load %arg16[%get3A_372, %get3A_373] {strides = array<i32>} : memref<40x128xf32, #tpu.memory_space<vmem>>, vector<1x16xf32>,
      %get3A_375 = vector.shape_cast %get3A_374 : vector<1x16xf32> to vector<16xf32>
      %get3A_376 = arith.index_cast %add3A_261 : i32 to index
      %get3A_377 = arith.constant 0 : index
      %get3A_378 = tpu.vector_load %arg13[%get3A_376, %get3A_377] {strides = array<i32>} : memref<40x128xf32, #tpu.memory_space<vmem>>, vector<1x16xf32>,
      %get3A_379 = vector.shape_cast %get3A_378 : vector<1x16xf32> to vector<16xf32>
      %mul3A_380 = arith.mulf %get3A_375, %get3A_379 : vector<16xf32>
      %swap3A_381 = arith.index_cast %add3A_261 : i32 to index
      %swap3A_382 = arith.constant 0 : index
      %swap3A_383 = tpu.vector_load %arg16[%swap3A_381, %swap3A_382] {strides = array<i32>} : memref<40x128xf32, #tpu.memory_space<vmem>>, vector<1x16xf32>,
      %swap3A_384 = vector.shape_cast %swap3A_383 : vector<1x16xf32> to vector<16xf32>
      %swap3A_385 = vector.shape_cast %mul3A_380 : vector<16xf32> to vector<1x16xf32>
      tpu.vector_store %arg16[%swap3A_381, %swap3A_382], %swap3A_385 {strides = array<i32>} : memref<40x128xf32, #tpu.memory_space<vmem>>, vector<1x16xf32>,
      %get3A_386 = arith.index_cast %add3A_261 : i32 to index
      %get3A_387 = arith.constant 16 : index
      %get3A_388 = tpu.vector_load %arg16[%get3A_386, %get3A_387] {strides = array<i32>} : memref<40x128xf32, #tpu.memory_space<vmem>>, vector<1x16xf32>,
      %get3A_389 = vector.shape_cast %get3A_388 : vector<1x16xf32> to vector<16xf32>
      %get3A_390 = arith.index_cast %add3A_261 : i32 to index
      %get3A_391 = arith.constant 16 : index
      %get3A_392 = tpu.vector_load %arg13[%get3A_390, %get3A_391] {strides = array<i32>} : memref<40x128xf32, #tpu.memory_space<vmem>>, vector<1x16xf32>,
      %get3A_393 = vector.shape_cast %get3A_392 : vector<1x16xf32> to vector<16xf32>
      %mul3A_394 = arith.mulf %get3A_389, %get3A_393 : vector<16xf32>
      %swap3A_395 = arith.index_cast %add3A_261 : i32 to index
      %swap3A_396 = arith.constant 16 : index
      %swap3A_397 = tpu.vector_load %arg16[%swap3A_395, %swap3A_396] {strides = array<i32>} : memref<40x128xf32, #tpu.memory_space<vmem>>, vector<1x16xf32>,
      %swap3A_398 = vector.shape_cast %swap3A_397 : vector<1x16xf32> to vector<16xf32>
      %swap3A_399 = vector.shape_cast %mul3A_394 : vector<16xf32> to vector<1x16xf32>
      tpu.vector_store %arg16[%swap3A_395, %swap3A_396], %swap3A_399 {strides = array<i32>} : memref<40x128xf32, #tpu.memory_space<vmem>>, vector<1x16xf32>,
      %get3A_400 = arith.index_cast %add3A_261 : i32 to index
      %get3A_401 = arith.constant 32 : index
      %get3A_402 = tpu.vector_load %arg16[%get3A_400, %get3A_401] {strides = array<i32>} : memref<40x128xf32, #tpu.memory_space<vmem>>, vector<1x16xf32>,
      %get3A_403 = vector.shape_cast %get3A_402 : vector<1x16xf32> to vector<16xf32>
      %get3A_404 = arith.index_cast %add3A_261 : i32 to index
      %get3A_405 = arith.constant 32 : index
      %get3A_406 = tpu.vector_load %arg13[%get3A_404, %get3A_405] {strides = array<i32>} : memref<40x128xf32, #tpu.memory_space<vmem>>, vector<1x16xf32>,
      %get3A_407 = vector.shape_cast %get3A_406 : vector<1x16xf32> to vector<16xf32>
      %mul3A_408 = arith.mulf %get3A_403, %get3A_407 : vector<16xf32>
      %swap3A_409 = arith.index_cast %add3A_261 : i32 to index
      %swap3A_410 = arith.constant 32 : index
      %swap3A_411 = tpu.vector_load %arg16[%swap3A_409, %swap3A_410] {strides = array<i32>} : memref<40x128xf32, #tpu.memory_space<vmem>>, vector<1x16xf32>,
      %swap3A_412 = vector.shape_cast %swap3A_411 : vector<1x16xf32> to vector<16xf32>
      %swap3A_413 = vector.shape_cast %mul3A_408 : vector<16xf32> to vector<1x16xf32>
      tpu.vector_store %arg16[%swap3A_409, %swap3A_410], %swap3A_413 {strides = array<i32>} : memref<40x128xf32, #tpu.memory_space<vmem>>, vector<1x16xf32>,
      %get3A_414 = arith.index_cast %add3A_261 : i32 to index
      %get3A_415 = arith.constant 48 : index
      %get3A_416 = tpu.vector_load %arg16[%get3A_414, %get3A_415] {strides = array<i32>} : memref<40x128xf32, #tpu.memory_space<vmem>>, vector<1x16xf32>,
      %get3A_417 = vector.shape_cast %get3A_416 : vector<1x16xf32> to vector<16xf32>
      %get3A_418 = arith.index_cast %add3A_261 : i32 to index
      %get3A_419 = arith.constant 48 : index
      %get3A_420 = tpu.vector_load %arg13[%get3A_418, %get3A_419] {strides = array<i32>} : memref<40x128xf32, #tpu.memory_space<vmem>>, vector<1x16xf32>,
      %get3A_421 = vector.shape_cast %get3A_420 : vector<1x16xf32> to vector<16xf32>
      %mul3A_422 = arith.mulf %get3A_417, %get3A_421 : vector<16xf32>
      %swap3A_423 = arith.index_cast %add3A_261 : i32 to index
      %swap3A_424 = arith.constant 48 : index
      %swap3A_425 = tpu.vector_load %arg16[%swap3A_423, %swap3A_424] {strides = array<i32>} : memref<40x128xf32, #tpu.memory_space<vmem>>, vector<1x16xf32>,
      %swap3A_426 = vector.shape_cast %swap3A_425 : vector<1x16xf32> to vector<16xf32>
      %swap3A_427 = vector.shape_cast %mul3A_422 : vector<16xf32> to vector<1x16xf32>
      tpu.vector_store %arg16[%swap3A_423, %swap3A_424], %swap3A_427 {strides = array<i32>} : memref<40x128xf32, #tpu.memory_space<vmem>>, vector<1x16xf32>,
      %get3A_428 = arith.index_cast %add3A_261 : i32 to index
      %get3A_429 = arith.constant 64 : index
      %get3A_430 = tpu.vector_load %arg16[%get3A_428, %get3A_429] {strides = array<i32>} : memref<40x128xf32, #tpu.memory_space<vmem>>, vector<1x16xf32>,
      %get3A_431 = vector.shape_cast %get3A_430 : vector<1x16xf32> to vector<16xf32>
      %get3A_432 = arith.index_cast %add3A_261 : i32 to index
      %get3A_433 = arith.constant 64 : index
      %get3A_434 = tpu.vector_load %arg13[%get3A_432, %get3A_433] {strides = array<i32>} : memref<40x128xf32, #tpu.memory_space<vmem>>, vector<1x16xf32>,
      %get3A_435 = vector.shape_cast %get3A_434 : vector<1x16xf32> to vector<16xf32>
      %mul3A_436 = arith.mulf %get3A_431, %get3A_435 : vector<16xf32>
      %swap3A_437 = arith.index_cast %add3A_261 : i32 to index
      %swap3A_438 = arith.constant 64 : index
      %swap3A_439 = tpu.vector_load %arg16[%swap3A_437, %swap3A_438] {strides = array<i32>} : memref<40x128xf32, #tpu.memory_space<vmem>>, vector<1x16xf32>,
      %swap3A_440 = vector.shape_cast %swap3A_439 : vector<1x16xf32> to vector<16xf32>
      %swap3A_441 = vector.shape_cast %mul3A_436 : vector<16xf32> to vector<1x16xf32>
      tpu.vector_store %arg16[%swap3A_437, %swap3A_438], %swap3A_441 {strides = array<i32>} : memref<40x128xf32, #tpu.memory_space<vmem>>, vector<1x16xf32>,
      %get3A_442 = arith.index_cast %add3A_261 : i32 to index
      %get3A_443 = arith.constant 80 : index
      %get3A_444 = tpu.vector_load %arg16[%get3A_442, %get3A_443] {strides = array<i32>} : memref<40x128xf32, #tpu.memory_space<vmem>>, vector<1x16xf32>,
      %get3A_445 = vector.shape_cast %get3A_444 : vector<1x16xf32> to vector<16xf32>
      %get3A_446 = arith.index_cast %add3A_261 : i32 to index
      %get3A_447 = arith.constant 80 : index
      %get3A_448 = tpu.vector_load %arg13[%get3A_446, %get3A_447] {strides = array<i32>} : memref<40x128xf32, #tpu.memory_space<vmem>>, vector<1x16xf32>,
      %get3A_449 = vector.shape_cast %get3A_448 : vector<1x16xf32> to vector<16xf32>
      %mul3A_450 = arith.mulf %get3A_445, %get3A_449 : vector<16xf32>
      %swap3A_451 = arith.index_cast %add3A_261 : i32 to index
      %swap3A_452 = arith.constant 80 : index
      %swap3A_453 = tpu.vector_load %arg16[%swap3A_451, %swap3A_452] {strides = array<i32>} : memref<40x128xf32, #tpu.memory_space<vmem>>, vector<1x16xf32>,
      %swap3A_454 = vector.shape_cast %swap3A_453 : vector<1x16xf32> to vector<16xf32>
      %swap3A_455 = vector.shape_cast %mul3A_450 : vector<16xf32> to vector<1x16xf32>
      tpu.vector_store %arg16[%swap3A_451, %swap3A_452], %swap3A_455 {strides = array<i32>} : memref<40x128xf32, #tpu.memory_space<vmem>>, vector<1x16xf32>,
      %get3A_456 = arith.index_cast %add3A_261 : i32 to index
      %get3A_457 = arith.constant 96 : index
      %get3A_458 = tpu.vector_load %arg16[%get3A_456, %get3A_457] {strides = array<i32>} : memref<40x128xf32, #tpu.memory_space<vmem>>, vector<1x16xf32>,
      %get3A_459 = vector.shape_cast %get3A_458 : vector<1x16xf32> to vector<16xf32>
      %get3A_460 = arith.index_cast %add3A_261 : i32 to index
      %get3A_461 = arith.constant 96 : index
      %get3A_462 = tpu.vector_load %arg13[%get3A_460, %get3A_461] {strides = array<i32>} : memref<40x128xf32, #tpu.memory_space<vmem>>, vector<1x16xf32>,
      %get3A_463 = vector.shape_cast %get3A_462 : vector<1x16xf32> to vector<16xf32>
      %mul3A_464 = arith.mulf %get3A_459, %get3A_463 : vector<16xf32>
      %swap3A_465 = arith.index_cast %add3A_261 : i32 to index
      %swap3A_466 = arith.constant 96 : index
      %swap3A_467 = tpu.vector_load %arg16[%swap3A_465, %swap3A_466] {strides = array<i32>} : memref<40x128xf32, #tpu.memory_space<vmem>>, vector<1x16xf32>,
      %swap3A_468 = vector.shape_cast %swap3A_467 : vector<1x16xf32> to vector<16xf32>
      %swap3A_469 = vector.shape_cast %mul3A_464 : vector<16xf32> to vector<1x16xf32>
      tpu.vector_store %arg16[%swap3A_465, %swap3A_466], %swap3A_469 {strides = array<i32>} : memref<40x128xf32, #tpu.memory_space<vmem>>, vector<1x16xf32>,
      %get3A_470 = arith.index_cast %add3A_261 : i32 to index
      %get3A_471 = arith.constant 112 : index
      %get3A_472 = tpu.vector_load %arg16[%get3A_470, %get3A_471] {strides = array<i32>} : memref<40x128xf32, #tpu.memory_space<vmem>>, vector<1x16xf32>,
      %get3A_473 = vector.shape_cast %get3A_472 : vector<1x16xf32> to vector<16xf32>
      %get3A_474 = arith.index_cast %add3A_261 : i32 to index
      %get3A_475 = arith.constant 112 : index
      %get3A_476 = tpu.vector_load %arg13[%get3A_474, %get3A_475] {strides = array<i32>} : memref<40x128xf32, #tpu.memory_space<vmem>>, vector<1x16xf32>,
      %get3A_477 = vector.shape_cast %get3A_476 : vector<1x16xf32> to vector<16xf32>
      %mul3A_478 = arith.mulf %get3A_473, %get3A_477 : vector<16xf32>
      %swap3A_479 = arith.index_cast %add3A_261 : i32 to index
      %swap3A_480 = arith.constant 112 : index
      %swap3A_481 = tpu.vector_load %arg16[%swap3A_479, %swap3A_480] {strides = array<i32>} : memref<40x128xf32, #tpu.memory_space<vmem>>, vector<1x16xf32>,
      %swap3A_482 = vector.shape_cast %swap3A_481 : vector<1x16xf32> to vector<16xf32>
      %swap3A_483 = vector.shape_cast %mul3A_478 : vector<16xf32> to vector<1x16xf32>
      tpu.vector_store %arg16[%swap3A_479, %swap3A_480], %swap3A_483 {strides = array<i32>} : memref<40x128xf32, #tpu.memory_space<vmem>>, vector<1x16xf32>,
      %scan3A_484 = arith.constant 0 : i32
      scf.yield %scan3A_484 : i32
    }
    %scan3A_213 = arith.constant 20 : i32
    %dma_start3A_214 = arith.constant 0 : i32
    %dma_start3A_215 = arith.constant 0 : i32
    %dma_start3A_216 = tpu.memref_slice %arg17[%dma_start3A_214, %dma_start3A_215] : memref<10240x128xf32, #tpu.memory_space<vmem_shared>> -> memref<10240x128xf32, #tpu.memory_space<vmem_shared>>
    tpu.enqueue_indirect_dma source(%arg16 : memref<40x128xf32, #tpu.memory_space<vmem>>) target(%dma_start3A_216 : memref<10240x128xf32, #tpu.memory_space<vmem_shared>>) offsets(%arg10 : memref<40xi32, #tpu.memory_space<vmem>>) semaphore(%arg29 : memref<!tpu.dma_semaphore, #tpu.memory_space<semaphore_mem>>) {add = true}
    %add3A_217 = arith.constant 9960 : i32
    %add3A_218 = arith.addi %mul3A_2, %add3A_217 : i32
    %dma_wait3A_219 = tpu.memref_slice %arg4[%add3A_218] : memref<320000xi32, #tpu.memory_space<hbm>> -> memref<40xi32, #tpu.memory_space<hbm>>
    %dma_wait3A_220 = tpu.memref_slice %arg4[%add3A_218] : memref<320000xi32, #tpu.memory_space<hbm>> -> memref<40xi32, #tpu.memory_space<hbm>>
    tpu.wait_dma2 semaphore(%arg24 : memref<!tpu.dma_semaphore, #tpu.memory_space<semaphore_mem>>) src(%dma_wait3A_220 : memref<40xi32, #tpu.memory_space<hbm>>) dst(%arg8 : memref<40xi32, #tpu.memory_space<vmem>>)
    %dma_wait3A_221 = arith.constant 9960 : i32
    %dma_wait3A_222 = tpu.memref_slice %arg7[%dma_wait3A_221] : memref<10000xi32, #tpu.memory_space<vmem>> -> memref<40xi32, #tpu.memory_space<vmem>>
    %dma_wait3A_223 = arith.constant 0 : i32
    %dma_wait3A_224 = arith.constant 0 : i32
    %dma_wait3A_225 = tpu.memref_slice %arg2[%dma_wait3A_223, %dma_wait3A_224] : memref<10000x128xf32, #tpu.memory_space<hbm>> -> memref<10000x128xf32, #tpu.memory_space<hbm>>
    tpu.wait_indirect_dma semaphore(%arg18 : memref<!tpu.dma_semaphore, #tpu.memory_space<semaphore_mem>>) src(%dma_wait3A_225 : memref<10000x128xf32, #tpu.memory_space<hbm>>) dst(%arg11 : memref<40x128xf32, #tpu.memory_space<vmem>>)
    %add3A_226 = arith.constant 9960 : i32
    %add3A_227 = arith.addi %mul3A_2, %add3A_226 : i32
    %dma_wait3A_228 = arith.constant 0 : i32
    %dma_wait3A_229 = tpu.memref_slice %arg5[%add3A_227, %dma_wait3A_228] : memref<320000x128xf32, #tpu.memory_space<hbm>> -> memref<40x128xf32, #tpu.memory_space<hbm>>
    %dma_wait3A_230 = arith.constant 0 : i32
    %dma_wait3A_231 = tpu.memref_slice %arg5[%add3A_227, %dma_wait3A_230] : memref<320000x128xf32, #tpu.memory_space<hbm>> -> memref<40x128xf32, #tpu.memory_space<hbm>>
    tpu.wait_dma2 semaphore(%arg21 : memref<!tpu.dma_semaphore, #tpu.memory_space<semaphore_mem>>) src(%dma_wait3A_231 : memref<40x128xf32, #tpu.memory_space<hbm>>) dst(%arg14 : memref<40x128xf32, #tpu.memory_space<vmem>>)
    %scan3A_232 = arith.constant 0 : i32
    %scan3A_233 = arith.constant 0 : i32
    %scan3A_234 = arith.constant 20 : i32
    %scan3A_235 = arith.addi %scan3A_233, %scan3A_234 : i32
    %scan3A_236 = arith.constant 1 : i32
    %scan3A_237 = scf.for %scan3A_256 = %scan3A_233 to %scan3A_235 step %scan3A_236 iter_args(%scan3A_257 = %scan3A_232) -> (i32)  : i32 {
      %mul3A_258 = arith.constant 2 : i32
      %mul3A_259 = arith.muli %mul3A_258, %scan3A_256 : i32
      %add3A_260 = arith.constant 1 : i32
      %add3A_261 = arith.addi %mul3A_259, %add3A_260 : i32
      %get3A = arith.index_cast %mul3A_259 : i32 to index
      %get3A_262 = arith.constant 0 : index
      %get3A_263 = tpu.vector_load %arg14[%get3A, %get3A_262] {strides = array<i32>} : memref<40x128xf32, #tpu.memory_space<vmem>>, vector<1x16xf32>,
      %get3A_264 = vector.shape_cast %get3A_263 : vector<1x16xf32> to vector<16xf32>
      %get3A_265 = arith.index_cast %mul3A_259 : i32 to index
      %get3A_266 = arith.constant 0 : index
      %get3A_267 = tpu.vector_load %arg11[%get3A_265, %get3A_266] {strides = array<i32>} : memref<40x128xf32, #tpu.memory_space<vmem>>, vector<1x16xf32>,
      %get3A_268 = vector.shape_cast %get3A_267 : vector<1x16xf32> to vector<16xf32>
      %mul3A_269 = arith.mulf %get3A_264, %get3A_268 : vector<16xf32>
      %swap3A = arith.index_cast %mul3A_259 : i32 to index
      %swap3A_270 = arith.constant 0 : index
      %swap3A_271 = tpu.vector_load %arg14[%swap3A, %swap3A_270] {strides = array<i32>} : memref<40x128xf32, #tpu.memory_space<vmem>>, vector<1x16xf32>,
      %swap3A_272 = vector.shape_cast %swap3A_271 : vector<1x16xf32> to vector<16xf32>
      %swap3A_273 = vector.shape_cast %mul3A_269 : vector<16xf32> to vector<1x16xf32>
      tpu.vector_store %arg14[%swap3A, %swap3A_270], %swap3A_273 {strides = array<i32>} : memref<40x128xf32, #tpu.memory_space<vmem>>, vector<1x16xf32>,
      %get3A_274 = arith.index_cast %mul3A_259 : i32 to index
      %get3A_275 = arith.constant 16 : index
      %get3A_276 = tpu.vector_load %arg14[%get3A_274, %get3A_275] {strides = array<i32>} : memref<40x128xf32, #tpu.memory_space<vmem>>, vector<1x16xf32>,
      %get3A_277 = vector.shape_cast %get3A_276 : vector<1x16xf32> to vector<16xf32>
      %get3A_278 = arith.index_cast %mul3A_259 : i32 to index
      %get3A_279 = arith.constant 16 : index
      %get3A_280 = tpu.vector_load %arg11[%get3A_278, %get3A_279] {strides = array<i32>} : memref<40x128xf32, #tpu.memory_space<vmem>>, vector<1x16xf32>,
      %get3A_281 = vector.shape_cast %get3A_280 : vector<1x16xf32> to vector<16xf32>
      %mul3A_282 = arith.mulf %get3A_277, %get3A_281 : vector<16xf32>
      %swap3A_283 = arith.index_cast %mul3A_259 : i32 to index
      %swap3A_284 = arith.constant 16 : index
      %swap3A_285 = tpu.vector_load %arg14[%swap3A_283, %swap3A_284] {strides = array<i32>} : memref<40x128xf32, #tpu.memory_space<vmem>>, vector<1x16xf32>,
      %swap3A_286 = vector.shape_cast %swap3A_285 : vector<1x16xf32> to vector<16xf32>
      %swap3A_287 = vector.shape_cast %mul3A_282 : vector<16xf32> to vector<1x16xf32>
      tpu.vector_store %arg14[%swap3A_283, %swap3A_284], %swap3A_287 {strides = array<i32>} : memref<40x128xf32, #tpu.memory_space<vmem>>, vector<1x16xf32>,
      %get3A_288 = arith.index_cast %mul3A_259 : i32 to index
      %get3A_289 = arith.constant 32 : index
      %get3A_290 = tpu.vector_load %arg14[%get3A_288, %get3A_289] {strides = array<i32>} : memref<40x128xf32, #tpu.memory_space<vmem>>, vector<1x16xf32>,
      %get3A_291 = vector.shape_cast %get3A_290 : vector<1x16xf32> to vector<16xf32>
      %get3A_292 = arith.index_cast %mul3A_259 : i32 to index
      %get3A_293 = arith.constant 32 : index
      %get3A_294 = tpu.vector_load %arg11[%get3A_292, %get3A_293] {strides = array<i32>} : memref<40x128xf32, #tpu.memory_space<vmem>>, vector<1x16xf32>,
      %get3A_295 = vector.shape_cast %get3A_294 : vector<1x16xf32> to vector<16xf32>
      %mul3A_296 = arith.mulf %get3A_291, %get3A_295 : vector<16xf32>
      %swap3A_297 = arith.index_cast %mul3A_259 : i32 to index
      %swap3A_298 = arith.constant 32 : index
      %swap3A_299 = tpu.vector_load %arg14[%swap3A_297, %swap3A_298] {strides = array<i32>} : memref<40x128xf32, #tpu.memory_space<vmem>>, vector<1x16xf32>,
      %swap3A_300 = vector.shape_cast %swap3A_299 : vector<1x16xf32> to vector<16xf32>
      %swap3A_301 = vector.shape_cast %mul3A_296 : vector<16xf32> to vector<1x16xf32>
      tpu.vector_store %arg14[%swap3A_297, %swap3A_298], %swap3A_301 {strides = array<i32>} : memref<40x128xf32, #tpu.memory_space<vmem>>, vector<1x16xf32>,
      %get3A_302 = arith.index_cast %mul3A_259 : i32 to index
      %get3A_303 = arith.constant 48 : index
      %get3A_304 = tpu.vector_load %arg14[%get3A_302, %get3A_303] {strides = array<i32>} : memref<40x128xf32, #tpu.memory_space<vmem>>, vector<1x16xf32>,
      %get3A_305 = vector.shape_cast %get3A_304 : vector<1x16xf32> to vector<16xf32>
      %get3A_306 = arith.index_cast %mul3A_259 : i32 to index
      %get3A_307 = arith.constant 48 : index
      %get3A_308 = tpu.vector_load %arg11[%get3A_306, %get3A_307] {strides = array<i32>} : memref<40x128xf32, #tpu.memory_space<vmem>>, vector<1x16xf32>,
      %get3A_309 = vector.shape_cast %get3A_308 : vector<1x16xf32> to vector<16xf32>
      %mul3A_310 = arith.mulf %get3A_305, %get3A_309 : vector<16xf32>
      %swap3A_311 = arith.index_cast %mul3A_259 : i32 to index
      %swap3A_312 = arith.constant 48 : index
      %swap3A_313 = tpu.vector_load %arg14[%swap3A_311, %swap3A_312] {strides = array<i32>} : memref<40x128xf32, #tpu.memory_space<vmem>>, vector<1x16xf32>,
      %swap3A_314 = vector.shape_cast %swap3A_313 : vector<1x16xf32> to vector<16xf32>
      %swap3A_315 = vector.shape_cast %mul3A_310 : vector<16xf32> to vector<1x16xf32>
      tpu.vector_store %arg14[%swap3A_311, %swap3A_312], %swap3A_315 {strides = array<i32>} : memref<40x128xf32, #tpu.memory_space<vmem>>, vector<1x16xf32>,
      %get3A_316 = arith.index_cast %mul3A_259 : i32 to index
      %get3A_317 = arith.constant 64 : index
      %get3A_318 = tpu.vector_load %arg14[%get3A_316, %get3A_317] {strides = array<i32>} : memref<40x128xf32, #tpu.memory_space<vmem>>, vector<1x16xf32>,
      %get3A_319 = vector.shape_cast %get3A_318 : vector<1x16xf32> to vector<16xf32>
      %get3A_320 = arith.index_cast %mul3A_259 : i32 to index
      %get3A_321 = arith.constant 64 : index
      %get3A_322 = tpu.vector_load %arg11[%get3A_320, %get3A_321] {strides = array<i32>} : memref<40x128xf32, #tpu.memory_space<vmem>>, vector<1x16xf32>,
      %get3A_323 = vector.shape_cast %get3A_322 : vector<1x16xf32> to vector<16xf32>
      %mul3A_324 = arith.mulf %get3A_319, %get3A_323 : vector<16xf32>
      %swap3A_325 = arith.index_cast %mul3A_259 : i32 to index
      %swap3A_326 = arith.constant 64 : index
      %swap3A_327 = tpu.vector_load %arg14[%swap3A_325, %swap3A_326] {strides = array<i32>} : memref<40x128xf32, #tpu.memory_space<vmem>>, vector<1x16xf32>,
      %swap3A_328 = vector.shape_cast %swap3A_327 : vector<1x16xf32> to vector<16xf32>
      %swap3A_329 = vector.shape_cast %mul3A_324 : vector<16xf32> to vector<1x16xf32>
      tpu.vector_store %arg14[%swap3A_325, %swap3A_326], %swap3A_329 {strides = array<i32>} : memref<40x128xf32, #tpu.memory_space<vmem>>, vector<1x16xf32>,
      %get3A_330 = arith.index_cast %mul3A_259 : i32 to index
      %get3A_331 = arith.constant 80 : index
      %get3A_332 = tpu.vector_load %arg14[%get3A_330, %get3A_331] {strides = array<i32>} : memref<40x128xf32, #tpu.memory_space<vmem>>, vector<1x16xf32>,
      %get3A_333 = vector.shape_cast %get3A_332 : vector<1x16xf32> to vector<16xf32>
      %get3A_334 = arith.index_cast %mul3A_259 : i32 to index
      %get3A_335 = arith.constant 80 : index
      %get3A_336 = tpu.vector_load %arg11[%get3A_334, %get3A_335] {strides = array<i32>} : memref<40x128xf32, #tpu.memory_space<vmem>>, vector<1x16xf32>,
      %get3A_337 = vector.shape_cast %get3A_336 : vector<1x16xf32> to vector<16xf32>
      %mul3A_338 = arith.mulf %get3A_333, %get3A_337 : vector<16xf32>
      %swap3A_339 = arith.index_cast %mul3A_259 : i32 to index
      %swap3A_340 = arith.constant 80 : index
      %swap3A_341 = tpu.vector_load %arg14[%swap3A_339, %swap3A_340] {strides = array<i32>} : memref<40x128xf32, #tpu.memory_space<vmem>>, vector<1x16xf32>,
      %swap3A_342 = vector.shape_cast %swap3A_341 : vector<1x16xf32> to vector<16xf32>
      %swap3A_343 = vector.shape_cast %mul3A_338 : vector<16xf32> to vector<1x16xf32>
      tpu.vector_store %arg14[%swap3A_339, %swap3A_340], %swap3A_343 {strides = array<i32>} : memref<40x128xf32, #tpu.memory_space<vmem>>, vector<1x16xf32>,
      %get3A_344 = arith.index_cast %mul3A_259 : i32 to index
      %get3A_345 = arith.constant 96 : index
      %get3A_346 = tpu.vector_load %arg14[%get3A_344, %get3A_345] {strides = array<i32>} : memref<40x128xf32, #tpu.memory_space<vmem>>, vector<1x16xf32>,
      %get3A_347 = vector.shape_cast %get3A_346 : vector<1x16xf32> to vector<16xf32>
      %get3A_348 = arith.index_cast %mul3A_259 : i32 to index
      %get3A_349 = arith.constant 96 : index
      %get3A_350 = tpu.vector_load %arg11[%get3A_348, %get3A_349] {strides = array<i32>} : memref<40x128xf32, #tpu.memory_space<vmem>>, vector<1x16xf32>,
      %get3A_351 = vector.shape_cast %get3A_350 : vector<1x16xf32> to vector<16xf32>
      %mul3A_352 = arith.mulf %get3A_347, %get3A_351 : vector<16xf32>
      %swap3A_353 = arith.index_cast %mul3A_259 : i32 to index
      %swap3A_354 = arith.constant 96 : index
      %swap3A_355 = tpu.vector_load %arg14[%swap3A_353, %swap3A_354] {strides = array<i32>} : memref<40x128xf32, #tpu.memory_space<vmem>>, vector<1x16xf32>,
      %swap3A_356 = vector.shape_cast %swap3A_355 : vector<1x16xf32> to vector<16xf32>
      %swap3A_357 = vector.shape_cast %mul3A_352 : vector<16xf32> to vector<1x16xf32>
      tpu.vector_store %arg14[%swap3A_353, %swap3A_354], %swap3A_357 {strides = array<i32>} : memref<40x128xf32, #tpu.memory_space<vmem>>, vector<1x16xf32>,
      %get3A_358 = arith.index_cast %mul3A_259 : i32 to index
      %get3A_359 = arith.constant 112 : index
      %get3A_360 = tpu.vector_load %arg14[%get3A_358, %get3A_359] {strides = array<i32>} : memref<40x128xf32, #tpu.memory_space<vmem>>, vector<1x16xf32>,
      %get3A_361 = vector.shape_cast %get3A_360 : vector<1x16xf32> to vector<16xf32>
      %get3A_362 = arith.index_cast %mul3A_259 : i32 to index
      %get3A_363 = arith.constant 112 : index
      %get3A_364 = tpu.vector_load %arg11[%get3A_362, %get3A_363] {strides = array<i32>} : memref<40x128xf32, #tpu.memory_space<vmem>>, vector<1x16xf32>,
      %get3A_365 = vector.shape_cast %get3A_364 : vector<1x16xf32> to vector<16xf32>
      %mul3A_366 = arith.mulf %get3A_361, %get3A_365 : vector<16xf32>
      %swap3A_367 = arith.index_cast %mul3A_259 : i32 to index
      %swap3A_368 = arith.constant 112 : index
      %swap3A_369 = tpu.vector_load %arg14[%swap3A_367, %swap3A_368] {strides = array<i32>} : memref<40x128xf32, #tpu.memory_space<vmem>>, vector<1x16xf32>,
      %swap3A_370 = vector.shape_cast %swap3A_369 : vector<1x16xf32> to vector<16xf32>
      %swap3A_371 = vector.shape_cast %mul3A_366 : vector<16xf32> to vector<1x16xf32>
      tpu.vector_store %arg14[%swap3A_367, %swap3A_368], %swap3A_371 {strides = array<i32>} : memref<40x128xf32, #tpu.memory_space<vmem>>, vector<1x16xf32>,
      %get3A_372 = arith.index_cast %add3A_261 : i32 to index
      %get3A_373 = arith.constant 0 : index
      %get3A_374 = tpu.vector_load %arg14[%get3A_372, %get3A_373] {strides = array<i32>} : memref<40x128xf32, #tpu.memory_space<vmem>>, vector<1x16xf32>,
      %get3A_375 = vector.shape_cast %get3A_374 : vector<1x16xf32> to vector<16xf32>
      %get3A_376 = arith.index_cast %add3A_261 : i32 to index
      %get3A_377 = arith.constant 0 : index
      %get3A_378 = tpu.vector_load %arg11[%get3A_376, %get3A_377] {strides = array<i32>} : memref<40x128xf32, #tpu.memory_space<vmem>>, vector<1x16xf32>,
      %get3A_379 = vector.shape_cast %get3A_378 : vector<1x16xf32> to vector<16xf32>
      %mul3A_380 = arith.mulf %get3A_375, %get3A_379 : vector<16xf32>
      %swap3A_381 = arith.index_cast %add3A_261 : i32 to index
      %swap3A_382 = arith.constant 0 : index
      %swap3A_383 = tpu.vector_load %arg14[%swap3A_381, %swap3A_382] {strides = array<i32>} : memref<40x128xf32, #tpu.memory_space<vmem>>, vector<1x16xf32>,
      %swap3A_384 = vector.shape_cast %swap3A_383 : vector<1x16xf32> to vector<16xf32>
      %swap3A_385 = vector.shape_cast %mul3A_380 : vector<16xf32> to vector<1x16xf32>
      tpu.vector_store %arg14[%swap3A_381, %swap3A_382], %swap3A_385 {strides = array<i32>} : memref<40x128xf32, #tpu.memory_space<vmem>>, vector<1x16xf32>,
      %get3A_386 = arith.index_cast %add3A_261 : i32 to index
      %get3A_387 = arith.constant 16 : index
      %get3A_388 = tpu.vector_load %arg14[%get3A_386, %get3A_387] {strides = array<i32>} : memref<40x128xf32, #tpu.memory_space<vmem>>, vector<1x16xf32>,
      %get3A_389 = vector.shape_cast %get3A_388 : vector<1x16xf32> to vector<16xf32>
      %get3A_390 = arith.index_cast %add3A_261 : i32 to index
      %get3A_391 = arith.constant 16 : index
      %get3A_392 = tpu.vector_load %arg11[%get3A_390, %get3A_391] {strides = array<i32>} : memref<40x128xf32, #tpu.memory_space<vmem>>, vector<1x16xf32>,
      %get3A_393 = vector.shape_cast %get3A_392 : vector<1x16xf32> to vector<16xf32>
      %mul3A_394 = arith.mulf %get3A_389, %get3A_393 : vector<16xf32>
      %swap3A_395 = arith.index_cast %add3A_261 : i32 to index
      %swap3A_396 = arith.constant 16 : index
      %swap3A_397 = tpu.vector_load %arg14[%swap3A_395, %swap3A_396] {strides = array<i32>} : memref<40x128xf32, #tpu.memory_space<vmem>>, vector<1x16xf32>,
      %swap3A_398 = vector.shape_cast %swap3A_397 : vector<1x16xf32> to vector<16xf32>
      %swap3A_399 = vector.shape_cast %mul3A_394 : vector<16xf32> to vector<1x16xf32>
      tpu.vector_store %arg14[%swap3A_395, %swap3A_396], %swap3A_399 {strides = array<i32>} : memref<40x128xf32, #tpu.memory_space<vmem>>, vector<1x16xf32>,
      %get3A_400 = arith.index_cast %add3A_261 : i32 to index
      %get3A_401 = arith.constant 32 : index
      %get3A_402 = tpu.vector_load %arg14[%get3A_400, %get3A_401] {strides = array<i32>} : memref<40x128xf32, #tpu.memory_space<vmem>>, vector<1x16xf32>,
      %get3A_403 = vector.shape_cast %get3A_402 : vector<1x16xf32> to vector<16xf32>
      %get3A_404 = arith.index_cast %add3A_261 : i32 to index
      %get3A_405 = arith.constant 32 : index
      %get3A_406 = tpu.vector_load %arg11[%get3A_404, %get3A_405] {strides = array<i32>} : memref<40x128xf32, #tpu.memory_space<vmem>>, vector<1x16xf32>,
      %get3A_407 = vector.shape_cast %get3A_406 : vector<1x16xf32> to vector<16xf32>
      %mul3A_408 = arith.mulf %get3A_403, %get3A_407 : vector<16xf32>
      %swap3A_409 = arith.index_cast %add3A_261 : i32 to index
      %swap3A_410 = arith.constant 32 : index
      %swap3A_411 = tpu.vector_load %arg14[%swap3A_409, %swap3A_410] {strides = array<i32>} : memref<40x128xf32, #tpu.memory_space<vmem>>, vector<1x16xf32>,
      %swap3A_412 = vector.shape_cast %swap3A_411 : vector<1x16xf32> to vector<16xf32>
      %swap3A_413 = vector.shape_cast %mul3A_408 : vector<16xf32> to vector<1x16xf32>
      tpu.vector_store %arg14[%swap3A_409, %swap3A_410], %swap3A_413 {strides = array<i32>} : memref<40x128xf32, #tpu.memory_space<vmem>>, vector<1x16xf32>,
      %get3A_414 = arith.index_cast %add3A_261 : i32 to index
      %get3A_415 = arith.constant 48 : index
      %get3A_416 = tpu.vector_load %arg14[%get3A_414, %get3A_415] {strides = array<i32>} : memref<40x128xf32, #tpu.memory_space<vmem>>, vector<1x16xf32>,
      %get3A_417 = vector.shape_cast %get3A_416 : vector<1x16xf32> to vector<16xf32>
      %get3A_418 = arith.index_cast %add3A_261 : i32 to index
      %get3A_419 = arith.constant 48 : index
      %get3A_420 = tpu.vector_load %arg11[%get3A_418, %get3A_419] {strides = array<i32>} : memref<40x128xf32, #tpu.memory_space<vmem>>, vector<1x16xf32>,
      %get3A_421 = vector.shape_cast %get3A_420 : vector<1x16xf32> to vector<16xf32>
      %mul3A_422 = arith.mulf %get3A_417, %get3A_421 : vector<16xf32>
      %swap3A_423 = arith.index_cast %add3A_261 : i32 to index
      %swap3A_424 = arith.constant 48 : index
      %swap3A_425 = tpu.vector_load %arg14[%swap3A_423, %swap3A_424] {strides = array<i32>} : memref<40x128xf32, #tpu.memory_space<vmem>>, vector<1x16xf32>,
      %swap3A_426 = vector.shape_cast %swap3A_425 : vector<1x16xf32> to vector<16xf32>
      %swap3A_427 = vector.shape_cast %mul3A_422 : vector<16xf32> to vector<1x16xf32>
      tpu.vector_store %arg14[%swap3A_423, %swap3A_424], %swap3A_427 {strides = array<i32>} : memref<40x128xf32, #tpu.memory_space<vmem>>, vector<1x16xf32>,
      %get3A_428 = arith.index_cast %add3A_261 : i32 to index
      %get3A_429 = arith.constant 64 : index
      %get3A_430 = tpu.vector_load %arg14[%get3A_428, %get3A_429] {strides = array<i32>} : memref<40x128xf32, #tpu.memory_space<vmem>>, vector<1x16xf32>,
      %get3A_431 = vector.shape_cast %get3A_430 : vector<1x16xf32> to vector<16xf32>
      %get3A_432 = arith.index_cast %add3A_261 : i32 to index
      %get3A_433 = arith.constant 64 : index
      %get3A_434 = tpu.vector_load %arg11[%get3A_432, %get3A_433] {strides = array<i32>} : memref<40x128xf32, #tpu.memory_space<vmem>>, vector<1x16xf32>,
      %get3A_435 = vector.shape_cast %get3A_434 : vector<1x16xf32> to vector<16xf32>
      %mul3A_436 = arith.mulf %get3A_431, %get3A_435 : vector<16xf32>
      %swap3A_437 = arith.index_cast %add3A_261 : i32 to index
      %swap3A_438 = arith.constant 64 : index
      %swap3A_439 = tpu.vector_load %arg14[%swap3A_437, %swap3A_438] {strides = array<i32>} : memref<40x128xf32, #tpu.memory_space<vmem>>, vector<1x16xf32>,
      %swap3A_440 = vector.shape_cast %swap3A_439 : vector<1x16xf32> to vector<16xf32>
      %swap3A_441 = vector.shape_cast %mul3A_436 : vector<16xf32> to vector<1x16xf32>
      tpu.vector_store %arg14[%swap3A_437, %swap3A_438], %swap3A_441 {strides = array<i32>} : memref<40x128xf32, #tpu.memory_space<vmem>>, vector<1x16xf32>,
      %get3A_442 = arith.index_cast %add3A_261 : i32 to index
      %get3A_443 = arith.constant 80 : index
      %get3A_444 = tpu.vector_load %arg14[%get3A_442, %get3A_443] {strides = array<i32>} : memref<40x128xf32, #tpu.memory_space<vmem>>, vector<1x16xf32>,
      %get3A_445 = vector.shape_cast %get3A_444 : vector<1x16xf32> to vector<16xf32>
      %get3A_446 = arith.index_cast %add3A_261 : i32 to index
      %get3A_447 = arith.constant 80 : index
      %get3A_448 = tpu.vector_load %arg11[%get3A_446, %get3A_447] {strides = array<i32>} : memref<40x128xf32, #tpu.memory_space<vmem>>, vector<1x16xf32>,
      %get3A_449 = vector.shape_cast %get3A_448 : vector<1x16xf32> to vector<16xf32>
      %mul3A_450 = arith.mulf %get3A_445, %get3A_449 : vector<16xf32>
      %swap3A_451 = arith.index_cast %add3A_261 : i32 to index
      %swap3A_452 = arith.constant 80 : index
      %swap3A_453 = tpu.vector_load %arg14[%swap3A_451, %swap3A_452] {strides = array<i32>} : memref<40x128xf32, #tpu.memory_space<vmem>>, vector<1x16xf32>,
      %swap3A_454 = vector.shape_cast %swap3A_453 : vector<1x16xf32> to vector<16xf32>
      %swap3A_455 = vector.shape_cast %mul3A_450 : vector<16xf32> to vector<1x16xf32>
      tpu.vector_store %arg14[%swap3A_451, %swap3A_452], %swap3A_455 {strides = array<i32>} : memref<40x128xf32, #tpu.memory_space<vmem>>, vector<1x16xf32>,
      %get3A_456 = arith.index_cast %add3A_261 : i32 to index
      %get3A_457 = arith.constant 96 : index
      %get3A_458 = tpu.vector_load %arg14[%get3A_456, %get3A_457] {strides = array<i32>} : memref<40x128xf32, #tpu.memory_space<vmem>>, vector<1x16xf32>,
      %get3A_459 = vector.shape_cast %get3A_458 : vector<1x16xf32> to vector<16xf32>
      %get3A_460 = arith.index_cast %add3A_261 : i32 to index
      %get3A_461 = arith.constant 96 : index
      %get3A_462 = tpu.vector_load %arg11[%get3A_460, %get3A_461] {strides = array<i32>} : memref<40x128xf32, #tpu.memory_space<vmem>>, vector<1x16xf32>,
      %get3A_463 = vector.shape_cast %get3A_462 : vector<1x16xf32> to vector<16xf32>
      %mul3A_464 = arith.mulf %get3A_459, %get3A_463 : vector<16xf32>
      %swap3A_465 = arith.index_cast %add3A_261 : i32 to index
      %swap3A_466 = arith.constant 96 : index
      %swap3A_467 = tpu.vector_load %arg14[%swap3A_465, %swap3A_466] {strides = array<i32>} : memref<40x128xf32, #tpu.memory_space<vmem>>, vector<1x16xf32>,
      %swap3A_468 = vector.shape_cast %swap3A_467 : vector<1x16xf32> to vector<16xf32>
      %swap3A_469 = vector.shape_cast %mul3A_464 : vector<16xf32> to vector<1x16xf32>
      tpu.vector_store %arg14[%swap3A_465, %swap3A_466], %swap3A_469 {strides = array<i32>} : memref<40x128xf32, #tpu.memory_space<vmem>>, vector<1x16xf32>,
      %get3A_470 = arith.index_cast %add3A_261 : i32 to index
      %get3A_471 = arith.constant 112 : index
      %get3A_472 = tpu.vector_load %arg14[%get3A_470, %get3A_471] {strides = array<i32>} : memref<40x128xf32, #tpu.memory_space<vmem>>, vector<1x16xf32>,
      %get3A_473 = vector.shape_cast %get3A_472 : vector<1x16xf32> to vector<16xf32>
      %get3A_474 = arith.index_cast %add3A_261 : i32 to index
      %get3A_475 = arith.constant 112 : index
      %get3A_476 = tpu.vector_load %arg11[%get3A_474, %get3A_475] {strides = array<i32>} : memref<40x128xf32, #tpu.memory_space<vmem>>, vector<1x16xf32>,
      %get3A_477 = vector.shape_cast %get3A_476 : vector<1x16xf32> to vector<16xf32>
      %mul3A_478 = arith.mulf %get3A_473, %get3A_477 : vector<16xf32>
      %swap3A_479 = arith.index_cast %add3A_261 : i32 to index
      %swap3A_480 = arith.constant 112 : index
      %swap3A_481 = tpu.vector_load %arg14[%swap3A_479, %swap3A_480] {strides = array<i32>} : memref<40x128xf32, #tpu.memory_space<vmem>>, vector<1x16xf32>,
      %swap3A_482 = vector.shape_cast %swap3A_481 : vector<1x16xf32> to vector<16xf32>
      %swap3A_483 = vector.shape_cast %mul3A_478 : vector<16xf32> to vector<1x16xf32>
      tpu.vector_store %arg14[%swap3A_479, %swap3A_480], %swap3A_483 {strides = array<i32>} : memref<40x128xf32, #tpu.memory_space<vmem>>, vector<1x16xf32>,
      %scan3A_484 = arith.constant 0 : i32
      scf.yield %scan3A_484 : i32
    }
    %scan3A_238 = arith.constant 20 : i32
    %dma_start3A_239 = arith.constant 0 : i32
    %dma_start3A_240 = arith.constant 0 : i32
    %dma_start3A_241 = tpu.memref_slice %arg17[%dma_start3A_239, %dma_start3A_240] : memref<10240x128xf32, #tpu.memory_space<vmem_shared>> -> memref<10240x128xf32, #tpu.memory_space<vmem_shared>>
    tpu.enqueue_indirect_dma source(%arg14 : memref<40x128xf32, #tpu.memory_space<vmem>>) target(%dma_start3A_241 : memref<10240x128xf32, #tpu.memory_space<vmem_shared>>) offsets(%arg8 : memref<40xi32, #tpu.memory_space<vmem>>) semaphore(%arg27 : memref<!tpu.dma_semaphore, #tpu.memory_space<semaphore_mem>>) {add = true}
    %dma_wait3A_242 = arith.constant 0 : i32
    %dma_wait3A_243 = arith.constant 0 : i32
    %dma_wait3A_244 = tpu.memref_slice %arg17[%dma_wait3A_242, %dma_wait3A_243] : memref<10240x128xf32, #tpu.memory_space<vmem_shared>> -> memref<10240x128xf32, #tpu.memory_space<vmem_shared>>
    tpu.wait_indirect_dma semaphore(%arg28 : memref<!tpu.dma_semaphore, #tpu.memory_space<semaphore_mem>>) src(%arg15 : memref<40x128xf32, #tpu.memory_space<vmem>>) dst(%dma_wait3A_244 : memref<10240x128xf32, #tpu.memory_space<vmem_shared>>)
    %dma_wait3A_245 = arith.constant 0 : i32
    %dma_wait3A_246 = arith.constant 0 : i32
    %dma_wait3A_247 = tpu.memref_slice %arg17[%dma_wait3A_245, %dma_wait3A_246] : memref<10240x128xf32, #tpu.memory_space<vmem_shared>> -> memref<10240x128xf32, #tpu.memory_space<vmem_shared>>
    tpu.wait_indirect_dma semaphore(%arg29 : memref<!tpu.dma_semaphore, #tpu.memory_space<semaphore_mem>>) src(%arg16 : memref<40x128xf32, #tpu.memory_space<vmem>>) dst(%dma_wait3A_247 : memref<10240x128xf32, #tpu.memory_space<vmem_shared>>)
    %dma_wait3A_248 = arith.constant 0 : i32
    %dma_wait3A_249 = arith.constant 0 : i32
    %dma_wait3A_250 = tpu.memref_slice %arg17[%dma_wait3A_248, %dma_wait3A_249] : memref<10240x128xf32, #tpu.memory_space<vmem_shared>> -> memref<10240x128xf32, #tpu.memory_space<vmem_shared>>
    tpu.wait_indirect_dma semaphore(%arg27 : memref<!tpu.dma_semaphore, #tpu.memory_space<semaphore_mem>>) src(%arg14 : memref<40x128xf32, #tpu.memory_space<vmem>>) dst(%dma_wait3A_250 : memref<10240x128xf32, #tpu.memory_space<vmem_shared>>)
    %barrier3A_251 = arith.constant 0 : index
    tpu.barrier barrier_id(%barrier3A_251)
    %mul3A_252 = arith.constant 640 : i32
    %mul3A_253 = arith.muli %arg1, %mul3A_252 : i32
    %mul3A_254 = arith.constant 640 : i32
    %mul3A_255 = arith.muli %arg1, %mul3A_254 : i32
    "tpu.region"() ({
      %run_scoped3A = tpu.sem_alloc : memref<!tpu.dma_semaphore, #tpu.memory_space<semaphore_mem>>
      %dma_start3A_256 = arith.constant 0 : i32
      %dma_start3A_257 = tpu.memref_slice %arg6[%arg0, %mul3A_255, %dma_start3A_256] : memref<2x10240x128xf32, #tpu.memory_space<hbm>> -> memref<1x640x128xf32, #tpu.memory_space<hbm>>
      %dma_start3A_258 = tpu.memref_squeeze %dma_start3A_257 : memref<1x640x128xf32, #tpu.memory_space<hbm>> -> memref<640x128xf32, #tpu.memory_space<hbm>>
      %dma_start3A_259 = arith.constant 0 : i32
      %dma_start3A_260 = tpu.memref_slice %arg17[%mul3A_253, %dma_start3A_259] : memref<10240x128xf32, #tpu.memory_space<vmem_shared>> -> memref<640x128xf32, #tpu.memory_space<vmem_shared>>
      tpu.enqueue_dma source(%dma_start3A_260 : memref<640x128xf32, #tpu.memory_space<vmem_shared>>) target(%dma_start3A_258 : memref<640x128xf32, #tpu.memory_space<hbm>>) target_semaphore(%run_scoped3A : memref<!tpu.dma_semaphore, #tpu.memory_space<semaphore_mem>>)
      %dma_wait3A_261 = arith.constant 0 : i32
      %dma_wait3A_262 = tpu.memref_slice %arg6[%arg0, %mul3A_255, %dma_wait3A_261] : memref<2x10240x128xf32, #tpu.memory_space<hbm>> -> memref<1x640x128xf32, #tpu.memory_space<hbm>>
      %dma_wait3A_263 = tpu.memref_squeeze %dma_wait3A_262 : memref<1x640x128xf32, #tpu.memory_space<hbm>> -> memref<640x128xf32, #tpu.memory_space<hbm>>
      %dma_wait3A_264 = arith.constant 0 : i32
      %dma_wait3A_265 = tpu.memref_slice %arg17[%mul3A_253, %dma_wait3A_264] : memref<10240x128xf32, #tpu.memory_space<vmem_shared>> -> memref<640x128xf32, #tpu.memory_space<vmem_shared>>
      tpu.wait_dma2 semaphore(%run_scoped3A : memref<!tpu.dma_semaphore, #tpu.memory_space<semaphore_mem>>) src(%dma_wait3A_265 : memref<640x128xf32, #tpu.memory_space<vmem_shared>>) dst(%dma_wait3A_263 : memref<640x128xf32, #tpu.memory_space<hbm>>)
      tpu.yield
    }) : () -> ()
    return
  }
}

module attributes {stable_mosaic.version = 14 : i64} {
  func.func @_node_mlp_body(%arg0: memref<10000x128xf32, #tpu.memory_space<vmem>>, %arg1: memref<128x128xf32, #tpu.memory_space<vmem>>, %arg2: memref<1x128xf32, #tpu.memory_space<vmem>>, %arg3: memref<10000x128xf32, #tpu.memory_space<vmem>>) attributes {dimension_semantics = [], scalar_prefetch = 0 : i64, scratch_operands = 0 : i64, tpu.core_type = #tpu.core_type<tc>} {
    %get3A = arith.constant 0 : index
    %get3A_0 = arith.constant 0 : index
    %get3A_1 = vector.load %arg0[%get3A, %get3A_0] : memref<10000x128xf32, #tpu.memory_space<vmem>>, vector<10000x128xf32>
    %get3A_2 = arith.constant 0 : index
    %get3A_3 = arith.constant 0 : index
    %get3A_4 = vector.load %arg1[%get3A_2, %get3A_3] : memref<128x128xf32, #tpu.memory_space<vmem>>, vector<128x128xf32>
    %dot_general3A = arith.constant dense<0.000000e+00> : vector<10000x128xf32>
    %dot_general3A_5 = tpu.matmul %get3A_1, %get3A_4, %dot_general3A {dimension_numbers = #tpu.dot_dimension_numbers<[1], [0], [0], [1], [0, 0, 1, 1], [], []>, transpose_lhs_hint = false} : vector<10000x128xf32>, vector<128x128xf32>, vector<10000x128xf32> -> vector<10000x128xf32>
    %get3A_6 = arith.constant 0 : index
    %get3A_7 = arith.constant 0 : index
    %get3A_8 = vector.load %arg2[%get3A_6, %get3A_7] : memref<1x128xf32, #tpu.memory_space<vmem>>, vector<1x128xf32>
    %add3A = vector.broadcast %get3A_8 : vector<1x128xf32> to vector<10000x128xf32>
    %add3A_9 = arith.addf %dot_general3A_5, %add3A : vector<10000x128xf32>
    %mul3A = arith.constant 5.000000e-01 : f32
    %mul3A_10 = vector.broadcast %mul3A : f32 to vector<10000x128xf32>
    %mul3A_11 = arith.mulf %add3A_9, %mul3A_10 : vector<10000x128xf32>
    %mul3A_12 = arith.constant 0.707106769 : f32
    %mul3A_13 = vector.broadcast %mul3A_12 : f32 to vector<10000x128xf32>
    %mul3A_14 = arith.mulf %add3A_9, %mul3A_13 : vector<10000x128xf32>
    %erf3A = math.erf %mul3A_14 : vector<10000x128xf32>
    %add3A_15 = arith.constant 1.000000e+00 : f32
    %add3A_16 = vector.broadcast %add3A_15 : f32 to vector<10000x128xf32>
    %add3A_17 = arith.addf %add3A_16, %erf3A : vector<10000x128xf32>
    %mul3A_18 = arith.mulf %mul3A_11, %add3A_17 : vector<10000x128xf32>
    %swap3A = arith.constant 0 : index
    %swap3A_19 = arith.constant 0 : index
    %swap3A_20 = vector.load %arg3[%swap3A, %swap3A_19] : memref<10000x128xf32, #tpu.memory_space<vmem>>, vector<10000x128xf32>
    tpu.vector_store %arg3[%swap3A, %swap3A_19], %mul3A_18 {strides = array<i32>} : memref<10000x128xf32, #tpu.memory_space<vmem>>, vector<10000x128xf32>,
    return
  }
}

module attributes {stable_mosaic.version = 14 : i64} {
  func.func @_ffn_body(%arg0: memref<10000x128xf32, #tpu.memory_space<vmem>>, %arg1: memref<2x10240x128xf32, #tpu.memory_space<vmem>>, %arg2: memref<128x128xf32, #tpu.memory_space<vmem>>, %arg3: memref<1x128xf32, #tpu.memory_space<vmem>>, %arg4: memref<1x128xf32, #tpu.memory_space<vmem>>, %arg5: memref<1x128xf32, #tpu.memory_space<vmem>>, %arg6: memref<128x128xf32, #tpu.memory_space<vmem>>, %arg7: memref<1x128xf32, #tpu.memory_space<vmem>>, %arg8: memref<1x128xf32, #tpu.memory_space<vmem>>, %arg9: memref<1x128xf32, #tpu.memory_space<vmem>>, %arg10: memref<10000x128xf32, #tpu.memory_space<vmem>>) attributes {dimension_semantics = [], scalar_prefetch = 0 : i64, scratch_operands = 0 : i64, tpu.core_type = #tpu.core_type<tc>} {
    %get3A = arith.constant 0 : index
    %get3A_0 = arith.constant 0 : index
    %get3A_1 = vector.load %arg0[%get3A, %get3A_0] : memref<10000x128xf32, #tpu.memory_space<vmem>>, vector<10000x128xf32>
    %get3A_2 = arith.constant 0 : index
    %get3A_3 = arith.constant 0 : index
    %get3A_4 = arith.constant 0 : index
    %get3A_5 = vector.load %arg1[%get3A_2, %get3A_3, %get3A_4] : memref<2x10240x128xf32, #tpu.memory_space<vmem>>, vector<1x10000x128xf32>
    %get3A_6 = vector.shape_cast %get3A_5 : vector<1x10000x128xf32> to vector<10000x128xf32>
    %add3A = arith.addf %get3A_1, %get3A_6 : vector<10000x128xf32>
    %get3A_7 = arith.constant 1 : index
    %get3A_8 = arith.constant 0 : index
    %get3A_9 = arith.constant 0 : index
    %get3A_10 = vector.load %arg1[%get3A_7, %get3A_8, %get3A_9] : memref<2x10240x128xf32, #tpu.memory_space<vmem>>, vector<1x10000x128xf32>
    %get3A_11 = vector.shape_cast %get3A_10 : vector<1x10000x128xf32> to vector<10000x128xf32>
    %add3A_12 = arith.addf %add3A, %get3A_11 : vector<10000x128xf32>
    %get3A_13 = arith.constant 0 : index
    %get3A_14 = arith.constant 0 : index
    %get3A_15 = vector.load %arg2[%get3A_13, %get3A_14] : memref<128x128xf32, #tpu.memory_space<vmem>>, vector<128x128xf32>
    %dot_general3A = arith.constant dense<0.000000e+00> : vector<10000x128xf32>
    %dot_general3A_16 = tpu.matmul %add3A_12, %get3A_15, %dot_general3A {dimension_numbers = #tpu.dot_dimension_numbers<[1], [0], [0], [1], [0, 0, 1, 1], [], []>, transpose_lhs_hint = false} : vector<10000x128xf32>, vector<128x128xf32>, vector<10000x128xf32> -> vector<10000x128xf32>
    %get3A_17 = arith.constant 0 : index
    %get3A_18 = arith.constant 0 : index
    %get3A_19 = vector.load %arg3[%get3A_17, %get3A_18] : memref<1x128xf32, #tpu.memory_space<vmem>>, vector<1x128xf32>
    %add3A_20 = vector.broadcast %get3A_19 : vector<1x128xf32> to vector<10000x128xf32>
    %add3A_21 = arith.addf %dot_general3A_16, %add3A_20 : vector<10000x128xf32>
    %reduce_sum3A = arith.constant dense<0.000000e+00> : vector<128xf32>
    %reduce_sum3A_22 = vector.multi_reduction <add>, %add3A_21, %reduce_sum3A [0] : vector<10000x128xf32> to vector<128xf32>
    %broadcast_in_dim3A = vector.shape_cast %reduce_sum3A_22 : vector<128xf32> to vector<1x128xf32>
    %div3A = arith.constant 1.000000e+04 : f32
    %div3A_23 = vector.broadcast %div3A : f32 to vector<1x128xf32>
    %div3A_24 = arith.divf %broadcast_in_dim3A, %div3A_23 : vector<1x128xf32>
    %sub3A = vector.broadcast %div3A_24 : vector<1x128xf32> to vector<10000x128xf32>
    %sub3A_25 = arith.subf %add3A_21, %sub3A : vector<10000x128xf32>
    %integer_pow3A = arith.mulf %sub3A_25, %sub3A_25 : vector<10000x128xf32>
    %reduce_sum3A_26 = arith.constant dense<0.000000e+00> : vector<128xf32>
    %reduce_sum3A_27 = vector.multi_reduction <add>, %integer_pow3A, %reduce_sum3A_26 [0] : vector<10000x128xf32> to vector<128xf32>
    %broadcast_in_dim3A_28 = vector.shape_cast %reduce_sum3A_27 : vector<128xf32> to vector<1x128xf32>
    %div3A_29 = arith.constant 1.000000e+04 : f32
    %div3A_30 = vector.broadcast %div3A_29 : f32 to vector<1x128xf32>
    %div3A_31 = arith.divf %broadcast_in_dim3A_28, %div3A_30 : vector<1x128xf32>
    %sub3A_32 = vector.broadcast %div3A_24 : vector<1x128xf32> to vector<10000x128xf32>
    %sub3A_33 = arith.subf %add3A_21, %sub3A_32 : vector<10000x128xf32>
    %add3A_34 = arith.constant 9.99999974E-6 : f32
    %add3A_35 = vector.broadcast %add3A_34 : f32 to vector<1x128xf32>
    %add3A_36 = arith.addf %div3A_31, %add3A_35 : vector<1x128xf32>
    %rsqrt3A = math.rsqrt %add3A_36 : vector<1x128xf32>
    %mul3A = vector.broadcast %rsqrt3A : vector<1x128xf32> to vector<10000x128xf32>
    %mul3A_37 = arith.mulf %sub3A_33, %mul3A : vector<10000x128xf32>
    %get3A_38 = arith.constant 0 : index
    %get3A_39 = arith.constant 0 : index
    %get3A_40 = vector.load %arg4[%get3A_38, %get3A_39] : memref<1x128xf32, #tpu.memory_space<vmem>>, vector<1x128xf32>
    %mul3A_41 = vector.broadcast %get3A_40 : vector<1x128xf32> to vector<10000x128xf32>
    %mul3A_42 = arith.mulf %mul3A_37, %mul3A_41 : vector<10000x128xf32>
    %get3A_43 = arith.constant 0 : index
    %get3A_44 = arith.constant 0 : index
    %get3A_45 = vector.load %arg5[%get3A_43, %get3A_44] : memref<1x128xf32, #tpu.memory_space<vmem>>, vector<1x128xf32>
    %add3A_46 = vector.broadcast %get3A_45 : vector<1x128xf32> to vector<10000x128xf32>
    %add3A_47 = arith.addf %mul3A_42, %add3A_46 : vector<10000x128xf32>
    %max3A = arith.constant 0.000000e+00 : f32
    %max3A_48 = vector.broadcast %max3A : f32 to vector<10000x128xf32>
    %max3A_49 = arith.maximumf %add3A_47, %max3A_48 : vector<10000x128xf32>
    %get3A_50 = arith.constant 0 : index
    %get3A_51 = arith.constant 0 : index
    %get3A_52 = vector.load %arg6[%get3A_50, %get3A_51] : memref<128x128xf32, #tpu.memory_space<vmem>>, vector<128x128xf32>
    %dot_general3A_53 = arith.constant dense<0.000000e+00> : vector<10000x128xf32>
    %dot_general3A_54 = tpu.matmul %max3A_49, %get3A_52, %dot_general3A_53 {dimension_numbers = #tpu.dot_dimension_numbers<[1], [0], [0], [1], [0, 0, 1, 1], [], []>, transpose_lhs_hint = false} : vector<10000x128xf32>, vector<128x128xf32>, vector<10000x128xf32> -> vector<10000x128xf32>
    %get3A_55 = arith.constant 0 : index
    %get3A_56 = arith.constant 0 : index
    %get3A_57 = vector.load %arg7[%get3A_55, %get3A_56] : memref<1x128xf32, #tpu.memory_space<vmem>>, vector<1x128xf32>
    %add3A_58 = vector.broadcast %get3A_57 : vector<1x128xf32> to vector<10000x128xf32>
    %add3A_59 = arith.addf %dot_general3A_54, %add3A_58 : vector<10000x128xf32>
    %reduce_sum3A_60 = arith.constant dense<0.000000e+00> : vector<128xf32>
    %reduce_sum3A_61 = vector.multi_reduction <add>, %add3A_59, %reduce_sum3A_60 [0] : vector<10000x128xf32> to vector<128xf32>
    %broadcast_in_dim3A_62 = vector.shape_cast %reduce_sum3A_61 : vector<128xf32> to vector<1x128xf32>
    %div3A_63 = arith.constant 1.000000e+04 : f32
    %div3A_64 = vector.broadcast %div3A_63 : f32 to vector<1x128xf32>
    %div3A_65 = arith.divf %broadcast_in_dim3A_62, %div3A_64 : vector<1x128xf32>
    %sub3A_66 = vector.broadcast %div3A_65 : vector<1x128xf32> to vector<10000x128xf32>
    %sub3A_67 = arith.subf %add3A_59, %sub3A_66 : vector<10000x128xf32>
    %integer_pow3A_68 = arith.mulf %sub3A_67, %sub3A_67 : vector<10000x128xf32>
    %reduce_sum3A_69 = arith.constant dense<0.000000e+00> : vector<128xf32>
    %reduce_sum3A_70 = vector.multi_reduction <add>, %integer_pow3A_68, %reduce_sum3A_69 [0] : vector<10000x128xf32> to vector<128xf32>
    %broadcast_in_dim3A_71 = vector.shape_cast %reduce_sum3A_70 : vector<128xf32> to vector<1x128xf32>
    %div3A_72 = arith.constant 1.000000e+04 : f32
    %div3A_73 = vector.broadcast %div3A_72 : f32 to vector<1x128xf32>
    %div3A_74 = arith.divf %broadcast_in_dim3A_71, %div3A_73 : vector<1x128xf32>
    %sub3A_75 = vector.broadcast %div3A_65 : vector<1x128xf32> to vector<10000x128xf32>
    %sub3A_76 = arith.subf %add3A_59, %sub3A_75 : vector<10000x128xf32>
    %add3A_77 = arith.constant 9.99999974E-6 : f32
    %add3A_78 = vector.broadcast %add3A_77 : f32 to vector<1x128xf32>
    %add3A_79 = arith.addf %div3A_74, %add3A_78 : vector<1x128xf32>
    %rsqrt3A_80 = math.rsqrt %add3A_79 : vector<1x128xf32>
    %mul3A_81 = vector.broadcast %rsqrt3A_80 : vector<1x128xf32> to vector<10000x128xf32>
    %mul3A_82 = arith.mulf %sub3A_76, %mul3A_81 : vector<10000x128xf32>
    %get3A_83 = arith.constant 0 : index
    %get3A_84 = arith.constant 0 : index
    %get3A_85 = vector.load %arg8[%get3A_83, %get3A_84] : memref<1x128xf32, #tpu.memory_space<vmem>>, vector<1x128xf32>
    %mul3A_86 = vector.broadcast %get3A_85 : vector<1x128xf32> to vector<10000x128xf32>
    %mul3A_87 = arith.mulf %mul3A_82, %mul3A_86 : vector<10000x128xf32>
    %get3A_88 = arith.constant 0 : index
    %get3A_89 = arith.constant 0 : index
    %get3A_90 = vector.load %arg9[%get3A_88, %get3A_89] : memref<1x128xf32, #tpu.memory_space<vmem>>, vector<1x128xf32>
    %add3A_91 = vector.broadcast %get3A_90 : vector<1x128xf32> to vector<10000x128xf32>
    %add3A_92 = arith.addf %mul3A_87, %add3A_91 : vector<10000x128xf32>
    %max3A_93 = arith.constant 0.000000e+00 : f32
    %max3A_94 = vector.broadcast %max3A_93 : f32 to vector<10000x128xf32>
    %max3A_95 = arith.maximumf %add3A_92, %max3A_94 : vector<10000x128xf32>
    %add3A_96 = arith.addf %add3A_12, %max3A_95 : vector<10000x128xf32>
    %swap3A = arith.constant 0 : index
    %swap3A_97 = arith.constant 0 : index
    %swap3A_98 = vector.load %arg10[%swap3A, %swap3A_97] : memref<10000x128xf32, #tpu.memory_space<vmem>>, vector<10000x128xf32>
    tpu.vector_store %arg10[%swap3A, %swap3A_97], %add3A_96 {strides = array<i32>} : memref<10000x128xf32, #tpu.memory_space<vmem>>, vector<10000x128xf32>,
    return
  }
}

</mosaic_0001>

<sc_bundles>
// kernel: kernel.5.cloned.1.call-start
scs
__scs_entry_jumppad:
0x0: {  	(pc) =	sbr.rel $0x88, $3  }
0x1: {  	(tag) =	ssettag $0x0;
	lr =	simm.s32 $0x1  }
0x2: {  	[smem:$0x3F94] =	sst lr;
	_ =	strace $0xD0000000  }
0x3: {  	_ = 	snop  }
0x4: {  	_ = 	snop  }
0x5: {  	_ = 	snop  }
0x6: {  	_ = 	snop  }
0x7: {  	_ = 	snop  }
__scs_overlays_trampoline_lowered:
0x8: {  	[smem:$0x3FA3] =	sst s0  }
0x9: {  	[smem:$0x3FA4] =	sst s1  }
0xa: {  	[smem:$0x3FA5] =	sst s2  }
0xb: {  	[smem:$0x3FA6] =	sst s3  }
0xc: {  	[smem:$0x3FA7] =	sst s4  }
0xd: {  	[smem:$0x3FA8] =	sst s5  }
0xe: {  	[smem:$0x3FA9] =	sst s6  }
0xf: {  	[smem:$0x3FAA] =	sst s7  }
0x10: {  	[smem:$0x3FAB] =	sst s8  }
0x11: {  	[smem:$0x3FAC] =	sst s9;
	s0 =	simm.s32 @!p0 $0x0  }
0x12: {  	s1 =	sld [smem:$0x3F92];
	s0 =	simm.s32 @p0 $0x1  }
0x13: {  	[smem:$0x3FAD] =	sst s0;
	s0 =	simm.s32 @!p1 $0x0  }
0x14: {  	s2 =	sld [smem:$0x3F91];
	s0 =	simm.s32 @p1 $0x1  }
0x15: {  	[smem:$0x3FAE] =	sst s0;
	s0 =	simm.s32 @!p2 $0x0  }
0x16: {  	s3 =	sld [smem:$0x3FDB];
	s0 =	simm.s32 @p2 $0x1  }
0x17: {  	s4 =	simm.s32 $0x1BF5;
	[smem:$0x3FB0] =	sst s0  }
0x18: {  	s0 =	sld [smem:$0x3F93];
	_ =	swait.ge [sflag:s4], $0x0  }
0x19: {  	s7 =	sld [smem:$0x3F94]  }
0x1a: {  	s8 =	sadd.s32 $0xFFFFE003, lr  }
0x1b: {  	s9 =	sadd.s32 $0xFFFFFEF7, lr;
	s5 =	simm.s32 $0xFFFFFFFF;
	p2 =	slt.u32 s8, $0xFFFFF086  }
0x1c: {  	p1 =	slt.u32 s9, $0xF7A;
	s5 =	simm.s32 @!p2 $0x0  }
0x1d: {  	s5 =	simm.s32 @p1 $0x1;
	p0 =	seq.s32 s7, s2  }
0x1e: {  	s7 =	smul.u32 @!p0 $0xF7A, s2;
	p2 =	seq.s32 @!p0 s5, $0x0  }
0x1f: {  	s9 =	smul.u32 $0xF7A, s1;
	s8 =	simm.s32 @!p0 $0x1BF5;
	p2 =	por !p2, p0  }
0x20: {  	[sflag:s8] =	ssyncset.s32 @!p0 $0xFFFFF086;
	s6 =	sadd.s32 @!p0 s3, s7;
	s7 =	simm.s32 @!p0 $0x108  }
0x21: {  	s3 =	sadd.s32 s3, s9;
	s6 =	sadd.s32 @!p0 $0x88, s6;
	s7 =	simm.s32 @p2 $0x1082  }
0x22: {  	[simem:s7], [sflag:s8] =	dma.local @!p0 [hbm:s6], $0xF7A  }
0x23: {  	s9 =	sor.u32 $0xD0000000, s2;
	s6 =	simm.s32 $0x108;
	_ =	swait.ge @!p0 [sflag:s8], $0x0  }
0x24: {  	s3 =	sadd.s32 $0x88, s3;
	s6 =	simm.s32 @!p1 $0x1082;
	[sflag:s4] =	ssyncset.s32 $0xFFFFF086  }
0x25: {  	[simem:s6], [sflag:s4] =	dma.local [hbm:s3], $0xF7A  }
0x26: {  	[smem:$0x3F94] =	sst s1;
	(tag) =	ssettag s2;
	_ =	strace s9  }
0x27: {  	s1 =	sld [smem:$0x3FA4]  }
0x28: {  	s2 =	sld [smem:$0x3FA5]  }
0x29: {  	s4 =	sld [smem:$0x3FA7]  }
0x2a: {  	p0 =	seq.s32 s5, $0x0;
	s5 =	sld [smem:$0x3FA8]  }
0x2b: {  	s6 =	sld [smem:$0x3FA9]  }
0x2c: {  	s7 =	sld [smem:$0x3FAA]  }
0x2d: {  	s3 =	simm.s32 $0x108;
	s8 =	sld [smem:$0x3FAB]  }
0x2e: {  	s3 =	simm.s32 @!p0 $0x1082;
	s9 =	sld [smem:$0x3FAC]  }
0x2f: {  	lr =	sadd.s32 s0, s3;
	s0 =	sld [smem:$0x3FA3]  }
0x30: {  	s3 =	sld [smem:$0x3FA6]  }
0x31: {  	[smem:$0x3FAF] =	sst s10  }
0x32: {  	s10 =	sld [smem:$0x3FAD];
	_ =	sdelay $0x3  }
0x33: {  	p0 =	seq.s32 s10, $0x1;
	s10 =	sld [smem:$0x3FAF];
	_ =	sdelay $0x3  }
0x34: {  	[smem:$0x3FAF] =	sst s10  }
0x35: {  	s10 =	sld [smem:$0x3FAE];
	_ =	sdelay $0x3  }
0x36: {  	p1 =	seq.s32 s10, $0x1;
	s10 =	sld [smem:$0x3FAF];
	_ =	sdelay $0x3  }
0x37: {  	[smem:$0x3FAF] =	sst s10  }
0x38: {  	s10 =	sld [smem:$0x3FB0]  }
0x39: {  	_ = 	snop;
	(pc) =	sbr.ind lr, $3  }
0x3a: {  	_ = 	snop  }
0x3b: {  	_ = 	snop  }
0x3c: {  	p2 =	seq.s32 s10, $0x1;
	s10 =	sld [smem:$0x3FAF]  }
0x3d: {  	_ =	shalt  }
0x3e: {  	_ =	shalt  }
0x3f: {  	_ =	shalt  }
0x40: {  	_ =	shalt  }
0x41: {  	_ =	shalt  }
0x42: {  	_ =	shalt  }
0x43: {  	_ =	shalt  }
0x44: {  	_ =	shalt  }
0x45: {  	_ =	shalt  }
0x46: {  	_ =	shalt  }
0x47: {  	_ =	shalt  }
0x48: {  	_ =	shalt  }
0x49: {  	_ =	shalt  }
0x4a: {  	_ =	shalt  }
0x4b: {  	_ =	shalt  }
0x4c: {  	_ =	shalt  }
0x4d: {  	_ =	shalt  }
0x4e: {  	_ =	shalt  }
0x4f: {  	_ =	shalt  }
0x50: {  	_ =	shalt  }
0x51: {  	_ =	shalt  }
0x52: {  	_ =	shalt  }
0x53: {  	_ =	shalt  }
0x54: {  	_ =	shalt  }
0x55: {  	_ =	shalt  }
0x56: {  	_ =	shalt  }
0x57: {  	_ =	shalt  }
0x58: {  	_ =	shalt  }
0x59: {  	_ =	shalt  }
0x5a: {  	_ =	shalt  }
0x5b: {  	_ =	shalt  }
0x5c: {  	_ =	shalt  }
0x5d: {  	_ =	shalt  }
0x5e: {  	_ =	shalt  }
0x5f: {  	_ =	shalt  }
0x60: {  	_ =	shalt  }
0x61: {  	_ =	shalt  }
0x62: {  	_ =	shalt  }
0x63: {  	_ =	shalt  }
0x64: {  	_ =	shalt  }
0x65: {  	_ =	shalt  }
0x66: {  	_ =	shalt  }
0x67: {  	_ =	shalt  }
0x68: {  	_ =	shalt  }
0x69: {  	_ =	shalt  }
0x6a: {  	_ =	shalt  }
0x6b: {  	_ =	shalt  }
0x6c: {  	_ =	shalt  }
0x6d: {  	_ =	shalt  }
0x6e: {  	_ =	shalt  }
0x6f: {  	_ =	shalt  }
0x70: {  	_ =	shalt  }
0x71: {  	_ =	shalt  }
0x72: {  	_ =	shalt  }
0x73: {  	_ =	shalt  }
0x74: {  	_ =	shalt  }
0x75: {  	_ =	shalt  }
0x76: {  	_ =	shalt  }
0x77: {  	_ =	shalt  }
0x78: {  	_ =	shalt  }
0x79: {  	_ =	shalt  }
0x7a: {  	_ =	shalt  }
0x7b: {  	_ =	shalt  }
0x7c: {  	_ =	shalt  }
0x7d: {  	_ =	shalt  }
0x7e: {  	_ =	shalt  }
0x7f: {  	_ =	shalt  }
0x80: {  	_ =	shalt  }
0x81: {  	_ =	shalt  }
0x82: {  	_ =	shalt  }
0x83: {  	_ =	shalt  }
0x84: {  	_ =	shalt  }
0x85: {  	_ =	shalt  }
0x86: {  	_ =	shalt  }
0x87: {  	_ =	shalt  }
.Lfunc_end0:
.L_simem_size_0:
called_computation_lowered:
.L_overlay_start_0:
0x88: {  	s2 =	sld [smem:$0x3FD9]  }
0x89: {  	s3 =	sld [smem:$0x3FFE];
	_ =	sdelay $0x1  }
0x8a: {  	s1 =	srdreg.scid  }
0x8b: {  	s0 =	sand.u32 $0x1, s1  }
0x8c: {  	s17 =	sshll.u32 s0, $0xA;
	s2 =	sadd.s32 s3, s2  }
0x8d: {  	s2 =	sadd.s32 s2, s17  }
0x8e: {  	[smem:$0x3FBB] =	sst s2  }
0x8f: {  	_ = 	snop  }
0x90: {  	s2 =	sld [smem:$0x3FC7]  }
0x91: {  	s18 =	sld [smem:$0x3FD0];
	(tm) =	ssettm $0x1  }
0x92: {  	s4 =	sld [smem:$0x3FFB];
	_ =	sdelay $0x3  }
0x93: {  	_ =	strace s4  }
0x94: {  	s4 =	sld [smem:$0x3FFC];
	_ =	sdelay $0x3  }
0x95: {  	_ =	strace s4  }
0x96: {  	s4 =	sld [smem:$0x3FFD];
	_ =	sdelay $0x3  }
0x97: {  	_ =	strace s4  }
0x98: {  	_ =	strace $0x8FFFFFFF  }
0x99: {  	s19 =	sld [smem:$0x3FDB];
	_ =	sdelay $0x1  }
0x9a: {  	s5 =	simm.s32 $_scs_section_size  }
0x9b: {  	s6 =	simm.s32 $_size__tile_overlayer_lowered;
	s7 =	simm.s32 $_tile_overlayer_lowered  }
0x9c: {  	s22 =	simm.s32 $0x1BFF;
	s21 =	sshll.u32 s7, $0x1;
	s4 =	sadd.s32 s5, s19  }
0x9d: {  	s8 =	simm.s32 $0x0;
	s20 =	sshll.u32 s6, $0x1;
	s6 =	sadd.s32 s21, s4  }
0x9e: {  	[timem:s8], [sflag:s22] =	dma.local [hbm:s6], s20  }
0x9f: {  	_ =	swait.ge [sflag:s22], s20  }
0xa0: {  	s5 =	ssub.s32 $0x0, s20;
	[sflag:s22] =	ssyncset.done $0x0  }
0xa1: {  	[sflag:s22] =	ssyncadd.s32 s5;
	_ =	sdelay $0x1  }
0xa2: {  	s23 =	simm.s32 $0x1B8B  }
0xa3: {  	_ =	swait.ge [sflag:s23], $0x1  }
0xa4: {  	[sflag:s23] =	ssyncset.done $0x0  }
0xa5: {  	s25 =	simm.s32 $0x1B8E;
	s24 =	sld [smem:$0x3FFE];
	[sflag:s23] =	ssyncadd.s32 $0xFFFFFFFF  }
0xa6: {  	s26 =	simm.s32 $execute0_lowered;
	[smem:$0x3FD2] =	sst s25  }
0xa7: {  	s6 =	sshll.u32 s26, $0x1;
	_ =	strace $0x80000046;
	[dreg:$0x1] =	wrdreg $0xFFFFFFFF  }
0xa8: {  	s28 =	simm.s32 $_size_execute0_lowered;
	s4 =	sadd.s32 s4, s6;
	[dreg:$0x0] =	wrdreg $0x0  }
0xa9: {  	s6 =	sshll.u32 s28, $0x1;
	[dreg:$0x2] =	wrdreg s4  }
0xaa: {  	[dreg:$0x3] =	wrdreg s6  }
0xab: {  	[dreg:$0x4] =	wrdreg $0xC0  }
0xac: {  	_ =	task [dreg:s8], $0x5FFFF  }
0xad: {  	[dreg:$0x1] =	wrdreg $0xFFFFFFFF  }
0xae: {  	[dreg:$0x0] =	wrdreg $0x60  }
0xaf: {  	[dreg:$0x2] =	wrdreg s18  }
0xb0: {  	[dreg:$0x3] =	wrdreg s24  }
0xb1: {  	[dreg:$0x4] =	wrdreg s2  }
0xb2: {  	[dreg:$0x5] =	wrdreg $0xA1000  }
0xb3: {  	[dreg:$0x6] =	wrdreg $0x9  }
0xb4: {  	_ =	task.clear_ibuf [dreg:s8], $0x7FFFF;
	_ =	strace $0x90000046  }
0xb5: {  	s29 =	simm.s32 $0x9;
	_ =	strace $0x80000048  }
0xb6: {  	_ =	swait.ge [sflag:s29], $0x1  }
0xb7: {  	[sflag:s29] =	ssyncadd.s32 $0xFFFFFFFF  }
0xb8: {  	_ =	strace $0x90000048  }
0xb9: {  	_ =	sfence  }
0xba: {  	s30 =	sld [smem:$0x0];
	_ =	sdelay $0x2  }
0xbb: {  	s31 =	sshll.u32 s1, $0xD;
	s1 =	sshrl.u32 s1, $0x2  }
0xbc: {  	s3 =	sand.u32 $0x4000, s31;
	s1 =	sadd.s32 s1, s30  }
0xbd: {  	s0 =	sor.u32 s3, s0;
	s1 =	sshll.u32 s1, $0x11  }
0xbe: {  	s0 =	sor.u32 s1, s0  }
0xbf: {  	s0 =	sadd.s32 $0x8F2B, s0  }
0xc0: {  	[sflag:s0] =	ssyncadd.remote.s32 $0x1  }
0xc1: {  	_ =	sfence.sel $0xFFFF  }
0xc2: {  	[dreg:$0x0] =	wrdreg $0xFFFFFFFF;
	(pc) =	sbr.abs _section_cstart, $3  }
0xc3: {  	[dreg:$0x1] =	wrdreg $0xFFFFFFFF  }
0xc4: {  	_ =	task.clear_ibuf [dreg:s8], $0x2FFFF;
	_ =	strace $0x9FFFFFFF  }
0xc5: {  	(tm) =	ssettm $0x7FFFFFFF  }
tec
execute0_lowered:
.L_overlay_start_1:
0x0: {  	(tag) =	ssettag $0x1  }
0x1: {  	s1 =	rddreg [dreg:$0x0]  }
0x2: {  	s0 =	srdreg.scid;
	s2 =	rddreg [dreg:$0x1]  }
0x3: {  	s7 =	stileid.u32;
	s3 =	rddreg [dreg:$0x2];
	s6 =	simm.s32 $0x0  }
0x4: {  	s28 =	simm.s32 $0x2;
	s29 =	simm.s32 $0x5;
	s30 =	simm.s32 $0xB  }
0x5: {  	s31 =	simm.s32 $0x9;
	s0 =	sand.u32 $0x1, s0;
	s10 =	smul.u32 $0x14000, s7  }
0x6: {  	[smem:$0x7FF] =	sst s6;
	s12 =	smul.u32 $0x50000, s7;
	s4 =	sshll.u32 s0, $0x4  }
0x7: {  	s9 =	smul.u32 $0x140000, s0;
	s0 =	ssub.s32 $0x2, s0;
	s8 =	sor.u32 s7, s4  }
0x8: {  	s4 =	rddreg [dreg:$0x3];
	_ =	strace $0x80000047;
	s17 =	sshrl.u32 s12, $0x2  }
0x9: {  	s7 =	sadd.s32 $0x1800, s2;
	s18 =	sshrl.u32 s0, $0x1;
	s15 =	sadd.s32 s17, s4  }
0xa: {  	s5 =	smul.u32 $0x2710, s8;
	s20 =	sadd.s32 $0x1400, s15;
	[dreg:$0x5] =	wrdreg s15  }
0xb: {  	s9 =	sadd.s32 s10, s9;
	s21 =	sadd.s32 $0x2800, s15;
	[dreg:$0x7] =	wrdreg s20  }
0xc: {  	s0 =	ssub.s32 s0, s18;
	s22 =	sadd.s32 $0x3C00, s15;
	[dreg:$0x8] =	wrdreg s21  }
0xd: {  	s8 =	smul.u32 $0x27100, s8;
	s23 =	sadd.s32 $0x5000, s15;
	[dreg:$0x9] =	wrdreg s22  }
0xe: {  	s9 =	sshrl.u32 s9, $0x3;
	s24 =	sadd.s32 $0x6400, s15;
	[dreg:$0xa] =	wrdreg s23  }
0xf: {  	s25 =	sadd.s32 $0x7800, s15;
	s0 =	smax.u32 s0, $0x1;
	[dreg:$0xb] =	wrdreg s24  }
0x10: {  	s18 =	sadd.s32 $0x8C00, s15;
	s11 =	sshrl.u32 s5, $0x3;
	[dreg:$0xc] =	wrdreg s25  }
0x11: {  	s8 =	sadd.s32 s3, s8;
	s14 =	sadd.s32 $0x26E8, s5;
	[dreg:$0x16] =	wrdreg s0  }
0x12: {  	[dreg:$0x17] =	wrdreg s18;
	s20 =	sadd.s32 $0xB400, s15;
	s21 =	sadd.s32 $0xC800, s15  }
0x13: {  	s22 =	sadd.s32 $0xDC00, s15;
	s23 =	sadd.s32 $0xF000, s15;
	[dreg:$0xe] =	wrdreg s8  }
0x14: {  	s24 =	sadd.s32 $0x10400, s15;
	s25 =	sadd.s32 $0x11800, s15;
	[dreg:$0x19] =	wrdreg s20  }
0x15: {  	s18 =	simm.s32 $0x7900;
	s0 =	simm.s32 $0x6;
	[dreg:$0x1a] =	wrdreg s21  }
0x16: {  	s13 =	sadd.s32 s11, s2;
	s2 =	sadd.s32 s9, s2;
	[dreg:$0x1b] =	wrdreg s22  }
0x17: {  	s26 =	sadd.s32 s7, s11;
	s9 =	sadd.s32 $0x28, s5;
	[dreg:$0x1c] =	wrdreg s23  }
0x18: {  	s11 =	sadd.s32 $0x50, s5;
	s16 =	sshrl.u32 s14, $0x3;
	[dreg:$0x1d] =	wrdreg s24  }
0x19: {  	[dreg:$0x1e] =	wrdreg s25;
	s21 =	simm.s32 $0x8D00;
	s22 =	simm.s32 $0x7  }
0x1a: {  	s23 =	simm.s32 $0x1;
	s24 =	simm.s32 $0x4;
	s25 =	simm.s32 $0xA  }
0x1b: {  	s19 =	sadd.s32 $0xB600, s13;
	[dreg:$0xd] =	wrdreg s26;
	s10 =	sshrl.u32 s9, $0x3  }
0x1c: {  	s8 =	sshll.u32 s9, $0x4;
	s12 =	sshrl.u32 s11, $0x3;
	s13 =	sshll.u32 s11, $0x4  }
0x1d: {  	s2 =	sadd.s32 $0x15400, s2;
	s26 =	sadd.s32 $0x12C00, s15;
	[dreg:$0x6] =	wrdreg s19  }
0x1e: {  	s11 =	simm.s32 $0xD;
	s9 =	sadd.s32 s7, s10;
	[dreg:$0x15] =	wrdreg s2  }
0x1f: {  	s8 =	sadd.s32 s3, s8;
	s19 =	sadd.s32 $0xA000, s15;
	[dreg:$0x1f] =	wrdreg s26  }
0x20: {  	s26 =	simm.s32 $0x8;
	s2 =	simm.s32 $0x3;
	[dreg:$0xf] =	wrdreg s9  }
0x21: {  	s10 =	simm.s32 $0x0;
	[dreg:$0x10] =	wrdreg s8;
	s8 =	sadd.s32 s7, s12  }
0x22: {  	s9 =	sshll.u32 s14, $0x4;
	[dreg:$0x18] =	wrdreg s19;
	s12 =	simm.s32 $0x6500  }
0x23: {  	s14 =	simm.s32 $0x28;
	[dreg:$0x11] =	wrdreg s8;
	s8 =	sadd.s32 s3, s13  }
0x24: {  	s19 =	simm.s32 $0x2880;
	s17 =	sadd.s32 s3, s9;
	[dreg:$0x12] =	wrdreg s8  }
0x25: {  	s13 =	simm.s32 $0x2780;
	s8 =	sadd.s32 s7, s16;
	[dreg:$0x14] =	wrdreg s17  }
0x26: {  	v0 =	vimm.f32 $0.0e+00;
	s9 =	simm.s32 $0xC;
	s16 =	simm.s32 $0x2800;
	[dreg:$0x13] =	wrdreg s8  }
.LBB2_1:
0x27: {  	[smem:$0x7FD] =	sst s10  }
0x28: {  	s8 =	rddreg [dreg:$0x6]  }
0x29: {  	[tilespmem:s6], [sflag:$0xD] =	stream.linear.gather [hbm4b:s8+s6], $0x2710, $0x38;
	[tilespmem:$0x1E100] =	vst v63  }
0x2a: {  	s17 =	sand.u32 $0x7E00, s6;
	s20 =	sand.u32 $0x70, s6;
	_ =	swait.ge [sflag:s11], $0x2710  }
0x2b: {  	s10 =	simm.s32 $0x0;
	s17 =	sshrl.u32 s17, $0x2;
	[sflag:s11] =	ssyncset.done $0x0  }
0x2c: {  	s8 =	simm.s32 $0x40;
	s17 =	sor.u32 s20, s17;
	[sflag:s11] =	ssyncadd.s32 $0xFFFFD8F0  }
.LBB2_2:
0x2d: {  	p0 =	sne.s32 s8, $0x4FC0  }
0x2e: {  	[tilespmem:s17+$0x6500] =	vst v0;
	s10 =	sadd.s32 $0x10, s10;
	s17 =	smov.u32 s8;
	s8 =	sadd.s32 $0x40, s8  }
.Ltmp0:
0x2f: {  	(pc) =	sbr.rel @p0 .LBB2_2-.Ltmp0, $4  }
0x30: {  	_ = 	snop  }
0x31: {  	s17 =	sand.u32 $0x7E00, s17  }
0x32: {  	s20 =	sand.u32 $0x70, s10;
	s17 =	sshrl.u32 s17, $0x2  }
0x33: {  	s17 =	sor.u32 s20, s17  }
0x34: {  	[tilespmem:s17+$0x6500] =	vst v0  }
0x35: {  	[spmem:s15] =	stream.linear.scatter [tilespmem:s12], [sflag:$0xD], $0x1400, $0x38;
	[tilespmem:$0x1E100] =	vst v63  }
0x36: {  	_ =	swait.ge [sflag:s11], $0x1400  }
0x37: {  	[sflag:s11] =	ssyncset.done $0x0  }
0x38: {  	s8 =	rddreg [dreg:$0x7];
	[sflag:s11] =	ssyncadd.s32 $0xFFFFEC00  }
0x39: {  	[spmem:s8] =	stream.linear.scatter [tilespmem:s12], [sflag:$0xD], $0x1400, $0x38;
	[tilespmem:$0x1E100] =	vst v63  }
0x3a: {  	_ =	swait.ge [sflag:s11], $0x1400  }
0x3b: {  	[sflag:s11] =	ssyncset.done $0x0  }
0x3c: {  	s20 =	rddreg [dreg:$0x8];
	[sflag:s11] =	ssyncadd.s32 $0xFFFFEC00  }
0x3d: {  	[spmem:s20] =	stream.linear.scatter [tilespmem:s12], [sflag:$0xD], $0x1400, $0x38;
	[tilespmem:$0x1E100] =	vst v63  }
0x3e: {  	_ =	swait.ge [sflag:s11], $0x1400  }
0x3f: {  	[sflag:s11] =	ssyncset.done $0x0  }
0x40: {  	s10 =	rddreg [dreg:$0x9];
	[sflag:s11] =	ssyncadd.s32 $0xFFFFEC00  }
0x41: {  	[spmem:s10] =	stream.linear.scatter [tilespmem:s12], [sflag:$0xD], $0x1400, $0x38;
	[tilespmem:$0x1E100] =	vst v63  }
0x42: {  	_ =	swait.ge [sflag:s11], $0x1400  }
0x43: {  	[sflag:s11] =	ssyncset.done $0x0  }
0x44: {  	s15 =	rddreg [dreg:$0xa];
	[sflag:s11] =	ssyncadd.s32 $0xFFFFEC00  }
0x45: {  	[spmem:s15] =	stream.linear.scatter [tilespmem:s12], [sflag:$0xD], $0x1400, $0x38;
	[tilespmem:$0x1E100] =	vst v63  }
0x46: {  	_ =	swait.ge [sflag:s11], $0x1400  }
0x47: {  	[sflag:s11] =	ssyncset.done $0x0  }
0x48: {  	s17 =	rddreg [dreg:$0xb];
	[sflag:s11] =	ssyncadd.s32 $0xFFFFEC00  }
0x49: {  	[spmem:s17] =	stream.linear.scatter [tilespmem:s12], [sflag:$0xD], $0x1400, $0x38;
	[tilespmem:$0x1E100] =	vst v63  }
0x4a: {  	_ =	swait.ge [sflag:s11], $0x1400  }
0x4b: {  	[sflag:s11] =	ssyncset.done $0x0  }
0x4c: {  	s20 =	rddreg [dreg:$0xc];
	[sflag:s11] =	ssyncadd.s32 $0xFFFFEC00  }
0x4d: {  	[spmem:s20] =	stream.linear.scatter [tilespmem:s12], [sflag:$0xD], $0x1400, $0x38;
	[tilespmem:$0x1E100] =	vst v63  }
0x4e: {  	_ =	swait.ge [sflag:s11], $0x1400  }
0x4f: {  	[sflag:s11] =	ssyncset.done $0x0  }
0x50: {  	s10 =	rddreg [dreg:$0x17];
	[sflag:s11] =	ssyncadd.s32 $0xFFFFEC00  }
0x51: {  	[spmem:s10] =	stream.linear.scatter [tilespmem:s12], [sflag:$0xD], $0x1400, $0x38;
	[tilespmem:$0x1E100] =	vst v63  }
0x52: {  	_ =	swait.ge [sflag:s11], $0x1400  }
0x53: {  	[sflag:s11] =	ssyncset.done $0x0  }
0x54: {  	s15 =	rddreg [dreg:$0x18];
	[sflag:s11] =	ssyncadd.s32 $0xFFFFEC00  }
0x55: {  	[spmem:s15] =	stream.linear.scatter [tilespmem:s12], [sflag:$0xD], $0x1400, $0x38;
	[tilespmem:$0x1E100] =	vst v63  }
0x56: {  	_ =	swait.ge [sflag:s11], $0x1400  }
0x57: {  	[sflag:s11] =	ssyncset.done $0x0  }
0x58: {  	s17 =	rddreg [dreg:$0x19];
	[sflag:s11] =	ssyncadd.s32 $0xFFFFEC00  }
0x59: {  	[spmem:s17] =	stream.linear.scatter [tilespmem:s12], [sflag:$0xD], $0x1400, $0x38;
	[tilespmem:$0x1E100] =	vst v63  }
0x5a: {  	_ =	swait.ge [sflag:s11], $0x1400  }
0x5b: {  	[sflag:s11] =	ssyncset.done $0x0  }
0x5c: {  	s20 =	rddreg [dreg:$0x1a];
	[sflag:s11] =	ssyncadd.s32 $0xFFFFEC00  }
0x5d: {  	[spmem:s20] =	stream.linear.scatter [tilespmem:s12], [sflag:$0xD], $0x1400, $0x38;
	[tilespmem:$0x1E100] =	vst v63  }
0x5e: {  	_ =	swait.ge [sflag:s11], $0x1400  }
0x5f: {  	[sflag:s11] =	ssyncset.done $0x0  }
0x60: {  	s10 =	rddreg [dreg:$0x1b];
	[sflag:s11] =	ssyncadd.s32 $0xFFFFEC00  }
0x61: {  	[spmem:s10] =	stream.linear.scatter [tilespmem:s12], [sflag:$0xD], $0x1400, $0x38;
	[tilespmem:$0x1E100] =	vst v63  }
0x62: {  	_ =	swait.ge [sflag:s11], $0x1400  }
0x63: {  	[sflag:s11] =	ssyncset.done $0x0  }
0x64: {  	s15 =	rddreg [dreg:$0x1c];
	[sflag:s11] =	ssyncadd.s32 $0xFFFFEC00  }
0x65: {  	[spmem:s15] =	stream.linear.scatter [tilespmem:s12], [sflag:$0xD], $0x1400, $0x38;
	[tilespmem:$0x1E100] =	vst v63  }
0x66: {  	_ =	swait.ge [sflag:s11], $0x1400  }
0x67: {  	[sflag:s11] =	ssyncset.done $0x0  }
0x68: {  	s17 =	rddreg [dreg:$0x1d];
	[sflag:s11] =	ssyncadd.s32 $0xFFFFEC00  }
0x69: {  	[spmem:s17] =	stream.linear.scatter [tilespmem:s12], [sflag:$0xD], $0x1400, $0x38;
	[tilespmem:$0x1E100] =	vst v63  }
0x6a: {  	_ =	swait.ge [sflag:s11], $0x1400  }
0x6b: {  	[sflag:s11] =	ssyncset.done $0x0  }
0x6c: {  	s20 =	rddreg [dreg:$0x1e];
	[sflag:s11] =	ssyncadd.s32 $0xFFFFEC00  }
0x6d: {  	[spmem:s20] =	stream.linear.scatter [tilespmem:s12], [sflag:$0xD], $0x1400, $0x38;
	[tilespmem:$0x1E100] =	vst v63  }
0x6e: {  	_ =	swait.ge [sflag:s11], $0x1400  }
0x6f: {  	[sflag:s11] =	ssyncset.done $0x0  }
0x70: {  	s10 =	rddreg [dreg:$0x1f];
	[sflag:s11] =	ssyncadd.s32 $0xFFFFEC00  }
0x71: {  	[spmem:s10] =	stream.linear.scatter [tilespmem:s12], [sflag:$0xD], $0x1400, $0x38;
	[tilespmem:$0x1E100] =	vst v63  }
0x72: {  	_ =	swait.ge [sflag:s11], $0x1400  }
0x73: {  	[sflag:s11] =	ssyncset.done $0x0  }
0x74: {  	[sflag:s11] =	ssyncadd.s32 $0xFFFFEC00  }
0x75: {  	[bflag:$0x0] =	sbarrier.arrive $0xFFFF  }
0x76: {  	s8 =	simm.s32 $0x0;
	s10 =	rddreg [dreg:$0xd]  }
0x77: {  	[tilespmem:s13], [sflag:$0x7] =	stream.linear.gather [hbm4b:s10+s8], $0x28, $0x38;
	[tilespmem:$0x1E100] =	vst v63  }
0x78: {  	s15 =	simm.s32 $0x2900  }
0x79: {  	[tilespmem:s15], [sflag:$0x1] =	stream.indirect.gather [hbm4b:s1+s14], $0x80, s8, s14, $0xb8;
	[tilespmem:$0x1E100] =	vst v63  }
0x7a: {  	s17 =	rddreg [dreg:$0xe]  }
0x7b: {  	[tilespmem:s12], [sflag:$0x4] =	stream.linear.gather [hbm4b:s17+s8], $0x1400, $0x38;
	[tilespmem:$0x1E100] =	vst v63  }
0x7c: {  	s20 =	rddreg [dreg:$0xf]  }
0x7d: {  	[tilespmem:s16], [sflag:$0x8] =	stream.linear.gather [hbm4b:s20+s8], $0x28, $0x38;
	[tilespmem:$0x1E100] =	vst v63  }
0x7e: {  	s15 =	simm.s32 $0x3D00  }
0x7f: {  	[tilespmem:s15], [sflag:$0x2] =	stream.indirect.gather [hbm4b:s1+s14], $0x80, s14, s14, $0xb8;
	[tilespmem:$0x1E100] =	vst v63  }
0x80: {  	s17 =	rddreg [dreg:$0x10]  }
0x81: {  	[tilespmem:s18], [sflag:$0x5] =	stream.linear.gather [hbm4b:s17+s8], $0x1400, $0x38;
	[tilespmem:$0x1E100] =	vst v63  }
0x82: {  	s20 =	rddreg [dreg:$0x11]  }
0x83: {  	[tilespmem:s19], [sflag:$0x9] =	stream.linear.gather [hbm4b:s20+s8], $0x28, $0x38;
	[tilespmem:$0x1E100] =	vst v63  }
0x84: {  	s15 =	simm.s32 $0x50;
	s17 =	simm.s32 $0x5100  }
0x85: {  	[tilespmem:s17], [sflag:$0x3] =	stream.indirect.gather [hbm4b:s1+s14], $0x80, s15, s14, $0xb8;
	[tilespmem:$0x1E100] =	vst v63  }
0x86: {  	s20 =	rddreg [dreg:$0x12]  }
0x87: {  	[tilespmem:s21], [sflag:$0x6] =	stream.linear.gather [hbm4b:s20+s8], $0x1400, $0x38;
	[tilespmem:$0x1E100] =	vst v63  }
.LBB2_4:
0x88: {  	_ =	swait.ge [sflag:s22], $0x28  }
0x89: {  	[sflag:s22] =	ssyncset.done $0x0  }
0x8a: {  	[sflag:s22] =	ssyncadd.s32 $0xFFFFFFD8  }
0x8b: {  	_ =	swait.ge [sflag:s23], $0x1400  }
0x8c: {  	[sflag:s23] =	ssyncset.done $0x0  }
0x8d: {  	[sflag:s23] =	ssyncadd.s32 $0xFFFFEC00  }
0x8e: {  	_ =	swait.ge [sflag:s24], $0x1400  }
0x8f: {  	[sflag:s24] =	ssyncset.done $0x0  }
0x90: {  	s10 =	simm.s32 $0xF0;
	[sflag:s24] =	ssyncadd.s32 $0xFFFFEC00  }
0x91: {  	v7 =	vld [tilespmem:s10+$0x2810]  }
0x92: {  	v8 =	vld [tilespmem:s10+$0x2820]  }
0x93: {  	v9 =	vld [tilespmem:s10+$0x2830]  }
0x94: {  	v10 =	vld [tilespmem:s10+$0x2840]  }
0x95: {  	v11 =	vld [tilespmem:s10+$0x2850]  }
0x96: {  	v12 =	vld [tilespmem:s10+$0x2860]  }
0x97: {  	v13 =	vld [tilespmem:s10+$0x2870]  }
0x98: {  	v14 =	vld [tilespmem:s10+$0x2880]  }
0x99: {  	v15 =	vld [tilespmem:s10+$0x2890]  }
0x9a: {  	v16 =	vld [tilespmem:s10+$0x28A0]  }
0x9b: {  	v6 =	vld [tilespmem:s10+$0x28B0]  }
0x9c: {  	v5 =	vld [tilespmem:s10+$0x28C0]  }
0x9d: {  	v4 =	vld [tilespmem:s10+$0x28D0]  }
0x9e: {  	v3 =	vld [tilespmem:s10+$0x28E0]  }
0x9f: {  	v2 =	vld [tilespmem:s10+$0x28F0]  }
0xa0: {  	v1 =	vld [tilespmem:s10+$0x2900]  }
0xa1: {  	v17 =	vld [tilespmem:s10+$0x6410]  }
0xa2: {  	v18 =	vld [tilespmem:s10+$0x6420]  }
0xa3: {  	v19 =	vld [tilespmem:s10+$0x6430]  }
0xa4: {  	v20 =	vld [tilespmem:s10+$0x6440]  }
0xa5: {  	v21 =	vld [tilespmem:s10+$0x6450]  }
0xa6: {  	v60 =	vld [tilespmem:s10+$0x6460];
	v7 =	vmul.f32 v7, v17  }
0xa7: {  	v22 =	vld [tilespmem:s10+$0x6470];
	v8 =	vmul.f32 v8, v18  }
0xa8: {  	v61 =	vld [tilespmem:s10+$0x6480];
	[tilespmem:s10+$0x6410] =	vst v7;
	v7 =	vmul.f32 v9, v19  }
0xa9: {  	v62 =	vld [tilespmem:s10+$0x6490];
	[tilespmem:s10+$0x6420] =	vst v8;
	v8 =	vmul.f32 v10, v20  }
0xaa: {  	v63 =	vld [tilespmem:s10+$0x64A0];
	[tilespmem:s10+$0x6430] =	vst v7;
	v7 =	vmul.f32 v11, v21  }
0xab: {  	v9 =	vmul.f32 v12, v60;
	[tilespmem:s10+$0x6440] =	vst v8;
	v8 =	vld [tilespmem:s10+$0x64B0]  }
0xac: {  	v10 =	vmul.f32 v13, v22;
	[tilespmem:s10+$0x6450] =	vst v7;
	v7 =	vld [tilespmem:s10+$0x64C0]  }
0xad: {  	[tilespmem:s10+$0x6460] =	vst v9;
	v9 =	vld [tilespmem:s10+$0x64D0];
	v11 =	vmul.f32 v14, v61  }
0xae: {  	v13 =	vmul.f32 v15, v62;
	[tilespmem:s10+$0x6470] =	vst v10;
	v10 =	vld [tilespmem:s10+$0x64E0]  }
0xaf: {  	s17 =	simm.s32 $0x7C0;
	v12 =	vmul.f32 v16, v63;
	[tilespmem:s10+$0x6480] =	vst v11;
	v11 =	vld [tilespmem:s10+$0x64F0]  }
.LBB2_5:
0xb0: {  	s20 =	sshra.s32 s17, $0x2;
	p0 =	sne.s32 s17, $0x4FC0;
	[tilespmem:s10+$0x6490] =	vst v13;
	v6 =	vmul.f32 v6, v8;
	v8 =	vld [tilespmem:s10+$0x6500]  }
0xb1: {  	v13 =	vld [tilespmem:s20+$0x2810];
	[tilespmem:s10+$0x64A0] =	vst v12;
	v5 =	vmul.f32 v5, v7  }
0xb2: {  	v7 =	vld [tilespmem:s20+$0x2820];
	[tilespmem:s10+$0x64B0] =	vst v6;
	v4 =	vmul.f32 v4, v9  }
0xb3: {  	v9 =	vld [tilespmem:s20+$0x2830];
	[tilespmem:s10+$0x64C0] =	vst v5;
	v3 =	vmul.f32 v3, v10  }
0xb4: {  	v10 =	vld [tilespmem:s20+$0x2840];
	[tilespmem:s10+$0x64D0] =	vst v4;
	v2 =	vmul.f32 v2, v11  }
0xb5: {  	v11 =	vld [tilespmem:s20+$0x2850];
	[tilespmem:s10+$0x64E0] =	vst v3;
	v1 =	vmul.f32 v1, v8  }
0xb6: {  	v8 =	vld [tilespmem:s20+$0x2860];
	[tilespmem:s10+$0x64F0] =	vst v2  }
0xb7: {  	v12 =	vld [tilespmem:s20+$0x2870];
	[tilespmem:s10+$0x6500] =	vst v1;
	s10 =	smov.u32 s20  }
0xb8: {  	v14 =	vld [tilespmem:s10+$0x2880]  }
0xb9: {  	v15 =	vld [tilespmem:s10+$0x2890]  }
0xba: {  	v16 =	vld [tilespmem:s10+$0x28A0]  }
0xbb: {  	v6 =	vld [tilespmem:s10+$0x28B0]  }
0xbc: {  	v5 =	vld [tilespmem:s10+$0x28C0]  }
0xbd: {  	v4 =	vld [tilespmem:s10+$0x28D0]  }
0xbe: {  	v3 =	vld [tilespmem:s10+$0x28E0]  }
0xbf: {  	v2 =	vld [tilespmem:s10+$0x28F0]  }
0xc0: {  	v1 =	vld [tilespmem:s10+$0x2900]  }
0xc1: {  	v17 =	vld [tilespmem:s10+$0x6410]  }
0xc2: {  	v18 =	vld [tilespmem:s10+$0x6420]  }
0xc3: {  	v19 =	vld [tilespmem:s10+$0x6430]  }
0xc4: {  	v20 =	vld [tilespmem:s10+$0x6440]  }
0xc5: {  	v21 =	vld [tilespmem:s10+$0x6450]  }
0xc6: {  	v13 =	vmul.f32 v13, v17;
	v17 =	vld [tilespmem:s10+$0x6460]  }
0xc7: {  	v7 =	vmul.f32 v7, v18;
	v18 =	vld [tilespmem:s10+$0x6470]  }
0xc8: {  	[tilespmem:s10+$0x6410] =	vst v13;
	v9 =	vmul.f32 v9, v19;
	v13 =	vld [tilespmem:s10+$0x6480]  }
0xc9: {  	[tilespmem:s10+$0x6420] =	vst v7;
	v7 =	vmul.f32 v10, v20;
	v10 =	vld [tilespmem:s10+$0x6490]  }
0xca: {  	[tilespmem:s10+$0x6430] =	vst v9;
	v9 =	vmul.f32 v11, v21;
	v11 =	vld [tilespmem:s10+$0x64A0]  }
.Ltmp1:
0xcb: {  	[tilespmem:s10+$0x6440] =	vst v7;
	v17 =	vmul.f32 v8, v17;
	v8 =	vld [tilespmem:s10+$0x64B0];
	(pc) =	sbr.rel @p0 .LBB2_5-.Ltmp1, $4  }
0xcc: {  	[tilespmem:s10+$0x6450] =	vst v9;
	v12 =	vmul.f32 v12, v18;
	v7 =	vld [tilespmem:s10+$0x64C0]  }
0xcd: {  	[tilespmem:s10+$0x6460] =	vst v17;
	v14 =	vmul.f32 v14, v13;
	v9 =	vld [tilespmem:s10+$0x64D0]  }
0xce: {  	[tilespmem:s10+$0x6470] =	vst v12;
	v13 =	vmul.f32 v15, v10;
	v10 =	vld [tilespmem:s10+$0x64E0]  }
0xcf: {  	s17 =	sadd.s32 $0x400, s17;
	[tilespmem:s10+$0x6480] =	vst v14;
	v12 =	vmul.f32 v16, v11;
	v11 =	vld [tilespmem:s10+$0x64F0]  }
0xd0: {  	[tilespmem:s10+$0x6490] =	vst v13;
	v6 =	vmul.f32 v6, v8;
	v8 =	vld [tilespmem:s10+$0x6500]  }
0xd1: {  	[tilespmem:s10+$0x64A0] =	vst v12;
	v5 =	vmul.f32 v5, v7  }
0xd2: {  	[tilespmem:s10+$0x64B0] =	vst v6;
	v4 =	vmul.f32 v4, v9  }
0xd3: {  	[tilespmem:s10+$0x64C0] =	vst v5;
	v3 =	vmul.f32 v3, v10  }
0xd4: {  	[tilespmem:s10+$0x64D0] =	vst v4;
	v2 =	vmul.f32 v2, v11  }
0xd5: {  	[tilespmem:s10+$0x64E0] =	vst v3;
	v1 =	vmul.f32 v1, v8  }
0xd6: {  	[tilespmem:s10+$0x64F0] =	vst v2  }
0xd7: {  	[tilespmem:s10+$0x6500] =	vst v1;
	s10 =	smul.u32 $0x78, s8  }
0xd8: {  	[spmem:s4] =	stream.indirect.scatter.add.f32 [tilespmem:s12], [sflag:$0xA], $0x80, s13, s14, $0xb8;
	[tilespmem:$0x1E100] =	vst v63  }
0xd9: {  	s17 =	sadd.s32 $0x78, s10  }
0xda: {  	_ =	swait.ge [sflag:s25], $0x1400;
	s20 =	sadd.s32 s5, s17  }
0xdb: {  	[sflag:s25] =	ssyncset.done $0x0;
	s15 =	sshrl.u32 s20, $0x3  }
0xdc: {  	[sflag:s25] =	ssyncadd.s32 $0xFFFFEC00;
	s15 =	sadd.s32 s7, s15  }
0xdd: {  	[tilespmem:s13], [sflag:$0x7] =	stream.linear.gather [hbm4b:s15+s6], $0x28, $0x38;
	[tilespmem:$0x1E100] =	vst v63  }
0xde: {  	s20 =	sshll.u32 s20, $0x4;
	s15 =	simm.s32 $0x2900  }
0xdf: {  	[tilespmem:s15], [sflag:$0x1] =	stream.indirect.gather [hbm4b:s1+s14], $0x80, s17, s14, $0xb8;
	[tilespmem:$0x1E100] =	vst v63  }
0xe0: {  	s15 =	sadd.s32 s3, s20  }
0xe1: {  	[tilespmem:s12], [sflag:$0x4] =	stream.linear.gather [hbm4b:s15+s6], $0x1400, $0x38;
	[tilespmem:$0x1E100] =	vst v63  }
0xe2: {  	_ =	swait.ge [sflag:s26], $0x28  }
0xe3: {  	[sflag:s26] =	ssyncset.done $0x0  }
0xe4: {  	[sflag:s26] =	ssyncadd.s32 $0xFFFFFFD8  }
0xe5: {  	_ =	swait.ge [sflag:s28], $0x1400  }
0xe6: {  	[sflag:s28] =	ssyncset.done $0x0  }
0xe7: {  	[sflag:s28] =	ssyncadd.s32 $0xFFFFEC00  }
0xe8: {  	_ =	swait.ge [sflag:s29], $0x1400  }
0xe9: {  	[sflag:s29] =	ssyncset.done $0x0  }
0xea: {  	s17 =	simm.s32 $0xF0;
	[sflag:s29] =	ssyncadd.s32 $0xFFFFEC00  }
0xeb: {  	v7 =	vld [tilespmem:s17+$0x3C10]  }
0xec: {  	v8 =	vld [tilespmem:s17+$0x3C20]  }
0xed: {  	v9 =	vld [tilespmem:s17+$0x3C30]  }
0xee: {  	v10 =	vld [tilespmem:s17+$0x3C40]  }
0xef: {  	v11 =	vld [tilespmem:s17+$0x3C50]  }
0xf0: {  	v12 =	vld [tilespmem:s17+$0x3C60]  }
0xf1: {  	v13 =	vld [tilespmem:s17+$0x3C70]  }
0xf2: {  	v14 =	vld [tilespmem:s17+$0x3C80]  }
0xf3: {  	v15 =	vld [tilespmem:s17+$0x3C90]  }
0xf4: {  	v16 =	vld [tilespmem:s17+$0x3CA0]  }
0xf5: {  	v6 =	vld [tilespmem:s17+$0x3CB0]  }
0xf6: {  	v5 =	vld [tilespmem:s17+$0x3CC0]  }
0xf7: {  	v4 =	vld [tilespmem:s17+$0x3CD0]  }
0xf8: {  	v3 =	vld [tilespmem:s17+$0x3CE0]  }
0xf9: {  	v2 =	vld [tilespmem:s17+$0x3CF0]  }
0xfa: {  	v1 =	vld [tilespmem:s17+$0x3D00]  }
0xfb: {  	v17 =	vld [tilespmem:s17+$0x7810]  }
0xfc: {  	v18 =	vld [tilespmem:s17+$0x7820]  }
0xfd: {  	v19 =	vld [tilespmem:s17+$0x7830]  }
0xfe: {  	v20 =	vld [tilespmem:s17+$0x7840]  }
0xff: {  	v21 =	vld [tilespmem:s17+$0x7850]  }
0x100: {  	v60 =	vld [tilespmem:s17+$0x7860];
	v7 =	vmul.f32 v7, v17  }
0x101: {  	v22 =	vld [tilespmem:s17+$0x7870];
	v8 =	vmul.f32 v8, v18  }
0x102: {  	v61 =	vld [tilespmem:s17+$0x7880];
	[tilespmem:s17+$0x7810] =	vst v7;
	v7 =	vmul.f32 v9, v19  }
0x103: {  	v62 =	vld [tilespmem:s17+$0x7890];
	[tilespmem:s17+$0x7820] =	vst v8;
	v8 =	vmul.f32 v10, v20  }
0x104: {  	v63 =	vld [tilespmem:s17+$0x78A0];
	[tilespmem:s17+$0x7830] =	vst v7;
	v7 =	vmul.f32 v11, v21  }
0x105: {  	v9 =	vmul.f32 v12, v60;
	[tilespmem:s17+$0x7840] =	vst v8;
	v8 =	vld [tilespmem:s17+$0x78B0]  }
0x106: {  	v10 =	vmul.f32 v13, v22;
	[tilespmem:s17+$0x7850] =	vst v7;
	v7 =	vld [tilespmem:s17+$0x78C0]  }
0x107: {  	[tilespmem:s17+$0x7860] =	vst v9;
	v9 =	vld [tilespmem:s17+$0x78D0];
	v11 =	vmul.f32 v14, v61  }
0x108: {  	v13 =	vmul.f32 v15, v62;
	[tilespmem:s17+$0x7870] =	vst v10;
	v10 =	vld [tilespmem:s17+$0x78E0]  }
0x109: {  	s20 =	simm.s32 $0x7C0;
	v12 =	vmul.f32 v16, v63;
	[tilespmem:s17+$0x7880] =	vst v11;
	v11 =	vld [tilespmem:s17+$0x78F0]  }
.LBB2_7:
0x10a: {  	s15 =	sshra.s32 s20, $0x2;
	p0 =	sne.s32 s20, $0x4FC0;
	[tilespmem:s17+$0x7890] =	vst v13;
	v6 =	vmul.f32 v6, v8;
	v8 =	vld [tilespmem:s17+$0x7900]  }
0x10b: {  	v13 =	vld [tilespmem:s15+$0x3C10];
	[tilespmem:s17+$0x78A0] =	vst v12;
	v5 =	vmul.f32 v5, v7  }
0x10c: {  	v7 =	vld [tilespmem:s15+$0x3C20];
	[tilespmem:s17+$0x78B0] =	vst v6;
	v4 =	vmul.f32 v4, v9  }
0x10d: {  	v9 =	vld [tilespmem:s15+$0x3C30];
	[tilespmem:s17+$0x78C0] =	vst v5;
	v3 =	vmul.f32 v3, v10  }
0x10e: {  	v10 =	vld [tilespmem:s15+$0x3C40];
	[tilespmem:s17+$0x78D0] =	vst v4;
	v2 =	vmul.f32 v2, v11  }
0x10f: {  	v11 =	vld [tilespmem:s15+$0x3C50];
	[tilespmem:s17+$0x78E0] =	vst v3;
	v1 =	vmul.f32 v1, v8  }
0x110: {  	v8 =	vld [tilespmem:s15+$0x3C60];
	[tilespmem:s17+$0x78F0] =	vst v2  }
0x111: {  	v12 =	vld [tilespmem:s15+$0x3C70];
	[tilespmem:s17+$0x7900] =	vst v1;
	s17 =	smov.u32 s15  }
0x112: {  	v14 =	vld [tilespmem:s17+$0x3C80]  }
0x113: {  	v15 =	vld [tilespmem:s17+$0x3C90]  }
0x114: {  	v16 =	vld [tilespmem:s17+$0x3CA0]  }
0x115: {  	v6 =	vld [tilespmem:s17+$0x3CB0]  }
0x116: {  	v5 =	vld [tilespmem:s17+$0x3CC0]  }
0x117: {  	v4 =	vld [tilespmem:s17+$0x3CD0]  }
0x118: {  	v3 =	vld [tilespmem:s17+$0x3CE0]  }
0x119: {  	v2 =	vld [tilespmem:s17+$0x3CF0]  }
0x11a: {  	v1 =	vld [tilespmem:s17+$0x3D00]  }
0x11b: {  	v17 =	vld [tilespmem:s17+$0x7810]  }
0x11c: {  	v18 =	vld [tilespmem:s17+$0x7820]  }
0x11d: {  	v19 =	vld [tilespmem:s17+$0x7830]  }
0x11e: {  	v20 =	vld [tilespmem:s17+$0x7840]  }
0x11f: {  	v21 =	vld [tilespmem:s17+$0x7850]  }
0x120: {  	v13 =	vmul.f32 v13, v17;
	v17 =	vld [tilespmem:s17+$0x7860]  }
0x121: {  	v7 =	vmul.f32 v7, v18;
	v18 =	vld [tilespmem:s17+$0x7870]  }
0x122: {  	[tilespmem:s17+$0x7810] =	vst v13;
	v9 =	vmul.f32 v9, v19;
	v13 =	vld [tilespmem:s17+$0x7880]  }
0x123: {  	[tilespmem:s17+$0x7820] =	vst v7;
	v7 =	vmul.f32 v10, v20;
	v10 =	vld [tilespmem:s17+$0x7890]  }
0x124: {  	[tilespmem:s17+$0x7830] =	vst v9;
	v9 =	vmul.f32 v11, v21;
	v11 =	vld [tilespmem:s17+$0x78A0]  }
.Ltmp2:
0x125: {  	[tilespmem:s17+$0x7840] =	vst v7;
	v17 =	vmul.f32 v8, v17;
	v8 =	vld [tilespmem:s17+$0x78B0];
	(pc) =	sbr.rel @p0 .LBB2_7-.Ltmp2, $4  }
0x126: {  	[tilespmem:s17+$0x7850] =	vst v9;
	v12 =	vmul.f32 v12, v18;
	v7 =	vld [tilespmem:s17+$0x78C0]  }
0x127: {  	[tilespmem:s17+$0x7860] =	vst v17;
	v14 =	vmul.f32 v14, v13;
	v9 =	vld [tilespmem:s17+$0x78D0]  }
0x128: {  	[tilespmem:s17+$0x7870] =	vst v12;
	v13 =	vmul.f32 v15, v10;
	v10 =	vld [tilespmem:s17+$0x78E0]  }
0x129: {  	s20 =	sadd.s32 $0x400, s20;
	[tilespmem:s17+$0x7880] =	vst v14;
	v12 =	vmul.f32 v16, v11;
	v11 =	vld [tilespmem:s17+$0x78F0]  }
0x12a: {  	[tilespmem:s17+$0x7890] =	vst v13;
	v6 =	vmul.f32 v6, v8;
	v8 =	vld [tilespmem:s17+$0x7900]  }
0x12b: {  	[tilespmem:s17+$0x78A0] =	vst v12;
	v5 =	vmul.f32 v5, v7  }
0x12c: {  	[tilespmem:s17+$0x78B0] =	vst v6;
	v4 =	vmul.f32 v4, v9  }
0x12d: {  	[tilespmem:s17+$0x78C0] =	vst v5;
	v3 =	vmul.f32 v3, v10  }
0x12e: {  	[tilespmem:s17+$0x78D0] =	vst v4;
	v2 =	vmul.f32 v2, v11  }
0x12f: {  	[tilespmem:s17+$0x78E0] =	vst v3;
	v1 =	vmul.f32 v1, v8  }
0x130: {  	[tilespmem:s17+$0x78F0] =	vst v2  }
0x131: {  	s15 =	sadd.s32 $0xA0, s10;
	[tilespmem:s17+$0x7900] =	vst v1  }
0x132: {  	[spmem:s4] =	stream.indirect.scatter.add.f32 [tilespmem:s18], [sflag:$0xB], $0x80, s16, s14, $0xb8;
	[tilespmem:$0x1E100] =	vst v63  }
0x133: {  	s17 =	sadd.s32 s5, s15;
	_ =	swait.ge [sflag:s30], $0x1400  }
0x134: {  	s20 =	sshrl.u32 s17, $0x3;
	[sflag:s30] =	ssyncset.done $0x0  }
0x135: {  	s20 =	sadd.s32 s7, s20;
	[sflag:s30] =	ssyncadd.s32 $0xFFFFEC00  }
0x136: {  	[tilespmem:s16], [sflag:$0x8] =	stream.linear.gather [hbm4b:s20+s6], $0x28, $0x38;
	[tilespmem:$0x1E100] =	vst v63  }
0x137: {  	s20 =	simm.s32 $0x3D00  }
0x138: {  	[tilespmem:s20], [sflag:$0x2] =	stream.indirect.gather [hbm4b:s1+s14], $0x80, s15, s14, $0xb8;
	[tilespmem:$0x1E100] =	vst v63  }
0x139: {  	s20 =	sshll.u32 s17, $0x4  }
0x13a: {  	s15 =	sadd.s32 s3, s20  }
0x13b: {  	[tilespmem:s18], [sflag:$0x5] =	stream.linear.gather [hbm4b:s15+s6], $0x1400, $0x38;
	[tilespmem:$0x1E100] =	vst v63  }
0x13c: {  	_ =	swait.ge [sflag:s31], $0x28  }
0x13d: {  	[sflag:s31] =	ssyncset.done $0x0  }
0x13e: {  	[sflag:s31] =	ssyncadd.s32 $0xFFFFFFD8  }
0x13f: {  	_ =	swait.ge [sflag:s2], $0x1400  }
0x140: {  	[sflag:s2] =	ssyncset.done $0x0  }
0x141: {  	[sflag:s2] =	ssyncadd.s32 $0xFFFFEC00  }
0x142: {  	_ =	swait.ge [sflag:s0], $0x1400  }
0x143: {  	[sflag:s0] =	ssyncset.done $0x0  }
0x144: {  	s17 =	simm.s32 $0xF0;
	[sflag:s0] =	ssyncadd.s32 $0xFFFFEC00  }
0x145: {  	v7 =	vld [tilespmem:s17+$0x5010]  }
0x146: {  	v8 =	vld [tilespmem:s17+$0x5020]  }
0x147: {  	v9 =	vld [tilespmem:s17+$0x5030]  }
0x148: {  	v10 =	vld [tilespmem:s17+$0x5040]  }
0x149: {  	v11 =	vld [tilespmem:s17+$0x5050]  }
0x14a: {  	v12 =	vld [tilespmem:s17+$0x5060]  }
0x14b: {  	v13 =	vld [tilespmem:s17+$0x5070]  }
0x14c: {  	v14 =	vld [tilespmem:s17+$0x5080]  }
0x14d: {  	v15 =	vld [tilespmem:s17+$0x5090]  }
0x14e: {  	v16 =	vld [tilespmem:s17+$0x50A0]  }
0x14f: {  	v6 =	vld [tilespmem:s17+$0x50B0]  }
0x150: {  	v5 =	vld [tilespmem:s17+$0x50C0]  }
0x151: {  	v4 =	vld [tilespmem:s17+$0x50D0]  }
0x152: {  	v3 =	vld [tilespmem:s17+$0x50E0]  }
0x153: {  	v2 =	vld [tilespmem:s17+$0x50F0]  }
0x154: {  	v1 =	vld [tilespmem:s17+$0x5100]  }
0x155: {  	v17 =	vld [tilespmem:s17+$0x8C10]  }
0x156: {  	v18 =	vld [tilespmem:s17+$0x8C20]  }
0x157: {  	v19 =	vld [tilespmem:s17+$0x8C30]  }
0x158: {  	v20 =	vld [tilespmem:s17+$0x8C40]  }
0x159: {  	v21 =	vld [tilespmem:s17+$0x8C50]  }
0x15a: {  	v60 =	vld [tilespmem:s17+$0x8C60];
	v7 =	vmul.f32 v7, v17  }
0x15b: {  	v22 =	vld [tilespmem:s17+$0x8C70];
	v8 =	vmul.f32 v8, v18  }
0x15c: {  	v61 =	vld [tilespmem:s17+$0x8C80];
	[tilespmem:s17+$0x8C10] =	vst v7;
	v7 =	vmul.f32 v9, v19  }
0x15d: {  	v62 =	vld [tilespmem:s17+$0x8C90];
	[tilespmem:s17+$0x8C20] =	vst v8;
	v8 =	vmul.f32 v10, v20  }
0x15e: {  	v63 =	vld [tilespmem:s17+$0x8CA0];
	[tilespmem:s17+$0x8C30] =	vst v7;
	v7 =	vmul.f32 v11, v21  }
0x15f: {  	v9 =	vmul.f32 v12, v60;
	[tilespmem:s17+$0x8C40] =	vst v8;
	v8 =	vld [tilespmem:s17+$0x8CB0]  }
0x160: {  	v10 =	vmul.f32 v13, v22;
	[tilespmem:s17+$0x8C50] =	vst v7;
	v7 =	vld [tilespmem:s17+$0x8CC0]  }
0x161: {  	[tilespmem:s17+$0x8C60] =	vst v9;
	v9 =	vld [tilespmem:s17+$0x8CD0];
	v11 =	vmul.f32 v14, v61  }
0x162: {  	v13 =	vmul.f32 v15, v62;
	[tilespmem:s17+$0x8C70] =	vst v10;
	v10 =	vld [tilespmem:s17+$0x8CE0]  }
0x163: {  	s20 =	simm.s32 $0x7C0;
	v12 =	vmul.f32 v16, v63;
	[tilespmem:s17+$0x8C80] =	vst v11;
	v11 =	vld [tilespmem:s17+$0x8CF0]  }
.LBB2_9:
0x164: {  	s15 =	sshra.s32 s20, $0x2;
	p0 =	sne.s32 s20, $0x4FC0;
	[tilespmem:s17+$0x8C90] =	vst v13;
	v6 =	vmul.f32 v6, v8;
	v8 =	vld [tilespmem:s17+$0x8D00]  }
0x165: {  	v13 =	vld [tilespmem:s15+$0x5010];
	[tilespmem:s17+$0x8CA0] =	vst v12;
	v5 =	vmul.f32 v5, v7  }
0x166: {  	v7 =	vld [tilespmem:s15+$0x5020];
	[tilespmem:s17+$0x8CB0] =	vst v6;
	v4 =	vmul.f32 v4, v9  }
0x167: {  	v9 =	vld [tilespmem:s15+$0x5030];
	[tilespmem:s17+$0x8CC0] =	vst v5;
	v3 =	vmul.f32 v3, v10  }
0x168: {  	v10 =	vld [tilespmem:s15+$0x5040];
	[tilespmem:s17+$0x8CD0] =	vst v4;
	v2 =	vmul.f32 v2, v11  }
0x169: {  	v11 =	vld [tilespmem:s15+$0x5050];
	[tilespmem:s17+$0x8CE0] =	vst v3;
	v1 =	vmul.f32 v1, v8  }
0x16a: {  	v8 =	vld [tilespmem:s15+$0x5060];
	[tilespmem:s17+$0x8CF0] =	vst v2  }
0x16b: {  	v12 =	vld [tilespmem:s15+$0x5070];
	[tilespmem:s17+$0x8D00] =	vst v1;
	s17 =	smov.u32 s15  }
0x16c: {  	v14 =	vld [tilespmem:s17+$0x5080]  }
0x16d: {  	v15 =	vld [tilespmem:s17+$0x5090]  }
0x16e: {  	v16 =	vld [tilespmem:s17+$0x50A0]  }
0x16f: {  	v6 =	vld [tilespmem:s17+$0x50B0]  }
0x170: {  	v5 =	vld [tilespmem:s17+$0x50C0]  }
0x171: {  	v4 =	vld [tilespmem:s17+$0x50D0]  }
0x172: {  	v3 =	vld [tilespmem:s17+$0x50E0]  }
0x173: {  	v2 =	vld [tilespmem:s17+$0x50F0]  }
0x174: {  	v1 =	vld [tilespmem:s17+$0x5100]  }
0x175: {  	v17 =	vld [tilespmem:s17+$0x8C10]  }
0x176: {  	v18 =	vld [tilespmem:s17+$0x8C20]  }
0x177: {  	v19 =	vld [tilespmem:s17+$0x8C30]  }
0x178: {  	v20 =	vld [tilespmem:s17+$0x8C40]  }
0x179: {  	v21 =	vld [tilespmem:s17+$0x8C50]  }
0x17a: {  	v13 =	vmul.f32 v13, v17;
	v17 =	vld [tilespmem:s17+$0x8C60]  }
0x17b: {  	v7 =	vmul.f32 v7, v18;
	v18 =	vld [tilespmem:s17+$0x8C70]  }
0x17c: {  	[tilespmem:s17+$0x8C10] =	vst v13;
	v9 =	vmul.f32 v9, v19;
	v13 =	vld [tilespmem:s17+$0x8C80]  }
0x17d: {  	[tilespmem:s17+$0x8C20] =	vst v7;
	v7 =	vmul.f32 v10, v20;
	v10 =	vld [tilespmem:s17+$0x8C90]  }
0x17e: {  	[tilespmem:s17+$0x8C30] =	vst v9;
	v9 =	vmul.f32 v11, v21;
	v11 =	vld [tilespmem:s17+$0x8CA0]  }
.Ltmp3:
0x17f: {  	[tilespmem:s17+$0x8C40] =	vst v7;
	v17 =	vmul.f32 v8, v17;
	v8 =	vld [tilespmem:s17+$0x8CB0];
	(pc) =	sbr.rel @p0 .LBB2_9-.Ltmp3, $4  }
0x180: {  	[tilespmem:s17+$0x8C50] =	vst v9;
	v12 =	vmul.f32 v12, v18;
	v7 =	vld [tilespmem:s17+$0x8CC0]  }
0x181: {  	[tilespmem:s17+$0x8C60] =	vst v17;
	v14 =	vmul.f32 v14, v13;
	v9 =	vld [tilespmem:s17+$0x8CD0]  }
0x182: {  	[tilespmem:s17+$0x8C70] =	vst v12;
	v13 =	vmul.f32 v15, v10;
	v10 =	vld [tilespmem:s17+$0x8CE0]  }
0x183: {  	s20 =	sadd.s32 $0x400, s20;
	[tilespmem:s17+$0x8C80] =	vst v14;
	v12 =	vmul.f32 v16, v11;
	v11 =	vld [tilespmem:s17+$0x8CF0]  }
0x184: {  	[tilespmem:s17+$0x8C90] =	vst v13;
	v6 =	vmul.f32 v6, v8;
	v63 =	vld [tilespmem:s17+$0x8D00]  }
0x185: {  	[tilespmem:s17+$0x8CA0] =	vst v12;
	v5 =	vmul.f32 v5, v7  }
0x186: {  	[tilespmem:s17+$0x8CB0] =	vst v6;
	v4 =	vmul.f32 v4, v9  }
0x187: {  	[tilespmem:s17+$0x8CC0] =	vst v5;
	v3 =	vmul.f32 v3, v10  }
0x188: {  	[tilespmem:s17+$0x8CD0] =	vst v4;
	v2 =	vmul.f32 v2, v11  }
0x189: {  	[tilespmem:s17+$0x8CE0] =	vst v3;
	v1 =	vmul.f32 v1, v63  }
0x18a: {  	[tilespmem:s17+$0x8CF0] =	vst v2  }
0x18b: {  	s10 =	sadd.s32 $0xC8, s10;
	[tilespmem:s17+$0x8D00] =	vst v1  }
0x18c: {  	[spmem:s4] =	stream.indirect.scatter.add.f32 [tilespmem:s21], [sflag:$0xC], $0x80, s19, s14, $0xb8;
	[tilespmem:$0x1E100] =	vst v63  }
0x18d: {  	s15 =	sadd.s32 s5, s10;
	_ =	swait.ge [sflag:s9], $0x1400  }
0x18e: {  	s8 =	sadd.s32 $0x1, s8;
	s20 =	sshrl.u32 s15, $0x3;
	[sflag:s9] =	ssyncset.done $0x0  }
0x18f: {  	p0 =	sne.s32 s8, $0x52;
	s17 =	sadd.s32 s7, s20;
	[sflag:s9] =	ssyncadd.s32 $0xFFFFEC00  }
0x190: {  	[tilespmem:s19], [sflag:$0x9] =	stream.linear.gather [hbm4b:s17+s6], $0x28, $0x38;
	[tilespmem:$0x1E100] =	vst v63  }
.Ltmp4:
0x191: {  	s20 =	simm.s32 $0x5100;
	(pc) =	sbr.rel @p0 .LBB2_4-.Ltmp4, $4  }
0x192: {  	[tilespmem:s20], [sflag:$0x3] =	stream.indirect.gather [hbm4b:s1+s14], $0x80, s10, s14, $0xb8;
	[tilespmem:$0x1E100] =	vst v63  }
0x193: {  	s20 =	sshll.u32 s15, $0x4  }
0x194: {  	s10 =	sadd.s32 s3, s20  }
0x195: {  	[tilespmem:s21], [sflag:$0x6] =	stream.linear.gather [hbm4b:s10+s6], $0x1400, $0x38;
	[tilespmem:$0x1E100] =	vst v63  }
0x196: {  	_ =	swait.ge [sflag:s22], $0x28  }
0x197: {  	[sflag:s22] =	ssyncset.done $0x0  }
0x198: {  	[sflag:s22] =	ssyncadd.s32 $0xFFFFFFD8  }
0x199: {  	_ =	swait.ge [sflag:s23], $0x1400  }
0x19a: {  	[sflag:s23] =	ssyncset.done $0x0  }
0x19b: {  	[sflag:s23] =	ssyncadd.s32 $0xFFFFEC00  }
0x19c: {  	_ =	swait.ge [sflag:s24], $0x1400  }
0x19d: {  	[sflag:s24] =	ssyncset.done $0x0  }
0x19e: {  	s8 =	simm.s32 $0xF0;
	[sflag:s24] =	ssyncadd.s32 $0xFFFFEC00  }
0x19f: {  	v7 =	vld [tilespmem:s8+$0x2810]  }
0x1a0: {  	v8 =	vld [tilespmem:s8+$0x2820]  }
0x1a1: {  	v9 =	vld [tilespmem:s8+$0x2830]  }
0x1a2: {  	v10 =	vld [tilespmem:s8+$0x2840]  }
0x1a3: {  	v11 =	vld [tilespmem:s8+$0x2850]  }
0x1a4: {  	v12 =	vld [tilespmem:s8+$0x2860]  }
0x1a5: {  	v13 =	vld [tilespmem:s8+$0x2870]  }
0x1a6: {  	v14 =	vld [tilespmem:s8+$0x2880]  }
0x1a7: {  	v15 =	vld [tilespmem:s8+$0x2890]  }
0x1a8: {  	v16 =	vld [tilespmem:s8+$0x28A0]  }
0x1a9: {  	v6 =	vld [tilespmem:s8+$0x28B0]  }
0x1aa: {  	v5 =	vld [tilespmem:s8+$0x28C0]  }
0x1ab: {  	v4 =	vld [tilespmem:s8+$0x28D0]  }
0x1ac: {  	v3 =	vld [tilespmem:s8+$0x28E0]  }
0x1ad: {  	v2 =	vld [tilespmem:s8+$0x28F0]  }
0x1ae: {  	v1 =	vld [tilespmem:s8+$0x2900]  }
0x1af: {  	v17 =	vld [tilespmem:s8+$0x6410]  }
0x1b0: {  	v18 =	vld [tilespmem:s8+$0x6420]  }
0x1b1: {  	v19 =	vld [tilespmem:s8+$0x6430]  }
0x1b2: {  	v20 =	vld [tilespmem:s8+$0x6440]  }
0x1b3: {  	v21 =	vld [tilespmem:s8+$0x6450]  }
0x1b4: {  	v60 =	vld [tilespmem:s8+$0x6460];
	v7 =	vmul.f32 v7, v17  }
0x1b5: {  	v22 =	vld [tilespmem:s8+$0x6470];
	v8 =	vmul.f32 v8, v18  }
0x1b6: {  	v61 =	vld [tilespmem:s8+$0x6480];
	[tilespmem:s8+$0x6410] =	vst v7;
	v7 =	vmul.f32 v9, v19  }
0x1b7: {  	v62 =	vld [tilespmem:s8+$0x6490];
	[tilespmem:s8+$0x6420] =	vst v8;
	v8 =	vmul.f32 v10, v20  }
0x1b8: {  	v63 =	vld [tilespmem:s8+$0x64A0];
	[tilespmem:s8+$0x6430] =	vst v7;
	v7 =	vmul.f32 v11, v21  }
0x1b9: {  	v9 =	vmul.f32 v12, v60;
	[tilespmem:s8+$0x6440] =	vst v8;
	v8 =	vld [tilespmem:s8+$0x64B0]  }
0x1ba: {  	v10 =	vmul.f32 v13, v22;
	[tilespmem:s8+$0x6450] =	vst v7;
	v7 =	vld [tilespmem:s8+$0x64C0]  }
0x1bb: {  	[tilespmem:s8+$0x6460] =	vst v9;
	v9 =	vld [tilespmem:s8+$0x64D0];
	v11 =	vmul.f32 v14, v61  }
0x1bc: {  	v13 =	vmul.f32 v15, v62;
	[tilespmem:s8+$0x6470] =	vst v10;
	v10 =	vld [tilespmem:s8+$0x64E0]  }
0x1bd: {  	s10 =	simm.s32 $0x7C0;
	v12 =	vmul.f32 v16, v63;
	[tilespmem:s8+$0x6480] =	vst v11;
	v11 =	vld [tilespmem:s8+$0x64F0]  }
.LBB2_12:
0x1be: {  	s15 =	sshra.s32 s10, $0x2;
	p0 =	sne.s32 s10, $0x4FC0;
	[tilespmem:s8+$0x6490] =	vst v13;
	v6 =	vmul.f32 v6, v8;
	v8 =	vld [tilespmem:s8+$0x6500]  }
0x1bf: {  	v13 =	vld [tilespmem:s15+$0x2810];
	[tilespmem:s8+$0x64A0] =	vst v12;
	v5 =	vmul.f32 v5, v7  }
0x1c0: {  	v7 =	vld [tilespmem:s15+$0x2820];
	[tilespmem:s8+$0x64B0] =	vst v6;
	v4 =	vmul.f32 v4, v9  }
0x1c1: {  	v9 =	vld [tilespmem:s15+$0x2830];
	[tilespmem:s8+$0x64C0] =	vst v5;
	v3 =	vmul.f32 v3, v10  }
0x1c2: {  	v10 =	vld [tilespmem:s15+$0x2840];
	[tilespmem:s8+$0x64D0] =	vst v4;
	v2 =	vmul.f32 v2, v11  }
0x1c3: {  	v11 =	vld [tilespmem:s15+$0x2850];
	[tilespmem:s8+$0x64E0] =	vst v3;
	v1 =	vmul.f32 v1, v8  }
0x1c4: {  	v8 =	vld [tilespmem:s15+$0x2860];
	[tilespmem:s8+$0x64F0] =	vst v2  }
0x1c5: {  	v12 =	vld [tilespmem:s15+$0x2870];
	[tilespmem:s8+$0x6500] =	vst v1;
	s8 =	smov.u32 s15  }
0x1c6: {  	v14 =	vld [tilespmem:s8+$0x2880]  }
0x1c7: {  	v15 =	vld [tilespmem:s8+$0x2890]  }
0x1c8: {  	v16 =	vld [tilespmem:s8+$0x28A0]  }
0x1c9: {  	v6 =	vld [tilespmem:s8+$0x28B0]  }
0x1ca: {  	v5 =	vld [tilespmem:s8+$0x28C0]  }
0x1cb: {  	v4 =	vld [tilespmem:s8+$0x28D0]  }
0x1cc: {  	v3 =	vld [tilespmem:s8+$0x28E0]  }
0x1cd: {  	v2 =	vld [tilespmem:s8+$0x28F0]  }
0x1ce: {  	v1 =	vld [tilespmem:s8+$0x2900]  }
0x1cf: {  	v17 =	vld [tilespmem:s8+$0x6410]  }
0x1d0: {  	v18 =	vld [tilespmem:s8+$0x6420]  }
0x1d1: {  	v19 =	vld [tilespmem:s8+$0x6430]  }
0x1d2: {  	v20 =	vld [tilespmem:s8+$0x6440]  }
0x1d3: {  	v21 =	vld [tilespmem:s8+$0x6450]  }
0x1d4: {  	v13 =	vmul.f32 v13, v17;
	v17 =	vld [tilespmem:s8+$0x6460]  }
0x1d5: {  	v7 =	vmul.f32 v7, v18;
	v18 =	vld [tilespmem:s8+$0x6470]  }
0x1d6: {  	[tilespmem:s8+$0x6410] =	vst v13;
	v9 =	vmul.f32 v9, v19;
	v13 =	vld [tilespmem:s8+$0x6480]  }
0x1d7: {  	[tilespmem:s8+$0x6420] =	vst v7;
	v7 =	vmul.f32 v10, v20;
	v10 =	vld [tilespmem:s8+$0x6490]  }
0x1d8: {  	[tilespmem:s8+$0x6430] =	vst v9;
	v9 =	vmul.f32 v11, v21;
	v11 =	vld [tilespmem:s8+$0x64A0]  }
.Ltmp5:
0x1d9: {  	[tilespmem:s8+$0x6440] =	vst v7;
	v17 =	vmul.f32 v8, v17;
	v8 =	vld [tilespmem:s8+$0x64B0];
	(pc) =	sbr.rel @p0 .LBB2_12-.Ltmp5, $4  }
0x1da: {  	[tilespmem:s8+$0x6450] =	vst v9;
	v12 =	vmul.f32 v12, v18;
	v7 =	vld [tilespmem:s8+$0x64C0]  }
0x1db: {  	[tilespmem:s8+$0x6460] =	vst v17;
	v14 =	vmul.f32 v14, v13;
	v9 =	vld [tilespmem:s8+$0x64D0]  }
0x1dc: {  	[tilespmem:s8+$0x6470] =	vst v12;
	v13 =	vmul.f32 v15, v10;
	v10 =	vld [tilespmem:s8+$0x64E0]  }
0x1dd: {  	s10 =	sadd.s32 $0x400, s10;
	[tilespmem:s8+$0x6480] =	vst v14;
	v12 =	vmul.f32 v16, v11;
	v11 =	vld [tilespmem:s8+$0x64F0]  }
0x1de: {  	[tilespmem:s8+$0x6490] =	vst v13;
	v6 =	vmul.f32 v6, v8;
	v8 =	vld [tilespmem:s8+$0x6500]  }
0x1df: {  	[tilespmem:s8+$0x64A0] =	vst v12;
	v5 =	vmul.f32 v5, v7  }
0x1e0: {  	[tilespmem:s8+$0x64B0] =	vst v6;
	v4 =	vmul.f32 v4, v9  }
0x1e1: {  	[tilespmem:s8+$0x64C0] =	vst v5;
	v3 =	vmul.f32 v3, v10  }
0x1e2: {  	[tilespmem:s8+$0x64D0] =	vst v4;
	v2 =	vmul.f32 v2, v11  }
0x1e3: {  	[tilespmem:s8+$0x64E0] =	vst v3;
	v1 =	vmul.f32 v1, v8  }
0x1e4: {  	[tilespmem:s8+$0x64F0] =	vst v2  }
0x1e5: {  	[tilespmem:s8+$0x6500] =	vst v1  }
0x1e6: {  	[spmem:s4] =	stream.indirect.scatter.add.f32 [tilespmem:s12], [sflag:$0xA], $0x80, s13, s14, $0xb8;
	[tilespmem:$0x1E100] =	vst v63  }
0x1e7: {  	_ =	swait.ge [sflag:s25], $0x1400  }
0x1e8: {  	[sflag:s25] =	ssyncset.done $0x0  }
0x1e9: {  	s15 =	rddreg [dreg:$0x13];
	[sflag:s25] =	ssyncadd.s32 $0xFFFFEC00  }
0x1ea: {  	[tilespmem:s13], [sflag:$0x7] =	stream.linear.gather [hbm4b:s15+s6], $0x28, $0x38;
	[tilespmem:$0x1E100] =	vst v63  }
0x1eb: {  	s17 =	simm.s32 $0x2900;
	s10 =	simm.s32 $0x26E8  }
0x1ec: {  	[tilespmem:s17], [sflag:$0x1] =	stream.indirect.gather [hbm4b:s1+s14], $0x80, s10, s14, $0xb8;
	[tilespmem:$0x1E100] =	vst v63  }
0x1ed: {  	s20 =	rddreg [dreg:$0x14]  }
0x1ee: {  	[tilespmem:s12], [sflag:$0x4] =	stream.linear.gather [hbm4b:s20+s6], $0x1400, $0x38;
	[tilespmem:$0x1E100] =	vst v63  }
0x1ef: {  	_ =	swait.ge [sflag:s26], $0x28  }
0x1f0: {  	[sflag:s26] =	ssyncset.done $0x0  }
0x1f1: {  	[sflag:s26] =	ssyncadd.s32 $0xFFFFFFD8  }
0x1f2: {  	_ =	swait.ge [sflag:s28], $0x1400  }
0x1f3: {  	[sflag:s28] =	ssyncset.done $0x0  }
0x1f4: {  	[sflag:s28] =	ssyncadd.s32 $0xFFFFEC00  }
0x1f5: {  	_ =	swait.ge [sflag:s29], $0x1400  }
0x1f6: {  	[sflag:s29] =	ssyncset.done $0x0  }
0x1f7: {  	s8 =	simm.s32 $0xF0;
	[sflag:s29] =	ssyncadd.s32 $0xFFFFEC00  }
0x1f8: {  	v7 =	vld [tilespmem:s8+$0x3C10]  }
0x1f9: {  	v8 =	vld [tilespmem:s8+$0x3C20]  }
0x1fa: {  	v9 =	vld [tilespmem:s8+$0x3C30]  }
0x1fb: {  	v10 =	vld [tilespmem:s8+$0x3C40]  }
0x1fc: {  	v11 =	vld [tilespmem:s8+$0x3C50]  }
0x1fd: {  	v12 =	vld [tilespmem:s8+$0x3C60]  }
0x1fe: {  	v13 =	vld [tilespmem:s8+$0x3C70]  }
0x1ff: {  	v14 =	vld [tilespmem:s8+$0x3C80]  }
0x200: {  	v15 =	vld [tilespmem:s8+$0x3C90]  }
0x201: {  	v16 =	vld [tilespmem:s8+$0x3CA0]  }
0x202: {  	v6 =	vld [tilespmem:s8+$0x3CB0]  }
0x203: {  	v5 =	vld [tilespmem:s8+$0x3CC0]  }
0x204: {  	v4 =	vld [tilespmem:s8+$0x3CD0]  }
0x205: {  	v3 =	vld [tilespmem:s8+$0x3CE0]  }
0x206: {  	v2 =	vld [tilespmem:s8+$0x3CF0]  }
0x207: {  	v1 =	vld [tilespmem:s8+$0x3D00]  }
0x208: {  	v17 =	vld [tilespmem:s8+$0x7810]  }
0x209: {  	v18 =	vld [tilespmem:s8+$0x7820]  }
0x20a: {  	v19 =	vld [tilespmem:s8+$0x7830]  }
0x20b: {  	v20 =	vld [tilespmem:s8+$0x7840]  }
0x20c: {  	v21 =	vld [tilespmem:s8+$0x7850]  }
0x20d: {  	v60 =	vld [tilespmem:s8+$0x7860];
	v7 =	vmul.f32 v7, v17  }
0x20e: {  	v22 =	vld [tilespmem:s8+$0x7870];
	v8 =	vmul.f32 v8, v18  }
0x20f: {  	v61 =	vld [tilespmem:s8+$0x7880];
	[tilespmem:s8+$0x7810] =	vst v7;
	v7 =	vmul.f32 v9, v19  }
0x210: {  	v62 =	vld [tilespmem:s8+$0x7890];
	[tilespmem:s8+$0x7820] =	vst v8;
	v8 =	vmul.f32 v10, v20  }
0x211: {  	v63 =	vld [tilespmem:s8+$0x78A0];
	[tilespmem:s8+$0x7830] =	vst v7;
	v7 =	vmul.f32 v11, v21  }
0x212: {  	v9 =	vmul.f32 v12, v60;
	[tilespmem:s8+$0x7840] =	vst v8;
	v8 =	vld [tilespmem:s8+$0x78B0]  }
0x213: {  	v10 =	vmul.f32 v13, v22;
	[tilespmem:s8+$0x7850] =	vst v7;
	v7 =	vld [tilespmem:s8+$0x78C0]  }
0x214: {  	[tilespmem:s8+$0x7860] =	vst v9;
	v9 =	vld [tilespmem:s8+$0x78D0];
	v11 =	vmul.f32 v14, v61  }
0x215: {  	v13 =	vmul.f32 v15, v62;
	[tilespmem:s8+$0x7870] =	vst v10;
	v10 =	vld [tilespmem:s8+$0x78E0]  }
0x216: {  	s10 =	simm.s32 $0x7C0;
	v12 =	vmul.f32 v16, v63;
	[tilespmem:s8+$0x7880] =	vst v11;
	v11 =	vld [tilespmem:s8+$0x78F0]  }
.LBB2_14:
0x217: {  	s15 =	sshra.s32 s10, $0x2;
	p0 =	sne.s32 s10, $0x4FC0;
	[tilespmem:s8+$0x7890] =	vst v13;
	v6 =	vmul.f32 v6, v8;
	v8 =	vld [tilespmem:s8+$0x7900]  }
0x218: {  	v13 =	vld [tilespmem:s15+$0x3C10];
	[tilespmem:s8+$0x78A0] =	vst v12;
	v5 =	vmul.f32 v5, v7  }
0x219: {  	v7 =	vld [tilespmem:s15+$0x3C20];
	[tilespmem:s8+$0x78B0] =	vst v6;
	v4 =	vmul.f32 v4, v9  }
0x21a: {  	v9 =	vld [tilespmem:s15+$0x3C30];
	[tilespmem:s8+$0x78C0] =	vst v5;
	v3 =	vmul.f32 v3, v10  }
0x21b: {  	v10 =	vld [tilespmem:s15+$0x3C40];
	[tilespmem:s8+$0x78D0] =	vst v4;
	v2 =	vmul.f32 v2, v11  }
0x21c: {  	v11 =	vld [tilespmem:s15+$0x3C50];
	[tilespmem:s8+$0x78E0] =	vst v3;
	v1 =	vmul.f32 v1, v8  }
0x21d: {  	v8 =	vld [tilespmem:s15+$0x3C60];
	[tilespmem:s8+$0x78F0] =	vst v2  }
0x21e: {  	v12 =	vld [tilespmem:s15+$0x3C70];
	[tilespmem:s8+$0x7900] =	vst v1;
	s8 =	smov.u32 s15  }
0x21f: {  	v14 =	vld [tilespmem:s8+$0x3C80]  }
0x220: {  	v15 =	vld [tilespmem:s8+$0x3C90]  }
0x221: {  	v16 =	vld [tilespmem:s8+$0x3CA0]  }
0x222: {  	v6 =	vld [tilespmem:s8+$0x3CB0]  }
0x223: {  	v5 =	vld [tilespmem:s8+$0x3CC0]  }
0x224: {  	v4 =	vld [tilespmem:s8+$0x3CD0]  }
0x225: {  	v3 =	vld [tilespmem:s8+$0x3CE0]  }
0x226: {  	v2 =	vld [tilespmem:s8+$0x3CF0]  }
0x227: {  	v1 =	vld [tilespmem:s8+$0x3D00]  }
0x228: {  	v17 =	vld [tilespmem:s8+$0x7810]  }
0x229: {  	v18 =	vld [tilespmem:s8+$0x7820]  }
0x22a: {  	v19 =	vld [tilespmem:s8+$0x7830]  }
0x22b: {  	v20 =	vld [tilespmem:s8+$0x7840]  }
0x22c: {  	v21 =	vld [tilespmem:s8+$0x7850]  }
0x22d: {  	v13 =	vmul.f32 v13, v17;
	v17 =	vld [tilespmem:s8+$0x7860]  }
0x22e: {  	v7 =	vmul.f32 v7, v18;
	v18 =	vld [tilespmem:s8+$0x7870]  }
0x22f: {  	[tilespmem:s8+$0x7810] =	vst v13;
	v9 =	vmul.f32 v9, v19;
	v13 =	vld [tilespmem:s8+$0x7880]  }
0x230: {  	[tilespmem:s8+$0x7820] =	vst v7;
	v7 =	vmul.f32 v10, v20;
	v10 =	vld [tilespmem:s8+$0x7890]  }
0x231: {  	[tilespmem:s8+$0x7830] =	vst v9;
	v9 =	vmul.f32 v11, v21;
	v11 =	vld [tilespmem:s8+$0x78A0]  }
.Ltmp6:
0x232: {  	[tilespmem:s8+$0x7840] =	vst v7;
	v17 =	vmul.f32 v8, v17;
	v8 =	vld [tilespmem:s8+$0x78B0];
	(pc) =	sbr.rel @p0 .LBB2_14-.Ltmp6, $4  }
0x233: {  	[tilespmem:s8+$0x7850] =	vst v9;
	v12 =	vmul.f32 v12, v18;
	v7 =	vld [tilespmem:s8+$0x78C0]  }
0x234: {  	[tilespmem:s8+$0x7860] =	vst v17;
	v14 =	vmul.f32 v14, v13;
	v9 =	vld [tilespmem:s8+$0x78D0]  }
0x235: {  	[tilespmem:s8+$0x7870] =	vst v12;
	v13 =	vmul.f32 v15, v10;
	v10 =	vld [tilespmem:s8+$0x78E0]  }
0x236: {  	s10 =	sadd.s32 $0x400, s10;
	[tilespmem:s8+$0x7880] =	vst v14;
	v12 =	vmul.f32 v16, v11;
	v11 =	vld [tilespmem:s8+$0x78F0]  }
0x237: {  	[tilespmem:s8+$0x7890] =	vst v13;
	v6 =	vmul.f32 v6, v8;
	v8 =	vld [tilespmem:s8+$0x7900]  }
0x238: {  	[tilespmem:s8+$0x78A0] =	vst v12;
	v5 =	vmul.f32 v5, v7  }
0x239: {  	[tilespmem:s8+$0x78B0] =	vst v6;
	v4 =	vmul.f32 v4, v9  }
0x23a: {  	[tilespmem:s8+$0x78C0] =	vst v5;
	v3 =	vmul.f32 v3, v10  }
0x23b: {  	[tilespmem:s8+$0x78D0] =	vst v4;
	v2 =	vmul.f32 v2, v11  }
0x23c: {  	[tilespmem:s8+$0x78E0] =	vst v3;
	v1 =	vmul.f32 v1, v8  }
0x23d: {  	[tilespmem:s8+$0x78F0] =	vst v2  }
0x23e: {  	[tilespmem:s8+$0x7900] =	vst v1  }
0x23f: {  	[spmem:s4] =	stream.indirect.scatter.add.f32 [tilespmem:s18], [sflag:$0xB], $0x80, s16, s14, $0xb8;
	[tilespmem:$0x1E100] =	vst v63  }
0x240: {  	_ =	swait.ge [sflag:s31], $0x28  }
0x241: {  	[sflag:s31] =	ssyncset.done $0x0  }
0x242: {  	[sflag:s31] =	ssyncadd.s32 $0xFFFFFFD8  }
0x243: {  	_ =	swait.ge [sflag:s2], $0x1400  }
0x244: {  	[sflag:s2] =	ssyncset.done $0x0  }
0x245: {  	[sflag:s2] =	ssyncadd.s32 $0xFFFFEC00  }
0x246: {  	_ =	swait.ge [sflag:s0], $0x1400  }
0x247: {  	[sflag:s0] =	ssyncset.done $0x0  }
0x248: {  	s8 =	simm.s32 $0xF0;
	[sflag:s0] =	ssyncadd.s32 $0xFFFFEC00  }
0x249: {  	v7 =	vld [tilespmem:s8+$0x5010]  }
0x24a: {  	v8 =	vld [tilespmem:s8+$0x5020]  }
0x24b: {  	v9 =	vld [tilespmem:s8+$0x5030]  }
0x24c: {  	v10 =	vld [tilespmem:s8+$0x5040]  }
0x24d: {  	v11 =	vld [tilespmem:s8+$0x5050]  }
0x24e: {  	v12 =	vld [tilespmem:s8+$0x5060]  }
0x24f: {  	v13 =	vld [tilespmem:s8+$0x5070]  }
0x250: {  	v14 =	vld [tilespmem:s8+$0x5080]  }
0x251: {  	v15 =	vld [tilespmem:s8+$0x5090]  }
0x252: {  	v16 =	vld [tilespmem:s8+$0x50A0]  }
0x253: {  	v6 =	vld [tilespmem:s8+$0x50B0]  }
0x254: {  	v5 =	vld [tilespmem:s8+$0x50C0]  }
0x255: {  	v4 =	vld [tilespmem:s8+$0x50D0]  }
0x256: {  	v3 =	vld [tilespmem:s8+$0x50E0]  }
0x257: {  	v2 =	vld [tilespmem:s8+$0x50F0]  }
0x258: {  	v1 =	vld [tilespmem:s8+$0x5100]  }
0x259: {  	v17 =	vld [tilespmem:s8+$0x8C10]  }
0x25a: {  	v18 =	vld [tilespmem:s8+$0x8C20]  }
0x25b: {  	v19 =	vld [tilespmem:s8+$0x8C30]  }
0x25c: {  	v20 =	vld [tilespmem:s8+$0x8C40]  }
0x25d: {  	v21 =	vld [tilespmem:s8+$0x8C50]  }
0x25e: {  	v60 =	vld [tilespmem:s8+$0x8C60];
	v7 =	vmul.f32 v7, v17  }
0x25f: {  	v22 =	vld [tilespmem:s8+$0x8C70];
	v8 =	vmul.f32 v8, v18  }
0x260: {  	v61 =	vld [tilespmem:s8+$0x8C80];
	[tilespmem:s8+$0x8C10] =	vst v7;
	v7 =	vmul.f32 v9, v19  }
0x261: {  	v62 =	vld [tilespmem:s8+$0x8C90];
	[tilespmem:s8+$0x8C20] =	vst v8;
	v8 =	vmul.f32 v10, v20  }
0x262: {  	v63 =	vld [tilespmem:s8+$0x8CA0];
	[tilespmem:s8+$0x8C30] =	vst v7;
	v7 =	vmul.f32 v11, v21  }
0x263: {  	v9 =	vmul.f32 v12, v60;
	[tilespmem:s8+$0x8C40] =	vst v8;
	v8 =	vld [tilespmem:s8+$0x8CB0]  }
0x264: {  	v10 =	vmul.f32 v13, v22;
	[tilespmem:s8+$0x8C50] =	vst v7;
	v7 =	vld [tilespmem:s8+$0x8CC0]  }
0x265: {  	[tilespmem:s8+$0x8C60] =	vst v9;
	v9 =	vld [tilespmem:s8+$0x8CD0];
	v11 =	vmul.f32 v14, v61  }
0x266: {  	v13 =	vmul.f32 v15, v62;
	[tilespmem:s8+$0x8C70] =	vst v10;
	v10 =	vld [tilespmem:s8+$0x8CE0]  }
0x267: {  	s10 =	simm.s32 $0x7C0;
	v12 =	vmul.f32 v16, v63;
	[tilespmem:s8+$0x8C80] =	vst v11;
	v11 =	vld [tilespmem:s8+$0x8CF0]  }
.LBB2_16:
0x268: {  	s15 =	sshra.s32 s10, $0x2;
	p0 =	sne.s32 s10, $0x4FC0;
	[tilespmem:s8+$0x8C90] =	vst v13;
	v6 =	vmul.f32 v6, v8;
	v8 =	vld [tilespmem:s8+$0x8D00]  }
0x269: {  	v13 =	vld [tilespmem:s15+$0x5010];
	[tilespmem:s8+$0x8CA0] =	vst v12;
	v5 =	vmul.f32 v5, v7  }
0x26a: {  	v7 =	vld [tilespmem:s15+$0x5020];
	[tilespmem:s8+$0x8CB0] =	vst v6;
	v4 =	vmul.f32 v4, v9  }
0x26b: {  	v9 =	vld [tilespmem:s15+$0x5030];
	[tilespmem:s8+$0x8CC0] =	vst v5;
	v3 =	vmul.f32 v3, v10  }
0x26c: {  	v10 =	vld [tilespmem:s15+$0x5040];
	[tilespmem:s8+$0x8CD0] =	vst v4;
	v2 =	vmul.f32 v2, v11  }
0x26d: {  	v11 =	vld [tilespmem:s15+$0x5050];
	[tilespmem:s8+$0x8CE0] =	vst v3;
	v1 =	vmul.f32 v1, v8  }
0x26e: {  	v8 =	vld [tilespmem:s15+$0x5060];
	[tilespmem:s8+$0x8CF0] =	vst v2  }
0x26f: {  	v12 =	vld [tilespmem:s15+$0x5070];
	[tilespmem:s8+$0x8D00] =	vst v1;
	s8 =	smov.u32 s15  }
0x270: {  	v14 =	vld [tilespmem:s8+$0x5080]  }
0x271: {  	v15 =	vld [tilespmem:s8+$0x5090]  }
0x272: {  	v16 =	vld [tilespmem:s8+$0x50A0]  }
0x273: {  	v6 =	vld [tilespmem:s8+$0x50B0]  }
0x274: {  	v5 =	vld [tilespmem:s8+$0x50C0]  }
0x275: {  	v4 =	vld [tilespmem:s8+$0x50D0]  }
0x276: {  	v3 =	vld [tilespmem:s8+$0x50E0]  }
0x277: {  	v2 =	vld [tilespmem:s8+$0x50F0]  }
0x278: {  	v1 =	vld [tilespmem:s8+$0x5100]  }
0x279: {  	v17 =	vld [tilespmem:s8+$0x8C10]  }
0x27a: {  	v18 =	vld [tilespmem:s8+$0x8C20]  }
0x27b: {  	v19 =	vld [tilespmem:s8+$0x8C30]  }
0x27c: {  	v20 =	vld [tilespmem:s8+$0x8C40]  }
0x27d: {  	v21 =	vld [tilespmem:s8+$0x8C50]  }
0x27e: {  	v13 =	vmul.f32 v13, v17;
	v17 =	vld [tilespmem:s8+$0x8C60]  }
0x27f: {  	v7 =	vmul.f32 v7, v18;
	v18 =	vld [tilespmem:s8+$0x8C70]  }
0x280: {  	[tilespmem:s8+$0x8C10] =	vst v13;
	v9 =	vmul.f32 v9, v19;
	v13 =	vld [tilespmem:s8+$0x8C80]  }
0x281: {  	[tilespmem:s8+$0x8C20] =	vst v7;
	v7 =	vmul.f32 v10, v20;
	v10 =	vld [tilespmem:s8+$0x8C90]  }
0x282: {  	[tilespmem:s8+$0x8C30] =	vst v9;
	v9 =	vmul.f32 v11, v21;
	v11 =	vld [tilespmem:s8+$0x8CA0]  }
.Ltmp7:
0x283: {  	[tilespmem:s8+$0x8C40] =	vst v7;
	v17 =	vmul.f32 v8, v17;
	v8 =	vld [tilespmem:s8+$0x8CB0];
	(pc) =	sbr.rel @p0 .LBB2_16-.Ltmp7, $4  }
0x284: {  	[tilespmem:s8+$0x8C50] =	vst v9;
	v12 =	vmul.f32 v12, v18;
	v7 =	vld [tilespmem:s8+$0x8CC0]  }
0x285: {  	[tilespmem:s8+$0x8C60] =	vst v17;
	v14 =	vmul.f32 v14, v13;
	v9 =	vld [tilespmem:s8+$0x8CD0]  }
0x286: {  	[tilespmem:s8+$0x8C70] =	vst v12;
	v13 =	vmul.f32 v15, v10;
	v10 =	vld [tilespmem:s8+$0x8CE0]  }
0x287: {  	s10 =	sadd.s32 $0x400, s10;
	[tilespmem:s8+$0x8C80] =	vst v14;
	v12 =	vmul.f32 v16, v11;
	v11 =	vld [tilespmem:s8+$0x8CF0]  }
0x288: {  	[tilespmem:s8+$0x8C90] =	vst v13;
	v6 =	vmul.f32 v6, v8;
	v8 =	vld [tilespmem:s8+$0x8D00]  }
0x289: {  	[tilespmem:s8+$0x8CA0] =	vst v12;
	v5 =	vmul.f32 v5, v7  }
0x28a: {  	[tilespmem:s8+$0x8CB0] =	vst v6;
	v4 =	vmul.f32 v4, v9  }
0x28b: {  	[tilespmem:s8+$0x8CC0] =	vst v5;
	v3 =	vmul.f32 v3, v10  }
0x28c: {  	[tilespmem:s8+$0x8CD0] =	vst v4;
	v2 =	vmul.f32 v2, v11  }
0x28d: {  	[tilespmem:s8+$0x8CE0] =	vst v3;
	v1 =	vmul.f32 v1, v8  }
0x28e: {  	[tilespmem:s8+$0x8CF0] =	vst v2  }
0x28f: {  	[tilespmem:s8+$0x8D00] =	vst v1  }
0x290: {  	[spmem:s4] =	stream.indirect.scatter.add.f32 [tilespmem:s21], [sflag:$0xC], $0x80, s19, s14, $0xb8;
	[tilespmem:$0x1E100] =	vst v63  }
0x291: {  	_ =	swait.ge [sflag:s22], $0x28  }
0x292: {  	[sflag:s22] =	ssyncset.done $0x0  }
0x293: {  	[sflag:s22] =	ssyncadd.s32 $0xFFFFFFD8  }
0x294: {  	_ =	swait.ge [sflag:s23], $0x1400  }
0x295: {  	[sflag:s23] =	ssyncset.done $0x0  }
0x296: {  	[sflag:s23] =	ssyncadd.s32 $0xFFFFEC00  }
0x297: {  	_ =	swait.ge [sflag:s24], $0x1400  }
0x298: {  	[sflag:s24] =	ssyncset.done $0x0  }
0x299: {  	s8 =	simm.s32 $0xF0;
	[sflag:s24] =	ssyncadd.s32 $0xFFFFEC00  }
0x29a: {  	v7 =	vld [tilespmem:s8+$0x2810]  }
0x29b: {  	v8 =	vld [tilespmem:s8+$0x2820]  }
0x29c: {  	v9 =	vld [tilespmem:s8+$0x2830]  }
0x29d: {  	v10 =	vld [tilespmem:s8+$0x2840]  }
0x29e: {  	v11 =	vld [tilespmem:s8+$0x2850]  }
0x29f: {  	v12 =	vld [tilespmem:s8+$0x2860]  }
0x2a0: {  	v13 =	vld [tilespmem:s8+$0x2870]  }
0x2a1: {  	v14 =	vld [tilespmem:s8+$0x2880]  }
0x2a2: {  	v15 =	vld [tilespmem:s8+$0x2890]  }
0x2a3: {  	v16 =	vld [tilespmem:s8+$0x28A0]  }
0x2a4: {  	v6 =	vld [tilespmem:s8+$0x28B0]  }
0x2a5: {  	v5 =	vld [tilespmem:s8+$0x28C0]  }
0x2a6: {  	v4 =	vld [tilespmem:s8+$0x28D0]  }
0x2a7: {  	v3 =	vld [tilespmem:s8+$0x28E0]  }
0x2a8: {  	v2 =	vld [tilespmem:s8+$0x28F0]  }
0x2a9: {  	v1 =	vld [tilespmem:s8+$0x2900]  }
0x2aa: {  	v17 =	vld [tilespmem:s8+$0x6410]  }
0x2ab: {  	v18 =	vld [tilespmem:s8+$0x6420]  }
0x2ac: {  	v19 =	vld [tilespmem:s8+$0x6430]  }
0x2ad: {  	v20 =	vld [tilespmem:s8+$0x6440]  }
0x2ae: {  	v21 =	vld [tilespmem:s8+$0x6450]  }
0x2af: {  	v60 =	vld [tilespmem:s8+$0x6460];
	v7 =	vmul.f32 v7, v17  }
0x2b0: {  	v22 =	vld [tilespmem:s8+$0x6470];
	v8 =	vmul.f32 v8, v18  }
0x2b1: {  	v61 =	vld [tilespmem:s8+$0x6480];
	[tilespmem:s8+$0x6410] =	vst v7;
	v7 =	vmul.f32 v9, v19  }
0x2b2: {  	v62 =	vld [tilespmem:s8+$0x6490];
	[tilespmem:s8+$0x6420] =	vst v8;
	v8 =	vmul.f32 v10, v20  }
0x2b3: {  	v63 =	vld [tilespmem:s8+$0x64A0];
	[tilespmem:s8+$0x6430] =	vst v7;
	v7 =	vmul.f32 v11, v21  }
0x2b4: {  	v9 =	vmul.f32 v12, v60;
	[tilespmem:s8+$0x6440] =	vst v8;
	v8 =	vld [tilespmem:s8+$0x64B0]  }
0x2b5: {  	v10 =	vmul.f32 v13, v22;
	[tilespmem:s8+$0x6450] =	vst v7;
	v7 =	vld [tilespmem:s8+$0x64C0]  }
0x2b6: {  	[tilespmem:s8+$0x6460] =	vst v9;
	v9 =	vld [tilespmem:s8+$0x64D0];
	v11 =	vmul.f32 v14, v61  }
0x2b7: {  	v13 =	vmul.f32 v15, v62;
	[tilespmem:s8+$0x6470] =	vst v10;
	v10 =	vld [tilespmem:s8+$0x64E0]  }
0x2b8: {  	s10 =	simm.s32 $0x7C0;
	v12 =	vmul.f32 v16, v63;
	[tilespmem:s8+$0x6480] =	vst v11;
	v11 =	vld [tilespmem:s8+$0x64F0]  }
.LBB2_18:
0x2b9: {  	s15 =	sshra.s32 s10, $0x2;
	p0 =	sne.s32 s10, $0x4FC0;
	[tilespmem:s8+$0x6490] =	vst v13;
	v6 =	vmul.f32 v6, v8;
	v8 =	vld [tilespmem:s8+$0x6500]  }
0x2ba: {  	v13 =	vld [tilespmem:s15+$0x2810];
	[tilespmem:s8+$0x64A0] =	vst v12;
	v5 =	vmul.f32 v5, v7  }
0x2bb: {  	v7 =	vld [tilespmem:s15+$0x2820];
	[tilespmem:s8+$0x64B0] =	vst v6;
	v4 =	vmul.f32 v4, v9  }
0x2bc: {  	v9 =	vld [tilespmem:s15+$0x2830];
	[tilespmem:s8+$0x64C0] =	vst v5;
	v3 =	vmul.f32 v3, v10  }
0x2bd: {  	v10 =	vld [tilespmem:s15+$0x2840];
	[tilespmem:s8+$0x64D0] =	vst v4;
	v2 =	vmul.f32 v2, v11  }
0x2be: {  	v11 =	vld [tilespmem:s15+$0x2850];
	[tilespmem:s8+$0x64E0] =	vst v3;
	v1 =	vmul.f32 v1, v8  }
0x2bf: {  	v8 =	vld [tilespmem:s15+$0x2860];
	[tilespmem:s8+$0x64F0] =	vst v2  }
0x2c0: {  	v12 =	vld [tilespmem:s15+$0x2870];
	[tilespmem:s8+$0x6500] =	vst v1;
	s8 =	smov.u32 s15  }
0x2c1: {  	v14 =	vld [tilespmem:s8+$0x2880]  }
0x2c2: {  	v15 =	vld [tilespmem:s8+$0x2890]  }
0x2c3: {  	v16 =	vld [tilespmem:s8+$0x28A0]  }
0x2c4: {  	v6 =	vld [tilespmem:s8+$0x28B0]  }
0x2c5: {  	v5 =	vld [tilespmem:s8+$0x28C0]  }
0x2c6: {  	v4 =	vld [tilespmem:s8+$0x28D0]  }
0x2c7: {  	v3 =	vld [tilespmem:s8+$0x28E0]  }
0x2c8: {  	v2 =	vld [tilespmem:s8+$0x28F0]  }
0x2c9: {  	v1 =	vld [tilespmem:s8+$0x2900]  }
0x2ca: {  	v17 =	vld [tilespmem:s8+$0x6410]  }
0x2cb: {  	v18 =	vld [tilespmem:s8+$0x6420]  }
0x2cc: {  	v19 =	vld [tilespmem:s8+$0x6430]  }
0x2cd: {  	v20 =	vld [tilespmem:s8+$0x6440]  }
0x2ce: {  	v21 =	vld [tilespmem:s8+$0x6450]  }
0x2cf: {  	v13 =	vmul.f32 v13, v17;
	v17 =	vld [tilespmem:s8+$0x6460]  }
0x2d0: {  	v7 =	vmul.f32 v7, v18;
	v18 =	vld [tilespmem:s8+$0x6470]  }
0x2d1: {  	[tilespmem:s8+$0x6410] =	vst v13;
	v9 =	vmul.f32 v9, v19;
	v13 =	vld [tilespmem:s8+$0x6480]  }
0x2d2: {  	[tilespmem:s8+$0x6420] =	vst v7;
	v7 =	vmul.f32 v10, v20;
	v10 =	vld [tilespmem:s8+$0x6490]  }
0x2d3: {  	[tilespmem:s8+$0x6430] =	vst v9;
	v9 =	vmul.f32 v11, v21;
	v11 =	vld [tilespmem:s8+$0x64A0]  }
.Ltmp8:
0x2d4: {  	[tilespmem:s8+$0x6440] =	vst v7;
	v17 =	vmul.f32 v8, v17;
	v8 =	vld [tilespmem:s8+$0x64B0];
	(pc) =	sbr.rel @p0 .LBB2_18-.Ltmp8, $4  }
0x2d5: {  	[tilespmem:s8+$0x6450] =	vst v9;
	v12 =	vmul.f32 v12, v18;
	v7 =	vld [tilespmem:s8+$0x64C0]  }
0x2d6: {  	[tilespmem:s8+$0x6460] =	vst v17;
	v14 =	vmul.f32 v14, v13;
	v9 =	vld [tilespmem:s8+$0x64D0]  }
0x2d7: {  	[tilespmem:s8+$0x6470] =	vst v12;
	v13 =	vmul.f32 v15, v10;
	v10 =	vld [tilespmem:s8+$0x64E0]  }
0x2d8: {  	s10 =	sadd.s32 $0x400, s10;
	[tilespmem:s8+$0x6480] =	vst v14;
	v12 =	vmul.f32 v16, v11;
	v11 =	vld [tilespmem:s8+$0x64F0]  }
0x2d9: {  	[tilespmem:s8+$0x6490] =	vst v13;
	v6 =	vmul.f32 v6, v8;
	v63 =	vld [tilespmem:s8+$0x6500]  }
0x2da: {  	[tilespmem:s8+$0x64A0] =	vst v12;
	v5 =	vmul.f32 v5, v7  }
0x2db: {  	[tilespmem:s8+$0x64B0] =	vst v6;
	v4 =	vmul.f32 v4, v9  }
0x2dc: {  	[tilespmem:s8+$0x64C0] =	vst v5;
	v3 =	vmul.f32 v3, v10  }
0x2dd: {  	[tilespmem:s8+$0x64D0] =	vst v4;
	v2 =	vmul.f32 v2, v11  }
0x2de: {  	[tilespmem:s8+$0x64E0] =	vst v3;
	v1 =	vmul.f32 v1, v63  }
0x2df: {  	[tilespmem:s8+$0x64F0] =	vst v2  }
0x2e0: {  	[tilespmem:s8+$0x6500] =	vst v1  }
0x2e1: {  	[spmem:s4] =	stream.indirect.scatter.add.f32 [tilespmem:s12], [sflag:$0xA], $0x80, s13, s14, $0xb8;
	[tilespmem:$0x1E100] =	vst v63  }
0x2e2: {  	_ =	swait.ge [sflag:s30], $0x1400  }
0x2e3: {  	[sflag:s30] =	ssyncset.done $0x0  }
0x2e4: {  	[sflag:s30] =	ssyncadd.s32 $0xFFFFEC00  }
0x2e5: {  	_ =	swait.ge [sflag:s9], $0x1400  }
0x2e6: {  	[sflag:s9] =	ssyncset.done $0x0  }
0x2e7: {  	[sflag:s9] =	ssyncadd.s32 $0xFFFFEC00  }
0x2e8: {  	_ =	swait.ge [sflag:s25], $0x1400  }
0x2e9: {  	[sflag:s25] =	ssyncset.done $0x0  }
0x2ea: {  	[sflag:s25] =	ssyncadd.s32 $0xFFFFEC00  }
0x2eb: {  	s15 =	stileid.u32;
	[bflag:$0x0] =	sbarrier.arrive $0xFFFF  }
0x2ec: {  	s8 =	sshll.u32 s15, $0x6;
	s15 =	rddreg [dreg:$0x5]  }
0x2ed: {  	s8 =	sor.u32 $0x1C0D, s8;
	s17 =	rddreg [dreg:$0x15];
	s10 =	sshrl.u32 s15, $0x3  }
0x2ee: {  	[hbm:s17], [sflag:s8] =	dma.local [spmem:s10], $0x2800  }
0x2ef: {  	_ =	swait.ge [sflag:s11], $0x2800  }
0x2f0: {  	s17 =	sld [smem:$0x7FD];
	_ =	sdelay $0x2  }
0x2f1: {  	s20 =	rddreg [dreg:$0x16];
	s10 =	sadd.s32 $0x1, s17  }
0x2f2: {  	p0 =	sne.s32 s10, s20  }
.Ltmp9:
0x2f3: {  	_ = 	snop;
	(pc) =	sbr.rel @p0 .LBB2_1-.Ltmp9, $3  }
0x2f4: {  	_ =	sdelay $0x1  }
0x2f5: {  	[sflag:s11] =	ssyncset.done $0x0  }
0x2f6: {  	[sflag:s11] =	ssyncadd.s32 $0xFFFFD800  }
0x2f7: {  	_ =	sfence.sel $0x180000  }
0x2f8: {  	[bflag:$0x0] =	sbarrier.arrive $0xFFFF  }
0x2f9: {  	_ =	strace $0x90000047  }
0x2fa: {  	s0 =	stileid.u32;
	[bflag:$0x2] =	sbarrier.arrive $0xFFFF  }
0x2fb: {  	p0 =	sne.s32 s0, $0x0;
	s0 =	rddreg [dreg:$0x4]  }
0x2fc: {  	s0 =	sadd.s32 @!p0 $0x100000, s0  }
0x2fd: {  	[sflag:s0] =	ssyncadd.tile.s32 @!p0 $0x1;
	_ =	shalt  }
.Lfunc_end2:
_tile_overlayer_lowered:
.L_overlay_start_2:
0x2fe: {  	(tag) =	ssettag $0x2  }
0x2ff: {  	s0 =	rddreg [dreg:$0x0];
	s2 =	stileid.u32  }
0x300: {  	s1 =	rddreg [dreg:$0x1];
	p0 =	sne.s32 s2, $0x0  }
0x301: {  	s3 =	rddreg [dreg:$0x2];
	[bflag:$0x3] =	sbarrier.arrive $0xFFFF;
	s2 =	simm.s32 @!p0 $0x1C0D  }
0x302: {  	[timem:s3], [sflag:s2] =	dma.local @!p0 [hbm:s0], s1  }
0x303: {  	s0 =	simm.s32 @!p0 $0xD  }
0x304: {  	_ =	swait.ge @!p0 [sflag:s0], s1  }
0x305: {  	s1 =	ssub.s32 @!p0 $0x0, s1;
	[sflag:s0] =	ssyncset.done @!p0 $0x0  }
0x306: {  	[sflag:s0] =	ssyncadd.s32 @!p0 s1  }
0x307: {  	[bflag:$0x3] =	sbarrier.arrive $0xFFFF  }
0x308: {  	_ =	shalt  }

</sc_bundles>
